<compile_context>
chip_gen: v7x
topology: tpu7x:2x2x1
jax: 0.10.2.dev20260603
libtpu: 0.0.44.dev20260713+nightly
codegen_flags: <defaults>
</compile_context>

<pallas_src>
import functools

import jax
import jax.numpy as jnp
from jax import lax
from jax.experimental import pallas as pl
from jax.experimental.pallas import tpu as pltpu
from jax.experimental.pallas import tpu_sc as plsc

E = 320000
H = 128
R = 500
NN = 10000
NC = 2
NS = 16
NW = NC * NS
EPW = E // NW
K = 80
NCHUNK = EPW // K
G = K // 16
HW = H // 2

_EU = 4
_ILV = plsc.PackFormat.INTERLEAVED

_mesh = plsc.VectorSubcoreMesh(core_axis_name="c", subcore_axis_name="s")


@functools.partial(
    pl.kernel,
    mesh=_mesh,
    out_type=jax.ShapeDtypeStruct((E,), jnp.float32),
    compiler_params=pltpu.CompilerParams(needs_layout_passes=False,
                                         use_tc_tiling_on_sc=False),
    scratch_types=[
        pltpu.VMEM((EPW,), jnp.int32),
        pltpu.VMEM((EPW,), jnp.int32),
        pltpu.VMEM((EPW + 32,), jnp.int16),
        pltpu.VMEM((EPW,), jnp.float32),
        pltpu.VMEM((R, HW), jnp.int32),
        pltpu.VMEM((K, HW), jnp.int32),
        pltpu.VMEM((K, HW), jnp.int32),
        pltpu.VMEM((K, HW), jnp.int32),
        pltpu.VMEM((K, HW), jnp.int32),
        pltpu.VMEM((K, HW), jnp.int32),
        pltpu.VMEM((K, HW), jnp.int32),
        pltpu.SemaphoreType.DMA,
        pltpu.SemaphoreType.DMA,
        pltpu.SemaphoreType.DMA,
        pltpu.SemaphoreType.DMA,
        pltpu.SemaphoreType.DMA,
        pltpu.SemaphoreType.DMA,
    ],
)
def _distmult_sc(src_hbm, dst_hbm, typ_hbm, z_hbm, rel_hbm, out_hbm,
                 sidx_v, didx_v, tidx_v, out_v, rl_all,
                 zsA, zdA, zsB, zdB, zsC, zdC,
                 ssA, sdA, ssB, sdB, ssC, sdC):
    wid = lax.axis_index("s") * NC + lax.axis_index("c")
    row16 = lax.iota(jnp.int32, 16)
    bufs = ((zsA, zdA, ssA, sdA), (zsB, zdB, ssB, sdB), (zsC, zdC, ssC, sdC))

    base = wid * EPW
    pltpu.sync_copy(src_hbm.at[pl.ds(base, EPW)], sidx_v)
    pltpu.sync_copy(dst_hbm.at[pl.ds(base, EPW)], didx_v)
    pltpu.sync_copy(typ_hbm.at[pl.ds(base, EPW)], tidx_v.at[pl.ds(0, EPW)])
    pltpu.sync_copy(rel_hbm, rl_all)

    def start(c, buf):
        zs, zd, s_s, s_d = buf
        off = c * K
        pltpu.async_copy(z_hbm.at[sidx_v.at[pl.ds(off, K)]], zs, s_s)
        pltpu.async_copy(z_hbm.at[didx_v.at[pl.ds(off, K)]], zd, s_d)

    def wait(c, buf):
        zs, zd, s_s, s_d = buf
        pltpu.make_async_copy(z_hbm.at[pl.ds(0, K)], zs, s_s).wait()
        pltpu.make_async_copy(z_hbm.at[pl.ds(0, K)], zd, s_d).wait()

    def compute(c, buf):
        zs, zd = buf[0], buf[1]

        def group_body(g, carry):
            gbase = g * 16

            def edge_blk(eb, acc_out):
                tvec = tidx_v[pl.ds(c * K + gbase + eb * _EU, 32)]
                tv0, tv1 = plsc.unpack(tvec, format=_ILV)
                for u in range(_EU):
                    e16 = eb * _EU + u
                    e = gbase + e16
                    tid = (tv0, tv1)[u % 2][u // 2]
                    prods = []
                    for t in range(H // 32):
                        sl = pl.ds(t * 16, 16)
                        a = plsc.bitcast(zs[e, sl], jnp.bfloat16)
                        r = plsc.bitcast(rl_all[tid, sl], jnp.bfloat16)
                        d = plsc.bitcast(zd[e, sl], jnp.bfloat16)
                        p0, p1 = plsc.unpack(a * r * d, format=_ILV)
                        prods.append(p0)
                        prods.append(p1)
                    while len(prods) > 1:
                        prods = [prods[k] + prods[k + 1]
                                 for k in range(0, len(prods), 2)]
                    s = jnp.sum(prods[0])
                    acc_out = jnp.where(row16 == e16, s, acc_out)
                return acc_out

            acc_out = lax.fori_loop(0, 16 // _EU, edge_blk,
                                    jnp.zeros((16,), jnp.float32))
            out_v[pl.ds(c * K + gbase, 16)] = acc_out
            return carry

        lax.fori_loop(0, G, group_body, 0)

    start(0, bufs[0])
    start(1, bufs[1])

    def chunk_trip(i, carry):
        for par in range(3):
            c = 3 * i + par
            start(c + 2, bufs[(par + 2) % 3])
            wait(c, bufs[par])
            compute(c, bufs[par])
        return carry

    lax.fori_loop(0, (NCHUNK - 2) // 3, chunk_trip, 0)
    for cl in (NCHUNK - 2, NCHUNK - 1):
        wait(cl, bufs[cl % 3])
        compute(cl, bufs[cl % 3])

    pltpu.sync_copy(out_v, out_hbm.at[pl.ds(base, EPW)])


def kernel(z, edge_index, edge_type, rel_emb):
    src = edge_index[0].astype(jnp.int32)
    dst = edge_index[1].astype(jnp.int32)
    typ = edge_type.astype(jnp.int16)
    zb = jax.lax.bitcast_convert_type(
        z.astype(jnp.bfloat16).reshape(z.shape[0], HW, 2), jnp.int32)
    rb = jax.lax.bitcast_convert_type(
        rel_emb.astype(jnp.bfloat16).reshape(rel_emb.shape[0], HW, 2),
        jnp.int32)
    return _distmult_sc(src, dst, typ, zb, rb)

# --- scband reference (transcript-rebuilt; emitter-appended) ---
"""Pipeline reference for scband-dist-mult-decoder-25984552141046 (READ-ONLY COPY).

The authoritative reference and input builder live on the scoring server;
editing this copy changes nothing except your own understanding.
"""

import jax, jax.numpy as jnp
import numpy as np

NUM_NODES = 10000
NUM_EDGES = 320000
NUM_RELATIONS = 500
HIDDEN = 128

def setup_inputs(seed: int = 0) -> dict:
    key = jax.random.key(seed)
    k1, k2, k3, k4 = jax.random.split(key, 4)
    z = jax.random.normal(k1, (NUM_NODES, HIDDEN), dtype=jnp.float32)
    edge_index = jax.random.randint(k2, (2, NUM_EDGES), 0, NUM_NODES, dtype=jnp.int64)
    edge_type = jax.random.randint(k3, (NUM_EDGES,), 0, NUM_RELATIONS, dtype=jnp.int64)
    # learned parameter: relation embedding table, init like torch.rand (uniform [0,1))
    rel_emb = jax.random.uniform(k4, (NUM_RELATIONS, HIDDEN), dtype=jnp.float32)
    return {"z": z, "edge_index": edge_index, "edge_type": edge_type, "rel_emb": rel_emb}

def reference(z, edge_index, edge_type, rel_emb):
    src = edge_index[0]
    dst = edge_index[1]
    z_src = jnp.take(z, src, axis=0)
    z_dst = jnp.take(z, dst, axis=0)
    rel = jnp.take(rel_emb, edge_type, axis=0)
    return jnp.sum(z_src * rel * z_dst, axis=1)

if __name__ == "__main__":
    import jax
    _d = setup_inputs()
    print(jax.jit(kernel)(*tuple(_d.values())))

</pallas_src>

<mosaic_0001>
#map = affine_map<(d0, d1) -> (0)>
#map1 = affine_map<(d0, d1) -> (0, 0)>
module attributes {stable_mosaic.version = 14 : i64} {
  func.func @_distmult_sc(%arg0: i32, %arg1: i32, %arg2: memref<320000xi32, #tpu.memory_space<hbm>>, %arg3: memref<320000xi32, #tpu.memory_space<hbm>>, %arg4: memref<320000xi16, #tpu.memory_space<hbm>>, %arg5: memref<10000x64xi32, #tpu.memory_space<hbm>>, %arg6: memref<500x64xi32, #tpu.memory_space<hbm>>, %arg7: memref<320000xf32, #tpu.memory_space<hbm>>, %arg8: memref<10000xi32, #tpu.memory_space<vmem>>, %arg9: memref<10000xi32, #tpu.memory_space<vmem>>, %arg10: memref<10032xi16, #tpu.memory_space<vmem>>, %arg11: memref<10000xf32, #tpu.memory_space<vmem>>, %arg12: memref<500x64xi32, #tpu.memory_space<vmem>>, %arg13: memref<80x64xi32, #tpu.memory_space<vmem>>, %arg14: memref<80x64xi32, #tpu.memory_space<vmem>>, %arg15: memref<80x64xi32, #tpu.memory_space<vmem>>, %arg16: memref<80x64xi32, #tpu.memory_space<vmem>>, %arg17: memref<80x64xi32, #tpu.memory_space<vmem>>, %arg18: memref<80x64xi32, #tpu.memory_space<vmem>>, %arg19: memref<!tpu.dma_semaphore, #tpu.memory_space<semaphore_mem>>, %arg20: memref<!tpu.dma_semaphore, #tpu.memory_space<semaphore_mem>>, %arg21: memref<!tpu.dma_semaphore, #tpu.memory_space<semaphore_mem>>, %arg22: memref<!tpu.dma_semaphore, #tpu.memory_space<semaphore_mem>>, %arg23: memref<!tpu.dma_semaphore, #tpu.memory_space<semaphore_mem>>, %arg24: memref<!tpu.dma_semaphore, #tpu.memory_space<semaphore_mem>>) attributes {dimension_semantics = [#tpu.dimension_semantics<core_parallel>, #tpu.dimension_semantics<subcore_parallel>], iteration_bounds = array<i64: 2, 16>, scalar_prefetch = 0 : i64, scratch_operands = 17 : i64, tpu.core_type = #tpu.core_type<sc_vector_subcore>, window_params = [{transform_indices = #map}, {transform_indices = #map}, {transform_indices = #map}, {transform_indices = #map1}, {transform_indices = #map1}, {transform_indices = #map}]} {
    %mul3A = arith.constant 2 : i32
    %mul3A_0 = arith.muli %arg1, %mul3A : i32
    %add3A = arith.addi %mul3A_0, %arg0 : i32
    %iota3A = tpu.iota {dimensions = array<i32: 0>} : vector<16xi32>
    %mul3A_1 = arith.constant 10000 : i32
    %mul3A_2 = arith.muli %add3A, %mul3A_1 : i32
    "tpu.region"() ({
      %run_scoped3A = tpu.sem_alloc : memref<!tpu.dma_semaphore, #tpu.memory_space<semaphore_mem>>
      %dma_start3A_62 = tpu.memref_slice %arg2[%mul3A_2] : memref<320000xi32, #tpu.memory_space<hbm>> -> memref<10000xi32, #tpu.memory_space<hbm>>
      %dma_start3A_63 = tpu.memref_slice %arg2[%mul3A_2] : memref<320000xi32, #tpu.memory_space<hbm>> -> memref<10000xi32, #tpu.memory_space<hbm>>
      tpu.enqueue_dma source(%dma_start3A_63 : memref<10000xi32, #tpu.memory_space<hbm>>) target(%arg8 : memref<10000xi32, #tpu.memory_space<vmem>>) target_semaphore(%run_scoped3A : memref<!tpu.dma_semaphore, #tpu.memory_space<semaphore_mem>>)
      %dma_wait3A_64 = tpu.memref_slice %arg2[%mul3A_2] : memref<320000xi32, #tpu.memory_space<hbm>> -> memref<10000xi32, #tpu.memory_space<hbm>>
      %dma_wait3A_65 = tpu.memref_slice %arg2[%mul3A_2] : memref<320000xi32, #tpu.memory_space<hbm>> -> memref<10000xi32, #tpu.memory_space<hbm>>
      tpu.wait_dma2 semaphore(%run_scoped3A : memref<!tpu.dma_semaphore, #tpu.memory_space<semaphore_mem>>) src(%dma_wait3A_65 : memref<10000xi32, #tpu.memory_space<hbm>>) dst(%arg8 : memref<10000xi32, #tpu.memory_space<vmem>>)
      tpu.yield
    }) : () -> ()
    "tpu.region"() ({
      %run_scoped3A = tpu.sem_alloc : memref<!tpu.dma_semaphore, #tpu.memory_space<semaphore_mem>>
      %dma_start3A_62 = tpu.memref_slice %arg3[%mul3A_2] : memref<320000xi32, #tpu.memory_space<hbm>> -> memref<10000xi32, #tpu.memory_space<hbm>>
      %dma_start3A_63 = tpu.memref_slice %arg3[%mul3A_2] : memref<320000xi32, #tpu.memory_space<hbm>> -> memref<10000xi32, #tpu.memory_space<hbm>>
      tpu.enqueue_dma source(%dma_start3A_63 : memref<10000xi32, #tpu.memory_space<hbm>>) target(%arg9 : memref<10000xi32, #tpu.memory_space<vmem>>) target_semaphore(%run_scoped3A : memref<!tpu.dma_semaphore, #tpu.memory_space<semaphore_mem>>)
      %dma_wait3A_64 = tpu.memref_slice %arg3[%mul3A_2] : memref<320000xi32, #tpu.memory_space<hbm>> -> memref<10000xi32, #tpu.memory_space<hbm>>
      %dma_wait3A_65 = tpu.memref_slice %arg3[%mul3A_2] : memref<320000xi32, #tpu.memory_space<hbm>> -> memref<10000xi32, #tpu.memory_space<hbm>>
      tpu.wait_dma2 semaphore(%run_scoped3A : memref<!tpu.dma_semaphore, #tpu.memory_space<semaphore_mem>>) src(%dma_wait3A_65 : memref<10000xi32, #tpu.memory_space<hbm>>) dst(%arg9 : memref<10000xi32, #tpu.memory_space<vmem>>)
      tpu.yield
    }) : () -> ()
    "tpu.region"() ({
      %run_scoped3A = tpu.sem_alloc : memref<!tpu.dma_semaphore, #tpu.memory_space<semaphore_mem>>
      %dma_start3A_62 = arith.constant 0 : i32
      %dma_start3A_63 = tpu.memref_slice %arg10[%dma_start3A_62] : memref<10032xi16, #tpu.memory_space<vmem>> -> memref<10000xi16, #tpu.memory_space<vmem>>
      %dma_start3A_64 = tpu.memref_slice %arg4[%mul3A_2] : memref<320000xi16, #tpu.memory_space<hbm>> -> memref<10000xi16, #tpu.memory_space<hbm>>
      %dma_start3A_65 = arith.constant 0 : i32
      %dma_start3A_66 = tpu.memref_slice %arg10[%dma_start3A_65] : memref<10032xi16, #tpu.memory_space<vmem>> -> memref<10000xi16, #tpu.memory_space<vmem>>
      %dma_start3A_67 = tpu.memref_slice %arg4[%mul3A_2] : memref<320000xi16, #tpu.memory_space<hbm>> -> memref<10000xi16, #tpu.memory_space<hbm>>
      tpu.enqueue_dma source(%dma_start3A_67 : memref<10000xi16, #tpu.memory_space<hbm>>) target(%dma_start3A_66 : memref<10000xi16, #tpu.memory_space<vmem>>) target_semaphore(%run_scoped3A : memref<!tpu.dma_semaphore, #tpu.memory_space<semaphore_mem>>)
      %dma_wait3A_68 = arith.constant 0 : i32
      %dma_wait3A_69 = tpu.memref_slice %arg10[%dma_wait3A_68] : memref<10032xi16, #tpu.memory_space<vmem>> -> memref<10000xi16, #tpu.memory_space<vmem>>
      %dma_wait3A_70 = tpu.memref_slice %arg4[%mul3A_2] : memref<320000xi16, #tpu.memory_space<hbm>> -> memref<10000xi16, #tpu.memory_space<hbm>>
      %dma_wait3A_71 = arith.constant 0 : i32
      %dma_wait3A_72 = tpu.memref_slice %arg10[%dma_wait3A_71] : memref<10032xi16, #tpu.memory_space<vmem>> -> memref<10000xi16, #tpu.memory_space<vmem>>
      %dma_wait3A_73 = tpu.memref_slice %arg4[%mul3A_2] : memref<320000xi16, #tpu.memory_space<hbm>> -> memref<10000xi16, #tpu.memory_space<hbm>>
      tpu.wait_dma2 semaphore(%run_scoped3A : memref<!tpu.dma_semaphore, #tpu.memory_space<semaphore_mem>>) src(%dma_wait3A_73 : memref<10000xi16, #tpu.memory_space<hbm>>) dst(%dma_wait3A_72 : memref<10000xi16, #tpu.memory_space<vmem>>)
      tpu.yield
    }) : () -> ()
    "tpu.region"() ({
      %run_scoped3A = tpu.sem_alloc : memref<!tpu.dma_semaphore, #tpu.memory_space<semaphore_mem>>
      tpu.enqueue_dma source(%arg6 : memref<500x64xi32, #tpu.memory_space<hbm>>) target(%arg12 : memref<500x64xi32, #tpu.memory_space<vmem>>) target_semaphore(%run_scoped3A : memref<!tpu.dma_semaphore, #tpu.memory_space<semaphore_mem>>)
      tpu.wait_dma2 semaphore(%run_scoped3A : memref<!tpu.dma_semaphore, #tpu.memory_space<semaphore_mem>>) src(%arg6 : memref<500x64xi32, #tpu.memory_space<hbm>>) dst(%arg12 : memref<500x64xi32, #tpu.memory_space<vmem>>)
      tpu.yield
    }) : () -> ()
    %dma_start3A = arith.constant 0 : i32
    %dma_start3A_3 = tpu.memref_slice %arg8[%dma_start3A] : memref<10000xi32, #tpu.memory_space<vmem>> -> memref<80xi32, #tpu.memory_space<vmem>>
    %dma_start3A_4 = arith.constant 0 : i32
    %dma_start3A_5 = arith.constant 0 : i32
    %dma_start3A_6 = tpu.memref_slice %arg5[%dma_start3A_4, %dma_start3A_5] : memref<10000x64xi32, #tpu.memory_space<hbm>> -> memref<10000x64xi32, #tpu.memory_space<hbm>>
    tpu.enqueue_indirect_dma source(%dma_start3A_6 : memref<10000x64xi32, #tpu.memory_space<hbm>>) target(%arg13 : memref<80x64xi32, #tpu.memory_space<vmem>>) offsets(%dma_start3A_3 : memref<80xi32, #tpu.memory_space<vmem>>) semaphore(%arg19 : memref<!tpu.dma_semaphore, #tpu.memory_space<semaphore_mem>>)
    %dma_start3A_7 = arith.constant 0 : i32
    %dma_start3A_8 = tpu.memref_slice %arg9[%dma_start3A_7] : memref<10000xi32, #tpu.memory_space<vmem>> -> memref<80xi32, #tpu.memory_space<vmem>>
    %dma_start3A_9 = arith.constant 0 : i32
    %dma_start3A_10 = arith.constant 0 : i32
    %dma_start3A_11 = tpu.memref_slice %arg5[%dma_start3A_9, %dma_start3A_10] : memref<10000x64xi32, #tpu.memory_space<hbm>> -> memref<10000x64xi32, #tpu.memory_space<hbm>>
    tpu.enqueue_indirect_dma source(%dma_start3A_11 : memref<10000x64xi32, #tpu.memory_space<hbm>>) target(%arg14 : memref<80x64xi32, #tpu.memory_space<vmem>>) offsets(%dma_start3A_8 : memref<80xi32, #tpu.memory_space<vmem>>) semaphore(%arg20 : memref<!tpu.dma_semaphore, #tpu.memory_space<semaphore_mem>>)
    %dma_start3A_12 = arith.constant 80 : i32
    %dma_start3A_13 = tpu.memref_slice %arg8[%dma_start3A_12] : memref<10000xi32, #tpu.memory_space<vmem>> -> memref<80xi32, #tpu.memory_space<vmem>>
    %dma_start3A_14 = arith.constant 0 : i32
    %dma_start3A_15 = arith.constant 0 : i32
    %dma_start3A_16 = tpu.memref_slice %arg5[%dma_start3A_14, %dma_start3A_15] : memref<10000x64xi32, #tpu.memory_space<hbm>> -> memref<10000x64xi32, #tpu.memory_space<hbm>>
    tpu.enqueue_indirect_dma source(%dma_start3A_16 : memref<10000x64xi32, #tpu.memory_space<hbm>>) target(%arg15 : memref<80x64xi32, #tpu.memory_space<vmem>>) offsets(%dma_start3A_13 : memref<80xi32, #tpu.memory_space<vmem>>) semaphore(%arg21 : memref<!tpu.dma_semaphore, #tpu.memory_space<semaphore_mem>>)
    %dma_start3A_17 = arith.constant 80 : i32
    %dma_start3A_18 = tpu.memref_slice %arg9[%dma_start3A_17] : memref<10000xi32, #tpu.memory_space<vmem>> -> memref<80xi32, #tpu.memory_space<vmem>>
    %dma_start3A_19 = arith.constant 0 : i32
    %dma_start3A_20 = arith.constant 0 : i32
    %dma_start3A_21 = tpu.memref_slice %arg5[%dma_start3A_19, %dma_start3A_20] : memref<10000x64xi32, #tpu.memory_space<hbm>> -> memref<10000x64xi32, #tpu.memory_space<hbm>>
    tpu.enqueue_indirect_dma source(%dma_start3A_21 : memref<10000x64xi32, #tpu.memory_space<hbm>>) target(%arg16 : memref<80x64xi32, #tpu.memory_space<vmem>>) offsets(%dma_start3A_18 : memref<80xi32, #tpu.memory_space<vmem>>) semaphore(%arg22 : memref<!tpu.dma_semaphore, #tpu.memory_space<semaphore_mem>>)
    %scan3A = arith.constant 0 : i32
    %scan3A_22 = arith.constant 0 : i32
    %scan3A_23 = arith.constant 41 : i32
    %scan3A_24 = arith.addi %scan3A_22, %scan3A_23 : i32
    %scan3A_25 = arith.constant 1 : i32
    scf.for %scan3A_62 = %scan3A_22 to %scan3A_24 step %scan3A_25  : i32 {
      %mul3A_63 = arith.constant 3 : i32
      %mul3A_64 = arith.muli %mul3A_63, %scan3A_62 : i32
      %add3A_65 = arith.constant 0 : i32
      %add3A_66 = arith.addi %mul3A_64, %add3A_65 : i32
      %add3A_67 = arith.constant 2 : i32
      %add3A_68 = arith.addi %add3A_66, %add3A_67 : i32
      %mul3A_69 = arith.constant 80 : i32
      %mul3A_70 = arith.muli %add3A_68, %mul3A_69 : i32
      %dma_start3A_71 = tpu.memref_slice %arg8[%mul3A_70] : memref<10000xi32, #tpu.memory_space<vmem>> -> memref<80xi32, #tpu.memory_space<vmem>>
      %dma_start3A_72 = arith.constant 0 : i32
      %dma_start3A_73 = arith.constant 0 : i32
      %dma_start3A_74 = tpu.memref_slice %arg5[%dma_start3A_72, %dma_start3A_73] : memref<10000x64xi32, #tpu.memory_space<hbm>> -> memref<10000x64xi32, #tpu.memory_space<hbm>>
      tpu.enqueue_indirect_dma source(%dma_start3A_74 : memref<10000x64xi32, #tpu.memory_space<hbm>>) target(%arg17 : memref<80x64xi32, #tpu.memory_space<vmem>>) offsets(%dma_start3A_71 : memref<80xi32, #tpu.memory_space<vmem>>) semaphore(%arg23 : memref<!tpu.dma_semaphore, #tpu.memory_space<semaphore_mem>>)
      %dma_start3A_75 = tpu.memref_slice %arg9[%mul3A_70] : memref<10000xi32, #tpu.memory_space<vmem>> -> memref<80xi32, #tpu.memory_space<vmem>>
      %dma_start3A_76 = arith.constant 0 : i32
      %dma_start3A_77 = arith.constant 0 : i32
      %dma_start3A_78 = tpu.memref_slice %arg5[%dma_start3A_76, %dma_start3A_77] : memref<10000x64xi32, #tpu.memory_space<hbm>> -> memref<10000x64xi32, #tpu.memory_space<hbm>>
      tpu.enqueue_indirect_dma source(%dma_start3A_78 : memref<10000x64xi32, #tpu.memory_space<hbm>>) target(%arg18 : memref<80x64xi32, #tpu.memory_space<vmem>>) offsets(%dma_start3A_75 : memref<80xi32, #tpu.memory_space<vmem>>) semaphore(%arg24 : memref<!tpu.dma_semaphore, #tpu.memory_space<semaphore_mem>>)
      %dma_wait3A_79 = arith.constant 0 : i32
      %dma_wait3A_80 = arith.constant 0 : i32
      %dma_wait3A_81 = tpu.memref_slice %arg5[%dma_wait3A_79, %dma_wait3A_80] : memref<10000x64xi32, #tpu.memory_space<hbm>> -> memref<80x64xi32, #tpu.memory_space<hbm>>
      %dma_wait3A_82 = arith.constant 0 : i32
      %dma_wait3A_83 = arith.constant 0 : i32
      %dma_wait3A_84 = tpu.memref_slice %arg5[%dma_wait3A_82, %dma_wait3A_83] : memref<10000x64xi32, #tpu.memory_space<hbm>> -> memref<80x64xi32, #tpu.memory_space<hbm>>
      tpu.wait_dma2 semaphore(%arg19 : memref<!tpu.dma_semaphore, #tpu.memory_space<semaphore_mem>>) src(%dma_wait3A_84 : memref<80x64xi32, #tpu.memory_space<hbm>>) dst(%arg13 : memref<80x64xi32, #tpu.memory_space<vmem>>)
      %dma_wait3A_85 = arith.constant 0 : i32
      %dma_wait3A_86 = arith.constant 0 : i32
      %dma_wait3A_87 = tpu.memref_slice %arg5[%dma_wait3A_85, %dma_wait3A_86] : memref<10000x64xi32, #tpu.memory_space<hbm>> -> memref<80x64xi32, #tpu.memory_space<hbm>>
      %dma_wait3A_88 = arith.constant 0 : i32
      %dma_wait3A_89 = arith.constant 0 : i32
      %dma_wait3A_90 = tpu.memref_slice %arg5[%dma_wait3A_88, %dma_wait3A_89] : memref<10000x64xi32, #tpu.memory_space<hbm>> -> memref<80x64xi32, #tpu.memory_space<hbm>>
      tpu.wait_dma2 semaphore(%arg20 : memref<!tpu.dma_semaphore, #tpu.memory_space<semaphore_mem>>) src(%dma_wait3A_90 : memref<80x64xi32, #tpu.memory_space<hbm>>) dst(%arg14 : memref<80x64xi32, #tpu.memory_space<vmem>>)
      %scan3A_91 = arith.constant 0 : i32
      %scan3A_92 = arith.constant 0 : i32
      %scan3A_93 = arith.constant 5 : i32
      %scan3A_94 = arith.addi %scan3A_92, %scan3A_93 : i32
      %scan3A_95 = arith.constant 1 : i32
      scf.for %scan3A_165 = %scan3A_92 to %scan3A_94 step %scan3A_95  : i32 {
        %mul3A_166 = arith.constant 16 : i32
        %mul3A_167 = arith.muli %scan3A_165, %mul3A_166 : i32
        %broadcast_in_dim3A = arith.constant 0.000000e+00 : f32
        %broadcast_in_dim3A_168 = vector.broadcast %broadcast_in_dim3A : f32 to vector<16xf32>
        %scan3A_169 = arith.constant 0 : i32
        %scan3A_170 = arith.constant 4 : i32
        %scan3A_171 = arith.addi %scan3A_169, %scan3A_170 : i32
        %scan3A_172 = arith.constant 1 : i32
        %scan3A_173 = scf.for %scan3A_179 = %scan3A_169 to %scan3A_171 step %scan3A_172 iter_args(%scan3A_180 = %broadcast_in_dim3A_168) -> (vector<16xf32>)  : i32 {
          %mul3A_181 = arith.constant 80 : i32
          %mul3A_182 = arith.muli %add3A_66, %mul3A_181 : i32
          %add3A_183 = arith.addi %mul3A_182, %mul3A_167 : i32
          %mul3A_184 = arith.constant 4 : i32
          %mul3A_185 = arith.muli %scan3A_179, %mul3A_184 : i32
          %add3A_186 = arith.addi %add3A_183, %mul3A_185 : i32
          %get3A = arith.index_cast %add3A_186 : i32 to index
          %get3A_187 = tpu.vector_load %arg10[%get3A] {strides = array<i32>} : memref<10032xi16, #tpu.memory_space<vmem>>, vector<32xi16>,
          %unpack3A = tpu.unpack_subelements %get3A_187, 0 {pack_format = #tpu.pack_format<interleaved>} : vector<32xi16> -> vector<16xi32>
          %unpack3A_188 = tpu.unpack_subelements %get3A_187, 1 {pack_format = #tpu.pack_format<interleaved>} : vector<32xi16> -> vector<16xi32>
          %mul3A_189 = arith.constant 4 : i32
          %mul3A_190 = arith.muli %scan3A_179, %mul3A_189 : i32
          %add3A_191 = arith.constant 0 : i32
          %add3A_192 = arith.addi %mul3A_190, %add3A_191 : i32
          %add3A_193 = arith.addi %mul3A_167, %add3A_192 : i32
          %slice3A = vector.extract_strided_slice %unpack3A {offsets = [0], sizes = [1], strides = [1]} : vector<16xi32> to vector<1xi32>
          %squeeze3A = vector.extract %slice3A[0] : i32 from vector<1xi32>
          %get3A_194 = arith.index_cast %add3A_193 : i32 to index
          %get3A_195 = arith.constant 0 : index
          %get3A_196 = tpu.vector_load %arg13[%get3A_194, %get3A_195] {strides = array<i32>} : memref<80x64xi32, #tpu.memory_space<vmem>>, vector<16xi32>,
          %bitcast3A = vector.bitcast %get3A_196 : vector<16xi32> to vector<32xbf16>
          %get3A_197 = arith.index_cast %squeeze3A : i32 to index
          %get3A_198 = arith.constant 0 : index
          %get3A_199 = tpu.vector_load %arg12[%get3A_197, %get3A_198] {strides = array<i32>} : memref<500x64xi32, #tpu.memory_space<vmem>>, vector<16xi32>,
          %bitcast3A_200 = vector.bitcast %get3A_199 : vector<16xi32> to vector<32xbf16>
          %get3A_201 = arith.index_cast %add3A_193 : i32 to index
          %get3A_202 = arith.constant 0 : index
          %get3A_203 = tpu.vector_load %arg14[%get3A_201, %get3A_202] {strides = array<i32>} : memref<80x64xi32, #tpu.memory_space<vmem>>, vector<16xi32>,
          %bitcast3A_204 = vector.bitcast %get3A_203 : vector<16xi32> to vector<32xbf16>
          %mul3A_205 = arith.mulf %bitcast3A, %bitcast3A_200 : vector<32xbf16>
          %mul3A_206 = arith.mulf %mul3A_205, %bitcast3A_204 : vector<32xbf16>
          %unpack3A_207 = tpu.unpack_subelements %mul3A_206, 0 {pack_format = #tpu.pack_format<interleaved>} : vector<32xbf16> -> vector<16xf32>
          %unpack3A_208 = tpu.unpack_subelements %mul3A_206, 1 {pack_format = #tpu.pack_format<interleaved>} : vector<32xbf16> -> vector<16xf32>
          %get3A_209 = arith.index_cast %add3A_193 : i32 to index
          %get3A_210 = arith.constant 16 : index
          %get3A_211 = tpu.vector_load %arg13[%get3A_209, %get3A_210] {strides = array<i32>} : memref<80x64xi32, #tpu.memory_space<vmem>>, vector<16xi32>,
          %bitcast3A_212 = vector.bitcast %get3A_211 : vector<16xi32> to vector<32xbf16>
          %get3A_213 = arith.index_cast %squeeze3A : i32 to index
          %get3A_214 = arith.constant 16 : index
          %get3A_215 = tpu.vector_load %arg12[%get3A_213, %get3A_214] {strides = array<i32>} : memref<500x64xi32, #tpu.memory_space<vmem>>, vector<16xi32>,
          %bitcast3A_216 = vector.bitcast %get3A_215 : vector<16xi32> to vector<32xbf16>
          %get3A_217 = arith.index_cast %add3A_193 : i32 to index
          %get3A_218 = arith.constant 16 : index
          %get3A_219 = tpu.vector_load %arg14[%get3A_217, %get3A_218] {strides = array<i32>} : memref<80x64xi32, #tpu.memory_space<vmem>>, vector<16xi32>,
          %bitcast3A_220 = vector.bitcast %get3A_219 : vector<16xi32> to vector<32xbf16>
          %mul3A_221 = arith.mulf %bitcast3A_212, %bitcast3A_216 : vector<32xbf16>
          %mul3A_222 = arith.mulf %mul3A_221, %bitcast3A_220 : vector<32xbf16>
          %unpack3A_223 = tpu.unpack_subelements %mul3A_222, 0 {pack_format = #tpu.pack_format<interleaved>} : vector<32xbf16> -> vector<16xf32>
          %unpack3A_224 = tpu.unpack_subelements %mul3A_222, 1 {pack_format = #tpu.pack_format<interleaved>} : vector<32xbf16> -> vector<16xf32>
          %get3A_225 = arith.index_cast %add3A_193 : i32 to index
          %get3A_226 = arith.constant 32 : index
          %get3A_227 = tpu.vector_load %arg13[%get3A_225, %get3A_226] {strides = array<i32>} : memref<80x64xi32, #tpu.memory_space<vmem>>, vector<16xi32>,
          %bitcast3A_228 = vector.bitcast %get3A_227 : vector<16xi32> to vector<32xbf16>
          %get3A_229 = arith.index_cast %squeeze3A : i32 to index
          %get3A_230 = arith.constant 32 : index
          %get3A_231 = tpu.vector_load %arg12[%get3A_229, %get3A_230] {strides = array<i32>} : memref<500x64xi32, #tpu.memory_space<vmem>>, vector<16xi32>,
          %bitcast3A_232 = vector.bitcast %get3A_231 : vector<16xi32> to vector<32xbf16>
          %get3A_233 = arith.index_cast %add3A_193 : i32 to index
          %get3A_234 = arith.constant 32 : index
          %get3A_235 = tpu.vector_load %arg14[%get3A_233, %get3A_234] {strides = array<i32>} : memref<80x64xi32, #tpu.memory_space<vmem>>, vector<16xi32>,
          %bitcast3A_236 = vector.bitcast %get3A_235 : vector<16xi32> to vector<32xbf16>
          %mul3A_237 = arith.mulf %bitcast3A_228, %bitcast3A_232 : vector<32xbf16>
          %mul3A_238 = arith.mulf %mul3A_237, %bitcast3A_236 : vector<32xbf16>
          %unpack3A_239 = tpu.unpack_subelements %mul3A_238, 0 {pack_format = #tpu.pack_format<interleaved>} : vector<32xbf16> -> vector<16xf32>
          %unpack3A_240 = tpu.unpack_subelements %mul3A_238, 1 {pack_format = #tpu.pack_format<interleaved>} : vector<32xbf16> -> vector<16xf32>
          %get3A_241 = arith.index_cast %add3A_193 : i32 to index
          %get3A_242 = arith.constant 48 : index
          %get3A_243 = tpu.vector_load %arg13[%get3A_241, %get3A_242] {strides = array<i32>} : memref<80x64xi32, #tpu.memory_space<vmem>>, vector<16xi32>,
          %bitcast3A_244 = vector.bitcast %get3A_243 : vector<16xi32> to vector<32xbf16>
          %get3A_245 = arith.index_cast %squeeze3A : i32 to index
          %get3A_246 = arith.constant 48 : index
          %get3A_247 = tpu.vector_load %arg12[%get3A_245, %get3A_246] {strides = array<i32>} : memref<500x64xi32, #tpu.memory_space<vmem>>, vector<16xi32>,
          %bitcast3A_248 = vector.bitcast %get3A_247 : vector<16xi32> to vector<32xbf16>
          %get3A_249 = arith.index_cast %add3A_193 : i32 to index
          %get3A_250 = arith.constant 48 : index
          %get3A_251 = tpu.vector_load %arg14[%get3A_249, %get3A_250] {strides = array<i32>} : memref<80x64xi32, #tpu.memory_space<vmem>>, vector<16xi32>,
          %bitcast3A_252 = vector.bitcast %get3A_251 : vector<16xi32> to vector<32xbf16>
          %mul3A_253 = arith.mulf %bitcast3A_244, %bitcast3A_248 : vector<32xbf16>
          %mul3A_254 = arith.mulf %mul3A_253, %bitcast3A_252 : vector<32xbf16>
          %unpack3A_255 = tpu.unpack_subelements %mul3A_254, 0 {pack_format = #tpu.pack_format<interleaved>} : vector<32xbf16> -> vector<16xf32>
          %unpack3A_256 = tpu.unpack_subelements %mul3A_254, 1 {pack_format = #tpu.pack_format<interleaved>} : vector<32xbf16> -> vector<16xf32>
          %add3A_257 = arith.addf %unpack3A_207, %unpack3A_208 : vector<16xf32>
          %add3A_258 = arith.addf %unpack3A_223, %unpack3A_224 : vector<16xf32>
          %add3A_259 = arith.addf %unpack3A_239, %unpack3A_240 : vector<16xf32>
          %add3A_260 = arith.addf %unpack3A_255, %unpack3A_256 : vector<16xf32>
          %add3A_261 = arith.addf %add3A_257, %add3A_258 : vector<16xf32>
          %add3A_262 = arith.addf %add3A_259, %add3A_260 : vector<16xf32>
          %add3A_263 = arith.addf %add3A_261, %add3A_262 : vector<16xf32>
          %reduce_sum3A = arith.constant true
          %reduce_sum3A_264 = vector.broadcast %reduce_sum3A : i1 to vector<16xi1>
          %reduce_sum3A_265 = tpu.scan <sum>, %add3A_263 masked %reduce_sum3A_264 : vector<16xf32>, vector<16xi1> -> vector<16xf32>
          %reduce_sum3A_266 = vector.extract %reduce_sum3A_265[15] : f32 from vector<16xf32>
          %eq3A = vector.broadcast %add3A_192 : i32 to vector<16xi32>
          %eq3A_267 = arith.cmpi eq, %iota3A, %eq3A : vector<16xi32>
          %broadcast_in_dim3A_268 = vector.broadcast %reduce_sum3A_266 : f32 to vector<16xf32>
          %select_n3A = arith.select %eq3A_267, %broadcast_in_dim3A_268, %scan3A_180 : vector<16xi1>, vector<16xf32>
          %mul3A_269 = arith.constant 4 : i32
          %mul3A_270 = arith.muli %scan3A_179, %mul3A_269 : i32
          %add3A_271 = arith.constant 1 : i32
          %add3A_272 = arith.addi %mul3A_270, %add3A_271 : i32
          %add3A_273 = arith.addi %mul3A_167, %add3A_272 : i32
          %slice3A_274 = vector.extract_strided_slice %unpack3A_188 {offsets = [0], sizes = [1], strides = [1]} : vector<16xi32> to vector<1xi32>
          %squeeze3A_275 = vector.extract %slice3A_274[0] : i32 from vector<1xi32>
          %get3A_276 = arith.index_cast %add3A_273 : i32 to index
          %get3A_277 = arith.constant 0 : index
          %get3A_278 = tpu.vector_load %arg13[%get3A_276, %get3A_277] {strides = array<i32>} : memref<80x64xi32, #tpu.memory_space<vmem>>, vector<16xi32>,
          %bitcast3A_279 = vector.bitcast %get3A_278 : vector<16xi32> to vector<32xbf16>
          %get3A_280 = arith.index_cast %squeeze3A_275 : i32 to index
          %get3A_281 = arith.constant 0 : index
          %get3A_282 = tpu.vector_load %arg12[%get3A_280, %get3A_281] {strides = array<i32>} : memref<500x64xi32, #tpu.memory_space<vmem>>, vector<16xi32>,
          %bitcast3A_283 = vector.bitcast %get3A_282 : vector<16xi32> to vector<32xbf16>
          %get3A_284 = arith.index_cast %add3A_273 : i32 to index
          %get3A_285 = arith.constant 0 : index
          %get3A_286 = tpu.vector_load %arg14[%get3A_284, %get3A_285] {strides = array<i32>} : memref<80x64xi32, #tpu.memory_space<vmem>>, vector<16xi32>,
          %bitcast3A_287 = vector.bitcast %get3A_286 : vector<16xi32> to vector<32xbf16>
          %mul3A_288 = arith.mulf %bitcast3A_279, %bitcast3A_283 : vector<32xbf16>
          %mul3A_289 = arith.mulf %mul3A_288, %bitcast3A_287 : vector<32xbf16>
          %unpack3A_290 = tpu.unpack_subelements %mul3A_289, 0 {pack_format = #tpu.pack_format<interleaved>} : vector<32xbf16> -> vector<16xf32>
          %unpack3A_291 = tpu.unpack_subelements %mul3A_289, 1 {pack_format = #tpu.pack_format<interleaved>} : vector<32xbf16> -> vector<16xf32>
          %get3A_292 = arith.index_cast %add3A_273 : i32 to index
          %get3A_293 = arith.constant 16 : index
          %get3A_294 = tpu.vector_load %arg13[%get3A_292, %get3A_293] {strides = array<i32>} : memref<80x64xi32, #tpu.memory_space<vmem>>, vector<16xi32>,
          %bitcast3A_295 = vector.bitcast %get3A_294 : vector<16xi32> to vector<32xbf16>
          %get3A_296 = arith.index_cast %squeeze3A_275 : i32 to index
          %get3A_297 = arith.constant 16 : index
          %get3A_298 = tpu.vector_load %arg12[%get3A_296, %get3A_297] {strides = array<i32>} : memref<500x64xi32, #tpu.memory_space<vmem>>, vector<16xi32>,
          %bitcast3A_299 = vector.bitcast %get3A_298 : vector<16xi32> to vector<32xbf16>
          %get3A_300 = arith.index_cast %add3A_273 : i32 to index
          %get3A_301 = arith.constant 16 : index
          %get3A_302 = tpu.vector_load %arg14[%get3A_300, %get3A_301] {strides = array<i32>} : memref<80x64xi32, #tpu.memory_space<vmem>>, vector<16xi32>,
          %bitcast3A_303 = vector.bitcast %get3A_302 : vector<16xi32> to vector<32xbf16>
          %mul3A_304 = arith.mulf %bitcast3A_295, %bitcast3A_299 : vector<32xbf16>
          %mul3A_305 = arith.mulf %mul3A_304, %bitcast3A_303 : vector<32xbf16>
          %unpack3A_306 = tpu.unpack_subelements %mul3A_305, 0 {pack_format = #tpu.pack_format<interleaved>} : vector<32xbf16> -> vector<16xf32>
          %unpack3A_307 = tpu.unpack_subelements %mul3A_305, 1 {pack_format = #tpu.pack_format<interleaved>} : vector<32xbf16> -> vector<16xf32>
          %get3A_308 = arith.index_cast %add3A_273 : i32 to index
          %get3A_309 = arith.constant 32 : index
          %get3A_310 = tpu.vector_load %arg13[%get3A_308, %get3A_309] {strides = array<i32>} : memref<80x64xi32, #tpu.memory_space<vmem>>, vector<16xi32>,
          %bitcast3A_311 = vector.bitcast %get3A_310 : vector<16xi32> to vector<32xbf16>
          %get3A_312 = arith.index_cast %squeeze3A_275 : i32 to index
          %get3A_313 = arith.constant 32 : index
          %get3A_314 = tpu.vector_load %arg12[%get3A_312, %get3A_313] {strides = array<i32>} : memref<500x64xi32, #tpu.memory_space<vmem>>, vector<16xi32>,
          %bitcast3A_315 = vector.bitcast %get3A_314 : vector<16xi32> to vector<32xbf16>
          %get3A_316 = arith.index_cast %add3A_273 : i32 to index
          %get3A_317 = arith.constant 32 : index
          %get3A_318 = tpu.vector_load %arg14[%get3A_316, %get3A_317] {strides = array<i32>} : memref<80x64xi32, #tpu.memory_space<vmem>>, vector<16xi32>,
          %bitcast3A_319 = vector.bitcast %get3A_318 : vector<16xi32> to vector<32xbf16>
          %mul3A_320 = arith.mulf %bitcast3A_311, %bitcast3A_315 : vector<32xbf16>
          %mul3A_321 = arith.mulf %mul3A_320, %bitcast3A_319 : vector<32xbf16>
          %unpack3A_322 = tpu.unpack_subelements %mul3A_321, 0 {pack_format = #tpu.pack_format<interleaved>} : vector<32xbf16> -> vector<16xf32>
          %unpack3A_323 = tpu.unpack_subelements %mul3A_321, 1 {pack_format = #tpu.pack_format<interleaved>} : vector<32xbf16> -> vector<16xf32>
          %get3A_324 = arith.index_cast %add3A_273 : i32 to index
          %get3A_325 = arith.constant 48 : index
          %get3A_326 = tpu.vector_load %arg13[%get3A_324, %get3A_325] {strides = array<i32>} : memref<80x64xi32, #tpu.memory_space<vmem>>, vector<16xi32>,
          %bitcast3A_327 = vector.bitcast %get3A_326 : vector<16xi32> to vector<32xbf16>
          %get3A_328 = arith.index_cast %squeeze3A_275 : i32 to index
          %get3A_329 = arith.constant 48 : index
          %get3A_330 = tpu.vector_load %arg12[%get3A_328, %get3A_329] {strides = array<i32>} : memref<500x64xi32, #tpu.memory_space<vmem>>, vector<16xi32>,
          %bitcast3A_331 = vector.bitcast %get3A_330 : vector<16xi32> to vector<32xbf16>
          %get3A_332 = arith.index_cast %add3A_273 : i32 to index
          %get3A_333 = arith.constant 48 : index
          %get3A_334 = tpu.vector_load %arg14[%get3A_332, %get3A_333] {strides = array<i32>} : memref<80x64xi32, #tpu.memory_space<vmem>>, vector<16xi32>,
          %bitcast3A_335 = vector.bitcast %get3A_334 : vector<16xi32> to vector<32xbf16>
          %mul3A_336 = arith.mulf %bitcast3A_327, %bitcast3A_331 : vector<32xbf16>
          %mul3A_337 = arith.mulf %mul3A_336, %bitcast3A_335 : vector<32xbf16>
          %unpack3A_338 = tpu.unpack_subelements %mul3A_337, 0 {pack_format = #tpu.pack_format<interleaved>} : vector<32xbf16> -> vector<16xf32>
          %unpack3A_339 = tpu.unpack_subelements %mul3A_337, 1 {pack_format = #tpu.pack_format<interleaved>} : vector<32xbf16> -> vector<16xf32>
          %add3A_340 = arith.addf %unpack3A_290, %unpack3A_291 : vector<16xf32>
          %add3A_341 = arith.addf %unpack3A_306, %unpack3A_307 : vector<16xf32>
          %add3A_342 = arith.addf %unpack3A_322, %unpack3A_323 : vector<16xf32>
          %add3A_343 = arith.addf %unpack3A_338, %unpack3A_339 : vector<16xf32>
          %add3A_344 = arith.addf %add3A_340, %add3A_341 : vector<16xf32>
          %add3A_345 = arith.addf %add3A_342, %add3A_343 : vector<16xf32>
          %add3A_346 = arith.addf %add3A_344, %add3A_345 : vector<16xf32>
          %reduce_sum3A_347 = arith.constant true
          %reduce_sum3A_348 = vector.broadcast %reduce_sum3A_347 : i1 to vector<16xi1>
          %reduce_sum3A_349 = tpu.scan <sum>, %add3A_346 masked %reduce_sum3A_348 : vector<16xf32>, vector<16xi1> -> vector<16xf32>
          %reduce_sum3A_350 = vector.extract %reduce_sum3A_349[15] : f32 from vector<16xf32>
          %eq3A_351 = vector.broadcast %add3A_272 : i32 to vector<16xi32>
          %eq3A_352 = arith.cmpi eq, %iota3A, %eq3A_351 : vector<16xi32>
          %broadcast_in_dim3A_353 = vector.broadcast %reduce_sum3A_350 : f32 to vector<16xf32>
          %select_n3A_354 = arith.select %eq3A_352, %broadcast_in_dim3A_353, %select_n3A : vector<16xi1>, vector<16xf32>
          %mul3A_355 = arith.constant 4 : i32
          %mul3A_356 = arith.muli %scan3A_179, %mul3A_355 : i32
          %add3A_357 = arith.constant 2 : i32
          %add3A_358 = arith.addi %mul3A_356, %add3A_357 : i32
          %add3A_359 = arith.addi %mul3A_167, %add3A_358 : i32
          %slice3A_360 = vector.extract_strided_slice %unpack3A {offsets = [1], sizes = [1], strides = [1]} : vector<16xi32> to vector<1xi32>
          %squeeze3A_361 = vector.extract %slice3A_360[0] : i32 from vector<1xi32>
          %get3A_362 = arith.index_cast %add3A_359 : i32 to index
          %get3A_363 = arith.constant 0 : index
          %get3A_364 = tpu.vector_load %arg13[%get3A_362, %get3A_363] {strides = array<i32>} : memref<80x64xi32, #tpu.memory_space<vmem>>, vector<16xi32>,
          %bitcast3A_365 = vector.bitcast %get3A_364 : vector<16xi32> to vector<32xbf16>
          %get3A_366 = arith.index_cast %squeeze3A_361 : i32 to index
          %get3A_367 = arith.constant 0 : index
          %get3A_368 = tpu.vector_load %arg12[%get3A_366, %get3A_367] {strides = array<i32>} : memref<500x64xi32, #tpu.memory_space<vmem>>, vector<16xi32>,
          %bitcast3A_369 = vector.bitcast %get3A_368 : vector<16xi32> to vector<32xbf16>
          %get3A_370 = arith.index_cast %add3A_359 : i32 to index
          %get3A_371 = arith.constant 0 : index
          %get3A_372 = tpu.vector_load %arg14[%get3A_370, %get3A_371] {strides = array<i32>} : memref<80x64xi32, #tpu.memory_space<vmem>>, vector<16xi32>,
          %bitcast3A_373 = vector.bitcast %get3A_372 : vector<16xi32> to vector<32xbf16>
          %mul3A_374 = arith.mulf %bitcast3A_365, %bitcast3A_369 : vector<32xbf16>
          %mul3A_375 = arith.mulf %mul3A_374, %bitcast3A_373 : vector<32xbf16>
          %unpack3A_376 = tpu.unpack_subelements %mul3A_375, 0 {pack_format = #tpu.pack_format<interleaved>} : vector<32xbf16> -> vector<16xf32>
          %unpack3A_377 = tpu.unpack_subelements %mul3A_375, 1 {pack_format = #tpu.pack_format<interleaved>} : vector<32xbf16> -> vector<16xf32>
          %get3A_378 = arith.index_cast %add3A_359 : i32 to index
          %get3A_379 = arith.constant 16 : index
          %get3A_380 = tpu.vector_load %arg13[%get3A_378, %get3A_379] {strides = array<i32>} : memref<80x64xi32, #tpu.memory_space<vmem>>, vector<16xi32>,
          %bitcast3A_381 = vector.bitcast %get3A_380 : vector<16xi32> to vector<32xbf16>
          %get3A_382 = arith.index_cast %squeeze3A_361 : i32 to index
          %get3A_383 = arith.constant 16 : index
          %get3A_384 = tpu.vector_load %arg12[%get3A_382, %get3A_383] {strides = array<i32>} : memref<500x64xi32, #tpu.memory_space<vmem>>, vector<16xi32>,
          %bitcast3A_385 = vector.bitcast %get3A_384 : vector<16xi32> to vector<32xbf16>
          %get3A_386 = arith.index_cast %add3A_359 : i32 to index
          %get3A_387 = arith.constant 16 : index
          %get3A_388 = tpu.vector_load %arg14[%get3A_386, %get3A_387] {strides = array<i32>} : memref<80x64xi32, #tpu.memory_space<vmem>>, vector<16xi32>,
          %bitcast3A_389 = vector.bitcast %get3A_388 : vector<16xi32> to vector<32xbf16>
          %mul3A_390 = arith.mulf %bitcast3A_381, %bitcast3A_385 : vector<32xbf16>
          %mul3A_391 = arith.mulf %mul3A_390, %bitcast3A_389 : vector<32xbf16>
          %unpack3A_392 = tpu.unpack_subelements %mul3A_391, 0 {pack_format = #tpu.pack_format<interleaved>} : vector<32xbf16> -> vector<16xf32>
          %unpack3A_393 = tpu.unpack_subelements %mul3A_391, 1 {pack_format = #tpu.pack_format<interleaved>} : vector<32xbf16> -> vector<16xf32>
          %get3A_394 = arith.index_cast %add3A_359 : i32 to index
          %get3A_395 = arith.constant 32 : index
          %get3A_396 = tpu.vector_load %arg13[%get3A_394, %get3A_395] {strides = array<i32>} : memref<80x64xi32, #tpu.memory_space<vmem>>, vector<16xi32>,
          %bitcast3A_397 = vector.bitcast %get3A_396 : vector<16xi32> to vector<32xbf16>
          %get3A_398 = arith.index_cast %squeeze3A_361 : i32 to index
          %get3A_399 = arith.constant 32 : index
          %get3A_400 = tpu.vector_load %arg12[%get3A_398, %get3A_399] {strides = array<i32>} : memref<500x64xi32, #tpu.memory_space<vmem>>, vector<16xi32>,
          %bitcast3A_401 = vector.bitcast %get3A_400 : vector<16xi32> to vector<32xbf16>
          %get3A_402 = arith.index_cast %add3A_359 : i32 to index
          %get3A_403 = arith.constant 32 : index
          %get3A_404 = tpu.vector_load %arg14[%get3A_402, %get3A_403] {strides = array<i32>} : memref<80x64xi32, #tpu.memory_space<vmem>>, vector<16xi32>,
          %bitcast3A_405 = vector.bitcast %get3A_404 : vector<16xi32> to vector<32xbf16>
          %mul3A_406 = arith.mulf %bitcast3A_397, %bitcast3A_401 : vector<32xbf16>
          %mul3A_407 = arith.mulf %mul3A_406, %bitcast3A_405 : vector<32xbf16>
          %unpack3A_408 = tpu.unpack_subelements %mul3A_407, 0 {pack_format = #tpu.pack_format<interleaved>} : vector<32xbf16> -> vector<16xf32>
          %unpack3A_409 = tpu.unpack_subelements %mul3A_407, 1 {pack_format = #tpu.pack_format<interleaved>} : vector<32xbf16> -> vector<16xf32>
          %get3A_410 = arith.index_cast %add3A_359 : i32 to index
          %get3A_411 = arith.constant 48 : index
          %get3A_412 = tpu.vector_load %arg13[%get3A_410, %get3A_411] {strides = array<i32>} : memref<80x64xi32, #tpu.memory_space<vmem>>, vector<16xi32>,
          %bitcast3A_413 = vector.bitcast %get3A_412 : vector<16xi32> to vector<32xbf16>
          %get3A_414 = arith.index_cast %squeeze3A_361 : i32 to index
          %get3A_415 = arith.constant 48 : index
          %get3A_416 = tpu.vector_load %arg12[%get3A_414, %get3A_415] {strides = array<i32>} : memref<500x64xi32, #tpu.memory_space<vmem>>, vector<16xi32>,
          %bitcast3A_417 = vector.bitcast %get3A_416 : vector<16xi32> to vector<32xbf16>
          %get3A_418 = arith.index_cast %add3A_359 : i32 to index
          %get3A_419 = arith.constant 48 : index
          %get3A_420 = tpu.vector_load %arg14[%get3A_418, %get3A_419] {strides = array<i32>} : memref<80x64xi32, #tpu.memory_space<vmem>>, vector<16xi32>,
          %bitcast3A_421 = vector.bitcast %get3A_420 : vector<16xi32> to vector<32xbf16>
          %mul3A_422 = arith.mulf %bitcast3A_413, %bitcast3A_417 : vector<32xbf16>
          %mul3A_423 = arith.mulf %mul3A_422, %bitcast3A_421 : vector<32xbf16>
          %unpack3A_424 = tpu.unpack_subelements %mul3A_423, 0 {pack_format = #tpu.pack_format<interleaved>} : vector<32xbf16> -> vector<16xf32>
          %unpack3A_425 = tpu.unpack_subelements %mul3A_423, 1 {pack_format = #tpu.pack_format<interleaved>} : vector<32xbf16> -> vector<16xf32>
          %add3A_426 = arith.addf %unpack3A_376, %unpack3A_377 : vector<16xf32>
          %add3A_427 = arith.addf %unpack3A_392, %unpack3A_393 : vector<16xf32>
          %add3A_428 = arith.addf %unpack3A_408, %unpack3A_409 : vector<16xf32>
          %add3A_429 = arith.addf %unpack3A_424, %unpack3A_425 : vector<16xf32>
          %add3A_430 = arith.addf %add3A_426, %add3A_427 : vector<16xf32>
          %add3A_431 = arith.addf %add3A_428, %add3A_429 : vector<16xf32>
          %add3A_432 = arith.addf %add3A_430, %add3A_431 : vector<16xf32>
          %reduce_sum3A_433 = arith.constant true
          %reduce_sum3A_434 = vector.broadcast %reduce_sum3A_433 : i1 to vector<16xi1>
          %reduce_sum3A_435 = tpu.scan <sum>, %add3A_432 masked %reduce_sum3A_434 : vector<16xf32>, vector<16xi1> -> vector<16xf32>
          %reduce_sum3A_436 = vector.extract %reduce_sum3A_435[15] : f32 from vector<16xf32>
          %eq3A_437 = vector.broadcast %add3A_358 : i32 to vector<16xi32>
          %eq3A_438 = arith.cmpi eq, %iota3A, %eq3A_437 : vector<16xi32>
          %broadcast_in_dim3A_439 = vector.broadcast %reduce_sum3A_436 : f32 to vector<16xf32>
          %select_n3A_440 = arith.select %eq3A_438, %broadcast_in_dim3A_439, %select_n3A_354 : vector<16xi1>, vector<16xf32>
          %mul3A_441 = arith.constant 4 : i32
          %mul3A_442 = arith.muli %scan3A_179, %mul3A_441 : i32
          %add3A_443 = arith.constant 3 : i32
          %add3A_444 = arith.addi %mul3A_442, %add3A_443 : i32
          %add3A_445 = arith.addi %mul3A_167, %add3A_444 : i32
          %slice3A_446 = vector.extract_strided_slice %unpack3A_188 {offsets = [1], sizes = [1], strides = [1]} : vector<16xi32> to vector<1xi32>
          %squeeze3A_447 = vector.extract %slice3A_446[0] : i32 from vector<1xi32>
          %get3A_448 = arith.index_cast %add3A_445 : i32 to index
          %get3A_449 = arith.constant 0 : index
          %get3A_450 = tpu.vector_load %arg13[%get3A_448, %get3A_449] {strides = array<i32>} : memref<80x64xi32, #tpu.memory_space<vmem>>, vector<16xi32>,
          %bitcast3A_451 = vector.bitcast %get3A_450 : vector<16xi32> to vector<32xbf16>
          %get3A_452 = arith.index_cast %squeeze3A_447 : i32 to index
          %get3A_453 = arith.constant 0 : index
          %get3A_454 = tpu.vector_load %arg12[%get3A_452, %get3A_453] {strides = array<i32>} : memref<500x64xi32, #tpu.memory_space<vmem>>, vector<16xi32>,
          %bitcast3A_455 = vector.bitcast %get3A_454 : vector<16xi32> to vector<32xbf16>
          %get3A_456 = arith.index_cast %add3A_445 : i32 to index
          %get3A_457 = arith.constant 0 : index
          %get3A_458 = tpu.vector_load %arg14[%get3A_456, %get3A_457] {strides = array<i32>} : memref<80x64xi32, #tpu.memory_space<vmem>>, vector<16xi32>,
          %bitcast3A_459 = vector.bitcast %get3A_458 : vector<16xi32> to vector<32xbf16>
          %mul3A_460 = arith.mulf %bitcast3A_451, %bitcast3A_455 : vector<32xbf16>
          %mul3A_461 = arith.mulf %mul3A_460, %bitcast3A_459 : vector<32xbf16>
          %unpack3A_462 = tpu.unpack_subelements %mul3A_461, 0 {pack_format = #tpu.pack_format<interleaved>} : vector<32xbf16> -> vector<16xf32>
          %unpack3A_463 = tpu.unpack_subelements %mul3A_461, 1 {pack_format = #tpu.pack_format<interleaved>} : vector<32xbf16> -> vector<16xf32>
          %get3A_464 = arith.index_cast %add3A_445 : i32 to index
          %get3A_465 = arith.constant 16 : index
          %get3A_466 = tpu.vector_load %arg13[%get3A_464, %get3A_465] {strides = array<i32>} : memref<80x64xi32, #tpu.memory_space<vmem>>, vector<16xi32>,
          %bitcast3A_467 = vector.bitcast %get3A_466 : vector<16xi32> to vector<32xbf16>
          %get3A_468 = arith.index_cast %squeeze3A_447 : i32 to index
          %get3A_469 = arith.constant 16 : index
          %get3A_470 = tpu.vector_load %arg12[%get3A_468, %get3A_469] {strides = array<i32>} : memref<500x64xi32, #tpu.memory_space<vmem>>, vector<16xi32>,
          %bitcast3A_471 = vector.bitcast %get3A_470 : vector<16xi32> to vector<32xbf16>
          %get3A_472 = arith.index_cast %add3A_445 : i32 to index
          %get3A_473 = arith.constant 16 : index
          %get3A_474 = tpu.vector_load %arg14[%get3A_472, %get3A_473] {strides = array<i32>} : memref<80x64xi32, #tpu.memory_space<vmem>>, vector<16xi32>,
          %bitcast3A_475 = vector.bitcast %get3A_474 : vector<16xi32> to vector<32xbf16>
          %mul3A_476 = arith.mulf %bitcast3A_467, %bitcast3A_471 : vector<32xbf16>
          %mul3A_477 = arith.mulf %mul3A_476, %bitcast3A_475 : vector<32xbf16>
          %unpack3A_478 = tpu.unpack_subelements %mul3A_477, 0 {pack_format = #tpu.pack_format<interleaved>} : vector<32xbf16> -> vector<16xf32>
          %unpack3A_479 = tpu.unpack_subelements %mul3A_477, 1 {pack_format = #tpu.pack_format<interleaved>} : vector<32xbf16> -> vector<16xf32>
          %get3A_480 = arith.index_cast %add3A_445 : i32 to index
          %get3A_481 = arith.constant 32 : index
          %get3A_482 = tpu.vector_load %arg13[%get3A_480, %get3A_481] {strides = array<i32>} : memref<80x64xi32, #tpu.memory_space<vmem>>, vector<16xi32>,
          %bitcast3A_483 = vector.bitcast %get3A_482 : vector<16xi32> to vector<32xbf16>
          %get3A_484 = arith.index_cast %squeeze3A_447 : i32 to index
          %get3A_485 = arith.constant 32 : index
          %get3A_486 = tpu.vector_load %arg12[%get3A_484, %get3A_485] {strides = array<i32>} : memref<500x64xi32, #tpu.memory_space<vmem>>, vector<16xi32>,
          %bitcast3A_487 = vector.bitcast %get3A_486 : vector<16xi32> to vector<32xbf16>
          %get3A_488 = arith.index_cast %add3A_445 : i32 to index
          %get3A_489 = arith.constant 32 : index
          %get3A_490 = tpu.vector_load %arg14[%get3A_488, %get3A_489] {strides = array<i32>} : memref<80x64xi32, #tpu.memory_space<vmem>>, vector<16xi32>,
          %bitcast3A_491 = vector.bitcast %get3A_490 : vector<16xi32> to vector<32xbf16>
          %mul3A_492 = arith.mulf %bitcast3A_483, %bitcast3A_487 : vector<32xbf16>
          %mul3A_493 = arith.mulf %mul3A_492, %bitcast3A_491 : vector<32xbf16>
          %unpack3A_494 = tpu.unpack_subelements %mul3A_493, 0 {pack_format = #tpu.pack_format<interleaved>} : vector<32xbf16> -> vector<16xf32>
          %unpack3A_495 = tpu.unpack_subelements %mul3A_493, 1 {pack_format = #tpu.pack_format<interleaved>} : vector<32xbf16> -> vector<16xf32>
          %get3A_496 = arith.index_cast %add3A_445 : i32 to index
          %get3A_497 = arith.constant 48 : index
          %get3A_498 = tpu.vector_load %arg13[%get3A_496, %get3A_497] {strides = array<i32>} : memref<80x64xi32, #tpu.memory_space<vmem>>, vector<16xi32>,
          %bitcast3A_499 = vector.bitcast %get3A_498 : vector<16xi32> to vector<32xbf16>
          %get3A_500 = arith.index_cast %squeeze3A_447 : i32 to index
          %get3A_501 = arith.constant 48 : index
          %get3A_502 = tpu.vector_load %arg12[%get3A_500, %get3A_501] {strides = array<i32>} : memref<500x64xi32, #tpu.memory_space<vmem>>, vector<16xi32>,
          %bitcast3A_503 = vector.bitcast %get3A_502 : vector<16xi32> to vector<32xbf16>
          %get3A_504 = arith.index_cast %add3A_445 : i32 to index
          %get3A_505 = arith.constant 48 : index
          %get3A_506 = tpu.vector_load %arg14[%get3A_504, %get3A_505] {strides = array<i32>} : memref<80x64xi32, #tpu.memory_space<vmem>>, vector<16xi32>,
          %bitcast3A_507 = vector.bitcast %get3A_506 : vector<16xi32> to vector<32xbf16>
          %mul3A_508 = arith.mulf %bitcast3A_499, %bitcast3A_503 : vector<32xbf16>
          %mul3A_509 = arith.mulf %mul3A_508, %bitcast3A_507 : vector<32xbf16>
          %unpack3A_510 = tpu.unpack_subelements %mul3A_509, 0 {pack_format = #tpu.pack_format<interleaved>} : vector<32xbf16> -> vector<16xf32>
          %unpack3A_511 = tpu.unpack_subelements %mul3A_509, 1 {pack_format = #tpu.pack_format<interleaved>} : vector<32xbf16> -> vector<16xf32>
          %add3A_512 = arith.addf %unpack3A_462, %unpack3A_463 : vector<16xf32>
          %add3A_513 = arith.addf %unpack3A_478, %unpack3A_479 : vector<16xf32>
          %add3A_514 = arith.addf %unpack3A_494, %unpack3A_495 : vector<16xf32>
          %add3A_515 = arith.addf %unpack3A_510, %unpack3A_511 : vector<16xf32>
          %add3A_516 = arith.addf %add3A_512, %add3A_513 : vector<16xf32>
          %add3A_517 = arith.addf %add3A_514, %add3A_515 : vector<16xf32>
          %add3A_518 = arith.addf %add3A_516, %add3A_517 : vector<16xf32>
          %reduce_sum3A_519 = arith.constant true
          %reduce_sum3A_520 = vector.broadcast %reduce_sum3A_519 : i1 to vector<16xi1>
          %reduce_sum3A_521 = tpu.scan <sum>, %add3A_518 masked %reduce_sum3A_520 : vector<16xf32>, vector<16xi1> -> vector<16xf32>
          %reduce_sum3A_522 = vector.extract %reduce_sum3A_521[15] : f32 from vector<16xf32>
          %eq3A_523 = vector.broadcast %add3A_444 : i32 to vector<16xi32>
          %eq3A_524 = arith.cmpi eq, %iota3A, %eq3A_523 : vector<16xi32>
          %broadcast_in_dim3A_525 = vector.broadcast %reduce_sum3A_522 : f32 to vector<16xf32>
          %select_n3A_526 = arith.select %eq3A_524, %broadcast_in_dim3A_525, %select_n3A_440 : vector<16xi1>, vector<16xf32>
          scf.yield %select_n3A_526 : vector<16xf32>
        }
        %scan3A_174 = arith.constant 4 : i32
        %mul3A_175 = arith.constant 80 : i32
        %mul3A_176 = arith.muli %add3A_66, %mul3A_175 : i32
        %add3A_177 = arith.addi %mul3A_176, %mul3A_167 : i32
        %swap3A = arith.index_cast %add3A_177 : i32 to index
        %swap3A_178 = tpu.vector_load %arg11[%swap3A] {strides = array<i32>} : memref<10000xf32, #tpu.memory_space<vmem>>, vector<16xf32>,
        tpu.vector_store %arg11[%swap3A], %scan3A_173 {strides = array<i32>} : memref<10000xf32, #tpu.memory_space<vmem>>, vector<16xf32>,
      }
      %scan3A_96 = arith.constant 5 : i32
      %mul3A_97 = arith.constant 3 : i32
      %mul3A_98 = arith.muli %mul3A_97, %scan3A_62 : i32
      %add3A_99 = arith.constant 1 : i32
      %add3A_100 = arith.addi %mul3A_98, %add3A_99 : i32
      %add3A_101 = arith.constant 2 : i32
      %add3A_102 = arith.addi %add3A_100, %add3A_101 : i32
      %mul3A_103 = arith.constant 80 : i32
      %mul3A_104 = arith.muli %add3A_102, %mul3A_103 : i32
      %dma_start3A_105 = tpu.memref_slice %arg8[%mul3A_104] : memref<10000xi32, #tpu.memory_space<vmem>> -> memref<80xi32, #tpu.memory_space<vmem>>
      %dma_start3A_106 = arith.constant 0 : i32
      %dma_start3A_107 = arith.constant 0 : i32
      %dma_start3A_108 = tpu.memref_slice %arg5[%dma_start3A_106, %dma_start3A_107] : memref<10000x64xi32, #tpu.memory_space<hbm>> -> memref<10000x64xi32, #tpu.memory_space<hbm>>
      tpu.enqueue_indirect_dma source(%dma_start3A_108 : memref<10000x64xi32, #tpu.memory_space<hbm>>) target(%arg13 : memref<80x64xi32, #tpu.memory_space<vmem>>) offsets(%dma_start3A_105 : memref<80xi32, #tpu.memory_space<vmem>>) semaphore(%arg19 : memref<!tpu.dma_semaphore, #tpu.memory_space<semaphore_mem>>)
      %dma_start3A_109 = tpu.memref_slice %arg9[%mul3A_104] : memref<10000xi32, #tpu.memory_space<vmem>> -> memref<80xi32, #tpu.memory_space<vmem>>
      %dma_start3A_110 = arith.constant 0 : i32
      %dma_start3A_111 = arith.constant 0 : i32
      %dma_start3A_112 = tpu.memref_slice %arg5[%dma_start3A_110, %dma_start3A_111] : memref<10000x64xi32, #tpu.memory_space<hbm>> -> memref<10000x64xi32, #tpu.memory_space<hbm>>
      tpu.enqueue_indirect_dma source(%dma_start3A_112 : memref<10000x64xi32, #tpu.memory_space<hbm>>) target(%arg14 : memref<80x64xi32, #tpu.memory_space<vmem>>) offsets(%dma_start3A_109 : memref<80xi32, #tpu.memory_space<vmem>>) semaphore(%arg20 : memref<!tpu.dma_semaphore, #tpu.memory_space<semaphore_mem>>)
      %dma_wait3A_113 = arith.constant 0 : i32
      %dma_wait3A_114 = arith.constant 0 : i32
      %dma_wait3A_115 = tpu.memref_slice %arg5[%dma_wait3A_113, %dma_wait3A_114] : memref<10000x64xi32, #tpu.memory_space<hbm>> -> memref<80x64xi32, #tpu.memory_space<hbm>>
      %dma_wait3A_116 = arith.constant 0 : i32
      %dma_wait3A_117 = arith.constant 0 : i32
      %dma_wait3A_118 = tpu.memref_slice %arg5[%dma_wait3A_116, %dma_wait3A_117] : memref<10000x64xi32, #tpu.memory_space<hbm>> -> memref<80x64xi32, #tpu.memory_space<hbm>>
      tpu.wait_dma2 semaphore(%arg21 : memref<!tpu.dma_semaphore, #tpu.memory_space<semaphore_mem>>) src(%dma_wait3A_118 : memref<80x64xi32, #tpu.memory_space<hbm>>) dst(%arg15 : memref<80x64xi32, #tpu.memory_space<vmem>>)
      %dma_wait3A_119 = arith.constant 0 : i32
      %dma_wait3A_120 = arith.constant 0 : i32
      %dma_wait3A_121 = tpu.memref_slice %arg5[%dma_wait3A_119, %dma_wait3A_120] : memref<10000x64xi32, #tpu.memory_space<hbm>> -> memref<80x64xi32, #tpu.memory_space<hbm>>
      %dma_wait3A_122 = arith.constant 0 : i32
      %dma_wait3A_123 = arith.constant 0 : i32
      %dma_wait3A_124 = tpu.memref_slice %arg5[%dma_wait3A_122, %dma_wait3A_123] : memref<10000x64xi32, #tpu.memory_space<hbm>> -> memref<80x64xi32, #tpu.memory_space<hbm>>
      tpu.wait_dma2 semaphore(%arg22 : memref<!tpu.dma_semaphore, #tpu.memory_space<semaphore_mem>>) src(%dma_wait3A_124 : memref<80x64xi32, #tpu.memory_space<hbm>>) dst(%arg16 : memref<80x64xi32, #tpu.memory_space<vmem>>)
      %scan3A_125 = arith.constant 0 : i32
      %scan3A_126 = arith.constant 0 : i32
      %scan3A_127 = arith.constant 5 : i32
      %scan3A_128 = arith.addi %scan3A_126, %scan3A_127 : i32
      %scan3A_129 = arith.constant 1 : i32
      scf.for %scan3A_165 = %scan3A_126 to %scan3A_128 step %scan3A_129  : i32 {
        %mul3A_166 = arith.constant 16 : i32
        %mul3A_167 = arith.muli %scan3A_165, %mul3A_166 : i32
        %broadcast_in_dim3A = arith.constant 0.000000e+00 : f32
        %broadcast_in_dim3A_168 = vector.broadcast %broadcast_in_dim3A : f32 to vector<16xf32>
        %scan3A_169 = arith.constant 0 : i32
        %scan3A_170 = arith.constant 4 : i32
        %scan3A_171 = arith.addi %scan3A_169, %scan3A_170 : i32
        %scan3A_172 = arith.constant 1 : i32
        %scan3A_173 = scf.for %scan3A_179 = %scan3A_169 to %scan3A_171 step %scan3A_172 iter_args(%scan3A_180 = %broadcast_in_dim3A_168) -> (vector<16xf32>)  : i32 {
          %mul3A_181 = arith.constant 80 : i32
          %mul3A_182 = arith.muli %add3A_100, %mul3A_181 : i32
          %add3A_183 = arith.addi %mul3A_182, %mul3A_167 : i32
          %mul3A_184 = arith.constant 4 : i32
          %mul3A_185 = arith.muli %scan3A_179, %mul3A_184 : i32
          %add3A_186 = arith.addi %add3A_183, %mul3A_185 : i32
          %get3A = arith.index_cast %add3A_186 : i32 to index
          %get3A_187 = tpu.vector_load %arg10[%get3A] {strides = array<i32>} : memref<10032xi16, #tpu.memory_space<vmem>>, vector<32xi16>,
          %unpack3A = tpu.unpack_subelements %get3A_187, 0 {pack_format = #tpu.pack_format<interleaved>} : vector<32xi16> -> vector<16xi32>
          %unpack3A_188 = tpu.unpack_subelements %get3A_187, 1 {pack_format = #tpu.pack_format<interleaved>} : vector<32xi16> -> vector<16xi32>
          %mul3A_189 = arith.constant 4 : i32
          %mul3A_190 = arith.muli %scan3A_179, %mul3A_189 : i32
          %add3A_191 = arith.constant 0 : i32
          %add3A_192 = arith.addi %mul3A_190, %add3A_191 : i32
          %add3A_193 = arith.addi %mul3A_167, %add3A_192 : i32
          %slice3A = vector.extract_strided_slice %unpack3A {offsets = [0], sizes = [1], strides = [1]} : vector<16xi32> to vector<1xi32>
          %squeeze3A = vector.extract %slice3A[0] : i32 from vector<1xi32>
          %get3A_194 = arith.index_cast %add3A_193 : i32 to index
          %get3A_195 = arith.constant 0 : index
          %get3A_196 = tpu.vector_load %arg15[%get3A_194, %get3A_195] {strides = array<i32>} : memref<80x64xi32, #tpu.memory_space<vmem>>, vector<16xi32>,
          %bitcast3A = vector.bitcast %get3A_196 : vector<16xi32> to vector<32xbf16>
          %get3A_197 = arith.index_cast %squeeze3A : i32 to index
          %get3A_198 = arith.constant 0 : index
          %get3A_199 = tpu.vector_load %arg12[%get3A_197, %get3A_198] {strides = array<i32>} : memref<500x64xi32, #tpu.memory_space<vmem>>, vector<16xi32>,
          %bitcast3A_200 = vector.bitcast %get3A_199 : vector<16xi32> to vector<32xbf16>
          %get3A_201 = arith.index_cast %add3A_193 : i32 to index
          %get3A_202 = arith.constant 0 : index
          %get3A_203 = tpu.vector_load %arg16[%get3A_201, %get3A_202] {strides = array<i32>} : memref<80x64xi32, #tpu.memory_space<vmem>>, vector<16xi32>,
          %bitcast3A_204 = vector.bitcast %get3A_203 : vector<16xi32> to vector<32xbf16>
          %mul3A_205 = arith.mulf %bitcast3A, %bitcast3A_200 : vector<32xbf16>
          %mul3A_206 = arith.mulf %mul3A_205, %bitcast3A_204 : vector<32xbf16>
          %unpack3A_207 = tpu.unpack_subelements %mul3A_206, 0 {pack_format = #tpu.pack_format<interleaved>} : vector<32xbf16> -> vector<16xf32>
          %unpack3A_208 = tpu.unpack_subelements %mul3A_206, 1 {pack_format = #tpu.pack_format<interleaved>} : vector<32xbf16> -> vector<16xf32>
          %get3A_209 = arith.index_cast %add3A_193 : i32 to index
          %get3A_210 = arith.constant 16 : index
          %get3A_211 = tpu.vector_load %arg15[%get3A_209, %get3A_210] {strides = array<i32>} : memref<80x64xi32, #tpu.memory_space<vmem>>, vector<16xi32>,
          %bitcast3A_212 = vector.bitcast %get3A_211 : vector<16xi32> to vector<32xbf16>
          %get3A_213 = arith.index_cast %squeeze3A : i32 to index
          %get3A_214 = arith.constant 16 : index
          %get3A_215 = tpu.vector_load %arg12[%get3A_213, %get3A_214] {strides = array<i32>} : memref<500x64xi32, #tpu.memory_space<vmem>>, vector<16xi32>,
          %bitcast3A_216 = vector.bitcast %get3A_215 : vector<16xi32> to vector<32xbf16>
          %get3A_217 = arith.index_cast %add3A_193 : i32 to index
          %get3A_218 = arith.constant 16 : index
          %get3A_219 = tpu.vector_load %arg16[%get3A_217, %get3A_218] {strides = array<i32>} : memref<80x64xi32, #tpu.memory_space<vmem>>, vector<16xi32>,
          %bitcast3A_220 = vector.bitcast %get3A_219 : vector<16xi32> to vector<32xbf16>
          %mul3A_221 = arith.mulf %bitcast3A_212, %bitcast3A_216 : vector<32xbf16>
          %mul3A_222 = arith.mulf %mul3A_221, %bitcast3A_220 : vector<32xbf16>
          %unpack3A_223 = tpu.unpack_subelements %mul3A_222, 0 {pack_format = #tpu.pack_format<interleaved>} : vector<32xbf16> -> vector<16xf32>
          %unpack3A_224 = tpu.unpack_subelements %mul3A_222, 1 {pack_format = #tpu.pack_format<interleaved>} : vector<32xbf16> -> vector<16xf32>
          %get3A_225 = arith.index_cast %add3A_193 : i32 to index
          %get3A_226 = arith.constant 32 : index
          %get3A_227 = tpu.vector_load %arg15[%get3A_225, %get3A_226] {strides = array<i32>} : memref<80x64xi32, #tpu.memory_space<vmem>>, vector<16xi32>,
          %bitcast3A_228 = vector.bitcast %get3A_227 : vector<16xi32> to vector<32xbf16>
          %get3A_229 = arith.index_cast %squeeze3A : i32 to index
          %get3A_230 = arith.constant 32 : index
          %get3A_231 = tpu.vector_load %arg12[%get3A_229, %get3A_230] {strides = array<i32>} : memref<500x64xi32, #tpu.memory_space<vmem>>, vector<16xi32>,
          %bitcast3A_232 = vector.bitcast %get3A_231 : vector<16xi32> to vector<32xbf16>
          %get3A_233 = arith.index_cast %add3A_193 : i32 to index
          %get3A_234 = arith.constant 32 : index
          %get3A_235 = tpu.vector_load %arg16[%get3A_233, %get3A_234] {strides = array<i32>} : memref<80x64xi32, #tpu.memory_space<vmem>>, vector<16xi32>,
          %bitcast3A_236 = vector.bitcast %get3A_235 : vector<16xi32> to vector<32xbf16>
          %mul3A_237 = arith.mulf %bitcast3A_228, %bitcast3A_232 : vector<32xbf16>
          %mul3A_238 = arith.mulf %mul3A_237, %bitcast3A_236 : vector<32xbf16>
          %unpack3A_239 = tpu.unpack_subelements %mul3A_238, 0 {pack_format = #tpu.pack_format<interleaved>} : vector<32xbf16> -> vector<16xf32>
          %unpack3A_240 = tpu.unpack_subelements %mul3A_238, 1 {pack_format = #tpu.pack_format<interleaved>} : vector<32xbf16> -> vector<16xf32>
          %get3A_241 = arith.index_cast %add3A_193 : i32 to index
          %get3A_242 = arith.constant 48 : index
          %get3A_243 = tpu.vector_load %arg15[%get3A_241, %get3A_242] {strides = array<i32>} : memref<80x64xi32, #tpu.memory_space<vmem>>, vector<16xi32>,
          %bitcast3A_244 = vector.bitcast %get3A_243 : vector<16xi32> to vector<32xbf16>
          %get3A_245 = arith.index_cast %squeeze3A : i32 to index
          %get3A_246 = arith.constant 48 : index
          %get3A_247 = tpu.vector_load %arg12[%get3A_245, %get3A_246] {strides = array<i32>} : memref<500x64xi32, #tpu.memory_space<vmem>>, vector<16xi32>,
          %bitcast3A_248 = vector.bitcast %get3A_247 : vector<16xi32> to vector<32xbf16>
          %get3A_249 = arith.index_cast %add3A_193 : i32 to index
          %get3A_250 = arith.constant 48 : index
          %get3A_251 = tpu.vector_load %arg16[%get3A_249, %get3A_250] {strides = array<i32>} : memref<80x64xi32, #tpu.memory_space<vmem>>, vector<16xi32>,
          %bitcast3A_252 = vector.bitcast %get3A_251 : vector<16xi32> to vector<32xbf16>
          %mul3A_253 = arith.mulf %bitcast3A_244, %bitcast3A_248 : vector<32xbf16>
          %mul3A_254 = arith.mulf %mul3A_253, %bitcast3A_252 : vector<32xbf16>
          %unpack3A_255 = tpu.unpack_subelements %mul3A_254, 0 {pack_format = #tpu.pack_format<interleaved>} : vector<32xbf16> -> vector<16xf32>
          %unpack3A_256 = tpu.unpack_subelements %mul3A_254, 1 {pack_format = #tpu.pack_format<interleaved>} : vector<32xbf16> -> vector<16xf32>
          %add3A_257 = arith.addf %unpack3A_207, %unpack3A_208 : vector<16xf32>
          %add3A_258 = arith.addf %unpack3A_223, %unpack3A_224 : vector<16xf32>
          %add3A_259 = arith.addf %unpack3A_239, %unpack3A_240 : vector<16xf32>
          %add3A_260 = arith.addf %unpack3A_255, %unpack3A_256 : vector<16xf32>
          %add3A_261 = arith.addf %add3A_257, %add3A_258 : vector<16xf32>
          %add3A_262 = arith.addf %add3A_259, %add3A_260 : vector<16xf32>
          %add3A_263 = arith.addf %add3A_261, %add3A_262 : vector<16xf32>
          %reduce_sum3A = arith.constant true
          %reduce_sum3A_264 = vector.broadcast %reduce_sum3A : i1 to vector<16xi1>
          %reduce_sum3A_265 = tpu.scan <sum>, %add3A_263 masked %reduce_sum3A_264 : vector<16xf32>, vector<16xi1> -> vector<16xf32>
          %reduce_sum3A_266 = vector.extract %reduce_sum3A_265[15] : f32 from vector<16xf32>
          %eq3A = vector.broadcast %add3A_192 : i32 to vector<16xi32>
          %eq3A_267 = arith.cmpi eq, %iota3A, %eq3A : vector<16xi32>
          %broadcast_in_dim3A_268 = vector.broadcast %reduce_sum3A_266 : f32 to vector<16xf32>
          %select_n3A = arith.select %eq3A_267, %broadcast_in_dim3A_268, %scan3A_180 : vector<16xi1>, vector<16xf32>
          %mul3A_269 = arith.constant 4 : i32
          %mul3A_270 = arith.muli %scan3A_179, %mul3A_269 : i32
          %add3A_271 = arith.constant 1 : i32
          %add3A_272 = arith.addi %mul3A_270, %add3A_271 : i32
          %add3A_273 = arith.addi %mul3A_167, %add3A_272 : i32
          %slice3A_274 = vector.extract_strided_slice %unpack3A_188 {offsets = [0], sizes = [1], strides = [1]} : vector<16xi32> to vector<1xi32>
          %squeeze3A_275 = vector.extract %slice3A_274[0] : i32 from vector<1xi32>
          %get3A_276 = arith.index_cast %add3A_273 : i32 to index
          %get3A_277 = arith.constant 0 : index
          %get3A_278 = tpu.vector_load %arg15[%get3A_276, %get3A_277] {strides = array<i32>} : memref<80x64xi32, #tpu.memory_space<vmem>>, vector<16xi32>,
          %bitcast3A_279 = vector.bitcast %get3A_278 : vector<16xi32> to vector<32xbf16>
          %get3A_280 = arith.index_cast %squeeze3A_275 : i32 to index
          %get3A_281 = arith.constant 0 : index
          %get3A_282 = tpu.vector_load %arg12[%get3A_280, %get3A_281] {strides = array<i32>} : memref<500x64xi32, #tpu.memory_space<vmem>>, vector<16xi32>,
          %bitcast3A_283 = vector.bitcast %get3A_282 : vector<16xi32> to vector<32xbf16>
          %get3A_284 = arith.index_cast %add3A_273 : i32 to index
          %get3A_285 = arith.constant 0 : index
          %get3A_286 = tpu.vector_load %arg16[%get3A_284, %get3A_285] {strides = array<i32>} : memref<80x64xi32, #tpu.memory_space<vmem>>, vector<16xi32>,
          %bitcast3A_287 = vector.bitcast %get3A_286 : vector<16xi32> to vector<32xbf16>
          %mul3A_288 = arith.mulf %bitcast3A_279, %bitcast3A_283 : vector<32xbf16>
          %mul3A_289 = arith.mulf %mul3A_288, %bitcast3A_287 : vector<32xbf16>
          %unpack3A_290 = tpu.unpack_subelements %mul3A_289, 0 {pack_format = #tpu.pack_format<interleaved>} : vector<32xbf16> -> vector<16xf32>
          %unpack3A_291 = tpu.unpack_subelements %mul3A_289, 1 {pack_format = #tpu.pack_format<interleaved>} : vector<32xbf16> -> vector<16xf32>
          %get3A_292 = arith.index_cast %add3A_273 : i32 to index
          %get3A_293 = arith.constant 16 : index
          %get3A_294 = tpu.vector_load %arg15[%get3A_292, %get3A_293] {strides = array<i32>} : memref<80x64xi32, #tpu.memory_space<vmem>>, vector<16xi32>,
          %bitcast3A_295 = vector.bitcast %get3A_294 : vector<16xi32> to vector<32xbf16>
          %get3A_296 = arith.index_cast %squeeze3A_275 : i32 to index
          %get3A_297 = arith.constant 16 : index
          %get3A_298 = tpu.vector_load %arg12[%get3A_296, %get3A_297] {strides = array<i32>} : memref<500x64xi32, #tpu.memory_space<vmem>>, vector<16xi32>,
          %bitcast3A_299 = vector.bitcast %get3A_298 : vector<16xi32> to vector<32xbf16>
          %get3A_300 = arith.index_cast %add3A_273 : i32 to index
          %get3A_301 = arith.constant 16 : index
          %get3A_302 = tpu.vector_load %arg16[%get3A_300, %get3A_301] {strides = array<i32>} : memref<80x64xi32, #tpu.memory_space<vmem>>, vector<16xi32>,
          %bitcast3A_303 = vector.bitcast %get3A_302 : vector<16xi32> to vector<32xbf16>
          %mul3A_304 = arith.mulf %bitcast3A_295, %bitcast3A_299 : vector<32xbf16>
          %mul3A_305 = arith.mulf %mul3A_304, %bitcast3A_303 : vector<32xbf16>
          %unpack3A_306 = tpu.unpack_subelements %mul3A_305, 0 {pack_format = #tpu.pack_format<interleaved>} : vector<32xbf16> -> vector<16xf32>
          %unpack3A_307 = tpu.unpack_subelements %mul3A_305, 1 {pack_format = #tpu.pack_format<interleaved>} : vector<32xbf16> -> vector<16xf32>
          %get3A_308 = arith.index_cast %add3A_273 : i32 to index
          %get3A_309 = arith.constant 32 : index
          %get3A_310 = tpu.vector_load %arg15[%get3A_308, %get3A_309] {strides = array<i32>} : memref<80x64xi32, #tpu.memory_space<vmem>>, vector<16xi32>,
          %bitcast3A_311 = vector.bitcast %get3A_310 : vector<16xi32> to vector<32xbf16>
          %get3A_312 = arith.index_cast %squeeze3A_275 : i32 to index
          %get3A_313 = arith.constant 32 : index
          %get3A_314 = tpu.vector_load %arg12[%get3A_312, %get3A_313] {strides = array<i32>} : memref<500x64xi32, #tpu.memory_space<vmem>>, vector<16xi32>,
          %bitcast3A_315 = vector.bitcast %get3A_314 : vector<16xi32> to vector<32xbf16>
          %get3A_316 = arith.index_cast %add3A_273 : i32 to index
          %get3A_317 = arith.constant 32 : index
          %get3A_318 = tpu.vector_load %arg16[%get3A_316, %get3A_317] {strides = array<i32>} : memref<80x64xi32, #tpu.memory_space<vmem>>, vector<16xi32>,
          %bitcast3A_319 = vector.bitcast %get3A_318 : vector<16xi32> to vector<32xbf16>
          %mul3A_320 = arith.mulf %bitcast3A_311, %bitcast3A_315 : vector<32xbf16>
          %mul3A_321 = arith.mulf %mul3A_320, %bitcast3A_319 : vector<32xbf16>
          %unpack3A_322 = tpu.unpack_subelements %mul3A_321, 0 {pack_format = #tpu.pack_format<interleaved>} : vector<32xbf16> -> vector<16xf32>
          %unpack3A_323 = tpu.unpack_subelements %mul3A_321, 1 {pack_format = #tpu.pack_format<interleaved>} : vector<32xbf16> -> vector<16xf32>
          %get3A_324 = arith.index_cast %add3A_273 : i32 to index
          %get3A_325 = arith.constant 48 : index
          %get3A_326 = tpu.vector_load %arg15[%get3A_324, %get3A_325] {strides = array<i32>} : memref<80x64xi32, #tpu.memory_space<vmem>>, vector<16xi32>,
          %bitcast3A_327 = vector.bitcast %get3A_326 : vector<16xi32> to vector<32xbf16>
          %get3A_328 = arith.index_cast %squeeze3A_275 : i32 to index
          %get3A_329 = arith.constant 48 : index
          %get3A_330 = tpu.vector_load %arg12[%get3A_328, %get3A_329] {strides = array<i32>} : memref<500x64xi32, #tpu.memory_space<vmem>>, vector<16xi32>,
          %bitcast3A_331 = vector.bitcast %get3A_330 : vector<16xi32> to vector<32xbf16>
          %get3A_332 = arith.index_cast %add3A_273 : i32 to index
          %get3A_333 = arith.constant 48 : index
          %get3A_334 = tpu.vector_load %arg16[%get3A_332, %get3A_333] {strides = array<i32>} : memref<80x64xi32, #tpu.memory_space<vmem>>, vector<16xi32>,
          %bitcast3A_335 = vector.bitcast %get3A_334 : vector<16xi32> to vector<32xbf16>
          %mul3A_336 = arith.mulf %bitcast3A_327, %bitcast3A_331 : vector<32xbf16>
          %mul3A_337 = arith.mulf %mul3A_336, %bitcast3A_335 : vector<32xbf16>
          %unpack3A_338 = tpu.unpack_subelements %mul3A_337, 0 {pack_format = #tpu.pack_format<interleaved>} : vector<32xbf16> -> vector<16xf32>
          %unpack3A_339 = tpu.unpack_subelements %mul3A_337, 1 {pack_format = #tpu.pack_format<interleaved>} : vector<32xbf16> -> vector<16xf32>
          %add3A_340 = arith.addf %unpack3A_290, %unpack3A_291 : vector<16xf32>
          %add3A_341 = arith.addf %unpack3A_306, %unpack3A_307 : vector<16xf32>
          %add3A_342 = arith.addf %unpack3A_322, %unpack3A_323 : vector<16xf32>
          %add3A_343 = arith.addf %unpack3A_338, %unpack3A_339 : vector<16xf32>
          %add3A_344 = arith.addf %add3A_340, %add3A_341 : vector<16xf32>
          %add3A_345 = arith.addf %add3A_342, %add3A_343 : vector<16xf32>
          %add3A_346 = arith.addf %add3A_344, %add3A_345 : vector<16xf32>
          %reduce_sum3A_347 = arith.constant true
          %reduce_sum3A_348 = vector.broadcast %reduce_sum3A_347 : i1 to vector<16xi1>
          %reduce_sum3A_349 = tpu.scan <sum>, %add3A_346 masked %reduce_sum3A_348 : vector<16xf32>, vector<16xi1> -> vector<16xf32>
          %reduce_sum3A_350 = vector.extract %reduce_sum3A_349[15] : f32 from vector<16xf32>
          %eq3A_351 = vector.broadcast %add3A_272 : i32 to vector<16xi32>
          %eq3A_352 = arith.cmpi eq, %iota3A, %eq3A_351 : vector<16xi32>
          %broadcast_in_dim3A_353 = vector.broadcast %reduce_sum3A_350 : f32 to vector<16xf32>
          %select_n3A_354 = arith.select %eq3A_352, %broadcast_in_dim3A_353, %select_n3A : vector<16xi1>, vector<16xf32>
          %mul3A_355 = arith.constant 4 : i32
          %mul3A_356 = arith.muli %scan3A_179, %mul3A_355 : i32
          %add3A_357 = arith.constant 2 : i32
          %add3A_358 = arith.addi %mul3A_356, %add3A_357 : i32
          %add3A_359 = arith.addi %mul3A_167, %add3A_358 : i32
          %slice3A_360 = vector.extract_strided_slice %unpack3A {offsets = [1], sizes = [1], strides = [1]} : vector<16xi32> to vector<1xi32>
          %squeeze3A_361 = vector.extract %slice3A_360[0] : i32 from vector<1xi32>
          %get3A_362 = arith.index_cast %add3A_359 : i32 to index
          %get3A_363 = arith.constant 0 : index
          %get3A_364 = tpu.vector_load %arg15[%get3A_362, %get3A_363] {strides = array<i32>} : memref<80x64xi32, #tpu.memory_space<vmem>>, vector<16xi32>,
          %bitcast3A_365 = vector.bitcast %get3A_364 : vector<16xi32> to vector<32xbf16>
          %get3A_366 = arith.index_cast %squeeze3A_361 : i32 to index
          %get3A_367 = arith.constant 0 : index
          %get3A_368 = tpu.vector_load %arg12[%get3A_366, %get3A_367] {strides = array<i32>} : memref<500x64xi32, #tpu.memory_space<vmem>>, vector<16xi32>,
          %bitcast3A_369 = vector.bitcast %get3A_368 : vector<16xi32> to vector<32xbf16>
          %get3A_370 = arith.index_cast %add3A_359 : i32 to index
          %get3A_371 = arith.constant 0 : index
          %get3A_372 = tpu.vector_load %arg16[%get3A_370, %get3A_371] {strides = array<i32>} : memref<80x64xi32, #tpu.memory_space<vmem>>, vector<16xi32>,
          %bitcast3A_373 = vector.bitcast %get3A_372 : vector<16xi32> to vector<32xbf16>
          %mul3A_374 = arith.mulf %bitcast3A_365, %bitcast3A_369 : vector<32xbf16>
          %mul3A_375 = arith.mulf %mul3A_374, %bitcast3A_373 : vector<32xbf16>
          %unpack3A_376 = tpu.unpack_subelements %mul3A_375, 0 {pack_format = #tpu.pack_format<interleaved>} : vector<32xbf16> -> vector<16xf32>
          %unpack3A_377 = tpu.unpack_subelements %mul3A_375, 1 {pack_format = #tpu.pack_format<interleaved>} : vector<32xbf16> -> vector<16xf32>
          %get3A_378 = arith.index_cast %add3A_359 : i32 to index
          %get3A_379 = arith.constant 16 : index
          %get3A_380 = tpu.vector_load %arg15[%get3A_378, %get3A_379] {strides = array<i32>} : memref<80x64xi32, #tpu.memory_space<vmem>>, vector<16xi32>,
          %bitcast3A_381 = vector.bitcast %get3A_380 : vector<16xi32> to vector<32xbf16>
          %get3A_382 = arith.index_cast %squeeze3A_361 : i32 to index
          %get3A_383 = arith.constant 16 : index
          %get3A_384 = tpu.vector_load %arg12[%get3A_382, %get3A_383] {strides = array<i32>} : memref<500x64xi32, #tpu.memory_space<vmem>>, vector<16xi32>,
          %bitcast3A_385 = vector.bitcast %get3A_384 : vector<16xi32> to vector<32xbf16>
          %get3A_386 = arith.index_cast %add3A_359 : i32 to index
          %get3A_387 = arith.constant 16 : index
          %get3A_388 = tpu.vector_load %arg16[%get3A_386, %get3A_387] {strides = array<i32>} : memref<80x64xi32, #tpu.memory_space<vmem>>, vector<16xi32>,
          %bitcast3A_389 = vector.bitcast %get3A_388 : vector<16xi32> to vector<32xbf16>
          %mul3A_390 = arith.mulf %bitcast3A_381, %bitcast3A_385 : vector<32xbf16>
          %mul3A_391 = arith.mulf %mul3A_390, %bitcast3A_389 : vector<32xbf16>
          %unpack3A_392 = tpu.unpack_subelements %mul3A_391, 0 {pack_format = #tpu.pack_format<interleaved>} : vector<32xbf16> -> vector<16xf32>
          %unpack3A_393 = tpu.unpack_subelements %mul3A_391, 1 {pack_format = #tpu.pack_format<interleaved>} : vector<32xbf16> -> vector<16xf32>
          %get3A_394 = arith.index_cast %add3A_359 : i32 to index
          %get3A_395 = arith.constant 32 : index
          %get3A_396 = tpu.vector_load %arg15[%get3A_394, %get3A_395] {strides = array<i32>} : memref<80x64xi32, #tpu.memory_space<vmem>>, vector<16xi32>,
          %bitcast3A_397 = vector.bitcast %get3A_396 : vector<16xi32> to vector<32xbf16>
          %get3A_398 = arith.index_cast %squeeze3A_361 : i32 to index
          %get3A_399 = arith.constant 32 : index
          %get3A_400 = tpu.vector_load %arg12[%get3A_398, %get3A_399] {strides = array<i32>} : memref<500x64xi32, #tpu.memory_space<vmem>>, vector<16xi32>,
          %bitcast3A_401 = vector.bitcast %get3A_400 : vector<16xi32> to vector<32xbf16>
          %get3A_402 = arith.index_cast %add3A_359 : i32 to index
          %get3A_403 = arith.constant 32 : index
          %get3A_404 = tpu.vector_load %arg16[%get3A_402, %get3A_403] {strides = array<i32>} : memref<80x64xi32, #tpu.memory_space<vmem>>, vector<16xi32>,
          %bitcast3A_405 = vector.bitcast %get3A_404 : vector<16xi32> to vector<32xbf16>
          %mul3A_406 = arith.mulf %bitcast3A_397, %bitcast3A_401 : vector<32xbf16>
          %mul3A_407 = arith.mulf %mul3A_406, %bitcast3A_405 : vector<32xbf16>
          %unpack3A_408 = tpu.unpack_subelements %mul3A_407, 0 {pack_format = #tpu.pack_format<interleaved>} : vector<32xbf16> -> vector<16xf32>
          %unpack3A_409 = tpu.unpack_subelements %mul3A_407, 1 {pack_format = #tpu.pack_format<interleaved>} : vector<32xbf16> -> vector<16xf32>
          %get3A_410 = arith.index_cast %add3A_359 : i32 to index
          %get3A_411 = arith.constant 48 : index
          %get3A_412 = tpu.vector_load %arg15[%get3A_410, %get3A_411] {strides = array<i32>} : memref<80x64xi32, #tpu.memory_space<vmem>>, vector<16xi32>,
          %bitcast3A_413 = vector.bitcast %get3A_412 : vector<16xi32> to vector<32xbf16>
          %get3A_414 = arith.index_cast %squeeze3A_361 : i32 to index
          %get3A_415 = arith.constant 48 : index
          %get3A_416 = tpu.vector_load %arg12[%get3A_414, %get3A_415] {strides = array<i32>} : memref<500x64xi32, #tpu.memory_space<vmem>>, vector<16xi32>,
          %bitcast3A_417 = vector.bitcast %get3A_416 : vector<16xi32> to vector<32xbf16>
          %get3A_418 = arith.index_cast %add3A_359 : i32 to index
          %get3A_419 = arith.constant 48 : index
          %get3A_420 = tpu.vector_load %arg16[%get3A_418, %get3A_419] {strides = array<i32>} : memref<80x64xi32, #tpu.memory_space<vmem>>, vector<16xi32>,
          %bitcast3A_421 = vector.bitcast %get3A_420 : vector<16xi32> to vector<32xbf16>
          %mul3A_422 = arith.mulf %bitcast3A_413, %bitcast3A_417 : vector<32xbf16>
          %mul3A_423 = arith.mulf %mul3A_422, %bitcast3A_421 : vector<32xbf16>
          %unpack3A_424 = tpu.unpack_subelements %mul3A_423, 0 {pack_format = #tpu.pack_format<interleaved>} : vector<32xbf16> -> vector<16xf32>
          %unpack3A_425 = tpu.unpack_subelements %mul3A_423, 1 {pack_format = #tpu.pack_format<interleaved>} : vector<32xbf16> -> vector<16xf32>
          %add3A_426 = arith.addf %unpack3A_376, %unpack3A_377 : vector<16xf32>
          %add3A_427 = arith.addf %unpack3A_392, %unpack3A_393 : vector<16xf32>
          %add3A_428 = arith.addf %unpack3A_408, %unpack3A_409 : vector<16xf32>
          %add3A_429 = arith.addf %unpack3A_424, %unpack3A_425 : vector<16xf32>
          %add3A_430 = arith.addf %add3A_426, %add3A_427 : vector<16xf32>
          %add3A_431 = arith.addf %add3A_428, %add3A_429 : vector<16xf32>
          %add3A_432 = arith.addf %add3A_430, %add3A_431 : vector<16xf32>
          %reduce_sum3A_433 = arith.constant true
          %reduce_sum3A_434 = vector.broadcast %reduce_sum3A_433 : i1 to vector<16xi1>
          %reduce_sum3A_435 = tpu.scan <sum>, %add3A_432 masked %reduce_sum3A_434 : vector<16xf32>, vector<16xi1> -> vector<16xf32>
          %reduce_sum3A_436 = vector.extract %reduce_sum3A_435[15] : f32 from vector<16xf32>
          %eq3A_437 = vector.broadcast %add3A_358 : i32 to vector<16xi32>
          %eq3A_438 = arith.cmpi eq, %iota3A, %eq3A_437 : vector<16xi32>
          %broadcast_in_dim3A_439 = vector.broadcast %reduce_sum3A_436 : f32 to vector<16xf32>
          %select_n3A_440 = arith.select %eq3A_438, %broadcast_in_dim3A_439, %select_n3A_354 : vector<16xi1>, vector<16xf32>
          %mul3A_441 = arith.constant 4 : i32
          %mul3A_442 = arith.muli %scan3A_179, %mul3A_441 : i32
          %add3A_443 = arith.constant 3 : i32
          %add3A_444 = arith.addi %mul3A_442, %add3A_443 : i32
          %add3A_445 = arith.addi %mul3A_167, %add3A_444 : i32
          %slice3A_446 = vector.extract_strided_slice %unpack3A_188 {offsets = [1], sizes = [1], strides = [1]} : vector<16xi32> to vector<1xi32>
          %squeeze3A_447 = vector.extract %slice3A_446[0] : i32 from vector<1xi32>
          %get3A_448 = arith.index_cast %add3A_445 : i32 to index
          %get3A_449 = arith.constant 0 : index
          %get3A_450 = tpu.vector_load %arg15[%get3A_448, %get3A_449] {strides = array<i32>} : memref<80x64xi32, #tpu.memory_space<vmem>>, vector<16xi32>,
          %bitcast3A_451 = vector.bitcast %get3A_450 : vector<16xi32> to vector<32xbf16>
          %get3A_452 = arith.index_cast %squeeze3A_447 : i32 to index
          %get3A_453 = arith.constant 0 : index
          %get3A_454 = tpu.vector_load %arg12[%get3A_452, %get3A_453] {strides = array<i32>} : memref<500x64xi32, #tpu.memory_space<vmem>>, vector<16xi32>,
          %bitcast3A_455 = vector.bitcast %get3A_454 : vector<16xi32> to vector<32xbf16>
          %get3A_456 = arith.index_cast %add3A_445 : i32 to index
          %get3A_457 = arith.constant 0 : index
          %get3A_458 = tpu.vector_load %arg16[%get3A_456, %get3A_457] {strides = array<i32>} : memref<80x64xi32, #tpu.memory_space<vmem>>, vector<16xi32>,
          %bitcast3A_459 = vector.bitcast %get3A_458 : vector<16xi32> to vector<32xbf16>
          %mul3A_460 = arith.mulf %bitcast3A_451, %bitcast3A_455 : vector<32xbf16>
          %mul3A_461 = arith.mulf %mul3A_460, %bitcast3A_459 : vector<32xbf16>
          %unpack3A_462 = tpu.unpack_subelements %mul3A_461, 0 {pack_format = #tpu.pack_format<interleaved>} : vector<32xbf16> -> vector<16xf32>
          %unpack3A_463 = tpu.unpack_subelements %mul3A_461, 1 {pack_format = #tpu.pack_format<interleaved>} : vector<32xbf16> -> vector<16xf32>
          %get3A_464 = arith.index_cast %add3A_445 : i32 to index
          %get3A_465 = arith.constant 16 : index
          %get3A_466 = tpu.vector_load %arg15[%get3A_464, %get3A_465] {strides = array<i32>} : memref<80x64xi32, #tpu.memory_space<vmem>>, vector<16xi32>,
          %bitcast3A_467 = vector.bitcast %get3A_466 : vector<16xi32> to vector<32xbf16>
          %get3A_468 = arith.index_cast %squeeze3A_447 : i32 to index
          %get3A_469 = arith.constant 16 : index
          %get3A_470 = tpu.vector_load %arg12[%get3A_468, %get3A_469] {strides = array<i32>} : memref<500x64xi32, #tpu.memory_space<vmem>>, vector<16xi32>,
          %bitcast3A_471 = vector.bitcast %get3A_470 : vector<16xi32> to vector<32xbf16>
          %get3A_472 = arith.index_cast %add3A_445 : i32 to index
          %get3A_473 = arith.constant 16 : index
          %get3A_474 = tpu.vector_load %arg16[%get3A_472, %get3A_473] {strides = array<i32>} : memref<80x64xi32, #tpu.memory_space<vmem>>, vector<16xi32>,
          %bitcast3A_475 = vector.bitcast %get3A_474 : vector<16xi32> to vector<32xbf16>
          %mul3A_476 = arith.mulf %bitcast3A_467, %bitcast3A_471 : vector<32xbf16>
          %mul3A_477 = arith.mulf %mul3A_476, %bitcast3A_475 : vector<32xbf16>
          %unpack3A_478 = tpu.unpack_subelements %mul3A_477, 0 {pack_format = #tpu.pack_format<interleaved>} : vector<32xbf16> -> vector<16xf32>
          %unpack3A_479 = tpu.unpack_subelements %mul3A_477, 1 {pack_format = #tpu.pack_format<interleaved>} : vector<32xbf16> -> vector<16xf32>
          %get3A_480 = arith.index_cast %add3A_445 : i32 to index
          %get3A_481 = arith.constant 32 : index
          %get3A_482 = tpu.vector_load %arg15[%get3A_480, %get3A_481] {strides = array<i32>} : memref<80x64xi32, #tpu.memory_space<vmem>>, vector<16xi32>,
          %bitcast3A_483 = vector.bitcast %get3A_482 : vector<16xi32> to vector<32xbf16>
          %get3A_484 = arith.index_cast %squeeze3A_447 : i32 to index
          %get3A_485 = arith.constant 32 : index
          %get3A_486 = tpu.vector_load %arg12[%get3A_484, %get3A_485] {strides = array<i32>} : memref<500x64xi32, #tpu.memory_space<vmem>>, vector<16xi32>,
          %bitcast3A_487 = vector.bitcast %get3A_486 : vector<16xi32> to vector<32xbf16>
          %get3A_488 = arith.index_cast %add3A_445 : i32 to index
          %get3A_489 = arith.constant 32 : index
          %get3A_490 = tpu.vector_load %arg16[%get3A_488, %get3A_489] {strides = array<i32>} : memref<80x64xi32, #tpu.memory_space<vmem>>, vector<16xi32>,
          %bitcast3A_491 = vector.bitcast %get3A_490 : vector<16xi32> to vector<32xbf16>
          %mul3A_492 = arith.mulf %bitcast3A_483, %bitcast3A_487 : vector<32xbf16>
          %mul3A_493 = arith.mulf %mul3A_492, %bitcast3A_491 : vector<32xbf16>
          %unpack3A_494 = tpu.unpack_subelements %mul3A_493, 0 {pack_format = #tpu.pack_format<interleaved>} : vector<32xbf16> -> vector<16xf32>
          %unpack3A_495 = tpu.unpack_subelements %mul3A_493, 1 {pack_format = #tpu.pack_format<interleaved>} : vector<32xbf16> -> vector<16xf32>
          %get3A_496 = arith.index_cast %add3A_445 : i32 to index
          %get3A_497 = arith.constant 48 : index
          %get3A_498 = tpu.vector_load %arg15[%get3A_496, %get3A_497] {strides = array<i32>} : memref<80x64xi32, #tpu.memory_space<vmem>>, vector<16xi32>,
          %bitcast3A_499 = vector.bitcast %get3A_498 : vector<16xi32> to vector<32xbf16>
          %get3A_500 = arith.index_cast %squeeze3A_447 : i32 to index
          %get3A_501 = arith.constant 48 : index
          %get3A_502 = tpu.vector_load %arg12[%get3A_500, %get3A_501] {strides = array<i32>} : memref<500x64xi32, #tpu.memory_space<vmem>>, vector<16xi32>,
          %bitcast3A_503 = vector.bitcast %get3A_502 : vector<16xi32> to vector<32xbf16>
          %get3A_504 = arith.index_cast %add3A_445 : i32 to index
          %get3A_505 = arith.constant 48 : index
          %get3A_506 = tpu.vector_load %arg16[%get3A_504, %get3A_505] {strides = array<i32>} : memref<80x64xi32, #tpu.memory_space<vmem>>, vector<16xi32>,
          %bitcast3A_507 = vector.bitcast %get3A_506 : vector<16xi32> to vector<32xbf16>
          %mul3A_508 = arith.mulf %bitcast3A_499, %bitcast3A_503 : vector<32xbf16>
          %mul3A_509 = arith.mulf %mul3A_508, %bitcast3A_507 : vector<32xbf16>
          %unpack3A_510 = tpu.unpack_subelements %mul3A_509, 0 {pack_format = #tpu.pack_format<interleaved>} : vector<32xbf16> -> vector<16xf32>
          %unpack3A_511 = tpu.unpack_subelements %mul3A_509, 1 {pack_format = #tpu.pack_format<interleaved>} : vector<32xbf16> -> vector<16xf32>
          %add3A_512 = arith.addf %unpack3A_462, %unpack3A_463 : vector<16xf32>
          %add3A_513 = arith.addf %unpack3A_478, %unpack3A_479 : vector<16xf32>
          %add3A_514 = arith.addf %unpack3A_494, %unpack3A_495 : vector<16xf32>
          %add3A_515 = arith.addf %unpack3A_510, %unpack3A_511 : vector<16xf32>
          %add3A_516 = arith.addf %add3A_512, %add3A_513 : vector<16xf32>
          %add3A_517 = arith.addf %add3A_514, %add3A_515 : vector<16xf32>
          %add3A_518 = arith.addf %add3A_516, %add3A_517 : vector<16xf32>
          %reduce_sum3A_519 = arith.constant true
          %reduce_sum3A_520 = vector.broadcast %reduce_sum3A_519 : i1 to vector<16xi1>
          %reduce_sum3A_521 = tpu.scan <sum>, %add3A_518 masked %reduce_sum3A_520 : vector<16xf32>, vector<16xi1> -> vector<16xf32>
          %reduce_sum3A_522 = vector.extract %reduce_sum3A_521[15] : f32 from vector<16xf32>
          %eq3A_523 = vector.broadcast %add3A_444 : i32 to vector<16xi32>
          %eq3A_524 = arith.cmpi eq, %iota3A, %eq3A_523 : vector<16xi32>
          %broadcast_in_dim3A_525 = vector.broadcast %reduce_sum3A_522 : f32 to vector<16xf32>
          %select_n3A_526 = arith.select %eq3A_524, %broadcast_in_dim3A_525, %select_n3A_440 : vector<16xi1>, vector<16xf32>
          scf.yield %select_n3A_526 : vector<16xf32>
        }
        %scan3A_174 = arith.constant 4 : i32
        %mul3A_175 = arith.constant 80 : i32
        %mul3A_176 = arith.muli %add3A_100, %mul3A_175 : i32
        %add3A_177 = arith.addi %mul3A_176, %mul3A_167 : i32
        %swap3A = arith.index_cast %add3A_177 : i32 to index
        %swap3A_178 = tpu.vector_load %arg11[%swap3A] {strides = array<i32>} : memref<10000xf32, #tpu.memory_space<vmem>>, vector<16xf32>,
        tpu.vector_store %arg11[%swap3A], %scan3A_173 {strides = array<i32>} : memref<10000xf32, #tpu.memory_space<vmem>>, vector<16xf32>,
      }
      %scan3A_130 = arith.constant 5 : i32
      %mul3A_131 = arith.constant 3 : i32
      %mul3A_132 = arith.muli %mul3A_131, %scan3A_62 : i32
      %add3A_133 = arith.constant 2 : i32
      %add3A_134 = arith.addi %mul3A_132, %add3A_133 : i32
      %add3A_135 = arith.constant 2 : i32
      %add3A_136 = arith.addi %add3A_134, %add3A_135 : i32
      %mul3A_137 = arith.constant 80 : i32
      %mul3A_138 = arith.muli %add3A_136, %mul3A_137 : i32
      %dma_start3A_139 = tpu.memref_slice %arg8[%mul3A_138] : memref<10000xi32, #tpu.memory_space<vmem>> -> memref<80xi32, #tpu.memory_space<vmem>>
      %dma_start3A_140 = arith.constant 0 : i32
      %dma_start3A_141 = arith.constant 0 : i32
      %dma_start3A_142 = tpu.memref_slice %arg5[%dma_start3A_140, %dma_start3A_141] : memref<10000x64xi32, #tpu.memory_space<hbm>> -> memref<10000x64xi32, #tpu.memory_space<hbm>>
      tpu.enqueue_indirect_dma source(%dma_start3A_142 : memref<10000x64xi32, #tpu.memory_space<hbm>>) target(%arg15 : memref<80x64xi32, #tpu.memory_space<vmem>>) offsets(%dma_start3A_139 : memref<80xi32, #tpu.memory_space<vmem>>) semaphore(%arg21 : memref<!tpu.dma_semaphore, #tpu.memory_space<semaphore_mem>>)
      %dma_start3A_143 = tpu.memref_slice %arg9[%mul3A_138] : memref<10000xi32, #tpu.memory_space<vmem>> -> memref<80xi32, #tpu.memory_space<vmem>>
      %dma_start3A_144 = arith.constant 0 : i32
      %dma_start3A_145 = arith.constant 0 : i32
      %dma_start3A_146 = tpu.memref_slice %arg5[%dma_start3A_144, %dma_start3A_145] : memref<10000x64xi32, #tpu.memory_space<hbm>> -> memref<10000x64xi32, #tpu.memory_space<hbm>>
      tpu.enqueue_indirect_dma source(%dma_start3A_146 : memref<10000x64xi32, #tpu.memory_space<hbm>>) target(%arg16 : memref<80x64xi32, #tpu.memory_space<vmem>>) offsets(%dma_start3A_143 : memref<80xi32, #tpu.memory_space<vmem>>) semaphore(%arg22 : memref<!tpu.dma_semaphore, #tpu.memory_space<semaphore_mem>>)
      %dma_wait3A_147 = arith.constant 0 : i32
      %dma_wait3A_148 = arith.constant 0 : i32
      %dma_wait3A_149 = tpu.memref_slice %arg5[%dma_wait3A_147, %dma_wait3A_148] : memref<10000x64xi32, #tpu.memory_space<hbm>> -> memref<80x64xi32, #tpu.memory_space<hbm>>
      %dma_wait3A_150 = arith.constant 0 : i32
      %dma_wait3A_151 = arith.constant 0 : i32
      %dma_wait3A_152 = tpu.memref_slice %arg5[%dma_wait3A_150, %dma_wait3A_151] : memref<10000x64xi32, #tpu.memory_space<hbm>> -> memref<80x64xi32, #tpu.memory_space<hbm>>
      tpu.wait_dma2 semaphore(%arg23 : memref<!tpu.dma_semaphore, #tpu.memory_space<semaphore_mem>>) src(%dma_wait3A_152 : memref<80x64xi32, #tpu.memory_space<hbm>>) dst(%arg17 : memref<80x64xi32, #tpu.memory_space<vmem>>)
      %dma_wait3A_153 = arith.constant 0 : i32
      %dma_wait3A_154 = arith.constant 0 : i32
      %dma_wait3A_155 = tpu.memref_slice %arg5[%dma_wait3A_153, %dma_wait3A_154] : memref<10000x64xi32, #tpu.memory_space<hbm>> -> memref<80x64xi32, #tpu.memory_space<hbm>>
      %dma_wait3A_156 = arith.constant 0 : i32
      %dma_wait3A_157 = arith.constant 0 : i32
      %dma_wait3A_158 = tpu.memref_slice %arg5[%dma_wait3A_156, %dma_wait3A_157] : memref<10000x64xi32, #tpu.memory_space<hbm>> -> memref<80x64xi32, #tpu.memory_space<hbm>>
      tpu.wait_dma2 semaphore(%arg24 : memref<!tpu.dma_semaphore, #tpu.memory_space<semaphore_mem>>) src(%dma_wait3A_158 : memref<80x64xi32, #tpu.memory_space<hbm>>) dst(%arg18 : memref<80x64xi32, #tpu.memory_space<vmem>>)
      %scan3A_159 = arith.constant 0 : i32
      %scan3A_160 = arith.constant 0 : i32
      %scan3A_161 = arith.constant 5 : i32
      %scan3A_162 = arith.addi %scan3A_160, %scan3A_161 : i32
      %scan3A_163 = arith.constant 1 : i32
      scf.for %scan3A_165 = %scan3A_160 to %scan3A_162 step %scan3A_163  : i32 {
        %mul3A_166 = arith.constant 16 : i32
        %mul3A_167 = arith.muli %scan3A_165, %mul3A_166 : i32
        %broadcast_in_dim3A = arith.constant 0.000000e+00 : f32
        %broadcast_in_dim3A_168 = vector.broadcast %broadcast_in_dim3A : f32 to vector<16xf32>
        %scan3A_169 = arith.constant 0 : i32
        %scan3A_170 = arith.constant 4 : i32
        %scan3A_171 = arith.addi %scan3A_169, %scan3A_170 : i32
        %scan3A_172 = arith.constant 1 : i32
        %scan3A_173 = scf.for %scan3A_179 = %scan3A_169 to %scan3A_171 step %scan3A_172 iter_args(%scan3A_180 = %broadcast_in_dim3A_168) -> (vector<16xf32>)  : i32 {
          %mul3A_181 = arith.constant 80 : i32
          %mul3A_182 = arith.muli %add3A_134, %mul3A_181 : i32
          %add3A_183 = arith.addi %mul3A_182, %mul3A_167 : i32
          %mul3A_184 = arith.constant 4 : i32
          %mul3A_185 = arith.muli %scan3A_179, %mul3A_184 : i32
          %add3A_186 = arith.addi %add3A_183, %mul3A_185 : i32
          %get3A = arith.index_cast %add3A_186 : i32 to index
          %get3A_187 = tpu.vector_load %arg10[%get3A] {strides = array<i32>} : memref<10032xi16, #tpu.memory_space<vmem>>, vector<32xi16>,
          %unpack3A = tpu.unpack_subelements %get3A_187, 0 {pack_format = #tpu.pack_format<interleaved>} : vector<32xi16> -> vector<16xi32>
          %unpack3A_188 = tpu.unpack_subelements %get3A_187, 1 {pack_format = #tpu.pack_format<interleaved>} : vector<32xi16> -> vector<16xi32>
          %mul3A_189 = arith.constant 4 : i32
          %mul3A_190 = arith.muli %scan3A_179, %mul3A_189 : i32
          %add3A_191 = arith.constant 0 : i32
          %add3A_192 = arith.addi %mul3A_190, %add3A_191 : i32
          %add3A_193 = arith.addi %mul3A_167, %add3A_192 : i32
          %slice3A = vector.extract_strided_slice %unpack3A {offsets = [0], sizes = [1], strides = [1]} : vector<16xi32> to vector<1xi32>
          %squeeze3A = vector.extract %slice3A[0] : i32 from vector<1xi32>
          %get3A_194 = arith.index_cast %add3A_193 : i32 to index
          %get3A_195 = arith.constant 0 : index
          %get3A_196 = tpu.vector_load %arg17[%get3A_194, %get3A_195] {strides = array<i32>} : memref<80x64xi32, #tpu.memory_space<vmem>>, vector<16xi32>,
          %bitcast3A = vector.bitcast %get3A_196 : vector<16xi32> to vector<32xbf16>
          %get3A_197 = arith.index_cast %squeeze3A : i32 to index
          %get3A_198 = arith.constant 0 : index
          %get3A_199 = tpu.vector_load %arg12[%get3A_197, %get3A_198] {strides = array<i32>} : memref<500x64xi32, #tpu.memory_space<vmem>>, vector<16xi32>,
          %bitcast3A_200 = vector.bitcast %get3A_199 : vector<16xi32> to vector<32xbf16>
          %get3A_201 = arith.index_cast %add3A_193 : i32 to index
          %get3A_202 = arith.constant 0 : index
          %get3A_203 = tpu.vector_load %arg18[%get3A_201, %get3A_202] {strides = array<i32>} : memref<80x64xi32, #tpu.memory_space<vmem>>, vector<16xi32>,
          %bitcast3A_204 = vector.bitcast %get3A_203 : vector<16xi32> to vector<32xbf16>
          %mul3A_205 = arith.mulf %bitcast3A, %bitcast3A_200 : vector<32xbf16>
          %mul3A_206 = arith.mulf %mul3A_205, %bitcast3A_204 : vector<32xbf16>
          %unpack3A_207 = tpu.unpack_subelements %mul3A_206, 0 {pack_format = #tpu.pack_format<interleaved>} : vector<32xbf16> -> vector<16xf32>
          %unpack3A_208 = tpu.unpack_subelements %mul3A_206, 1 {pack_format = #tpu.pack_format<interleaved>} : vector<32xbf16> -> vector<16xf32>
          %get3A_209 = arith.index_cast %add3A_193 : i32 to index
          %get3A_210 = arith.constant 16 : index
          %get3A_211 = tpu.vector_load %arg17[%get3A_209, %get3A_210] {strides = array<i32>} : memref<80x64xi32, #tpu.memory_space<vmem>>, vector<16xi32>,
          %bitcast3A_212 = vector.bitcast %get3A_211 : vector<16xi32> to vector<32xbf16>
          %get3A_213 = arith.index_cast %squeeze3A : i32 to index
          %get3A_214 = arith.constant 16 : index
          %get3A_215 = tpu.vector_load %arg12[%get3A_213, %get3A_214] {strides = array<i32>} : memref<500x64xi32, #tpu.memory_space<vmem>>, vector<16xi32>,
          %bitcast3A_216 = vector.bitcast %get3A_215 : vector<16xi32> to vector<32xbf16>
          %get3A_217 = arith.index_cast %add3A_193 : i32 to index
          %get3A_218 = arith.constant 16 : index
          %get3A_219 = tpu.vector_load %arg18[%get3A_217, %get3A_218] {strides = array<i32>} : memref<80x64xi32, #tpu.memory_space<vmem>>, vector<16xi32>,
          %bitcast3A_220 = vector.bitcast %get3A_219 : vector<16xi32> to vector<32xbf16>
          %mul3A_221 = arith.mulf %bitcast3A_212, %bitcast3A_216 : vector<32xbf16>
          %mul3A_222 = arith.mulf %mul3A_221, %bitcast3A_220 : vector<32xbf16>
          %unpack3A_223 = tpu.unpack_subelements %mul3A_222, 0 {pack_format = #tpu.pack_format<interleaved>} : vector<32xbf16> -> vector<16xf32>
          %unpack3A_224 = tpu.unpack_subelements %mul3A_222, 1 {pack_format = #tpu.pack_format<interleaved>} : vector<32xbf16> -> vector<16xf32>
          %get3A_225 = arith.index_cast %add3A_193 : i32 to index
          %get3A_226 = arith.constant 32 : index
          %get3A_227 = tpu.vector_load %arg17[%get3A_225, %get3A_226] {strides = array<i32>} : memref<80x64xi32, #tpu.memory_space<vmem>>, vector<16xi32>,
          %bitcast3A_228 = vector.bitcast %get3A_227 : vector<16xi32> to vector<32xbf16>
          %get3A_229 = arith.index_cast %squeeze3A : i32 to index
          %get3A_230 = arith.constant 32 : index
          %get3A_231 = tpu.vector_load %arg12[%get3A_229, %get3A_230] {strides = array<i32>} : memref<500x64xi32, #tpu.memory_space<vmem>>, vector<16xi32>,
          %bitcast3A_232 = vector.bitcast %get3A_231 : vector<16xi32> to vector<32xbf16>
          %get3A_233 = arith.index_cast %add3A_193 : i32 to index
          %get3A_234 = arith.constant 32 : index
          %get3A_235 = tpu.vector_load %arg18[%get3A_233, %get3A_234] {strides = array<i32>} : memref<80x64xi32, #tpu.memory_space<vmem>>, vector<16xi32>,
          %bitcast3A_236 = vector.bitcast %get3A_235 : vector<16xi32> to vector<32xbf16>
          %mul3A_237 = arith.mulf %bitcast3A_228, %bitcast3A_232 : vector<32xbf16>
          %mul3A_238 = arith.mulf %mul3A_237, %bitcast3A_236 : vector<32xbf16>
          %unpack3A_239 = tpu.unpack_subelements %mul3A_238, 0 {pack_format = #tpu.pack_format<interleaved>} : vector<32xbf16> -> vector<16xf32>
          %unpack3A_240 = tpu.unpack_subelements %mul3A_238, 1 {pack_format = #tpu.pack_format<interleaved>} : vector<32xbf16> -> vector<16xf32>
          %get3A_241 = arith.index_cast %add3A_193 : i32 to index
          %get3A_242 = arith.constant 48 : index
          %get3A_243 = tpu.vector_load %arg17[%get3A_241, %get3A_242] {strides = array<i32>} : memref<80x64xi32, #tpu.memory_space<vmem>>, vector<16xi32>,
          %bitcast3A_244 = vector.bitcast %get3A_243 : vector<16xi32> to vector<32xbf16>
          %get3A_245 = arith.index_cast %squeeze3A : i32 to index
          %get3A_246 = arith.constant 48 : index
          %get3A_247 = tpu.vector_load %arg12[%get3A_245, %get3A_246] {strides = array<i32>} : memref<500x64xi32, #tpu.memory_space<vmem>>, vector<16xi32>,
          %bitcast3A_248 = vector.bitcast %get3A_247 : vector<16xi32> to vector<32xbf16>
          %get3A_249 = arith.index_cast %add3A_193 : i32 to index
          %get3A_250 = arith.constant 48 : index
          %get3A_251 = tpu.vector_load %arg18[%get3A_249, %get3A_250] {strides = array<i32>} : memref<80x64xi32, #tpu.memory_space<vmem>>, vector<16xi32>,
          %bitcast3A_252 = vector.bitcast %get3A_251 : vector<16xi32> to vector<32xbf16>
          %mul3A_253 = arith.mulf %bitcast3A_244, %bitcast3A_248 : vector<32xbf16>
          %mul3A_254 = arith.mulf %mul3A_253, %bitcast3A_252 : vector<32xbf16>
          %unpack3A_255 = tpu.unpack_subelements %mul3A_254, 0 {pack_format = #tpu.pack_format<interleaved>} : vector<32xbf16> -> vector<16xf32>
          %unpack3A_256 = tpu.unpack_subelements %mul3A_254, 1 {pack_format = #tpu.pack_format<interleaved>} : vector<32xbf16> -> vector<16xf32>
          %add3A_257 = arith.addf %unpack3A_207, %unpack3A_208 : vector<16xf32>
          %add3A_258 = arith.addf %unpack3A_223, %unpack3A_224 : vector<16xf32>
          %add3A_259 = arith.addf %unpack3A_239, %unpack3A_240 : vector<16xf32>
          %add3A_260 = arith.addf %unpack3A_255, %unpack3A_256 : vector<16xf32>
          %add3A_261 = arith.addf %add3A_257, %add3A_258 : vector<16xf32>
          %add3A_262 = arith.addf %add3A_259, %add3A_260 : vector<16xf32>
          %add3A_263 = arith.addf %add3A_261, %add3A_262 : vector<16xf32>
          %reduce_sum3A = arith.constant true
          %reduce_sum3A_264 = vector.broadcast %reduce_sum3A : i1 to vector<16xi1>
          %reduce_sum3A_265 = tpu.scan <sum>, %add3A_263 masked %reduce_sum3A_264 : vector<16xf32>, vector<16xi1> -> vector<16xf32>
          %reduce_sum3A_266 = vector.extract %reduce_sum3A_265[15] : f32 from vector<16xf32>
          %eq3A = vector.broadcast %add3A_192 : i32 to vector<16xi32>
          %eq3A_267 = arith.cmpi eq, %iota3A, %eq3A : vector<16xi32>
          %broadcast_in_dim3A_268 = vector.broadcast %reduce_sum3A_266 : f32 to vector<16xf32>
          %select_n3A = arith.select %eq3A_267, %broadcast_in_dim3A_268, %scan3A_180 : vector<16xi1>, vector<16xf32>
          %mul3A_269 = arith.constant 4 : i32
          %mul3A_270 = arith.muli %scan3A_179, %mul3A_269 : i32
          %add3A_271 = arith.constant 1 : i32
          %add3A_272 = arith.addi %mul3A_270, %add3A_271 : i32
          %add3A_273 = arith.addi %mul3A_167, %add3A_272 : i32
          %slice3A_274 = vector.extract_strided_slice %unpack3A_188 {offsets = [0], sizes = [1], strides = [1]} : vector<16xi32> to vector<1xi32>
          %squeeze3A_275 = vector.extract %slice3A_274[0] : i32 from vector<1xi32>
          %get3A_276 = arith.index_cast %add3A_273 : i32 to index
          %get3A_277 = arith.constant 0 : index
          %get3A_278 = tpu.vector_load %arg17[%get3A_276, %get3A_277] {strides = array<i32>} : memref<80x64xi32, #tpu.memory_space<vmem>>, vector<16xi32>,
          %bitcast3A_279 = vector.bitcast %get3A_278 : vector<16xi32> to vector<32xbf16>
          %get3A_280 = arith.index_cast %squeeze3A_275 : i32 to index
          %get3A_281 = arith.constant 0 : index
          %get3A_282 = tpu.vector_load %arg12[%get3A_280, %get3A_281] {strides = array<i32>} : memref<500x64xi32, #tpu.memory_space<vmem>>, vector<16xi32>,
          %bitcast3A_283 = vector.bitcast %get3A_282 : vector<16xi32> to vector<32xbf16>
          %get3A_284 = arith.index_cast %add3A_273 : i32 to index
          %get3A_285 = arith.constant 0 : index
          %get3A_286 = tpu.vector_load %arg18[%get3A_284, %get3A_285] {strides = array<i32>} : memref<80x64xi32, #tpu.memory_space<vmem>>, vector<16xi32>,
          %bitcast3A_287 = vector.bitcast %get3A_286 : vector<16xi32> to vector<32xbf16>
          %mul3A_288 = arith.mulf %bitcast3A_279, %bitcast3A_283 : vector<32xbf16>
          %mul3A_289 = arith.mulf %mul3A_288, %bitcast3A_287 : vector<32xbf16>
          %unpack3A_290 = tpu.unpack_subelements %mul3A_289, 0 {pack_format = #tpu.pack_format<interleaved>} : vector<32xbf16> -> vector<16xf32>
          %unpack3A_291 = tpu.unpack_subelements %mul3A_289, 1 {pack_format = #tpu.pack_format<interleaved>} : vector<32xbf16> -> vector<16xf32>
          %get3A_292 = arith.index_cast %add3A_273 : i32 to index
          %get3A_293 = arith.constant 16 : index
          %get3A_294 = tpu.vector_load %arg17[%get3A_292, %get3A_293] {strides = array<i32>} : memref<80x64xi32, #tpu.memory_space<vmem>>, vector<16xi32>,
          %bitcast3A_295 = vector.bitcast %get3A_294 : vector<16xi32> to vector<32xbf16>
          %get3A_296 = arith.index_cast %squeeze3A_275 : i32 to index
          %get3A_297 = arith.constant 16 : index
          %get3A_298 = tpu.vector_load %arg12[%get3A_296, %get3A_297] {strides = array<i32>} : memref<500x64xi32, #tpu.memory_space<vmem>>, vector<16xi32>,
          %bitcast3A_299 = vector.bitcast %get3A_298 : vector<16xi32> to vector<32xbf16>
          %get3A_300 = arith.index_cast %add3A_273 : i32 to index
          %get3A_301 = arith.constant 16 : index
          %get3A_302 = tpu.vector_load %arg18[%get3A_300, %get3A_301] {strides = array<i32>} : memref<80x64xi32, #tpu.memory_space<vmem>>, vector<16xi32>,
          %bitcast3A_303 = vector.bitcast %get3A_302 : vector<16xi32> to vector<32xbf16>
          %mul3A_304 = arith.mulf %bitcast3A_295, %bitcast3A_299 : vector<32xbf16>
          %mul3A_305 = arith.mulf %mul3A_304, %bitcast3A_303 : vector<32xbf16>
          %unpack3A_306 = tpu.unpack_subelements %mul3A_305, 0 {pack_format = #tpu.pack_format<interleaved>} : vector<32xbf16> -> vector<16xf32>
          %unpack3A_307 = tpu.unpack_subelements %mul3A_305, 1 {pack_format = #tpu.pack_format<interleaved>} : vector<32xbf16> -> vector<16xf32>
          %get3A_308 = arith.index_cast %add3A_273 : i32 to index
          %get3A_309 = arith.constant 32 : index
          %get3A_310 = tpu.vector_load %arg17[%get3A_308, %get3A_309] {strides = array<i32>} : memref<80x64xi32, #tpu.memory_space<vmem>>, vector<16xi32>,
          %bitcast3A_311 = vector.bitcast %get3A_310 : vector<16xi32> to vector<32xbf16>
          %get3A_312 = arith.index_cast %squeeze3A_275 : i32 to index
          %get3A_313 = arith.constant 32 : index
          %get3A_314 = tpu.vector_load %arg12[%get3A_312, %get3A_313] {strides = array<i32>} : memref<500x64xi32, #tpu.memory_space<vmem>>, vector<16xi32>,
          %bitcast3A_315 = vector.bitcast %get3A_314 : vector<16xi32> to vector<32xbf16>
          %get3A_316 = arith.index_cast %add3A_273 : i32 to index
          %get3A_317 = arith.constant 32 : index
          %get3A_318 = tpu.vector_load %arg18[%get3A_316, %get3A_317] {strides = array<i32>} : memref<80x64xi32, #tpu.memory_space<vmem>>, vector<16xi32>,
          %bitcast3A_319 = vector.bitcast %get3A_318 : vector<16xi32> to vector<32xbf16>
          %mul3A_320 = arith.mulf %bitcast3A_311, %bitcast3A_315 : vector<32xbf16>
          %mul3A_321 = arith.mulf %mul3A_320, %bitcast3A_319 : vector<32xbf16>
          %unpack3A_322 = tpu.unpack_subelements %mul3A_321, 0 {pack_format = #tpu.pack_format<interleaved>} : vector<32xbf16> -> vector<16xf32>
          %unpack3A_323 = tpu.unpack_subelements %mul3A_321, 1 {pack_format = #tpu.pack_format<interleaved>} : vector<32xbf16> -> vector<16xf32>
          %get3A_324 = arith.index_cast %add3A_273 : i32 to index
          %get3A_325 = arith.constant 48 : index
          %get3A_326 = tpu.vector_load %arg17[%get3A_324, %get3A_325] {strides = array<i32>} : memref<80x64xi32, #tpu.memory_space<vmem>>, vector<16xi32>,
          %bitcast3A_327 = vector.bitcast %get3A_326 : vector<16xi32> to vector<32xbf16>
          %get3A_328 = arith.index_cast %squeeze3A_275 : i32 to index
          %get3A_329 = arith.constant 48 : index
          %get3A_330 = tpu.vector_load %arg12[%get3A_328, %get3A_329] {strides = array<i32>} : memref<500x64xi32, #tpu.memory_space<vmem>>, vector<16xi32>,
          %bitcast3A_331 = vector.bitcast %get3A_330 : vector<16xi32> to vector<32xbf16>
          %get3A_332 = arith.index_cast %add3A_273 : i32 to index
          %get3A_333 = arith.constant 48 : index
          %get3A_334 = tpu.vector_load %arg18[%get3A_332, %get3A_333] {strides = array<i32>} : memref<80x64xi32, #tpu.memory_space<vmem>>, vector<16xi32>,
          %bitcast3A_335 = vector.bitcast %get3A_334 : vector<16xi32> to vector<32xbf16>
          %mul3A_336 = arith.mulf %bitcast3A_327, %bitcast3A_331 : vector<32xbf16>
          %mul3A_337 = arith.mulf %mul3A_336, %bitcast3A_335 : vector<32xbf16>
          %unpack3A_338 = tpu.unpack_subelements %mul3A_337, 0 {pack_format = #tpu.pack_format<interleaved>} : vector<32xbf16> -> vector<16xf32>
          %unpack3A_339 = tpu.unpack_subelements %mul3A_337, 1 {pack_format = #tpu.pack_format<interleaved>} : vector<32xbf16> -> vector<16xf32>
          %add3A_340 = arith.addf %unpack3A_290, %unpack3A_291 : vector<16xf32>
          %add3A_341 = arith.addf %unpack3A_306, %unpack3A_307 : vector<16xf32>
          %add3A_342 = arith.addf %unpack3A_322, %unpack3A_323 : vector<16xf32>
          %add3A_343 = arith.addf %unpack3A_338, %unpack3A_339 : vector<16xf32>
          %add3A_344 = arith.addf %add3A_340, %add3A_341 : vector<16xf32>
          %add3A_345 = arith.addf %add3A_342, %add3A_343 : vector<16xf32>
          %add3A_346 = arith.addf %add3A_344, %add3A_345 : vector<16xf32>
          %reduce_sum3A_347 = arith.constant true
          %reduce_sum3A_348 = vector.broadcast %reduce_sum3A_347 : i1 to vector<16xi1>
          %reduce_sum3A_349 = tpu.scan <sum>, %add3A_346 masked %reduce_sum3A_348 : vector<16xf32>, vector<16xi1> -> vector<16xf32>
          %reduce_sum3A_350 = vector.extract %reduce_sum3A_349[15] : f32 from vector<16xf32>
          %eq3A_351 = vector.broadcast %add3A_272 : i32 to vector<16xi32>
          %eq3A_352 = arith.cmpi eq, %iota3A, %eq3A_351 : vector<16xi32>
          %broadcast_in_dim3A_353 = vector.broadcast %reduce_sum3A_350 : f32 to vector<16xf32>
          %select_n3A_354 = arith.select %eq3A_352, %broadcast_in_dim3A_353, %select_n3A : vector<16xi1>, vector<16xf32>
          %mul3A_355 = arith.constant 4 : i32
          %mul3A_356 = arith.muli %scan3A_179, %mul3A_355 : i32
          %add3A_357 = arith.constant 2 : i32
          %add3A_358 = arith.addi %mul3A_356, %add3A_357 : i32
          %add3A_359 = arith.addi %mul3A_167, %add3A_358 : i32
          %slice3A_360 = vector.extract_strided_slice %unpack3A {offsets = [1], sizes = [1], strides = [1]} : vector<16xi32> to vector<1xi32>
          %squeeze3A_361 = vector.extract %slice3A_360[0] : i32 from vector<1xi32>
          %get3A_362 = arith.index_cast %add3A_359 : i32 to index
          %get3A_363 = arith.constant 0 : index
          %get3A_364 = tpu.vector_load %arg17[%get3A_362, %get3A_363] {strides = array<i32>} : memref<80x64xi32, #tpu.memory_space<vmem>>, vector<16xi32>,
          %bitcast3A_365 = vector.bitcast %get3A_364 : vector<16xi32> to vector<32xbf16>
          %get3A_366 = arith.index_cast %squeeze3A_361 : i32 to index
          %get3A_367 = arith.constant 0 : index
          %get3A_368 = tpu.vector_load %arg12[%get3A_366, %get3A_367] {strides = array<i32>} : memref<500x64xi32, #tpu.memory_space<vmem>>, vector<16xi32>,
          %bitcast3A_369 = vector.bitcast %get3A_368 : vector<16xi32> to vector<32xbf16>
          %get3A_370 = arith.index_cast %add3A_359 : i32 to index
          %get3A_371 = arith.constant 0 : index
          %get3A_372 = tpu.vector_load %arg18[%get3A_370, %get3A_371] {strides = array<i32>} : memref<80x64xi32, #tpu.memory_space<vmem>>, vector<16xi32>,
          %bitcast3A_373 = vector.bitcast %get3A_372 : vector<16xi32> to vector<32xbf16>
          %mul3A_374 = arith.mulf %bitcast3A_365, %bitcast3A_369 : vector<32xbf16>
          %mul3A_375 = arith.mulf %mul3A_374, %bitcast3A_373 : vector<32xbf16>
          %unpack3A_376 = tpu.unpack_subelements %mul3A_375, 0 {pack_format = #tpu.pack_format<interleaved>} : vector<32xbf16> -> vector<16xf32>
          %unpack3A_377 = tpu.unpack_subelements %mul3A_375, 1 {pack_format = #tpu.pack_format<interleaved>} : vector<32xbf16> -> vector<16xf32>
          %get3A_378 = arith.index_cast %add3A_359 : i32 to index
          %get3A_379 = arith.constant 16 : index
          %get3A_380 = tpu.vector_load %arg17[%get3A_378, %get3A_379] {strides = array<i32>} : memref<80x64xi32, #tpu.memory_space<vmem>>, vector<16xi32>,
          %bitcast3A_381 = vector.bitcast %get3A_380 : vector<16xi32> to vector<32xbf16>
          %get3A_382 = arith.index_cast %squeeze3A_361 : i32 to index
          %get3A_383 = arith.constant 16 : index
          %get3A_384 = tpu.vector_load %arg12[%get3A_382, %get3A_383] {strides = array<i32>} : memref<500x64xi32, #tpu.memory_space<vmem>>, vector<16xi32>,
          %bitcast3A_385 = vector.bitcast %get3A_384 : vector<16xi32> to vector<32xbf16>
          %get3A_386 = arith.index_cast %add3A_359 : i32 to index
          %get3A_387 = arith.constant 16 : index
          %get3A_388 = tpu.vector_load %arg18[%get3A_386, %get3A_387] {strides = array<i32>} : memref<80x64xi32, #tpu.memory_space<vmem>>, vector<16xi32>,
          %bitcast3A_389 = vector.bitcast %get3A_388 : vector<16xi32> to vector<32xbf16>
          %mul3A_390 = arith.mulf %bitcast3A_381, %bitcast3A_385 : vector<32xbf16>
          %mul3A_391 = arith.mulf %mul3A_390, %bitcast3A_389 : vector<32xbf16>
          %unpack3A_392 = tpu.unpack_subelements %mul3A_391, 0 {pack_format = #tpu.pack_format<interleaved>} : vector<32xbf16> -> vector<16xf32>
          %unpack3A_393 = tpu.unpack_subelements %mul3A_391, 1 {pack_format = #tpu.pack_format<interleaved>} : vector<32xbf16> -> vector<16xf32>
          %get3A_394 = arith.index_cast %add3A_359 : i32 to index
          %get3A_395 = arith.constant 32 : index
          %get3A_396 = tpu.vector_load %arg17[%get3A_394, %get3A_395] {strides = array<i32>} : memref<80x64xi32, #tpu.memory_space<vmem>>, vector<16xi32>,
          %bitcast3A_397 = vector.bitcast %get3A_396 : vector<16xi32> to vector<32xbf16>
          %get3A_398 = arith.index_cast %squeeze3A_361 : i32 to index
          %get3A_399 = arith.constant 32 : index
          %get3A_400 = tpu.vector_load %arg12[%get3A_398, %get3A_399] {strides = array<i32>} : memref<500x64xi32, #tpu.memory_space<vmem>>, vector<16xi32>,
          %bitcast3A_401 = vector.bitcast %get3A_400 : vector<16xi32> to vector<32xbf16>
          %get3A_402 = arith.index_cast %add3A_359 : i32 to index
          %get3A_403 = arith.constant 32 : index
          %get3A_404 = tpu.vector_load %arg18[%get3A_402, %get3A_403] {strides = array<i32>} : memref<80x64xi32, #tpu.memory_space<vmem>>, vector<16xi32>,
          %bitcast3A_405 = vector.bitcast %get3A_404 : vector<16xi32> to vector<32xbf16>
          %mul3A_406 = arith.mulf %bitcast3A_397, %bitcast3A_401 : vector<32xbf16>
          %mul3A_407 = arith.mulf %mul3A_406, %bitcast3A_405 : vector<32xbf16>
          %unpack3A_408 = tpu.unpack_subelements %mul3A_407, 0 {pack_format = #tpu.pack_format<interleaved>} : vector<32xbf16> -> vector<16xf32>
          %unpack3A_409 = tpu.unpack_subelements %mul3A_407, 1 {pack_format = #tpu.pack_format<interleaved>} : vector<32xbf16> -> vector<16xf32>
          %get3A_410 = arith.index_cast %add3A_359 : i32 to index
          %get3A_411 = arith.constant 48 : index
          %get3A_412 = tpu.vector_load %arg17[%get3A_410, %get3A_411] {strides = array<i32>} : memref<80x64xi32, #tpu.memory_space<vmem>>, vector<16xi32>,
          %bitcast3A_413 = vector.bitcast %get3A_412 : vector<16xi32> to vector<32xbf16>
          %get3A_414 = arith.index_cast %squeeze3A_361 : i32 to index
          %get3A_415 = arith.constant 48 : index
          %get3A_416 = tpu.vector_load %arg12[%get3A_414, %get3A_415] {strides = array<i32>} : memref<500x64xi32, #tpu.memory_space<vmem>>, vector<16xi32>,
          %bitcast3A_417 = vector.bitcast %get3A_416 : vector<16xi32> to vector<32xbf16>
          %get3A_418 = arith.index_cast %add3A_359 : i32 to index
          %get3A_419 = arith.constant 48 : index
          %get3A_420 = tpu.vector_load %arg18[%get3A_418, %get3A_419] {strides = array<i32>} : memref<80x64xi32, #tpu.memory_space<vmem>>, vector<16xi32>,
          %bitcast3A_421 = vector.bitcast %get3A_420 : vector<16xi32> to vector<32xbf16>
          %mul3A_422 = arith.mulf %bitcast3A_413, %bitcast3A_417 : vector<32xbf16>
          %mul3A_423 = arith.mulf %mul3A_422, %bitcast3A_421 : vector<32xbf16>
          %unpack3A_424 = tpu.unpack_subelements %mul3A_423, 0 {pack_format = #tpu.pack_format<interleaved>} : vector<32xbf16> -> vector<16xf32>
          %unpack3A_425 = tpu.unpack_subelements %mul3A_423, 1 {pack_format = #tpu.pack_format<interleaved>} : vector<32xbf16> -> vector<16xf32>
          %add3A_426 = arith.addf %unpack3A_376, %unpack3A_377 : vector<16xf32>
          %add3A_427 = arith.addf %unpack3A_392, %unpack3A_393 : vector<16xf32>
          %add3A_428 = arith.addf %unpack3A_408, %unpack3A_409 : vector<16xf32>
          %add3A_429 = arith.addf %unpack3A_424, %unpack3A_425 : vector<16xf32>
          %add3A_430 = arith.addf %add3A_426, %add3A_427 : vector<16xf32>
          %add3A_431 = arith.addf %add3A_428, %add3A_429 : vector<16xf32>
          %add3A_432 = arith.addf %add3A_430, %add3A_431 : vector<16xf32>
          %reduce_sum3A_433 = arith.constant true
          %reduce_sum3A_434 = vector.broadcast %reduce_sum3A_433 : i1 to vector<16xi1>
          %reduce_sum3A_435 = tpu.scan <sum>, %add3A_432 masked %reduce_sum3A_434 : vector<16xf32>, vector<16xi1> -> vector<16xf32>
          %reduce_sum3A_436 = vector.extract %reduce_sum3A_435[15] : f32 from vector<16xf32>
          %eq3A_437 = vector.broadcast %add3A_358 : i32 to vector<16xi32>
          %eq3A_438 = arith.cmpi eq, %iota3A, %eq3A_437 : vector<16xi32>
          %broadcast_in_dim3A_439 = vector.broadcast %reduce_sum3A_436 : f32 to vector<16xf32>
          %select_n3A_440 = arith.select %eq3A_438, %broadcast_in_dim3A_439, %select_n3A_354 : vector<16xi1>, vector<16xf32>
          %mul3A_441 = arith.constant 4 : i32
          %mul3A_442 = arith.muli %scan3A_179, %mul3A_441 : i32
          %add3A_443 = arith.constant 3 : i32
          %add3A_444 = arith.addi %mul3A_442, %add3A_443 : i32
          %add3A_445 = arith.addi %mul3A_167, %add3A_444 : i32
          %slice3A_446 = vector.extract_strided_slice %unpack3A_188 {offsets = [1], sizes = [1], strides = [1]} : vector<16xi32> to vector<1xi32>
          %squeeze3A_447 = vector.extract %slice3A_446[0] : i32 from vector<1xi32>
          %get3A_448 = arith.index_cast %add3A_445 : i32 to index
          %get3A_449 = arith.constant 0 : index
          %get3A_450 = tpu.vector_load %arg17[%get3A_448, %get3A_449] {strides = array<i32>} : memref<80x64xi32, #tpu.memory_space<vmem>>, vector<16xi32>,
          %bitcast3A_451 = vector.bitcast %get3A_450 : vector<16xi32> to vector<32xbf16>
          %get3A_452 = arith.index_cast %squeeze3A_447 : i32 to index
          %get3A_453 = arith.constant 0 : index
          %get3A_454 = tpu.vector_load %arg12[%get3A_452, %get3A_453] {strides = array<i32>} : memref<500x64xi32, #tpu.memory_space<vmem>>, vector<16xi32>,
          %bitcast3A_455 = vector.bitcast %get3A_454 : vector<16xi32> to vector<32xbf16>
          %get3A_456 = arith.index_cast %add3A_445 : i32 to index
          %get3A_457 = arith.constant 0 : index
          %get3A_458 = tpu.vector_load %arg18[%get3A_456, %get3A_457] {strides = array<i32>} : memref<80x64xi32, #tpu.memory_space<vmem>>, vector<16xi32>,
          %bitcast3A_459 = vector.bitcast %get3A_458 : vector<16xi32> to vector<32xbf16>
          %mul3A_460 = arith.mulf %bitcast3A_451, %bitcast3A_455 : vector<32xbf16>
          %mul3A_461 = arith.mulf %mul3A_460, %bitcast3A_459 : vector<32xbf16>
          %unpack3A_462 = tpu.unpack_subelements %mul3A_461, 0 {pack_format = #tpu.pack_format<interleaved>} : vector<32xbf16> -> vector<16xf32>
          %unpack3A_463 = tpu.unpack_subelements %mul3A_461, 1 {pack_format = #tpu.pack_format<interleaved>} : vector<32xbf16> -> vector<16xf32>
          %get3A_464 = arith.index_cast %add3A_445 : i32 to index
          %get3A_465 = arith.constant 16 : index
          %get3A_466 = tpu.vector_load %arg17[%get3A_464, %get3A_465] {strides = array<i32>} : memref<80x64xi32, #tpu.memory_space<vmem>>, vector<16xi32>,
          %bitcast3A_467 = vector.bitcast %get3A_466 : vector<16xi32> to vector<32xbf16>
          %get3A_468 = arith.index_cast %squeeze3A_447 : i32 to index
          %get3A_469 = arith.constant 16 : index
          %get3A_470 = tpu.vector_load %arg12[%get3A_468, %get3A_469] {strides = array<i32>} : memref<500x64xi32, #tpu.memory_space<vmem>>, vector<16xi32>,
          %bitcast3A_471 = vector.bitcast %get3A_470 : vector<16xi32> to vector<32xbf16>
          %get3A_472 = arith.index_cast %add3A_445 : i32 to index
          %get3A_473 = arith.constant 16 : index
          %get3A_474 = tpu.vector_load %arg18[%get3A_472, %get3A_473] {strides = array<i32>} : memref<80x64xi32, #tpu.memory_space<vmem>>, vector<16xi32>,
          %bitcast3A_475 = vector.bitcast %get3A_474 : vector<16xi32> to vector<32xbf16>
          %mul3A_476 = arith.mulf %bitcast3A_467, %bitcast3A_471 : vector<32xbf16>
          %mul3A_477 = arith.mulf %mul3A_476, %bitcast3A_475 : vector<32xbf16>
          %unpack3A_478 = tpu.unpack_subelements %mul3A_477, 0 {pack_format = #tpu.pack_format<interleaved>} : vector<32xbf16> -> vector<16xf32>
          %unpack3A_479 = tpu.unpack_subelements %mul3A_477, 1 {pack_format = #tpu.pack_format<interleaved>} : vector<32xbf16> -> vector<16xf32>
          %get3A_480 = arith.index_cast %add3A_445 : i32 to index
          %get3A_481 = arith.constant 32 : index
          %get3A_482 = tpu.vector_load %arg17[%get3A_480, %get3A_481] {strides = array<i32>} : memref<80x64xi32, #tpu.memory_space<vmem>>, vector<16xi32>,
          %bitcast3A_483 = vector.bitcast %get3A_482 : vector<16xi32> to vector<32xbf16>
          %get3A_484 = arith.index_cast %squeeze3A_447 : i32 to index
          %get3A_485 = arith.constant 32 : index
          %get3A_486 = tpu.vector_load %arg12[%get3A_484, %get3A_485] {strides = array<i32>} : memref<500x64xi32, #tpu.memory_space<vmem>>, vector<16xi32>,
          %bitcast3A_487 = vector.bitcast %get3A_486 : vector<16xi32> to vector<32xbf16>
          %get3A_488 = arith.index_cast %add3A_445 : i32 to index
          %get3A_489 = arith.constant 32 : index
          %get3A_490 = tpu.vector_load %arg18[%get3A_488, %get3A_489] {strides = array<i32>} : memref<80x64xi32, #tpu.memory_space<vmem>>, vector<16xi32>,
          %bitcast3A_491 = vector.bitcast %get3A_490 : vector<16xi32> to vector<32xbf16>
          %mul3A_492 = arith.mulf %bitcast3A_483, %bitcast3A_487 : vector<32xbf16>
          %mul3A_493 = arith.mulf %mul3A_492, %bitcast3A_491 : vector<32xbf16>
          %unpack3A_494 = tpu.unpack_subelements %mul3A_493, 0 {pack_format = #tpu.pack_format<interleaved>} : vector<32xbf16> -> vector<16xf32>
          %unpack3A_495 = tpu.unpack_subelements %mul3A_493, 1 {pack_format = #tpu.pack_format<interleaved>} : vector<32xbf16> -> vector<16xf32>
          %get3A_496 = arith.index_cast %add3A_445 : i32 to index
          %get3A_497 = arith.constant 48 : index
          %get3A_498 = tpu.vector_load %arg17[%get3A_496, %get3A_497] {strides = array<i32>} : memref<80x64xi32, #tpu.memory_space<vmem>>, vector<16xi32>,
          %bitcast3A_499 = vector.bitcast %get3A_498 : vector<16xi32> to vector<32xbf16>
          %get3A_500 = arith.index_cast %squeeze3A_447 : i32 to index
          %get3A_501 = arith.constant 48 : index
          %get3A_502 = tpu.vector_load %arg12[%get3A_500, %get3A_501] {strides = array<i32>} : memref<500x64xi32, #tpu.memory_space<vmem>>, vector<16xi32>,
          %bitcast3A_503 = vector.bitcast %get3A_502 : vector<16xi32> to vector<32xbf16>
          %get3A_504 = arith.index_cast %add3A_445 : i32 to index
          %get3A_505 = arith.constant 48 : index
          %get3A_506 = tpu.vector_load %arg18[%get3A_504, %get3A_505] {strides = array<i32>} : memref<80x64xi32, #tpu.memory_space<vmem>>, vector<16xi32>,
          %bitcast3A_507 = vector.bitcast %get3A_506 : vector<16xi32> to vector<32xbf16>
          %mul3A_508 = arith.mulf %bitcast3A_499, %bitcast3A_503 : vector<32xbf16>
          %mul3A_509 = arith.mulf %mul3A_508, %bitcast3A_507 : vector<32xbf16>
          %unpack3A_510 = tpu.unpack_subelements %mul3A_509, 0 {pack_format = #tpu.pack_format<interleaved>} : vector<32xbf16> -> vector<16xf32>
          %unpack3A_511 = tpu.unpack_subelements %mul3A_509, 1 {pack_format = #tpu.pack_format<interleaved>} : vector<32xbf16> -> vector<16xf32>
          %add3A_512 = arith.addf %unpack3A_462, %unpack3A_463 : vector<16xf32>
          %add3A_513 = arith.addf %unpack3A_478, %unpack3A_479 : vector<16xf32>
          %add3A_514 = arith.addf %unpack3A_494, %unpack3A_495 : vector<16xf32>
          %add3A_515 = arith.addf %unpack3A_510, %unpack3A_511 : vector<16xf32>
          %add3A_516 = arith.addf %add3A_512, %add3A_513 : vector<16xf32>
          %add3A_517 = arith.addf %add3A_514, %add3A_515 : vector<16xf32>
          %add3A_518 = arith.addf %add3A_516, %add3A_517 : vector<16xf32>
          %reduce_sum3A_519 = arith.constant true
          %reduce_sum3A_520 = vector.broadcast %reduce_sum3A_519 : i1 to vector<16xi1>
          %reduce_sum3A_521 = tpu.scan <sum>, %add3A_518 masked %reduce_sum3A_520 : vector<16xf32>, vector<16xi1> -> vector<16xf32>
          %reduce_sum3A_522 = vector.extract %reduce_sum3A_521[15] : f32 from vector<16xf32>
          %eq3A_523 = vector.broadcast %add3A_444 : i32 to vector<16xi32>
          %eq3A_524 = arith.cmpi eq, %iota3A, %eq3A_523 : vector<16xi32>
          %broadcast_in_dim3A_525 = vector.broadcast %reduce_sum3A_522 : f32 to vector<16xf32>
          %select_n3A_526 = arith.select %eq3A_524, %broadcast_in_dim3A_525, %select_n3A_440 : vector<16xi1>, vector<16xf32>
          scf.yield %select_n3A_526 : vector<16xf32>
        }
        %scan3A_174 = arith.constant 4 : i32
        %mul3A_175 = arith.constant 80 : i32
        %mul3A_176 = arith.muli %add3A_134, %mul3A_175 : i32
        %add3A_177 = arith.addi %mul3A_176, %mul3A_167 : i32
        %swap3A = arith.index_cast %add3A_177 : i32 to index
        %swap3A_178 = tpu.vector_load %arg11[%swap3A] {strides = array<i32>} : memref<10000xf32, #tpu.memory_space<vmem>>, vector<16xf32>,
        tpu.vector_store %arg11[%swap3A], %scan3A_173 {strides = array<i32>} : memref<10000xf32, #tpu.memory_space<vmem>>, vector<16xf32>,
      }
      %scan3A_164 = arith.constant 5 : i32
    }
    %scan3A_26 = arith.constant 41 : i32
    %dma_wait3A = arith.constant 0 : i32
    %dma_wait3A_27 = arith.constant 0 : i32
    %dma_wait3A_28 = tpu.memref_slice %arg5[%dma_wait3A, %dma_wait3A_27] : memref<10000x64xi32, #tpu.memory_space<hbm>> -> memref<80x64xi32, #tpu.memory_space<hbm>>
    %dma_wait3A_29 = arith.constant 0 : i32
    %dma_wait3A_30 = arith.constant 0 : i32
    %dma_wait3A_31 = tpu.memref_slice %arg5[%dma_wait3A_29, %dma_wait3A_30] : memref<10000x64xi32, #tpu.memory_space<hbm>> -> memref<80x64xi32, #tpu.memory_space<hbm>>
    tpu.wait_dma2 semaphore(%arg19 : memref<!tpu.dma_semaphore, #tpu.memory_space<semaphore_mem>>) src(%dma_wait3A_31 : memref<80x64xi32, #tpu.memory_space<hbm>>) dst(%arg13 : memref<80x64xi32, #tpu.memory_space<vmem>>)
    %dma_wait3A_32 = arith.constant 0 : i32
    %dma_wait3A_33 = arith.constant 0 : i32
    %dma_wait3A_34 = tpu.memref_slice %arg5[%dma_wait3A_32, %dma_wait3A_33] : memref<10000x64xi32, #tpu.memory_space<hbm>> -> memref<80x64xi32, #tpu.memory_space<hbm>>
    %dma_wait3A_35 = arith.constant 0 : i32
    %dma_wait3A_36 = arith.constant 0 : i32
    %dma_wait3A_37 = tpu.memref_slice %arg5[%dma_wait3A_35, %dma_wait3A_36] : memref<10000x64xi32, #tpu.memory_space<hbm>> -> memref<80x64xi32, #tpu.memory_space<hbm>>
    tpu.wait_dma2 semaphore(%arg20 : memref<!tpu.dma_semaphore, #tpu.memory_space<semaphore_mem>>) src(%dma_wait3A_37 : memref<80x64xi32, #tpu.memory_space<hbm>>) dst(%arg14 : memref<80x64xi32, #tpu.memory_space<vmem>>)
    %scan3A_38 = arith.constant 0 : i32
    %scan3A_39 = arith.constant 0 : i32
    %scan3A_40 = arith.constant 5 : i32
    %scan3A_41 = arith.addi %scan3A_39, %scan3A_40 : i32
    %scan3A_42 = arith.constant 1 : i32
    scf.for %scan3A_62 = %scan3A_39 to %scan3A_41 step %scan3A_42  : i32 {
      %mul3A_63 = arith.constant 16 : i32
      %mul3A_64 = arith.muli %scan3A_62, %mul3A_63 : i32
      %broadcast_in_dim3A = arith.constant 0.000000e+00 : f32
      %broadcast_in_dim3A_65 = vector.broadcast %broadcast_in_dim3A : f32 to vector<16xf32>
      %scan3A_66 = arith.constant 0 : i32
      %scan3A_67 = arith.constant 4 : i32
      %scan3A_68 = arith.addi %scan3A_66, %scan3A_67 : i32
      %scan3A_69 = arith.constant 1 : i32
      %scan3A_70 = scf.for %scan3A_75 = %scan3A_66 to %scan3A_68 step %scan3A_69 iter_args(%scan3A_76 = %broadcast_in_dim3A_65) -> (vector<16xf32>)  : i32 {
        %add3A_77 = arith.constant 9840 : i32
        %add3A_78 = arith.addi %add3A_77, %mul3A_64 : i32
        %mul3A_79 = arith.constant 4 : i32
        %mul3A_80 = arith.muli %scan3A_75, %mul3A_79 : i32
        %add3A_81 = arith.addi %add3A_78, %mul3A_80 : i32
        %get3A = arith.index_cast %add3A_81 : i32 to index
        %get3A_82 = tpu.vector_load %arg10[%get3A] {strides = array<i32>} : memref<10032xi16, #tpu.memory_space<vmem>>, vector<32xi16>,
        %unpack3A = tpu.unpack_subelements %get3A_82, 0 {pack_format = #tpu.pack_format<interleaved>} : vector<32xi16> -> vector<16xi32>
        %unpack3A_83 = tpu.unpack_subelements %get3A_82, 1 {pack_format = #tpu.pack_format<interleaved>} : vector<32xi16> -> vector<16xi32>
        %mul3A_84 = arith.constant 4 : i32
        %mul3A_85 = arith.muli %scan3A_75, %mul3A_84 : i32
        %add3A_86 = arith.constant 0 : i32
        %add3A_87 = arith.addi %mul3A_85, %add3A_86 : i32
        %add3A_88 = arith.addi %mul3A_64, %add3A_87 : i32
        %slice3A = vector.extract_strided_slice %unpack3A {offsets = [0], sizes = [1], strides = [1]} : vector<16xi32> to vector<1xi32>
        %squeeze3A = vector.extract %slice3A[0] : i32 from vector<1xi32>
        %get3A_89 = arith.index_cast %add3A_88 : i32 to index
        %get3A_90 = arith.constant 0 : index
        %get3A_91 = tpu.vector_load %arg13[%get3A_89, %get3A_90] {strides = array<i32>} : memref<80x64xi32, #tpu.memory_space<vmem>>, vector<16xi32>,
        %bitcast3A = vector.bitcast %get3A_91 : vector<16xi32> to vector<32xbf16>
        %get3A_92 = arith.index_cast %squeeze3A : i32 to index
        %get3A_93 = arith.constant 0 : index
        %get3A_94 = tpu.vector_load %arg12[%get3A_92, %get3A_93] {strides = array<i32>} : memref<500x64xi32, #tpu.memory_space<vmem>>, vector<16xi32>,
        %bitcast3A_95 = vector.bitcast %get3A_94 : vector<16xi32> to vector<32xbf16>
        %get3A_96 = arith.index_cast %add3A_88 : i32 to index
        %get3A_97 = arith.constant 0 : index
        %get3A_98 = tpu.vector_load %arg14[%get3A_96, %get3A_97] {strides = array<i32>} : memref<80x64xi32, #tpu.memory_space<vmem>>, vector<16xi32>,
        %bitcast3A_99 = vector.bitcast %get3A_98 : vector<16xi32> to vector<32xbf16>
        %mul3A_100 = arith.mulf %bitcast3A, %bitcast3A_95 : vector<32xbf16>
        %mul3A_101 = arith.mulf %mul3A_100, %bitcast3A_99 : vector<32xbf16>
        %unpack3A_102 = tpu.unpack_subelements %mul3A_101, 0 {pack_format = #tpu.pack_format<interleaved>} : vector<32xbf16> -> vector<16xf32>
        %unpack3A_103 = tpu.unpack_subelements %mul3A_101, 1 {pack_format = #tpu.pack_format<interleaved>} : vector<32xbf16> -> vector<16xf32>
        %get3A_104 = arith.index_cast %add3A_88 : i32 to index
        %get3A_105 = arith.constant 16 : index
        %get3A_106 = tpu.vector_load %arg13[%get3A_104, %get3A_105] {strides = array<i32>} : memref<80x64xi32, #tpu.memory_space<vmem>>, vector<16xi32>,
        %bitcast3A_107 = vector.bitcast %get3A_106 : vector<16xi32> to vector<32xbf16>
        %get3A_108 = arith.index_cast %squeeze3A : i32 to index
        %get3A_109 = arith.constant 16 : index
        %get3A_110 = tpu.vector_load %arg12[%get3A_108, %get3A_109] {strides = array<i32>} : memref<500x64xi32, #tpu.memory_space<vmem>>, vector<16xi32>,
        %bitcast3A_111 = vector.bitcast %get3A_110 : vector<16xi32> to vector<32xbf16>
        %get3A_112 = arith.index_cast %add3A_88 : i32 to index
        %get3A_113 = arith.constant 16 : index
        %get3A_114 = tpu.vector_load %arg14[%get3A_112, %get3A_113] {strides = array<i32>} : memref<80x64xi32, #tpu.memory_space<vmem>>, vector<16xi32>,
        %bitcast3A_115 = vector.bitcast %get3A_114 : vector<16xi32> to vector<32xbf16>
        %mul3A_116 = arith.mulf %bitcast3A_107, %bitcast3A_111 : vector<32xbf16>
        %mul3A_117 = arith.mulf %mul3A_116, %bitcast3A_115 : vector<32xbf16>
        %unpack3A_118 = tpu.unpack_subelements %mul3A_117, 0 {pack_format = #tpu.pack_format<interleaved>} : vector<32xbf16> -> vector<16xf32>
        %unpack3A_119 = tpu.unpack_subelements %mul3A_117, 1 {pack_format = #tpu.pack_format<interleaved>} : vector<32xbf16> -> vector<16xf32>
        %get3A_120 = arith.index_cast %add3A_88 : i32 to index
        %get3A_121 = arith.constant 32 : index
        %get3A_122 = tpu.vector_load %arg13[%get3A_120, %get3A_121] {strides = array<i32>} : memref<80x64xi32, #tpu.memory_space<vmem>>, vector<16xi32>,
        %bitcast3A_123 = vector.bitcast %get3A_122 : vector<16xi32> to vector<32xbf16>
        %get3A_124 = arith.index_cast %squeeze3A : i32 to index
        %get3A_125 = arith.constant 32 : index
        %get3A_126 = tpu.vector_load %arg12[%get3A_124, %get3A_125] {strides = array<i32>} : memref<500x64xi32, #tpu.memory_space<vmem>>, vector<16xi32>,
        %bitcast3A_127 = vector.bitcast %get3A_126 : vector<16xi32> to vector<32xbf16>
        %get3A_128 = arith.index_cast %add3A_88 : i32 to index
        %get3A_129 = arith.constant 32 : index
        %get3A_130 = tpu.vector_load %arg14[%get3A_128, %get3A_129] {strides = array<i32>} : memref<80x64xi32, #tpu.memory_space<vmem>>, vector<16xi32>,
        %bitcast3A_131 = vector.bitcast %get3A_130 : vector<16xi32> to vector<32xbf16>
        %mul3A_132 = arith.mulf %bitcast3A_123, %bitcast3A_127 : vector<32xbf16>
        %mul3A_133 = arith.mulf %mul3A_132, %bitcast3A_131 : vector<32xbf16>
        %unpack3A_134 = tpu.unpack_subelements %mul3A_133, 0 {pack_format = #tpu.pack_format<interleaved>} : vector<32xbf16> -> vector<16xf32>
        %unpack3A_135 = tpu.unpack_subelements %mul3A_133, 1 {pack_format = #tpu.pack_format<interleaved>} : vector<32xbf16> -> vector<16xf32>
        %get3A_136 = arith.index_cast %add3A_88 : i32 to index
        %get3A_137 = arith.constant 48 : index
        %get3A_138 = tpu.vector_load %arg13[%get3A_136, %get3A_137] {strides = array<i32>} : memref<80x64xi32, #tpu.memory_space<vmem>>, vector<16xi32>,
        %bitcast3A_139 = vector.bitcast %get3A_138 : vector<16xi32> to vector<32xbf16>
        %get3A_140 = arith.index_cast %squeeze3A : i32 to index
        %get3A_141 = arith.constant 48 : index
        %get3A_142 = tpu.vector_load %arg12[%get3A_140, %get3A_141] {strides = array<i32>} : memref<500x64xi32, #tpu.memory_space<vmem>>, vector<16xi32>,
        %bitcast3A_143 = vector.bitcast %get3A_142 : vector<16xi32> to vector<32xbf16>
        %get3A_144 = arith.index_cast %add3A_88 : i32 to index
        %get3A_145 = arith.constant 48 : index
        %get3A_146 = tpu.vector_load %arg14[%get3A_144, %get3A_145] {strides = array<i32>} : memref<80x64xi32, #tpu.memory_space<vmem>>, vector<16xi32>,
        %bitcast3A_147 = vector.bitcast %get3A_146 : vector<16xi32> to vector<32xbf16>
        %mul3A_148 = arith.mulf %bitcast3A_139, %bitcast3A_143 : vector<32xbf16>
        %mul3A_149 = arith.mulf %mul3A_148, %bitcast3A_147 : vector<32xbf16>
        %unpack3A_150 = tpu.unpack_subelements %mul3A_149, 0 {pack_format = #tpu.pack_format<interleaved>} : vector<32xbf16> -> vector<16xf32>
        %unpack3A_151 = tpu.unpack_subelements %mul3A_149, 1 {pack_format = #tpu.pack_format<interleaved>} : vector<32xbf16> -> vector<16xf32>
        %add3A_152 = arith.addf %unpack3A_102, %unpack3A_103 : vector<16xf32>
        %add3A_153 = arith.addf %unpack3A_118, %unpack3A_119 : vector<16xf32>
        %add3A_154 = arith.addf %unpack3A_134, %unpack3A_135 : vector<16xf32>
        %add3A_155 = arith.addf %unpack3A_150, %unpack3A_151 : vector<16xf32>
        %add3A_156 = arith.addf %add3A_152, %add3A_153 : vector<16xf32>
        %add3A_157 = arith.addf %add3A_154, %add3A_155 : vector<16xf32>
        %add3A_158 = arith.addf %add3A_156, %add3A_157 : vector<16xf32>
        %reduce_sum3A = arith.constant true
        %reduce_sum3A_159 = vector.broadcast %reduce_sum3A : i1 to vector<16xi1>
        %reduce_sum3A_160 = tpu.scan <sum>, %add3A_158 masked %reduce_sum3A_159 : vector<16xf32>, vector<16xi1> -> vector<16xf32>
        %reduce_sum3A_161 = vector.extract %reduce_sum3A_160[15] : f32 from vector<16xf32>
        %eq3A = vector.broadcast %add3A_87 : i32 to vector<16xi32>
        %eq3A_162 = arith.cmpi eq, %iota3A, %eq3A : vector<16xi32>
        %broadcast_in_dim3A_163 = vector.broadcast %reduce_sum3A_161 : f32 to vector<16xf32>
        %select_n3A = arith.select %eq3A_162, %broadcast_in_dim3A_163, %scan3A_76 : vector<16xi1>, vector<16xf32>
        %mul3A_164 = arith.constant 4 : i32
        %mul3A_165 = arith.muli %scan3A_75, %mul3A_164 : i32
        %add3A_166 = arith.constant 1 : i32
        %add3A_167 = arith.addi %mul3A_165, %add3A_166 : i32
        %add3A_168 = arith.addi %mul3A_64, %add3A_167 : i32
        %slice3A_169 = vector.extract_strided_slice %unpack3A_83 {offsets = [0], sizes = [1], strides = [1]} : vector<16xi32> to vector<1xi32>
        %squeeze3A_170 = vector.extract %slice3A_169[0] : i32 from vector<1xi32>
        %get3A_171 = arith.index_cast %add3A_168 : i32 to index
        %get3A_172 = arith.constant 0 : index
        %get3A_173 = tpu.vector_load %arg13[%get3A_171, %get3A_172] {strides = array<i32>} : memref<80x64xi32, #tpu.memory_space<vmem>>, vector<16xi32>,
        %bitcast3A_174 = vector.bitcast %get3A_173 : vector<16xi32> to vector<32xbf16>
        %get3A_175 = arith.index_cast %squeeze3A_170 : i32 to index
        %get3A_176 = arith.constant 0 : index
        %get3A_177 = tpu.vector_load %arg12[%get3A_175, %get3A_176] {strides = array<i32>} : memref<500x64xi32, #tpu.memory_space<vmem>>, vector<16xi32>,
        %bitcast3A_178 = vector.bitcast %get3A_177 : vector<16xi32> to vector<32xbf16>
        %get3A_179 = arith.index_cast %add3A_168 : i32 to index
        %get3A_180 = arith.constant 0 : index
        %get3A_181 = tpu.vector_load %arg14[%get3A_179, %get3A_180] {strides = array<i32>} : memref<80x64xi32, #tpu.memory_space<vmem>>, vector<16xi32>,
        %bitcast3A_182 = vector.bitcast %get3A_181 : vector<16xi32> to vector<32xbf16>
        %mul3A_183 = arith.mulf %bitcast3A_174, %bitcast3A_178 : vector<32xbf16>
        %mul3A_184 = arith.mulf %mul3A_183, %bitcast3A_182 : vector<32xbf16>
        %unpack3A_185 = tpu.unpack_subelements %mul3A_184, 0 {pack_format = #tpu.pack_format<interleaved>} : vector<32xbf16> -> vector<16xf32>
        %unpack3A_186 = tpu.unpack_subelements %mul3A_184, 1 {pack_format = #tpu.pack_format<interleaved>} : vector<32xbf16> -> vector<16xf32>
        %get3A_187 = arith.index_cast %add3A_168 : i32 to index
        %get3A_188 = arith.constant 16 : index
        %get3A_189 = tpu.vector_load %arg13[%get3A_187, %get3A_188] {strides = array<i32>} : memref<80x64xi32, #tpu.memory_space<vmem>>, vector<16xi32>,
        %bitcast3A_190 = vector.bitcast %get3A_189 : vector<16xi32> to vector<32xbf16>
        %get3A_191 = arith.index_cast %squeeze3A_170 : i32 to index
        %get3A_192 = arith.constant 16 : index
        %get3A_193 = tpu.vector_load %arg12[%get3A_191, %get3A_192] {strides = array<i32>} : memref<500x64xi32, #tpu.memory_space<vmem>>, vector<16xi32>,
        %bitcast3A_194 = vector.bitcast %get3A_193 : vector<16xi32> to vector<32xbf16>
        %get3A_195 = arith.index_cast %add3A_168 : i32 to index
        %get3A_196 = arith.constant 16 : index
        %get3A_197 = tpu.vector_load %arg14[%get3A_195, %get3A_196] {strides = array<i32>} : memref<80x64xi32, #tpu.memory_space<vmem>>, vector<16xi32>,
        %bitcast3A_198 = vector.bitcast %get3A_197 : vector<16xi32> to vector<32xbf16>
        %mul3A_199 = arith.mulf %bitcast3A_190, %bitcast3A_194 : vector<32xbf16>
        %mul3A_200 = arith.mulf %mul3A_199, %bitcast3A_198 : vector<32xbf16>
        %unpack3A_201 = tpu.unpack_subelements %mul3A_200, 0 {pack_format = #tpu.pack_format<interleaved>} : vector<32xbf16> -> vector<16xf32>
        %unpack3A_202 = tpu.unpack_subelements %mul3A_200, 1 {pack_format = #tpu.pack_format<interleaved>} : vector<32xbf16> -> vector<16xf32>
        %get3A_203 = arith.index_cast %add3A_168 : i32 to index
        %get3A_204 = arith.constant 32 : index
        %get3A_205 = tpu.vector_load %arg13[%get3A_203, %get3A_204] {strides = array<i32>} : memref<80x64xi32, #tpu.memory_space<vmem>>, vector<16xi32>,
        %bitcast3A_206 = vector.bitcast %get3A_205 : vector<16xi32> to vector<32xbf16>
        %get3A_207 = arith.index_cast %squeeze3A_170 : i32 to index
        %get3A_208 = arith.constant 32 : index
        %get3A_209 = tpu.vector_load %arg12[%get3A_207, %get3A_208] {strides = array<i32>} : memref<500x64xi32, #tpu.memory_space<vmem>>, vector<16xi32>,
        %bitcast3A_210 = vector.bitcast %get3A_209 : vector<16xi32> to vector<32xbf16>
        %get3A_211 = arith.index_cast %add3A_168 : i32 to index
        %get3A_212 = arith.constant 32 : index
        %get3A_213 = tpu.vector_load %arg14[%get3A_211, %get3A_212] {strides = array<i32>} : memref<80x64xi32, #tpu.memory_space<vmem>>, vector<16xi32>,
        %bitcast3A_214 = vector.bitcast %get3A_213 : vector<16xi32> to vector<32xbf16>
        %mul3A_215 = arith.mulf %bitcast3A_206, %bitcast3A_210 : vector<32xbf16>
        %mul3A_216 = arith.mulf %mul3A_215, %bitcast3A_214 : vector<32xbf16>
        %unpack3A_217 = tpu.unpack_subelements %mul3A_216, 0 {pack_format = #tpu.pack_format<interleaved>} : vector<32xbf16> -> vector<16xf32>
        %unpack3A_218 = tpu.unpack_subelements %mul3A_216, 1 {pack_format = #tpu.pack_format<interleaved>} : vector<32xbf16> -> vector<16xf32>
        %get3A_219 = arith.index_cast %add3A_168 : i32 to index
        %get3A_220 = arith.constant 48 : index
        %get3A_221 = tpu.vector_load %arg13[%get3A_219, %get3A_220] {strides = array<i32>} : memref<80x64xi32, #tpu.memory_space<vmem>>, vector<16xi32>,
        %bitcast3A_222 = vector.bitcast %get3A_221 : vector<16xi32> to vector<32xbf16>
        %get3A_223 = arith.index_cast %squeeze3A_170 : i32 to index
        %get3A_224 = arith.constant 48 : index
        %get3A_225 = tpu.vector_load %arg12[%get3A_223, %get3A_224] {strides = array<i32>} : memref<500x64xi32, #tpu.memory_space<vmem>>, vector<16xi32>,
        %bitcast3A_226 = vector.bitcast %get3A_225 : vector<16xi32> to vector<32xbf16>
        %get3A_227 = arith.index_cast %add3A_168 : i32 to index
        %get3A_228 = arith.constant 48 : index
        %get3A_229 = tpu.vector_load %arg14[%get3A_227, %get3A_228] {strides = array<i32>} : memref<80x64xi32, #tpu.memory_space<vmem>>, vector<16xi32>,
        %bitcast3A_230 = vector.bitcast %get3A_229 : vector<16xi32> to vector<32xbf16>
        %mul3A_231 = arith.mulf %bitcast3A_222, %bitcast3A_226 : vector<32xbf16>
        %mul3A_232 = arith.mulf %mul3A_231, %bitcast3A_230 : vector<32xbf16>
        %unpack3A_233 = tpu.unpack_subelements %mul3A_232, 0 {pack_format = #tpu.pack_format<interleaved>} : vector<32xbf16> -> vector<16xf32>
        %unpack3A_234 = tpu.unpack_subelements %mul3A_232, 1 {pack_format = #tpu.pack_format<interleaved>} : vector<32xbf16> -> vector<16xf32>
        %add3A_235 = arith.addf %unpack3A_185, %unpack3A_186 : vector<16xf32>
        %add3A_236 = arith.addf %unpack3A_201, %unpack3A_202 : vector<16xf32>
        %add3A_237 = arith.addf %unpack3A_217, %unpack3A_218 : vector<16xf32>
        %add3A_238 = arith.addf %unpack3A_233, %unpack3A_234 : vector<16xf32>
        %add3A_239 = arith.addf %add3A_235, %add3A_236 : vector<16xf32>
        %add3A_240 = arith.addf %add3A_237, %add3A_238 : vector<16xf32>
        %add3A_241 = arith.addf %add3A_239, %add3A_240 : vector<16xf32>
        %reduce_sum3A_242 = arith.constant true
        %reduce_sum3A_243 = vector.broadcast %reduce_sum3A_242 : i1 to vector<16xi1>
        %reduce_sum3A_244 = tpu.scan <sum>, %add3A_241 masked %reduce_sum3A_243 : vector<16xf32>, vector<16xi1> -> vector<16xf32>
        %reduce_sum3A_245 = vector.extract %reduce_sum3A_244[15] : f32 from vector<16xf32>
        %eq3A_246 = vector.broadcast %add3A_167 : i32 to vector<16xi32>
        %eq3A_247 = arith.cmpi eq, %iota3A, %eq3A_246 : vector<16xi32>
        %broadcast_in_dim3A_248 = vector.broadcast %reduce_sum3A_245 : f32 to vector<16xf32>
        %select_n3A_249 = arith.select %eq3A_247, %broadcast_in_dim3A_248, %select_n3A : vector<16xi1>, vector<16xf32>
        %mul3A_250 = arith.constant 4 : i32
        %mul3A_251 = arith.muli %scan3A_75, %mul3A_250 : i32
        %add3A_252 = arith.constant 2 : i32
        %add3A_253 = arith.addi %mul3A_251, %add3A_252 : i32
        %add3A_254 = arith.addi %mul3A_64, %add3A_253 : i32
        %slice3A_255 = vector.extract_strided_slice %unpack3A {offsets = [1], sizes = [1], strides = [1]} : vector<16xi32> to vector<1xi32>
        %squeeze3A_256 = vector.extract %slice3A_255[0] : i32 from vector<1xi32>
        %get3A_257 = arith.index_cast %add3A_254 : i32 to index
        %get3A_258 = arith.constant 0 : index
        %get3A_259 = tpu.vector_load %arg13[%get3A_257, %get3A_258] {strides = array<i32>} : memref<80x64xi32, #tpu.memory_space<vmem>>, vector<16xi32>,
        %bitcast3A_260 = vector.bitcast %get3A_259 : vector<16xi32> to vector<32xbf16>
        %get3A_261 = arith.index_cast %squeeze3A_256 : i32 to index
        %get3A_262 = arith.constant 0 : index
        %get3A_263 = tpu.vector_load %arg12[%get3A_261, %get3A_262] {strides = array<i32>} : memref<500x64xi32, #tpu.memory_space<vmem>>, vector<16xi32>,
        %bitcast3A_264 = vector.bitcast %get3A_263 : vector<16xi32> to vector<32xbf16>
        %get3A_265 = arith.index_cast %add3A_254 : i32 to index
        %get3A_266 = arith.constant 0 : index
        %get3A_267 = tpu.vector_load %arg14[%get3A_265, %get3A_266] {strides = array<i32>} : memref<80x64xi32, #tpu.memory_space<vmem>>, vector<16xi32>,
        %bitcast3A_268 = vector.bitcast %get3A_267 : vector<16xi32> to vector<32xbf16>
        %mul3A_269 = arith.mulf %bitcast3A_260, %bitcast3A_264 : vector<32xbf16>
        %mul3A_270 = arith.mulf %mul3A_269, %bitcast3A_268 : vector<32xbf16>
        %unpack3A_271 = tpu.unpack_subelements %mul3A_270, 0 {pack_format = #tpu.pack_format<interleaved>} : vector<32xbf16> -> vector<16xf32>
        %unpack3A_272 = tpu.unpack_subelements %mul3A_270, 1 {pack_format = #tpu.pack_format<interleaved>} : vector<32xbf16> -> vector<16xf32>
        %get3A_273 = arith.index_cast %add3A_254 : i32 to index
        %get3A_274 = arith.constant 16 : index
        %get3A_275 = tpu.vector_load %arg13[%get3A_273, %get3A_274] {strides = array<i32>} : memref<80x64xi32, #tpu.memory_space<vmem>>, vector<16xi32>,
        %bitcast3A_276 = vector.bitcast %get3A_275 : vector<16xi32> to vector<32xbf16>
        %get3A_277 = arith.index_cast %squeeze3A_256 : i32 to index
        %get3A_278 = arith.constant 16 : index
        %get3A_279 = tpu.vector_load %arg12[%get3A_277, %get3A_278] {strides = array<i32>} : memref<500x64xi32, #tpu.memory_space<vmem>>, vector<16xi32>,
        %bitcast3A_280 = vector.bitcast %get3A_279 : vector<16xi32> to vector<32xbf16>
        %get3A_281 = arith.index_cast %add3A_254 : i32 to index
        %get3A_282 = arith.constant 16 : index
        %get3A_283 = tpu.vector_load %arg14[%get3A_281, %get3A_282] {strides = array<i32>} : memref<80x64xi32, #tpu.memory_space<vmem>>, vector<16xi32>,
        %bitcast3A_284 = vector.bitcast %get3A_283 : vector<16xi32> to vector<32xbf16>
        %mul3A_285 = arith.mulf %bitcast3A_276, %bitcast3A_280 : vector<32xbf16>
        %mul3A_286 = arith.mulf %mul3A_285, %bitcast3A_284 : vector<32xbf16>
        %unpack3A_287 = tpu.unpack_subelements %mul3A_286, 0 {pack_format = #tpu.pack_format<interleaved>} : vector<32xbf16> -> vector<16xf32>
        %unpack3A_288 = tpu.unpack_subelements %mul3A_286, 1 {pack_format = #tpu.pack_format<interleaved>} : vector<32xbf16> -> vector<16xf32>
        %get3A_289 = arith.index_cast %add3A_254 : i32 to index
        %get3A_290 = arith.constant 32 : index
        %get3A_291 = tpu.vector_load %arg13[%get3A_289, %get3A_290] {strides = array<i32>} : memref<80x64xi32, #tpu.memory_space<vmem>>, vector<16xi32>,
        %bitcast3A_292 = vector.bitcast %get3A_291 : vector<16xi32> to vector<32xbf16>
        %get3A_293 = arith.index_cast %squeeze3A_256 : i32 to index
        %get3A_294 = arith.constant 32 : index
        %get3A_295 = tpu.vector_load %arg12[%get3A_293, %get3A_294] {strides = array<i32>} : memref<500x64xi32, #tpu.memory_space<vmem>>, vector<16xi32>,
        %bitcast3A_296 = vector.bitcast %get3A_295 : vector<16xi32> to vector<32xbf16>
        %get3A_297 = arith.index_cast %add3A_254 : i32 to index
        %get3A_298 = arith.constant 32 : index
        %get3A_299 = tpu.vector_load %arg14[%get3A_297, %get3A_298] {strides = array<i32>} : memref<80x64xi32, #tpu.memory_space<vmem>>, vector<16xi32>,
        %bitcast3A_300 = vector.bitcast %get3A_299 : vector<16xi32> to vector<32xbf16>
        %mul3A_301 = arith.mulf %bitcast3A_292, %bitcast3A_296 : vector<32xbf16>
        %mul3A_302 = arith.mulf %mul3A_301, %bitcast3A_300 : vector<32xbf16>
        %unpack3A_303 = tpu.unpack_subelements %mul3A_302, 0 {pack_format = #tpu.pack_format<interleaved>} : vector<32xbf16> -> vector<16xf32>
        %unpack3A_304 = tpu.unpack_subelements %mul3A_302, 1 {pack_format = #tpu.pack_format<interleaved>} : vector<32xbf16> -> vector<16xf32>
        %get3A_305 = arith.index_cast %add3A_254 : i32 to index
        %get3A_306 = arith.constant 48 : index
        %get3A_307 = tpu.vector_load %arg13[%get3A_305, %get3A_306] {strides = array<i32>} : memref<80x64xi32, #tpu.memory_space<vmem>>, vector<16xi32>,
        %bitcast3A_308 = vector.bitcast %get3A_307 : vector<16xi32> to vector<32xbf16>
        %get3A_309 = arith.index_cast %squeeze3A_256 : i32 to index
        %get3A_310 = arith.constant 48 : index
        %get3A_311 = tpu.vector_load %arg12[%get3A_309, %get3A_310] {strides = array<i32>} : memref<500x64xi32, #tpu.memory_space<vmem>>, vector<16xi32>,
        %bitcast3A_312 = vector.bitcast %get3A_311 : vector<16xi32> to vector<32xbf16>
        %get3A_313 = arith.index_cast %add3A_254 : i32 to index
        %get3A_314 = arith.constant 48 : index
        %get3A_315 = tpu.vector_load %arg14[%get3A_313, %get3A_314] {strides = array<i32>} : memref<80x64xi32, #tpu.memory_space<vmem>>, vector<16xi32>,
        %bitcast3A_316 = vector.bitcast %get3A_315 : vector<16xi32> to vector<32xbf16>
        %mul3A_317 = arith.mulf %bitcast3A_308, %bitcast3A_312 : vector<32xbf16>
        %mul3A_318 = arith.mulf %mul3A_317, %bitcast3A_316 : vector<32xbf16>
        %unpack3A_319 = tpu.unpack_subelements %mul3A_318, 0 {pack_format = #tpu.pack_format<interleaved>} : vector<32xbf16> -> vector<16xf32>
        %unpack3A_320 = tpu.unpack_subelements %mul3A_318, 1 {pack_format = #tpu.pack_format<interleaved>} : vector<32xbf16> -> vector<16xf32>
        %add3A_321 = arith.addf %unpack3A_271, %unpack3A_272 : vector<16xf32>
        %add3A_322 = arith.addf %unpack3A_287, %unpack3A_288 : vector<16xf32>
        %add3A_323 = arith.addf %unpack3A_303, %unpack3A_304 : vector<16xf32>
        %add3A_324 = arith.addf %unpack3A_319, %unpack3A_320 : vector<16xf32>
        %add3A_325 = arith.addf %add3A_321, %add3A_322 : vector<16xf32>
        %add3A_326 = arith.addf %add3A_323, %add3A_324 : vector<16xf32>
        %add3A_327 = arith.addf %add3A_325, %add3A_326 : vector<16xf32>
        %reduce_sum3A_328 = arith.constant true
        %reduce_sum3A_329 = vector.broadcast %reduce_sum3A_328 : i1 to vector<16xi1>
        %reduce_sum3A_330 = tpu.scan <sum>, %add3A_327 masked %reduce_sum3A_329 : vector<16xf32>, vector<16xi1> -> vector<16xf32>
        %reduce_sum3A_331 = vector.extract %reduce_sum3A_330[15] : f32 from vector<16xf32>
        %eq3A_332 = vector.broadcast %add3A_253 : i32 to vector<16xi32>
        %eq3A_333 = arith.cmpi eq, %iota3A, %eq3A_332 : vector<16xi32>
        %broadcast_in_dim3A_334 = vector.broadcast %reduce_sum3A_331 : f32 to vector<16xf32>
        %select_n3A_335 = arith.select %eq3A_333, %broadcast_in_dim3A_334, %select_n3A_249 : vector<16xi1>, vector<16xf32>
        %mul3A_336 = arith.constant 4 : i32
        %mul3A_337 = arith.muli %scan3A_75, %mul3A_336 : i32
        %add3A_338 = arith.constant 3 : i32
        %add3A_339 = arith.addi %mul3A_337, %add3A_338 : i32
        %add3A_340 = arith.addi %mul3A_64, %add3A_339 : i32
        %slice3A_341 = vector.extract_strided_slice %unpack3A_83 {offsets = [1], sizes = [1], strides = [1]} : vector<16xi32> to vector<1xi32>
        %squeeze3A_342 = vector.extract %slice3A_341[0] : i32 from vector<1xi32>
        %get3A_343 = arith.index_cast %add3A_340 : i32 to index
        %get3A_344 = arith.constant 0 : index
        %get3A_345 = tpu.vector_load %arg13[%get3A_343, %get3A_344] {strides = array<i32>} : memref<80x64xi32, #tpu.memory_space<vmem>>, vector<16xi32>,
        %bitcast3A_346 = vector.bitcast %get3A_345 : vector<16xi32> to vector<32xbf16>
        %get3A_347 = arith.index_cast %squeeze3A_342 : i32 to index
        %get3A_348 = arith.constant 0 : index
        %get3A_349 = tpu.vector_load %arg12[%get3A_347, %get3A_348] {strides = array<i32>} : memref<500x64xi32, #tpu.memory_space<vmem>>, vector<16xi32>,
        %bitcast3A_350 = vector.bitcast %get3A_349 : vector<16xi32> to vector<32xbf16>
        %get3A_351 = arith.index_cast %add3A_340 : i32 to index
        %get3A_352 = arith.constant 0 : index
        %get3A_353 = tpu.vector_load %arg14[%get3A_351, %get3A_352] {strides = array<i32>} : memref<80x64xi32, #tpu.memory_space<vmem>>, vector<16xi32>,
        %bitcast3A_354 = vector.bitcast %get3A_353 : vector<16xi32> to vector<32xbf16>
        %mul3A_355 = arith.mulf %bitcast3A_346, %bitcast3A_350 : vector<32xbf16>
        %mul3A_356 = arith.mulf %mul3A_355, %bitcast3A_354 : vector<32xbf16>
        %unpack3A_357 = tpu.unpack_subelements %mul3A_356, 0 {pack_format = #tpu.pack_format<interleaved>} : vector<32xbf16> -> vector<16xf32>
        %unpack3A_358 = tpu.unpack_subelements %mul3A_356, 1 {pack_format = #tpu.pack_format<interleaved>} : vector<32xbf16> -> vector<16xf32>
        %get3A_359 = arith.index_cast %add3A_340 : i32 to index
        %get3A_360 = arith.constant 16 : index
        %get3A_361 = tpu.vector_load %arg13[%get3A_359, %get3A_360] {strides = array<i32>} : memref<80x64xi32, #tpu.memory_space<vmem>>, vector<16xi32>,
        %bitcast3A_362 = vector.bitcast %get3A_361 : vector<16xi32> to vector<32xbf16>
        %get3A_363 = arith.index_cast %squeeze3A_342 : i32 to index
        %get3A_364 = arith.constant 16 : index
        %get3A_365 = tpu.vector_load %arg12[%get3A_363, %get3A_364] {strides = array<i32>} : memref<500x64xi32, #tpu.memory_space<vmem>>, vector<16xi32>,
        %bitcast3A_366 = vector.bitcast %get3A_365 : vector<16xi32> to vector<32xbf16>
        %get3A_367 = arith.index_cast %add3A_340 : i32 to index
        %get3A_368 = arith.constant 16 : index
        %get3A_369 = tpu.vector_load %arg14[%get3A_367, %get3A_368] {strides = array<i32>} : memref<80x64xi32, #tpu.memory_space<vmem>>, vector<16xi32>,
        %bitcast3A_370 = vector.bitcast %get3A_369 : vector<16xi32> to vector<32xbf16>
        %mul3A_371 = arith.mulf %bitcast3A_362, %bitcast3A_366 : vector<32xbf16>
        %mul3A_372 = arith.mulf %mul3A_371, %bitcast3A_370 : vector<32xbf16>
        %unpack3A_373 = tpu.unpack_subelements %mul3A_372, 0 {pack_format = #tpu.pack_format<interleaved>} : vector<32xbf16> -> vector<16xf32>
        %unpack3A_374 = tpu.unpack_subelements %mul3A_372, 1 {pack_format = #tpu.pack_format<interleaved>} : vector<32xbf16> -> vector<16xf32>
        %get3A_375 = arith.index_cast %add3A_340 : i32 to index
        %get3A_376 = arith.constant 32 : index
        %get3A_377 = tpu.vector_load %arg13[%get3A_375, %get3A_376] {strides = array<i32>} : memref<80x64xi32, #tpu.memory_space<vmem>>, vector<16xi32>,
        %bitcast3A_378 = vector.bitcast %get3A_377 : vector<16xi32> to vector<32xbf16>
        %get3A_379 = arith.index_cast %squeeze3A_342 : i32 to index
        %get3A_380 = arith.constant 32 : index
        %get3A_381 = tpu.vector_load %arg12[%get3A_379, %get3A_380] {strides = array<i32>} : memref<500x64xi32, #tpu.memory_space<vmem>>, vector<16xi32>,
        %bitcast3A_382 = vector.bitcast %get3A_381 : vector<16xi32> to vector<32xbf16>
        %get3A_383 = arith.index_cast %add3A_340 : i32 to index
        %get3A_384 = arith.constant 32 : index
        %get3A_385 = tpu.vector_load %arg14[%get3A_383, %get3A_384] {strides = array<i32>} : memref<80x64xi32, #tpu.memory_space<vmem>>, vector<16xi32>,
        %bitcast3A_386 = vector.bitcast %get3A_385 : vector<16xi32> to vector<32xbf16>
        %mul3A_387 = arith.mulf %bitcast3A_378, %bitcast3A_382 : vector<32xbf16>
        %mul3A_388 = arith.mulf %mul3A_387, %bitcast3A_386 : vector<32xbf16>
        %unpack3A_389 = tpu.unpack_subelements %mul3A_388, 0 {pack_format = #tpu.pack_format<interleaved>} : vector<32xbf16> -> vector<16xf32>
        %unpack3A_390 = tpu.unpack_subelements %mul3A_388, 1 {pack_format = #tpu.pack_format<interleaved>} : vector<32xbf16> -> vector<16xf32>
        %get3A_391 = arith.index_cast %add3A_340 : i32 to index
        %get3A_392 = arith.constant 48 : index
        %get3A_393 = tpu.vector_load %arg13[%get3A_391, %get3A_392] {strides = array<i32>} : memref<80x64xi32, #tpu.memory_space<vmem>>, vector<16xi32>,
        %bitcast3A_394 = vector.bitcast %get3A_393 : vector<16xi32> to vector<32xbf16>
        %get3A_395 = arith.index_cast %squeeze3A_342 : i32 to index
        %get3A_396 = arith.constant 48 : index
        %get3A_397 = tpu.vector_load %arg12[%get3A_395, %get3A_396] {strides = array<i32>} : memref<500x64xi32, #tpu.memory_space<vmem>>, vector<16xi32>,
        %bitcast3A_398 = vector.bitcast %get3A_397 : vector<16xi32> to vector<32xbf16>
        %get3A_399 = arith.index_cast %add3A_340 : i32 to index
        %get3A_400 = arith.constant 48 : index
        %get3A_401 = tpu.vector_load %arg14[%get3A_399, %get3A_400] {strides = array<i32>} : memref<80x64xi32, #tpu.memory_space<vmem>>, vector<16xi32>,
        %bitcast3A_402 = vector.bitcast %get3A_401 : vector<16xi32> to vector<32xbf16>
        %mul3A_403 = arith.mulf %bitcast3A_394, %bitcast3A_398 : vector<32xbf16>
        %mul3A_404 = arith.mulf %mul3A_403, %bitcast3A_402 : vector<32xbf16>
        %unpack3A_405 = tpu.unpack_subelements %mul3A_404, 0 {pack_format = #tpu.pack_format<interleaved>} : vector<32xbf16> -> vector<16xf32>
        %unpack3A_406 = tpu.unpack_subelements %mul3A_404, 1 {pack_format = #tpu.pack_format<interleaved>} : vector<32xbf16> -> vector<16xf32>
        %add3A_407 = arith.addf %unpack3A_357, %unpack3A_358 : vector<16xf32>
        %add3A_408 = arith.addf %unpack3A_373, %unpack3A_374 : vector<16xf32>
        %add3A_409 = arith.addf %unpack3A_389, %unpack3A_390 : vector<16xf32>
        %add3A_410 = arith.addf %unpack3A_405, %unpack3A_406 : vector<16xf32>
        %add3A_411 = arith.addf %add3A_407, %add3A_408 : vector<16xf32>
        %add3A_412 = arith.addf %add3A_409, %add3A_410 : vector<16xf32>
        %add3A_413 = arith.addf %add3A_411, %add3A_412 : vector<16xf32>
        %reduce_sum3A_414 = arith.constant true
        %reduce_sum3A_415 = vector.broadcast %reduce_sum3A_414 : i1 to vector<16xi1>
        %reduce_sum3A_416 = tpu.scan <sum>, %add3A_413 masked %reduce_sum3A_415 : vector<16xf32>, vector<16xi1> -> vector<16xf32>
        %reduce_sum3A_417 = vector.extract %reduce_sum3A_416[15] : f32 from vector<16xf32>
        %eq3A_418 = vector.broadcast %add3A_339 : i32 to vector<16xi32>
        %eq3A_419 = arith.cmpi eq, %iota3A, %eq3A_418 : vector<16xi32>
        %broadcast_in_dim3A_420 = vector.broadcast %reduce_sum3A_417 : f32 to vector<16xf32>
        %select_n3A_421 = arith.select %eq3A_419, %broadcast_in_dim3A_420, %select_n3A_335 : vector<16xi1>, vector<16xf32>
        scf.yield %select_n3A_421 : vector<16xf32>
      }
      %scan3A_71 = arith.constant 4 : i32
      %add3A_72 = arith.constant 9840 : i32
      %add3A_73 = arith.addi %add3A_72, %mul3A_64 : i32
      %swap3A = arith.index_cast %add3A_73 : i32 to index
      %swap3A_74 = tpu.vector_load %arg11[%swap3A] {strides = array<i32>} : memref<10000xf32, #tpu.memory_space<vmem>>, vector<16xf32>,
      tpu.vector_store %arg11[%swap3A], %scan3A_70 {strides = array<i32>} : memref<10000xf32, #tpu.memory_space<vmem>>, vector<16xf32>,
    }
    %scan3A_43 = arith.constant 5 : i32
    %dma_wait3A_44 = arith.constant 0 : i32
    %dma_wait3A_45 = arith.constant 0 : i32
    %dma_wait3A_46 = tpu.memref_slice %arg5[%dma_wait3A_44, %dma_wait3A_45] : memref<10000x64xi32, #tpu.memory_space<hbm>> -> memref<80x64xi32, #tpu.memory_space<hbm>>
    %dma_wait3A_47 = arith.constant 0 : i32
    %dma_wait3A_48 = arith.constant 0 : i32
    %dma_wait3A_49 = tpu.memref_slice %arg5[%dma_wait3A_47, %dma_wait3A_48] : memref<10000x64xi32, #tpu.memory_space<hbm>> -> memref<80x64xi32, #tpu.memory_space<hbm>>
    tpu.wait_dma2 semaphore(%arg21 : memref<!tpu.dma_semaphore, #tpu.memory_space<semaphore_mem>>) src(%dma_wait3A_49 : memref<80x64xi32, #tpu.memory_space<hbm>>) dst(%arg15 : memref<80x64xi32, #tpu.memory_space<vmem>>)
    %dma_wait3A_50 = arith.constant 0 : i32
    %dma_wait3A_51 = arith.constant 0 : i32
    %dma_wait3A_52 = tpu.memref_slice %arg5[%dma_wait3A_50, %dma_wait3A_51] : memref<10000x64xi32, #tpu.memory_space<hbm>> -> memref<80x64xi32, #tpu.memory_space<hbm>>
    %dma_wait3A_53 = arith.constant 0 : i32
    %dma_wait3A_54 = arith.constant 0 : i32
    %dma_wait3A_55 = tpu.memref_slice %arg5[%dma_wait3A_53, %dma_wait3A_54] : memref<10000x64xi32, #tpu.memory_space<hbm>> -> memref<80x64xi32, #tpu.memory_space<hbm>>
    tpu.wait_dma2 semaphore(%arg22 : memref<!tpu.dma_semaphore, #tpu.memory_space<semaphore_mem>>) src(%dma_wait3A_55 : memref<80x64xi32, #tpu.memory_space<hbm>>) dst(%arg16 : memref<80x64xi32, #tpu.memory_space<vmem>>)
    %scan3A_56 = arith.constant 0 : i32
    %scan3A_57 = arith.constant 0 : i32
    %scan3A_58 = arith.constant 5 : i32
    %scan3A_59 = arith.addi %scan3A_57, %scan3A_58 : i32
    %scan3A_60 = arith.constant 1 : i32
    scf.for %scan3A_62 = %scan3A_57 to %scan3A_59 step %scan3A_60  : i32 {
      %mul3A_63 = arith.constant 16 : i32
      %mul3A_64 = arith.muli %scan3A_62, %mul3A_63 : i32
      %broadcast_in_dim3A = arith.constant 0.000000e+00 : f32
      %broadcast_in_dim3A_65 = vector.broadcast %broadcast_in_dim3A : f32 to vector<16xf32>
      %scan3A_66 = arith.constant 0 : i32
      %scan3A_67 = arith.constant 4 : i32
      %scan3A_68 = arith.addi %scan3A_66, %scan3A_67 : i32
      %scan3A_69 = arith.constant 1 : i32
      %scan3A_70 = scf.for %scan3A_75 = %scan3A_66 to %scan3A_68 step %scan3A_69 iter_args(%scan3A_76 = %broadcast_in_dim3A_65) -> (vector<16xf32>)  : i32 {
        %add3A_77 = arith.constant 9920 : i32
        %add3A_78 = arith.addi %add3A_77, %mul3A_64 : i32
        %mul3A_79 = arith.constant 4 : i32
        %mul3A_80 = arith.muli %scan3A_75, %mul3A_79 : i32
        %add3A_81 = arith.addi %add3A_78, %mul3A_80 : i32
        %get3A = arith.index_cast %add3A_81 : i32 to index
        %get3A_82 = tpu.vector_load %arg10[%get3A] {strides = array<i32>} : memref<10032xi16, #tpu.memory_space<vmem>>, vector<32xi16>,
        %unpack3A = tpu.unpack_subelements %get3A_82, 0 {pack_format = #tpu.pack_format<interleaved>} : vector<32xi16> -> vector<16xi32>
        %unpack3A_83 = tpu.unpack_subelements %get3A_82, 1 {pack_format = #tpu.pack_format<interleaved>} : vector<32xi16> -> vector<16xi32>
        %mul3A_84 = arith.constant 4 : i32
        %mul3A_85 = arith.muli %scan3A_75, %mul3A_84 : i32
        %add3A_86 = arith.constant 0 : i32
        %add3A_87 = arith.addi %mul3A_85, %add3A_86 : i32
        %add3A_88 = arith.addi %mul3A_64, %add3A_87 : i32
        %slice3A = vector.extract_strided_slice %unpack3A {offsets = [0], sizes = [1], strides = [1]} : vector<16xi32> to vector<1xi32>
        %squeeze3A = vector.extract %slice3A[0] : i32 from vector<1xi32>
        %get3A_89 = arith.index_cast %add3A_88 : i32 to index
        %get3A_90 = arith.constant 0 : index
        %get3A_91 = tpu.vector_load %arg15[%get3A_89, %get3A_90] {strides = array<i32>} : memref<80x64xi32, #tpu.memory_space<vmem>>, vector<16xi32>,
        %bitcast3A = vector.bitcast %get3A_91 : vector<16xi32> to vector<32xbf16>
        %get3A_92 = arith.index_cast %squeeze3A : i32 to index
        %get3A_93 = arith.constant 0 : index
        %get3A_94 = tpu.vector_load %arg12[%get3A_92, %get3A_93] {strides = array<i32>} : memref<500x64xi32, #tpu.memory_space<vmem>>, vector<16xi32>,
        %bitcast3A_95 = vector.bitcast %get3A_94 : vector<16xi32> to vector<32xbf16>
        %get3A_96 = arith.index_cast %add3A_88 : i32 to index
        %get3A_97 = arith.constant 0 : index
        %get3A_98 = tpu.vector_load %arg16[%get3A_96, %get3A_97] {strides = array<i32>} : memref<80x64xi32, #tpu.memory_space<vmem>>, vector<16xi32>,
        %bitcast3A_99 = vector.bitcast %get3A_98 : vector<16xi32> to vector<32xbf16>
        %mul3A_100 = arith.mulf %bitcast3A, %bitcast3A_95 : vector<32xbf16>
        %mul3A_101 = arith.mulf %mul3A_100, %bitcast3A_99 : vector<32xbf16>
        %unpack3A_102 = tpu.unpack_subelements %mul3A_101, 0 {pack_format = #tpu.pack_format<interleaved>} : vector<32xbf16> -> vector<16xf32>
        %unpack3A_103 = tpu.unpack_subelements %mul3A_101, 1 {pack_format = #tpu.pack_format<interleaved>} : vector<32xbf16> -> vector<16xf32>
        %get3A_104 = arith.index_cast %add3A_88 : i32 to index
        %get3A_105 = arith.constant 16 : index
        %get3A_106 = tpu.vector_load %arg15[%get3A_104, %get3A_105] {strides = array<i32>} : memref<80x64xi32, #tpu.memory_space<vmem>>, vector<16xi32>,
        %bitcast3A_107 = vector.bitcast %get3A_106 : vector<16xi32> to vector<32xbf16>
        %get3A_108 = arith.index_cast %squeeze3A : i32 to index
        %get3A_109 = arith.constant 16 : index
        %get3A_110 = tpu.vector_load %arg12[%get3A_108, %get3A_109] {strides = array<i32>} : memref<500x64xi32, #tpu.memory_space<vmem>>, vector<16xi32>,
        %bitcast3A_111 = vector.bitcast %get3A_110 : vector<16xi32> to vector<32xbf16>
        %get3A_112 = arith.index_cast %add3A_88 : i32 to index
        %get3A_113 = arith.constant 16 : index
        %get3A_114 = tpu.vector_load %arg16[%get3A_112, %get3A_113] {strides = array<i32>} : memref<80x64xi32, #tpu.memory_space<vmem>>, vector<16xi32>,
        %bitcast3A_115 = vector.bitcast %get3A_114 : vector<16xi32> to vector<32xbf16>
        %mul3A_116 = arith.mulf %bitcast3A_107, %bitcast3A_111 : vector<32xbf16>
        %mul3A_117 = arith.mulf %mul3A_116, %bitcast3A_115 : vector<32xbf16>
        %unpack3A_118 = tpu.unpack_subelements %mul3A_117, 0 {pack_format = #tpu.pack_format<interleaved>} : vector<32xbf16> -> vector<16xf32>
        %unpack3A_119 = tpu.unpack_subelements %mul3A_117, 1 {pack_format = #tpu.pack_format<interleaved>} : vector<32xbf16> -> vector<16xf32>
        %get3A_120 = arith.index_cast %add3A_88 : i32 to index
        %get3A_121 = arith.constant 32 : index
        %get3A_122 = tpu.vector_load %arg15[%get3A_120, %get3A_121] {strides = array<i32>} : memref<80x64xi32, #tpu.memory_space<vmem>>, vector<16xi32>,
        %bitcast3A_123 = vector.bitcast %get3A_122 : vector<16xi32> to vector<32xbf16>
        %get3A_124 = arith.index_cast %squeeze3A : i32 to index
        %get3A_125 = arith.constant 32 : index
        %get3A_126 = tpu.vector_load %arg12[%get3A_124, %get3A_125] {strides = array<i32>} : memref<500x64xi32, #tpu.memory_space<vmem>>, vector<16xi32>,
        %bitcast3A_127 = vector.bitcast %get3A_126 : vector<16xi32> to vector<32xbf16>
        %get3A_128 = arith.index_cast %add3A_88 : i32 to index
        %get3A_129 = arith.constant 32 : index
        %get3A_130 = tpu.vector_load %arg16[%get3A_128, %get3A_129] {strides = array<i32>} : memref<80x64xi32, #tpu.memory_space<vmem>>, vector<16xi32>,
        %bitcast3A_131 = vector.bitcast %get3A_130 : vector<16xi32> to vector<32xbf16>
        %mul3A_132 = arith.mulf %bitcast3A_123, %bitcast3A_127 : vector<32xbf16>
        %mul3A_133 = arith.mulf %mul3A_132, %bitcast3A_131 : vector<32xbf16>
        %unpack3A_134 = tpu.unpack_subelements %mul3A_133, 0 {pack_format = #tpu.pack_format<interleaved>} : vector<32xbf16> -> vector<16xf32>
        %unpack3A_135 = tpu.unpack_subelements %mul3A_133, 1 {pack_format = #tpu.pack_format<interleaved>} : vector<32xbf16> -> vector<16xf32>
        %get3A_136 = arith.index_cast %add3A_88 : i32 to index
        %get3A_137 = arith.constant 48 : index
        %get3A_138 = tpu.vector_load %arg15[%get3A_136, %get3A_137] {strides = array<i32>} : memref<80x64xi32, #tpu.memory_space<vmem>>, vector<16xi32>,
        %bitcast3A_139 = vector.bitcast %get3A_138 : vector<16xi32> to vector<32xbf16>
        %get3A_140 = arith.index_cast %squeeze3A : i32 to index
        %get3A_141 = arith.constant 48 : index
        %get3A_142 = tpu.vector_load %arg12[%get3A_140, %get3A_141] {strides = array<i32>} : memref<500x64xi32, #tpu.memory_space<vmem>>, vector<16xi32>,
        %bitcast3A_143 = vector.bitcast %get3A_142 : vector<16xi32> to vector<32xbf16>
        %get3A_144 = arith.index_cast %add3A_88 : i32 to index
        %get3A_145 = arith.constant 48 : index
        %get3A_146 = tpu.vector_load %arg16[%get3A_144, %get3A_145] {strides = array<i32>} : memref<80x64xi32, #tpu.memory_space<vmem>>, vector<16xi32>,
        %bitcast3A_147 = vector.bitcast %get3A_146 : vector<16xi32> to vector<32xbf16>
        %mul3A_148 = arith.mulf %bitcast3A_139, %bitcast3A_143 : vector<32xbf16>
        %mul3A_149 = arith.mulf %mul3A_148, %bitcast3A_147 : vector<32xbf16>
        %unpack3A_150 = tpu.unpack_subelements %mul3A_149, 0 {pack_format = #tpu.pack_format<interleaved>} : vector<32xbf16> -> vector<16xf32>
        %unpack3A_151 = tpu.unpack_subelements %mul3A_149, 1 {pack_format = #tpu.pack_format<interleaved>} : vector<32xbf16> -> vector<16xf32>
        %add3A_152 = arith.addf %unpack3A_102, %unpack3A_103 : vector<16xf32>
        %add3A_153 = arith.addf %unpack3A_118, %unpack3A_119 : vector<16xf32>
        %add3A_154 = arith.addf %unpack3A_134, %unpack3A_135 : vector<16xf32>
        %add3A_155 = arith.addf %unpack3A_150, %unpack3A_151 : vector<16xf32>
        %add3A_156 = arith.addf %add3A_152, %add3A_153 : vector<16xf32>
        %add3A_157 = arith.addf %add3A_154, %add3A_155 : vector<16xf32>
        %add3A_158 = arith.addf %add3A_156, %add3A_157 : vector<16xf32>
        %reduce_sum3A = arith.constant true
        %reduce_sum3A_159 = vector.broadcast %reduce_sum3A : i1 to vector<16xi1>
        %reduce_sum3A_160 = tpu.scan <sum>, %add3A_158 masked %reduce_sum3A_159 : vector<16xf32>, vector<16xi1> -> vector<16xf32>
        %reduce_sum3A_161 = vector.extract %reduce_sum3A_160[15] : f32 from vector<16xf32>
        %eq3A = vector.broadcast %add3A_87 : i32 to vector<16xi32>
        %eq3A_162 = arith.cmpi eq, %iota3A, %eq3A : vector<16xi32>
        %broadcast_in_dim3A_163 = vector.broadcast %reduce_sum3A_161 : f32 to vector<16xf32>
        %select_n3A = arith.select %eq3A_162, %broadcast_in_dim3A_163, %scan3A_76 : vector<16xi1>, vector<16xf32>
        %mul3A_164 = arith.constant 4 : i32
        %mul3A_165 = arith.muli %scan3A_75, %mul3A_164 : i32
        %add3A_166 = arith.constant 1 : i32
        %add3A_167 = arith.addi %mul3A_165, %add3A_166 : i32
        %add3A_168 = arith.addi %mul3A_64, %add3A_167 : i32
        %slice3A_169 = vector.extract_strided_slice %unpack3A_83 {offsets = [0], sizes = [1], strides = [1]} : vector<16xi32> to vector<1xi32>
        %squeeze3A_170 = vector.extract %slice3A_169[0] : i32 from vector<1xi32>
        %get3A_171 = arith.index_cast %add3A_168 : i32 to index
        %get3A_172 = arith.constant 0 : index
        %get3A_173 = tpu.vector_load %arg15[%get3A_171, %get3A_172] {strides = array<i32>} : memref<80x64xi32, #tpu.memory_space<vmem>>, vector<16xi32>,
        %bitcast3A_174 = vector.bitcast %get3A_173 : vector<16xi32> to vector<32xbf16>
        %get3A_175 = arith.index_cast %squeeze3A_170 : i32 to index
        %get3A_176 = arith.constant 0 : index
        %get3A_177 = tpu.vector_load %arg12[%get3A_175, %get3A_176] {strides = array<i32>} : memref<500x64xi32, #tpu.memory_space<vmem>>, vector<16xi32>,
        %bitcast3A_178 = vector.bitcast %get3A_177 : vector<16xi32> to vector<32xbf16>
        %get3A_179 = arith.index_cast %add3A_168 : i32 to index
        %get3A_180 = arith.constant 0 : index
        %get3A_181 = tpu.vector_load %arg16[%get3A_179, %get3A_180] {strides = array<i32>} : memref<80x64xi32, #tpu.memory_space<vmem>>, vector<16xi32>,
        %bitcast3A_182 = vector.bitcast %get3A_181 : vector<16xi32> to vector<32xbf16>
        %mul3A_183 = arith.mulf %bitcast3A_174, %bitcast3A_178 : vector<32xbf16>
        %mul3A_184 = arith.mulf %mul3A_183, %bitcast3A_182 : vector<32xbf16>
        %unpack3A_185 = tpu.unpack_subelements %mul3A_184, 0 {pack_format = #tpu.pack_format<interleaved>} : vector<32xbf16> -> vector<16xf32>
        %unpack3A_186 = tpu.unpack_subelements %mul3A_184, 1 {pack_format = #tpu.pack_format<interleaved>} : vector<32xbf16> -> vector<16xf32>
        %get3A_187 = arith.index_cast %add3A_168 : i32 to index
        %get3A_188 = arith.constant 16 : index
        %get3A_189 = tpu.vector_load %arg15[%get3A_187, %get3A_188] {strides = array<i32>} : memref<80x64xi32, #tpu.memory_space<vmem>>, vector<16xi32>,
        %bitcast3A_190 = vector.bitcast %get3A_189 : vector<16xi32> to vector<32xbf16>
        %get3A_191 = arith.index_cast %squeeze3A_170 : i32 to index
        %get3A_192 = arith.constant 16 : index
        %get3A_193 = tpu.vector_load %arg12[%get3A_191, %get3A_192] {strides = array<i32>} : memref<500x64xi32, #tpu.memory_space<vmem>>, vector<16xi32>,
        %bitcast3A_194 = vector.bitcast %get3A_193 : vector<16xi32> to vector<32xbf16>
        %get3A_195 = arith.index_cast %add3A_168 : i32 to index
        %get3A_196 = arith.constant 16 : index
        %get3A_197 = tpu.vector_load %arg16[%get3A_195, %get3A_196] {strides = array<i32>} : memref<80x64xi32, #tpu.memory_space<vmem>>, vector<16xi32>,
        %bitcast3A_198 = vector.bitcast %get3A_197 : vector<16xi32> to vector<32xbf16>
        %mul3A_199 = arith.mulf %bitcast3A_190, %bitcast3A_194 : vector<32xbf16>
        %mul3A_200 = arith.mulf %mul3A_199, %bitcast3A_198 : vector<32xbf16>
        %unpack3A_201 = tpu.unpack_subelements %mul3A_200, 0 {pack_format = #tpu.pack_format<interleaved>} : vector<32xbf16> -> vector<16xf32>
        %unpack3A_202 = tpu.unpack_subelements %mul3A_200, 1 {pack_format = #tpu.pack_format<interleaved>} : vector<32xbf16> -> vector<16xf32>
        %get3A_203 = arith.index_cast %add3A_168 : i32 to index
        %get3A_204 = arith.constant 32 : index
        %get3A_205 = tpu.vector_load %arg15[%get3A_203, %get3A_204] {strides = array<i32>} : memref<80x64xi32, #tpu.memory_space<vmem>>, vector<16xi32>,
        %bitcast3A_206 = vector.bitcast %get3A_205 : vector<16xi32> to vector<32xbf16>
        %get3A_207 = arith.index_cast %squeeze3A_170 : i32 to index
        %get3A_208 = arith.constant 32 : index
        %get3A_209 = tpu.vector_load %arg12[%get3A_207, %get3A_208] {strides = array<i32>} : memref<500x64xi32, #tpu.memory_space<vmem>>, vector<16xi32>,
        %bitcast3A_210 = vector.bitcast %get3A_209 : vector<16xi32> to vector<32xbf16>
        %get3A_211 = arith.index_cast %add3A_168 : i32 to index
        %get3A_212 = arith.constant 32 : index
        %get3A_213 = tpu.vector_load %arg16[%get3A_211, %get3A_212] {strides = array<i32>} : memref<80x64xi32, #tpu.memory_space<vmem>>, vector<16xi32>,
        %bitcast3A_214 = vector.bitcast %get3A_213 : vector<16xi32> to vector<32xbf16>
        %mul3A_215 = arith.mulf %bitcast3A_206, %bitcast3A_210 : vector<32xbf16>
        %mul3A_216 = arith.mulf %mul3A_215, %bitcast3A_214 : vector<32xbf16>
        %unpack3A_217 = tpu.unpack_subelements %mul3A_216, 0 {pack_format = #tpu.pack_format<interleaved>} : vector<32xbf16> -> vector<16xf32>
        %unpack3A_218 = tpu.unpack_subelements %mul3A_216, 1 {pack_format = #tpu.pack_format<interleaved>} : vector<32xbf16> -> vector<16xf32>
        %get3A_219 = arith.index_cast %add3A_168 : i32 to index
        %get3A_220 = arith.constant 48 : index
        %get3A_221 = tpu.vector_load %arg15[%get3A_219, %get3A_220] {strides = array<i32>} : memref<80x64xi32, #tpu.memory_space<vmem>>, vector<16xi32>,
        %bitcast3A_222 = vector.bitcast %get3A_221 : vector<16xi32> to vector<32xbf16>
        %get3A_223 = arith.index_cast %squeeze3A_170 : i32 to index
        %get3A_224 = arith.constant 48 : index
        %get3A_225 = tpu.vector_load %arg12[%get3A_223, %get3A_224] {strides = array<i32>} : memref<500x64xi32, #tpu.memory_space<vmem>>, vector<16xi32>,
        %bitcast3A_226 = vector.bitcast %get3A_225 : vector<16xi32> to vector<32xbf16>
        %get3A_227 = arith.index_cast %add3A_168 : i32 to index
        %get3A_228 = arith.constant 48 : index
        %get3A_229 = tpu.vector_load %arg16[%get3A_227, %get3A_228] {strides = array<i32>} : memref<80x64xi32, #tpu.memory_space<vmem>>, vector<16xi32>,
        %bitcast3A_230 = vector.bitcast %get3A_229 : vector<16xi32> to vector<32xbf16>
        %mul3A_231 = arith.mulf %bitcast3A_222, %bitcast3A_226 : vector<32xbf16>
        %mul3A_232 = arith.mulf %mul3A_231, %bitcast3A_230 : vector<32xbf16>
        %unpack3A_233 = tpu.unpack_subelements %mul3A_232, 0 {pack_format = #tpu.pack_format<interleaved>} : vector<32xbf16> -> vector<16xf32>
        %unpack3A_234 = tpu.unpack_subelements %mul3A_232, 1 {pack_format = #tpu.pack_format<interleaved>} : vector<32xbf16> -> vector<16xf32>
        %add3A_235 = arith.addf %unpack3A_185, %unpack3A_186 : vector<16xf32>
        %add3A_236 = arith.addf %unpack3A_201, %unpack3A_202 : vector<16xf32>
        %add3A_237 = arith.addf %unpack3A_217, %unpack3A_218 : vector<16xf32>
        %add3A_238 = arith.addf %unpack3A_233, %unpack3A_234 : vector<16xf32>
        %add3A_239 = arith.addf %add3A_235, %add3A_236 : vector<16xf32>
        %add3A_240 = arith.addf %add3A_237, %add3A_238 : vector<16xf32>
        %add3A_241 = arith.addf %add3A_239, %add3A_240 : vector<16xf32>
        %reduce_sum3A_242 = arith.constant true
        %reduce_sum3A_243 = vector.broadcast %reduce_sum3A_242 : i1 to vector<16xi1>
        %reduce_sum3A_244 = tpu.scan <sum>, %add3A_241 masked %reduce_sum3A_243 : vector<16xf32>, vector<16xi1> -> vector<16xf32>
        %reduce_sum3A_245 = vector.extract %reduce_sum3A_244[15] : f32 from vector<16xf32>
        %eq3A_246 = vector.broadcast %add3A_167 : i32 to vector<16xi32>
        %eq3A_247 = arith.cmpi eq, %iota3A, %eq3A_246 : vector<16xi32>
        %broadcast_in_dim3A_248 = vector.broadcast %reduce_sum3A_245 : f32 to vector<16xf32>
        %select_n3A_249 = arith.select %eq3A_247, %broadcast_in_dim3A_248, %select_n3A : vector<16xi1>, vector<16xf32>
        %mul3A_250 = arith.constant 4 : i32
        %mul3A_251 = arith.muli %scan3A_75, %mul3A_250 : i32
        %add3A_252 = arith.constant 2 : i32
        %add3A_253 = arith.addi %mul3A_251, %add3A_252 : i32
        %add3A_254 = arith.addi %mul3A_64, %add3A_253 : i32
        %slice3A_255 = vector.extract_strided_slice %unpack3A {offsets = [1], sizes = [1], strides = [1]} : vector<16xi32> to vector<1xi32>
        %squeeze3A_256 = vector.extract %slice3A_255[0] : i32 from vector<1xi32>
        %get3A_257 = arith.index_cast %add3A_254 : i32 to index
        %get3A_258 = arith.constant 0 : index
        %get3A_259 = tpu.vector_load %arg15[%get3A_257, %get3A_258] {strides = array<i32>} : memref<80x64xi32, #tpu.memory_space<vmem>>, vector<16xi32>,
        %bitcast3A_260 = vector.bitcast %get3A_259 : vector<16xi32> to vector<32xbf16>
        %get3A_261 = arith.index_cast %squeeze3A_256 : i32 to index
        %get3A_262 = arith.constant 0 : index
        %get3A_263 = tpu.vector_load %arg12[%get3A_261, %get3A_262] {strides = array<i32>} : memref<500x64xi32, #tpu.memory_space<vmem>>, vector<16xi32>,
        %bitcast3A_264 = vector.bitcast %get3A_263 : vector<16xi32> to vector<32xbf16>
        %get3A_265 = arith.index_cast %add3A_254 : i32 to index
        %get3A_266 = arith.constant 0 : index
        %get3A_267 = tpu.vector_load %arg16[%get3A_265, %get3A_266] {strides = array<i32>} : memref<80x64xi32, #tpu.memory_space<vmem>>, vector<16xi32>,
        %bitcast3A_268 = vector.bitcast %get3A_267 : vector<16xi32> to vector<32xbf16>
        %mul3A_269 = arith.mulf %bitcast3A_260, %bitcast3A_264 : vector<32xbf16>
        %mul3A_270 = arith.mulf %mul3A_269, %bitcast3A_268 : vector<32xbf16>
        %unpack3A_271 = tpu.unpack_subelements %mul3A_270, 0 {pack_format = #tpu.pack_format<interleaved>} : vector<32xbf16> -> vector<16xf32>
        %unpack3A_272 = tpu.unpack_subelements %mul3A_270, 1 {pack_format = #tpu.pack_format<interleaved>} : vector<32xbf16> -> vector<16xf32>
        %get3A_273 = arith.index_cast %add3A_254 : i32 to index
        %get3A_274 = arith.constant 16 : index
        %get3A_275 = tpu.vector_load %arg15[%get3A_273, %get3A_274] {strides = array<i32>} : memref<80x64xi32, #tpu.memory_space<vmem>>, vector<16xi32>,
        %bitcast3A_276 = vector.bitcast %get3A_275 : vector<16xi32> to vector<32xbf16>
        %get3A_277 = arith.index_cast %squeeze3A_256 : i32 to index
        %get3A_278 = arith.constant 16 : index
        %get3A_279 = tpu.vector_load %arg12[%get3A_277, %get3A_278] {strides = array<i32>} : memref<500x64xi32, #tpu.memory_space<vmem>>, vector<16xi32>,
        %bitcast3A_280 = vector.bitcast %get3A_279 : vector<16xi32> to vector<32xbf16>
        %get3A_281 = arith.index_cast %add3A_254 : i32 to index
        %get3A_282 = arith.constant 16 : index
        %get3A_283 = tpu.vector_load %arg16[%get3A_281, %get3A_282] {strides = array<i32>} : memref<80x64xi32, #tpu.memory_space<vmem>>, vector<16xi32>,
        %bitcast3A_284 = vector.bitcast %get3A_283 : vector<16xi32> to vector<32xbf16>
        %mul3A_285 = arith.mulf %bitcast3A_276, %bitcast3A_280 : vector<32xbf16>
        %mul3A_286 = arith.mulf %mul3A_285, %bitcast3A_284 : vector<32xbf16>
        %unpack3A_287 = tpu.unpack_subelements %mul3A_286, 0 {pack_format = #tpu.pack_format<interleaved>} : vector<32xbf16> -> vector<16xf32>
        %unpack3A_288 = tpu.unpack_subelements %mul3A_286, 1 {pack_format = #tpu.pack_format<interleaved>} : vector<32xbf16> -> vector<16xf32>
        %get3A_289 = arith.index_cast %add3A_254 : i32 to index
        %get3A_290 = arith.constant 32 : index
        %get3A_291 = tpu.vector_load %arg15[%get3A_289, %get3A_290] {strides = array<i32>} : memref<80x64xi32, #tpu.memory_space<vmem>>, vector<16xi32>,
        %bitcast3A_292 = vector.bitcast %get3A_291 : vector<16xi32> to vector<32xbf16>
        %get3A_293 = arith.index_cast %squeeze3A_256 : i32 to index
        %get3A_294 = arith.constant 32 : index
        %get3A_295 = tpu.vector_load %arg12[%get3A_293, %get3A_294] {strides = array<i32>} : memref<500x64xi32, #tpu.memory_space<vmem>>, vector<16xi32>,
        %bitcast3A_296 = vector.bitcast %get3A_295 : vector<16xi32> to vector<32xbf16>
        %get3A_297 = arith.index_cast %add3A_254 : i32 to index
        %get3A_298 = arith.constant 32 : index
        %get3A_299 = tpu.vector_load %arg16[%get3A_297, %get3A_298] {strides = array<i32>} : memref<80x64xi32, #tpu.memory_space<vmem>>, vector<16xi32>,
        %bitcast3A_300 = vector.bitcast %get3A_299 : vector<16xi32> to vector<32xbf16>
        %mul3A_301 = arith.mulf %bitcast3A_292, %bitcast3A_296 : vector<32xbf16>
        %mul3A_302 = arith.mulf %mul3A_301, %bitcast3A_300 : vector<32xbf16>
        %unpack3A_303 = tpu.unpack_subelements %mul3A_302, 0 {pack_format = #tpu.pack_format<interleaved>} : vector<32xbf16> -> vector<16xf32>
        %unpack3A_304 = tpu.unpack_subelements %mul3A_302, 1 {pack_format = #tpu.pack_format<interleaved>} : vector<32xbf16> -> vector<16xf32>
        %get3A_305 = arith.index_cast %add3A_254 : i32 to index
        %get3A_306 = arith.constant 48 : index
        %get3A_307 = tpu.vector_load %arg15[%get3A_305, %get3A_306] {strides = array<i32>} : memref<80x64xi32, #tpu.memory_space<vmem>>, vector<16xi32>,
        %bitcast3A_308 = vector.bitcast %get3A_307 : vector<16xi32> to vector<32xbf16>
        %get3A_309 = arith.index_cast %squeeze3A_256 : i32 to index
        %get3A_310 = arith.constant 48 : index
        %get3A_311 = tpu.vector_load %arg12[%get3A_309, %get3A_310] {strides = array<i32>} : memref<500x64xi32, #tpu.memory_space<vmem>>, vector<16xi32>,
        %bitcast3A_312 = vector.bitcast %get3A_311 : vector<16xi32> to vector<32xbf16>
        %get3A_313 = arith.index_cast %add3A_254 : i32 to index
        %get3A_314 = arith.constant 48 : index
        %get3A_315 = tpu.vector_load %arg16[%get3A_313, %get3A_314] {strides = array<i32>} : memref<80x64xi32, #tpu.memory_space<vmem>>, vector<16xi32>,
        %bitcast3A_316 = vector.bitcast %get3A_315 : vector<16xi32> to vector<32xbf16>
        %mul3A_317 = arith.mulf %bitcast3A_308, %bitcast3A_312 : vector<32xbf16>
        %mul3A_318 = arith.mulf %mul3A_317, %bitcast3A_316 : vector<32xbf16>
        %unpack3A_319 = tpu.unpack_subelements %mul3A_318, 0 {pack_format = #tpu.pack_format<interleaved>} : vector<32xbf16> -> vector<16xf32>
        %unpack3A_320 = tpu.unpack_subelements %mul3A_318, 1 {pack_format = #tpu.pack_format<interleaved>} : vector<32xbf16> -> vector<16xf32>
        %add3A_321 = arith.addf %unpack3A_271, %unpack3A_272 : vector<16xf32>
        %add3A_322 = arith.addf %unpack3A_287, %unpack3A_288 : vector<16xf32>
        %add3A_323 = arith.addf %unpack3A_303, %unpack3A_304 : vector<16xf32>
        %add3A_324 = arith.addf %unpack3A_319, %unpack3A_320 : vector<16xf32>
        %add3A_325 = arith.addf %add3A_321, %add3A_322 : vector<16xf32>
        %add3A_326 = arith.addf %add3A_323, %add3A_324 : vector<16xf32>
        %add3A_327 = arith.addf %add3A_325, %add3A_326 : vector<16xf32>
        %reduce_sum3A_328 = arith.constant true
        %reduce_sum3A_329 = vector.broadcast %reduce_sum3A_328 : i1 to vector<16xi1>
        %reduce_sum3A_330 = tpu.scan <sum>, %add3A_327 masked %reduce_sum3A_329 : vector<16xf32>, vector<16xi1> -> vector<16xf32>
        %reduce_sum3A_331 = vector.extract %reduce_sum3A_330[15] : f32 from vector<16xf32>
        %eq3A_332 = vector.broadcast %add3A_253 : i32 to vector<16xi32>
        %eq3A_333 = arith.cmpi eq, %iota3A, %eq3A_332 : vector<16xi32>
        %broadcast_in_dim3A_334 = vector.broadcast %reduce_sum3A_331 : f32 to vector<16xf32>
        %select_n3A_335 = arith.select %eq3A_333, %broadcast_in_dim3A_334, %select_n3A_249 : vector<16xi1>, vector<16xf32>
        %mul3A_336 = arith.constant 4 : i32
        %mul3A_337 = arith.muli %scan3A_75, %mul3A_336 : i32
        %add3A_338 = arith.constant 3 : i32
        %add3A_339 = arith.addi %mul3A_337, %add3A_338 : i32
        %add3A_340 = arith.addi %mul3A_64, %add3A_339 : i32
        %slice3A_341 = vector.extract_strided_slice %unpack3A_83 {offsets = [1], sizes = [1], strides = [1]} : vector<16xi32> to vector<1xi32>
        %squeeze3A_342 = vector.extract %slice3A_341[0] : i32 from vector<1xi32>
        %get3A_343 = arith.index_cast %add3A_340 : i32 to index
        %get3A_344 = arith.constant 0 : index
        %get3A_345 = tpu.vector_load %arg15[%get3A_343, %get3A_344] {strides = array<i32>} : memref<80x64xi32, #tpu.memory_space<vmem>>, vector<16xi32>,
        %bitcast3A_346 = vector.bitcast %get3A_345 : vector<16xi32> to vector<32xbf16>
        %get3A_347 = arith.index_cast %squeeze3A_342 : i32 to index
        %get3A_348 = arith.constant 0 : index
        %get3A_349 = tpu.vector_load %arg12[%get3A_347, %get3A_348] {strides = array<i32>} : memref<500x64xi32, #tpu.memory_space<vmem>>, vector<16xi32>,
        %bitcast3A_350 = vector.bitcast %get3A_349 : vector<16xi32> to vector<32xbf16>
        %get3A_351 = arith.index_cast %add3A_340 : i32 to index
        %get3A_352 = arith.constant 0 : index
        %get3A_353 = tpu.vector_load %arg16[%get3A_351, %get3A_352] {strides = array<i32>} : memref<80x64xi32, #tpu.memory_space<vmem>>, vector<16xi32>,
        %bitcast3A_354 = vector.bitcast %get3A_353 : vector<16xi32> to vector<32xbf16>
        %mul3A_355 = arith.mulf %bitcast3A_346, %bitcast3A_350 : vector<32xbf16>
        %mul3A_356 = arith.mulf %mul3A_355, %bitcast3A_354 : vector<32xbf16>
        %unpack3A_357 = tpu.unpack_subelements %mul3A_356, 0 {pack_format = #tpu.pack_format<interleaved>} : vector<32xbf16> -> vector<16xf32>
        %unpack3A_358 = tpu.unpack_subelements %mul3A_356, 1 {pack_format = #tpu.pack_format<interleaved>} : vector<32xbf16> -> vector<16xf32>
        %get3A_359 = arith.index_cast %add3A_340 : i32 to index
        %get3A_360 = arith.constant 16 : index
        %get3A_361 = tpu.vector_load %arg15[%get3A_359, %get3A_360] {strides = array<i32>} : memref<80x64xi32, #tpu.memory_space<vmem>>, vector<16xi32>,
        %bitcast3A_362 = vector.bitcast %get3A_361 : vector<16xi32> to vector<32xbf16>
        %get3A_363 = arith.index_cast %squeeze3A_342 : i32 to index
        %get3A_364 = arith.constant 16 : index
        %get3A_365 = tpu.vector_load %arg12[%get3A_363, %get3A_364] {strides = array<i32>} : memref<500x64xi32, #tpu.memory_space<vmem>>, vector<16xi32>,
        %bitcast3A_366 = vector.bitcast %get3A_365 : vector<16xi32> to vector<32xbf16>
        %get3A_367 = arith.index_cast %add3A_340 : i32 to index
        %get3A_368 = arith.constant 16 : index
        %get3A_369 = tpu.vector_load %arg16[%get3A_367, %get3A_368] {strides = array<i32>} : memref<80x64xi32, #tpu.memory_space<vmem>>, vector<16xi32>,
        %bitcast3A_370 = vector.bitcast %get3A_369 : vector<16xi32> to vector<32xbf16>
        %mul3A_371 = arith.mulf %bitcast3A_362, %bitcast3A_366 : vector<32xbf16>
        %mul3A_372 = arith.mulf %mul3A_371, %bitcast3A_370 : vector<32xbf16>
        %unpack3A_373 = tpu.unpack_subelements %mul3A_372, 0 {pack_format = #tpu.pack_format<interleaved>} : vector<32xbf16> -> vector<16xf32>
        %unpack3A_374 = tpu.unpack_subelements %mul3A_372, 1 {pack_format = #tpu.pack_format<interleaved>} : vector<32xbf16> -> vector<16xf32>
        %get3A_375 = arith.index_cast %add3A_340 : i32 to index
        %get3A_376 = arith.constant 32 : index
        %get3A_377 = tpu.vector_load %arg15[%get3A_375, %get3A_376] {strides = array<i32>} : memref<80x64xi32, #tpu.memory_space<vmem>>, vector<16xi32>,
        %bitcast3A_378 = vector.bitcast %get3A_377 : vector<16xi32> to vector<32xbf16>
        %get3A_379 = arith.index_cast %squeeze3A_342 : i32 to index
        %get3A_380 = arith.constant 32 : index
        %get3A_381 = tpu.vector_load %arg12[%get3A_379, %get3A_380] {strides = array<i32>} : memref<500x64xi32, #tpu.memory_space<vmem>>, vector<16xi32>,
        %bitcast3A_382 = vector.bitcast %get3A_381 : vector<16xi32> to vector<32xbf16>
        %get3A_383 = arith.index_cast %add3A_340 : i32 to index
        %get3A_384 = arith.constant 32 : index
        %get3A_385 = tpu.vector_load %arg16[%get3A_383, %get3A_384] {strides = array<i32>} : memref<80x64xi32, #tpu.memory_space<vmem>>, vector<16xi32>,
        %bitcast3A_386 = vector.bitcast %get3A_385 : vector<16xi32> to vector<32xbf16>
        %mul3A_387 = arith.mulf %bitcast3A_378, %bitcast3A_382 : vector<32xbf16>
        %mul3A_388 = arith.mulf %mul3A_387, %bitcast3A_386 : vector<32xbf16>
        %unpack3A_389 = tpu.unpack_subelements %mul3A_388, 0 {pack_format = #tpu.pack_format<interleaved>} : vector<32xbf16> -> vector<16xf32>
        %unpack3A_390 = tpu.unpack_subelements %mul3A_388, 1 {pack_format = #tpu.pack_format<interleaved>} : vector<32xbf16> -> vector<16xf32>
        %get3A_391 = arith.index_cast %add3A_340 : i32 to index
        %get3A_392 = arith.constant 48 : index
        %get3A_393 = tpu.vector_load %arg15[%get3A_391, %get3A_392] {strides = array<i32>} : memref<80x64xi32, #tpu.memory_space<vmem>>, vector<16xi32>,
        %bitcast3A_394 = vector.bitcast %get3A_393 : vector<16xi32> to vector<32xbf16>
        %get3A_395 = arith.index_cast %squeeze3A_342 : i32 to index
        %get3A_396 = arith.constant 48 : index
        %get3A_397 = tpu.vector_load %arg12[%get3A_395, %get3A_396] {strides = array<i32>} : memref<500x64xi32, #tpu.memory_space<vmem>>, vector<16xi32>,
        %bitcast3A_398 = vector.bitcast %get3A_397 : vector<16xi32> to vector<32xbf16>
        %get3A_399 = arith.index_cast %add3A_340 : i32 to index
        %get3A_400 = arith.constant 48 : index
        %get3A_401 = tpu.vector_load %arg16[%get3A_399, %get3A_400] {strides = array<i32>} : memref<80x64xi32, #tpu.memory_space<vmem>>, vector<16xi32>,
        %bitcast3A_402 = vector.bitcast %get3A_401 : vector<16xi32> to vector<32xbf16>
        %mul3A_403 = arith.mulf %bitcast3A_394, %bitcast3A_398 : vector<32xbf16>
        %mul3A_404 = arith.mulf %mul3A_403, %bitcast3A_402 : vector<32xbf16>
        %unpack3A_405 = tpu.unpack_subelements %mul3A_404, 0 {pack_format = #tpu.pack_format<interleaved>} : vector<32xbf16> -> vector<16xf32>
        %unpack3A_406 = tpu.unpack_subelements %mul3A_404, 1 {pack_format = #tpu.pack_format<interleaved>} : vector<32xbf16> -> vector<16xf32>
        %add3A_407 = arith.addf %unpack3A_357, %unpack3A_358 : vector<16xf32>
        %add3A_408 = arith.addf %unpack3A_373, %unpack3A_374 : vector<16xf32>
        %add3A_409 = arith.addf %unpack3A_389, %unpack3A_390 : vector<16xf32>
        %add3A_410 = arith.addf %unpack3A_405, %unpack3A_406 : vector<16xf32>
        %add3A_411 = arith.addf %add3A_407, %add3A_408 : vector<16xf32>
        %add3A_412 = arith.addf %add3A_409, %add3A_410 : vector<16xf32>
        %add3A_413 = arith.addf %add3A_411, %add3A_412 : vector<16xf32>
        %reduce_sum3A_414 = arith.constant true
        %reduce_sum3A_415 = vector.broadcast %reduce_sum3A_414 : i1 to vector<16xi1>
        %reduce_sum3A_416 = tpu.scan <sum>, %add3A_413 masked %reduce_sum3A_415 : vector<16xf32>, vector<16xi1> -> vector<16xf32>
        %reduce_sum3A_417 = vector.extract %reduce_sum3A_416[15] : f32 from vector<16xf32>
        %eq3A_418 = vector.broadcast %add3A_339 : i32 to vector<16xi32>
        %eq3A_419 = arith.cmpi eq, %iota3A, %eq3A_418 : vector<16xi32>
        %broadcast_in_dim3A_420 = vector.broadcast %reduce_sum3A_417 : f32 to vector<16xf32>
        %select_n3A_421 = arith.select %eq3A_419, %broadcast_in_dim3A_420, %select_n3A_335 : vector<16xi1>, vector<16xf32>
        scf.yield %select_n3A_421 : vector<16xf32>
      }
      %scan3A_71 = arith.constant 4 : i32
      %add3A_72 = arith.constant 9920 : i32
      %add3A_73 = arith.addi %add3A_72, %mul3A_64 : i32
      %swap3A = arith.index_cast %add3A_73 : i32 to index
      %swap3A_74 = tpu.vector_load %arg11[%swap3A] {strides = array<i32>} : memref<10000xf32, #tpu.memory_space<vmem>>, vector<16xf32>,
      tpu.vector_store %arg11[%swap3A], %scan3A_70 {strides = array<i32>} : memref<10000xf32, #tpu.memory_space<vmem>>, vector<16xf32>,
    }
    %scan3A_61 = arith.constant 5 : i32
    "tpu.region"() ({
      %run_scoped3A = tpu.sem_alloc : memref<!tpu.dma_semaphore, #tpu.memory_space<semaphore_mem>>
      %dma_start3A_62 = tpu.memref_slice %arg7[%mul3A_2] : memref<320000xf32, #tpu.memory_space<hbm>> -> memref<10000xf32, #tpu.memory_space<hbm>>
      %dma_start3A_63 = tpu.memref_slice %arg7[%mul3A_2] : memref<320000xf32, #tpu.memory_space<hbm>> -> memref<10000xf32, #tpu.memory_space<hbm>>
      tpu.enqueue_dma source(%arg11 : memref<10000xf32, #tpu.memory_space<vmem>>) target(%dma_start3A_63 : memref<10000xf32, #tpu.memory_space<hbm>>) target_semaphore(%run_scoped3A : memref<!tpu.dma_semaphore, #tpu.memory_space<semaphore_mem>>)
      %dma_wait3A_64 = tpu.memref_slice %arg7[%mul3A_2] : memref<320000xf32, #tpu.memory_space<hbm>> -> memref<10000xf32, #tpu.memory_space<hbm>>
      %dma_wait3A_65 = tpu.memref_slice %arg7[%mul3A_2] : memref<320000xf32, #tpu.memory_space<hbm>> -> memref<10000xf32, #tpu.memory_space<hbm>>
      tpu.wait_dma2 semaphore(%run_scoped3A : memref<!tpu.dma_semaphore, #tpu.memory_space<semaphore_mem>>) src(%arg11 : memref<10000xf32, #tpu.memory_space<vmem>>) dst(%dma_wait3A_65 : memref<10000xf32, #tpu.memory_space<hbm>>)
      tpu.yield
    }) : () -> ()
    return
  }
}

</mosaic_0001>

<sc_bundles>
// kernel: kernel.3.cloned.1.call-start
scs
__scs_entry_jumppad:
0x0: {  	(pc) =	sbr.rel $0x88, $3  }
0x1: {  	(tag) =	ssettag $0x0;
	lr =	simm.s32 $0x1  }
0x2: {  	[smem:$0x3F9D] =	sst lr;
	_ =	strace $0xD0000000  }
0x3: {  	_ = 	snop  }
0x4: {  	_ = 	snop  }
0x5: {  	_ = 	snop  }
0x6: {  	_ = 	snop  }
0x7: {  	_ = 	snop  }
__scs_overlays_trampoline_lowered:
0x8: {  	[smem:$0x3FAC] =	sst s0  }
0x9: {  	[smem:$0x3FAD] =	sst s1  }
0xa: {  	[smem:$0x3FAE] =	sst s2  }
0xb: {  	[smem:$0x3FAF] =	sst s3  }
0xc: {  	[smem:$0x3FB0] =	sst s4  }
0xd: {  	[smem:$0x3FB1] =	sst s5  }
0xe: {  	[smem:$0x3FB2] =	sst s6  }
0xf: {  	[smem:$0x3FB3] =	sst s7  }
0x10: {  	[smem:$0x3FB4] =	sst s8  }
0x11: {  	[smem:$0x3FB5] =	sst s9;
	s0 =	simm.s32 @!p0 $0x0  }
0x12: {  	s1 =	sld [smem:$0x3F9B];
	s0 =	simm.s32 @p0 $0x1  }
0x13: {  	[smem:$0x3FB6] =	sst s0;
	s0 =	simm.s32 @!p1 $0x0  }
0x14: {  	s2 =	sld [smem:$0x3F9A];
	s0 =	simm.s32 @p1 $0x1  }
0x15: {  	[smem:$0x3FB7] =	sst s0;
	s0 =	simm.s32 @!p2 $0x0  }
0x16: {  	s3 =	sld [smem:$0x3FDB];
	s0 =	simm.s32 @p2 $0x1  }
0x17: {  	s4 =	simm.s32 $0x1BF5;
	[smem:$0x3FB9] =	sst s0  }
0x18: {  	s0 =	sld [smem:$0x3F9C];
	_ =	swait.ge [sflag:s4], $0x0  }
0x19: {  	s7 =	sld [smem:$0x3F9D]  }
0x1a: {  	s8 =	sadd.s32 $0xFFFFE003, lr  }
0x1b: {  	s9 =	sadd.s32 $0xFFFFFEF7, lr;
	s5 =	simm.s32 $0xFFFFFFFF;
	p2 =	slt.u32 s8, $0xFFFFF086  }
0x1c: {  	p1 =	slt.u32 s9, $0xF7A;
	s5 =	simm.s32 @!p2 $0x0  }
0x1d: {  	s5 =	simm.s32 @p1 $0x1;
	p0 =	seq.s32 s7, s2  }
0x1e: {  	s7 =	smul.u32 @!p0 $0xF7A, s2;
	p2 =	seq.s32 @!p0 s5, $0x0  }
0x1f: {  	s9 =	smul.u32 $0xF7A, s1;
	s8 =	simm.s32 @!p0 $0x1BF5;
	p2 =	por !p2, p0  }
0x20: {  	[sflag:s8] =	ssyncset.s32 @!p0 $0xFFFFF086;
	s6 =	sadd.s32 @!p0 s3, s7;
	s7 =	simm.s32 @!p0 $0x108  }
0x21: {  	s3 =	sadd.s32 s3, s9;
	s6 =	sadd.s32 @!p0 $0x88, s6;
	s7 =	simm.s32 @p2 $0x1082  }
0x22: {  	[simem:s7], [sflag:s8] =	dma.local @!p0 [hbm:s6], $0xF7A  }
0x23: {  	s9 =	sor.u32 $0xD0000000, s2;
	s6 =	simm.s32 $0x108;
	_ =	swait.ge @!p0 [sflag:s8], $0x0  }
0x24: {  	s3 =	sadd.s32 $0x88, s3;
	s6 =	simm.s32 @!p1 $0x1082;
	[sflag:s4] =	ssyncset.s32 $0xFFFFF086  }
0x25: {  	[simem:s6], [sflag:s4] =	dma.local [hbm:s3], $0xF7A  }
0x26: {  	[smem:$0x3F9D] =	sst s1;
	(tag) =	ssettag s2;
	_ =	strace s9  }
0x27: {  	s1 =	sld [smem:$0x3FAD]  }
0x28: {  	s2 =	sld [smem:$0x3FAE]  }
0x29: {  	s4 =	sld [smem:$0x3FB0]  }
0x2a: {  	p0 =	seq.s32 s5, $0x0;
	s5 =	sld [smem:$0x3FB1]  }
0x2b: {  	s6 =	sld [smem:$0x3FB2]  }
0x2c: {  	s7 =	sld [smem:$0x3FB3]  }
0x2d: {  	s3 =	simm.s32 $0x108;
	s8 =	sld [smem:$0x3FB4]  }
0x2e: {  	s3 =	simm.s32 @!p0 $0x1082;
	s9 =	sld [smem:$0x3FB5]  }
0x2f: {  	lr =	sadd.s32 s0, s3;
	s0 =	sld [smem:$0x3FAC]  }
0x30: {  	s3 =	sld [smem:$0x3FAF]  }
0x31: {  	[smem:$0x3FB8] =	sst s10  }
0x32: {  	s10 =	sld [smem:$0x3FB6];
	_ =	sdelay $0x3  }
0x33: {  	p0 =	seq.s32 s10, $0x1;
	s10 =	sld [smem:$0x3FB8];
	_ =	sdelay $0x3  }
0x34: {  	[smem:$0x3FB8] =	sst s10  }
0x35: {  	s10 =	sld [smem:$0x3FB7];
	_ =	sdelay $0x3  }
0x36: {  	p1 =	seq.s32 s10, $0x1;
	s10 =	sld [smem:$0x3FB8];
	_ =	sdelay $0x3  }
0x37: {  	[smem:$0x3FB8] =	sst s10  }
0x38: {  	s10 =	sld [smem:$0x3FB9]  }
0x39: {  	_ = 	snop;
	(pc) =	sbr.ind lr, $3  }
0x3a: {  	_ = 	snop  }
0x3b: {  	_ = 	snop  }
0x3c: {  	p2 =	seq.s32 s10, $0x1;
	s10 =	sld [smem:$0x3FB8]  }
0x3d: {  	_ =	shalt  }
0x3e: {  	_ =	shalt  }
0x3f: {  	_ =	shalt  }
0x40: {  	_ =	shalt  }
0x41: {  	_ =	shalt  }
0x42: {  	_ =	shalt  }
0x43: {  	_ =	shalt  }
0x44: {  	_ =	shalt  }
0x45: {  	_ =	shalt  }
0x46: {  	_ =	shalt  }
0x47: {  	_ =	shalt  }
0x48: {  	_ =	shalt  }
0x49: {  	_ =	shalt  }
0x4a: {  	_ =	shalt  }
0x4b: {  	_ =	shalt  }
0x4c: {  	_ =	shalt  }
0x4d: {  	_ =	shalt  }
0x4e: {  	_ =	shalt  }
0x4f: {  	_ =	shalt  }
0x50: {  	_ =	shalt  }
0x51: {  	_ =	shalt  }
0x52: {  	_ =	shalt  }
0x53: {  	_ =	shalt  }
0x54: {  	_ =	shalt  }
0x55: {  	_ =	shalt  }
0x56: {  	_ =	shalt  }
0x57: {  	_ =	shalt  }
0x58: {  	_ =	shalt  }
0x59: {  	_ =	shalt  }
0x5a: {  	_ =	shalt  }
0x5b: {  	_ =	shalt  }
0x5c: {  	_ =	shalt  }
0x5d: {  	_ =	shalt  }
0x5e: {  	_ =	shalt  }
0x5f: {  	_ =	shalt  }
0x60: {  	_ =	shalt  }
0x61: {  	_ =	shalt  }
0x62: {  	_ =	shalt  }
0x63: {  	_ =	shalt  }
0x64: {  	_ =	shalt  }
0x65: {  	_ =	shalt  }
0x66: {  	_ =	shalt  }
0x67: {  	_ =	shalt  }
0x68: {  	_ =	shalt  }
0x69: {  	_ =	shalt  }
0x6a: {  	_ =	shalt  }
0x6b: {  	_ =	shalt  }
0x6c: {  	_ =	shalt  }
0x6d: {  	_ =	shalt  }
0x6e: {  	_ =	shalt  }
0x6f: {  	_ =	shalt  }
0x70: {  	_ =	shalt  }
0x71: {  	_ =	shalt  }
0x72: {  	_ =	shalt  }
0x73: {  	_ =	shalt  }
0x74: {  	_ =	shalt  }
0x75: {  	_ =	shalt  }
0x76: {  	_ =	shalt  }
0x77: {  	_ =	shalt  }
0x78: {  	_ =	shalt  }
0x79: {  	_ =	shalt  }
0x7a: {  	_ =	shalt  }
0x7b: {  	_ =	shalt  }
0x7c: {  	_ =	shalt  }
0x7d: {  	_ =	shalt  }
0x7e: {  	_ =	shalt  }
0x7f: {  	_ =	shalt  }
0x80: {  	_ =	shalt  }
0x81: {  	_ =	shalt  }
0x82: {  	_ =	shalt  }
0x83: {  	_ =	shalt  }
0x84: {  	_ =	shalt  }
0x85: {  	_ =	shalt  }
0x86: {  	_ =	shalt  }
0x87: {  	_ =	shalt  }
.Lfunc_end0:
.L_simem_size_0:
called_computation_lowered:
.L_overlay_start_0:
0x88: {  	s2 =	sld [smem:$0x3FD9]  }
0x89: {  	s3 =	sld [smem:$0x3FFE];
	_ =	sdelay $0x1  }
0x8a: {  	s1 =	srdreg.scid  }
0x8b: {  	s0 =	sand.u32 $0x1, s1  }
0x8c: {  	s17 =	sshll.u32 s0, $0xA;
	s2 =	sadd.s32 s3, s2  }
0x8d: {  	s2 =	sadd.s32 s2, s17  }
0x8e: {  	[smem:$0x3FC4] =	sst s2  }
0x8f: {  	_ = 	snop  }
0x90: {  	s2 =	sld [smem:$0x3FD0];
	(tm) =	ssettm $0x1  }
0x91: {  	s18 =	sld [smem:$0x3FFB];
	_ =	sdelay $0x3  }
0x92: {  	_ =	strace s18  }
0x93: {  	s3 =	sld [smem:$0x3FFC];
	_ =	sdelay $0x3  }
0x94: {  	_ =	strace s3  }
0x95: {  	s3 =	sld [smem:$0x3FFD];
	_ =	sdelay $0x3  }
0x96: {  	_ =	strace s3  }
0x97: {  	_ =	strace $0x8FFFFFFF  }
0x98: {  	s19 =	sld [smem:$0x3FDB];
	_ =	sdelay $0x1  }
0x99: {  	s4 =	simm.s32 $_scs_section_size  }
0x9a: {  	s5 =	simm.s32 $_size__tile_overlayer_lowered;
	s6 =	simm.s32 $_tile_overlayer_lowered  }
0x9b: {  	s22 =	simm.s32 $0x1BFF;
	s21 =	sshll.u32 s6, $0x1;
	s3 =	sadd.s32 s4, s19  }
0x9c: {  	s7 =	simm.s32 $0x0;
	s20 =	sshll.u32 s5, $0x1;
	s5 =	sadd.s32 s21, s3  }
0x9d: {  	[timem:s7], [sflag:s22] =	dma.local [hbm:s5], s20  }
0x9e: {  	_ =	swait.ge [sflag:s22], s20  }
0x9f: {  	s4 =	ssub.s32 $0x0, s20;
	[sflag:s22] =	ssyncset.done $0x0  }
0xa0: {  	[sflag:s22] =	ssyncadd.s32 s4;
	_ =	sdelay $0x1  }
0xa1: {  	s23 =	simm.s32 $0x1B8B  }
0xa2: {  	_ =	swait.ge [sflag:s23], $0x1  }
0xa3: {  	[sflag:s23] =	ssyncset.done $0x0  }
0xa4: {  	s25 =	simm.s32 $0x1B8E;
	s24 =	sld [smem:$0x3FFE];
	[sflag:s23] =	ssyncadd.s32 $0xFFFFFFFF  }
0xa5: {  	s26 =	simm.s32 $execute0_lowered;
	[smem:$0x3FD2] =	sst s25  }
0xa6: {  	s5 =	sshll.u32 s26, $0x1;
	_ =	strace $0x80000046;
	[dreg:$0x1] =	wrdreg $0xFFFFFFFF  }
0xa7: {  	s28 =	simm.s32 $_size_execute0_lowered;
	s3 =	sadd.s32 s3, s5;
	[dreg:$0x0] =	wrdreg $0x0  }
0xa8: {  	s5 =	sshll.u32 s28, $0x1;
	[dreg:$0x2] =	wrdreg s3  }
0xa9: {  	[dreg:$0x3] =	wrdreg s5  }
0xaa: {  	[dreg:$0x4] =	wrdreg $0xC0  }
0xab: {  	_ =	task [dreg:s7], $0x5FFFF  }
0xac: {  	[dreg:$0x1] =	wrdreg $0xFFFFFFFF  }
0xad: {  	[dreg:$0x0] =	wrdreg $0x60  }
0xae: {  	[dreg:$0x2] =	wrdreg s24  }
0xaf: {  	[dreg:$0x3] =	wrdreg s2  }
0xb0: {  	[dreg:$0x4] =	wrdreg $0x9  }
0xb1: {  	_ =	task.clear_ibuf [dreg:s7], $0x5FFFF;
	_ =	strace $0x90000046  }
0xb2: {  	s29 =	simm.s32 $0x9;
	_ =	strace $0x80000048  }
0xb3: {  	_ =	swait.ge [sflag:s29], $0x1  }
0xb4: {  	[sflag:s29] =	ssyncadd.s32 $0xFFFFFFFF  }
0xb5: {  	_ =	strace $0x90000048  }
0xb6: {  	_ =	sfence  }
0xb7: {  	s30 =	sld [smem:$0x0];
	_ =	sdelay $0x2  }
0xb8: {  	s31 =	sshll.u32 s1, $0xD;
	s1 =	sshrl.u32 s1, $0x2  }
0xb9: {  	s3 =	sand.u32 $0x4000, s31;
	s1 =	sadd.s32 s1, s30  }
0xba: {  	s0 =	sor.u32 s3, s0;
	s1 =	sshll.u32 s1, $0x11  }
0xbb: {  	s0 =	sor.u32 s1, s0  }
0xbc: {  	s0 =	sadd.s32 $0x8F2B, s0  }
0xbd: {  	[sflag:s0] =	ssyncadd.remote.s32 $0x1  }
0xbe: {  	_ =	sfence.sel $0xFFFF  }
0xbf: {  	[dreg:$0x0] =	wrdreg $0xFFFFFFFF;
	(pc) =	sbr.abs _section_cstart, $3  }
0xc0: {  	[dreg:$0x1] =	wrdreg $0xFFFFFFFF  }
0xc1: {  	_ =	task.clear_ibuf [dreg:s7], $0x2FFFF;
	_ =	strace $0x9FFFFFFF  }
0xc2: {  	(tm) =	ssettm $0x7FFFFFFF  }
0xc3: {  	_ =	shalt  }
tec
execute0_lowered:
.L_overlay_start_1:
0x0: {  	(tag) =	ssettag $0x1  }
0x1: {  	s0 =	srdreg.scid  }
0x2: {  	s1 =	stileid.u32;
	s2 =	rddreg [dreg:$0x0]  }
0x3: {  	s4 =	rddreg [dreg:$0x1];
	s8 =	simm.s32 $0x0;
	s13 =	simm.s32 $0x50  }
0x4: {  	s21 =	simm.s32 $0x1;
	s0 =	sand.u32 $0x1, s0;
	s1 =	sshll.u32 s1, $0x1  }
0x5: {  	s22 =	simm.s32 $0x2;
	s23 =	simm.s32 $0x3;
	s1 =	sor.u32 s0, s1  }
0x6: {  	[smem:$0x7FF] =	sst s8;
	s0 =	ssub.s32 $0x2, s0;
	s1 =	smul.u32 $0x2710, s1  }
0x7: {  	s6 =	sadd.s32 $0x2C600, s2;
	_ =	strace $0x80000047;
	s30 =	sshrl.u32 s0, $0x1  }
0x8: {  	[dreg:$0x3] =	wrdreg s6;
	s0 =	ssub.s32 s0, s30;
	s3 =	sshrl.u32 s1, $0x4  }
0x9: {  	s1 =	sshrl.u32 s1, $0x3;
	s0 =	smax.u32 s0, $0x1;
	s5 =	sadd.s32 s3, s2  }
0xa: {  	s3 =	sadd.s32 $0x13C00, s2;
	s2 =	sadd.s32 s2, s1;
	[dreg:$0x8] =	wrdreg s0  }
0xb: {  	s24 =	simm.s32 $0x4;
	s1 =	sadd.s32 s4, s1;
	[dreg:$0x4] =	wrdreg s2  }
0xc: {  	s25 =	simm.s32 $0x5;
	s2 =	sadd.s32 $0x9E00, s2;
	[dreg:$0x7] =	wrdreg s1  }
0xd: {  	s26 =	simm.s32 $0x6;
	s31 =	sadd.s32 $0x27600, s5;
	[dreg:$0x5] =	wrdreg s2  }
0xe: {  	v0 =	vlaneseq.u32;
	s1 =	simm.s32 $0x7;
	[dreg:$0x6] =	wrdreg s31;
	s2 =	simm.s32 $0x0  }
.LBB2_1:
0xf: {  	[dreg:$0x9] =	wrdreg s2  }
0x10: {  	s0 =	rddreg [dreg:$0x5]  }
0x11: {  	[tilespmem:s8], [sflag:$0x7] =	stream.linear.gather [hbm4b:s0+s8], $0x2710, $0x38;
	[tilespmem:$0x17DC8] =	vst v63  }
0x12: {  	_ =	swait.ge [sflag:s1], $0x2710  }
0x13: {  	[sflag:s1] =	ssyncset.done $0x0  }
0x14: {  	s16 =	simm.s32 $0x2710;
	s15 =	rddreg [dreg:$0x4];
	[sflag:s1] =	ssyncadd.s32 $0xFFFFD8F0  }
0x15: {  	[tilespmem:s16], [sflag:$0x7] =	stream.linear.gather [hbm4b:s15+s8], $0x2710, $0x38;
	[tilespmem:$0x17DC8] =	vst v63  }
0x16: {  	_ =	swait.ge [sflag:s1], $0x2710  }
0x17: {  	[sflag:s1] =	ssyncset.done $0x0  }
0x18: {  	s7 =	simm.s32 $0x4E20;
	s17 =	rddreg [dreg:$0x6];
	[sflag:s1] =	ssyncadd.s32 $0xFFFFD8F0  }
0x19: {  	[tilespmem:s7], [sflag:$0x7] =	stream.linear.gather [hbm4b:s17+s8], $0x1388, $0x38;
	[tilespmem:$0x17DC8] =	vst v63  }
0x1a: {  	_ =	swait.ge [sflag:s1], $0x1388  }
0x1b: {  	[sflag:s1] =	ssyncset.done $0x0  }
0x1c: {  	s4 =	simm.s32 $0x88C8;
	s18 =	rddreg [dreg:$0x3];
	[sflag:s1] =	ssyncadd.s32 $0xFFFFEC78  }
0x1d: {  	[tilespmem:s4], [sflag:$0x7] =	stream.linear.gather [hbm4b:s18+s8], $0x7D00, $0x38;
	[tilespmem:$0x17DC8] =	vst v63  }
0x1e: {  	_ =	swait.ge [sflag:s1], $0x7D00  }
0x1f: {  	[sflag:s1] =	ssyncset.done $0x0  }
0x20: {  	s19 =	simm.s32 $0x105C8;
	[sflag:s1] =	ssyncadd.s32 $0xFFFF8300  }
0x21: {  	[tilespmem:s19], [sflag:$0x1] =	stream.indirect.gather [hbm4b:s3+s13], $0x40, s8, s13, $0xb8;
	[tilespmem:$0x17DC8] =	vst v63  }
0x22: {  	s20 =	simm.s32 $0x119C8  }
0x23: {  	[tilespmem:s20], [sflag:$0x2] =	stream.indirect.gather [hbm4b:s3+s13], $0x40, s16, s13, $0xb8;
	[tilespmem:$0x17DC8] =	vst v63  }
0x24: {  	s28 =	simm.s32 $0x12DC8;
	s29 =	simm.s32 $0x2760;
	s30 =	simm.s32 $0x141C8  }
0x25: {  	[tilespmem:s28], [sflag:$0x3] =	stream.indirect.gather [hbm4b:s3+s13], $0x40, s13, s13, $0xb8;
	[tilespmem:$0x17DC8] =	vst v63  }
0x26: {  	s31 =	simm.s32 $0x4E48;
	s0 =	simm.s32 $0x0;
	s1 =	simm.s32 $0x4E70  }
0x27: {  	[tilespmem:s30], [sflag:$0x4] =	stream.indirect.gather [hbm4b:s3+s13], $0x40, s29, s13, $0xb8;
	[tilespmem:$0x17DC8] =	vst v63  }
.LBB2_2:
0x28: {  	s17 =	smul.u32 $0xF0, s0;
	_ =	sdelay $0x1  }
0x29: {  	s2 =	simm.s32 $0x155C8;
	s12 =	sadd.s32 $0xA0, s17  }
0x2a: {  	[tilespmem:s2], [sflag:$0x5] =	stream.indirect.gather [hbm4b:s3+s13], $0x40, s12, s13, $0xb8;
	[tilespmem:$0x17DC8] =	vst v63  }
0x2b: {  	s4 =	simm.s32 $0x169C8;
	s20 =	sadd.s32 $0x27B0, s17  }
0x2c: {  	[tilespmem:s4], [sflag:$0x6] =	stream.indirect.gather [hbm4b:s3+s13], $0x40, s20, s13, $0xb8;
	[tilespmem:$0x17DC8] =	vst v63  }
0x2d: {  	_ =	swait.ge [sflag:s21], $0x1400  }
0x2e: {  	s28 =	smul.u32 $0x3C0, s0;
	[sflag:s21] =	ssyncset.done $0x0  }
0x2f: {  	[sflag:s21] =	ssyncadd.s32 $0xFFFFEC00  }
0x30: {  	s11 =	simm.s32 $0x0;
	s29 =	sshra.s32 s28, $0x2;
	_ =	swait.ge [sflag:s22], $0x1400  }
0x31: {  	s6 =	simm.s32 $0x10648;
	s2 =	sadd.s32 $0x61B8, s29;
	[sflag:s22] =	ssyncset.done $0x0  }
0x32: {  	s30 =	smov.u32 s7;
	v1 =	vmov s2;
	s4 =	simm.s32 $0x11A48;
	[sflag:s22] =	ssyncadd.s32 $0xFFFFEC00  }
.LBB2_3:
0x33: {  	v3 =	vld [tilespmem:s4+$0x60]  }
0x34: {  	v2 =	vld [tilespmem:s30+$0x0]  }
0x35: {  	v4 =	vld [tilespmem:s4+$0x50]  }
0x36: {  	v5 =	vld [tilespmem:s6+$0x40]  }
0x37: {  	v8 =	vld [tilespmem:s4+$0x30]  }
0x38: {  	v6 =	vld [tilespmem:s6+$0x50]  }
0x39: {  	v9 =	vld [tilespmem:s6+$0x30];
	v7 =	vunpack.i.u.s16.s32 v2  }
0x3a: {  	v11 =	vld [tilespmem:s4+$0xFFFFFFD0];
	v2 =	vunpack.i.l.s16.s32 v2;
	v7 =	vshll.u32 v7, $0x8  }
0x3b: {  	v12 =	vld [tilespmem:s4+$0x10];
	v2 =	vshll.u32 v2, $0x8;
	v7 =	vshra.s32 v7, $0x2  }
0x3c: {  	v10 =	vld [tilespmem:s4+$0xFFFFFFE0];
	v2 =	vshra.s32 v2, $0x2;
	(v2sf) =	vpush v7, $0x1  }
0x3d: {  	v13 =	vld [tilespmem:s6+$0x20];
	(v2sf) =	vpush v2, $0x0  }
0x3e: {  	v14 =	vld [tilespmem:s4+$0x0]  }
0x3f: {  	v15 =	vld [tilespmem:s6+$0x10]  }
0x40: {  	v16 =	vld [tilespmem:s6+$0x0]  }
0x41: {  	v17 =	vld [tilespmem:s6+$0xFFFFFFE0];
	(v2sf) =	vpush v7, $0x0  }
0x42: {  	v18 =	vld [tilespmem:s4+$0xFFFFFFC0]  }
0x43: {  	v20 =	vld [tilespmem:s6+$0xFFFFFFC0];
	(v2sf) =	vpush v2, $0x1  }
0x44: {  	v21 =	vld [tilespmem:s6+$0xFFFFFFB0]  }
0x45: {  	v22 =	vld [tilespmem:s6+$0xFFFFFFA0]  }
0x46: {  	v23 =	vld [tilespmem:s4+$0xFFFFFF80]  }
0x47: {  	v24 =	vld [tilespmem:s6+$0xFFFFFF90]  }
0x48: {  	v25 =	vld [tilespmem:s6+$0xFFFFFF80]  }
0x49: {  	v26 =	vld [tilespmem:s6+$0x70]  }
0x4a: {  	v7 =	vld [tilespmem:s6+$0xFFFFFFD0]  }
0x4b: {  	v2 =	vld [tilespmem:s4+$0x70];
	s2 =	spop (v2sf)  }
0x4c: {  	v27 =	vld [tilespmem:s2+$0x88F8];
	s5 =	spop (v2sf)  }
0x4d: {  	v28 =	vld [tilespmem:s5+$0x88C8]  }
0x4e: {  	v29 =	vld [tilespmem:s5+$0x88D8]  }
0x4f: {  	v30 =	vld [tilespmem:s5+$0x88E8]  }
0x50: {  	s8 =	spop (v2sf);
	v31 =	vld [tilespmem:s5+$0x88F8]  }
0x51: {  	v32 =	vld [tilespmem:s8+$0x88C8]  }
0x52: {  	v33 =	vld [tilespmem:s8+$0x88D8];
	s20 =	spop (v2sf)  }
0x53: {  	v34 =	vld [tilespmem:s20+$0x88D8]  }
0x54: {  	v59 =	vld [tilespmem:s20+$0x88F8];
	v26 =	vmul.bf16 v27, v26  }
0x55: {  	v19 =	vld [tilespmem:s4+$0xFFFFFF90];
	v25 =	vmul.bf16 v28, v25;
	v30 =	vmul.bf16 v30, v22  }
0x56: {  	v27 =	vld [tilespmem:s8+$0x88E8];
	v21 =	vmul.bf16 v31, v21;
	v24 =	vmul.bf16 v29, v24  }
0x57: {  	v28 =	vld [tilespmem:s20+$0x88C8];
	v26 =	vmul.bf16 v2, v26;
	v20 =	vmul.bf16 v32, v20  }
0x58: {  	v22 =	vld [tilespmem:s20+$0x88E8];
	v29 =	vmul.bf16 v33, v7;
	v23 =	vmul.bf16 v23, v25  }
0x59: {  	v31 =	vld [tilespmem:s2+$0x88D8];
	v2 =	vimm.f32 $0.0e+00;
	v15 =	vmul.bf16 v34, v15;
	v9 =	vmul.bf16 v59, v9  }
0x5a: {  	v61 =	vld [tilespmem:s4+$0xFFFFFFA0];
	v25 =	vunpack.i.u.bf16.f32 v26;
	v26 =	vunpack.i.l.bf16.f32 v26;
	v18 =	vmul.bf16 v18, v20  }
0x5b: {  	v7 =	vadd.f32 v26, v25;
	v17 =	vmul.bf16 v27, v17;
	v25 =	vld [tilespmem:s2+$0x88C8];
	v15 =	vmul.bf16 v12, v15  }
0x5c: {  	v20 =	vunpack.i.u.bf16.f32 v23;
	v26 =	vld [tilespmem:s2+$0x88E8];
	v12 =	vmul.bf16 v19, v24;
	v8 =	vmul.bf16 v8, v9  }
0x5d: {  	v23 =	vunpack.i.l.bf16.f32 v23;
	v27 =	vld [tilespmem:s8+$0x88F8];
	v16 =	vmul.bf16 v28, v16;
	v28 =	vmul.bf16 v22, v13  }
0x5e: {  	v19 =	vld [tilespmem:s6+$0x60];
	v13 =	vmul.bf16 v10, v17;
	v10 =	vadd.f32 v23, v20;
	v20 =	vmul.bf16 v31, v6  }
0x5f: {  	v9 =	vmul.bf16 v11, v29;
	v24 =	vld [tilespmem:s4+$0x20];
	v22 =	vunpack.i.l.bf16.f32 v18;
	v23 =	vunpack.i.u.bf16.f32 v18  }
0x60: {  	v11 =	vunpack.i.u.bf16.f32 v15;
	v18 =	vld [tilespmem:s6+$0xFFFFFFF0];
	v29 =	vunpack.i.u.bf16.f32 v8;
	v4 =	vmul.bf16 v4, v20  }
0x61: {  	v17 =	vld [tilespmem:s4+$0x40];
	v14 =	vmul.bf16 v14, v16;
	v16 =	vunpack.i.l.bf16.f32 v13;
	v20 =	vmul.bf16 v25, v5  }
0x62: {  	v5 =	vunpack.i.u.bf16.f32 v4;
	v25 =	vunpack.i.l.bf16.f32 v4;
	v4 =	vunpack.i.u.bf16.f32 v13;
	v13 =	vld [tilespmem:s4+$0xFFFFFFF0]  }
0x63: {  	s2 =	sadd.s32 $0x100, s4;
	v31 =	vld [tilespmem:s4+$0xFFFFFFB0];
	v8 =	vunpack.i.l.bf16.f32 v8;
	v62 =	vunpack.i.u.bf16.f32 v9;
	v9 =	vunpack.i.l.bf16.f32 v9  }
0x64: {  	s19 =	sadd.s32 $0x2, s30;
	v6 =	vld [tilespmem:s2+$0x60];
	v23 =	vadd.f32 v22, v23;
	v60 =	vunpack.i.u.bf16.f32 v14;
	v35 =	vunpack.i.l.bf16.f32 v14  }
0x65: {  	v14 =	vld [tilespmem:s19+$0x0];
	v22 =	vmul.bf16 v26, v19;
	v16 =	vadd.f32 v16, v4;
	v27 =	vmul.bf16 v27, v18  }
0x66: {  	s29 =	sadd.s32 $0x100, s6;
	v4 =	vld [tilespmem:s2+$0x50];
	v18 =	vadd.f32 v9, v62;
	v9 =	vunpack.i.l.bf16.f32 v15;
	v15 =	vadd.f32 v25, v5  }
0x67: {  	v5 =	vld [tilespmem:s29+$0x40];
	v19 =	vmul.bf16 v17, v20;
	v25 =	vadd.f32 v9, v11;
	v63 =	vmul.bf16 v13, v27  }
0x68: {  	v9 =	vld [tilespmem:s29+$0x50];
	v13 =	vadd.f32 v8, v29;
	v29 =	vmul.bf16 v31, v21;
	v21 =	vmul.bf16 v24, v28  }
0x69: {  	s9 =	simm.s32 $0x7;
	s5 =	simm.s32 $0x3;
	v11 =	vld [tilespmem:s29+$0x30];
	v27 =	vadd.f32 v35, v60;
	v24 =	vmul.bf16 v61, v30;
	v28 =	vunpack.i.u.bf16.f32 v63  }
0x6a: {  	s20 =	simm.s32 $0xB;
	s8 =	sshll.u32 s11, $0x4;
	s10 =	smov.u32 s2;
	v8 =	vld [tilespmem:s2+$0x30];
	v26 =	vunpack.i.u.bf16.f32 v29;
	v30 =	vunpack.i.l.bf16.f32 v63;
	v20 =	vunpack.i.u.bf16.f32 v21  }
.LBB2_4:
0x6b: {  	p0 =	sne.s32 s20, $0xF;
	v17 =	vunpack.i.u.s16.s32 v14;
	v31 =	vunpack.i.l.s16.s32 v14;
	v14 =	vld [tilespmem:s2+$0xFFFFFFD0];
	v32 =	vunpack.i.u.bf16.f32 v19;
	s14 =	smov.u32 s20;
	s20 =	sadd.s32 $0x4, s20  }
0x6c: {  	v34 =	vunpack.i.l.bf16.f32 v19;
	v31 =	vshll.u32 v31, $0x8;
	v33 =	vshll.u32 v17, $0x8;
	v17 =	vld [tilespmem:s2+$0x10]  }
0x6d: {  	v35 =	vunpack.i.l.bf16.f32 v21;
	v31 =	vshra.s32 v31, $0x2;
	v33 =	vshra.s32 v33, $0x2;
	v19 =	vld [tilespmem:s2+$0xFFFFFFE0]  }
0x6e: {  	v29 =	vunpack.i.l.bf16.f32 v29;
	v23 =	vadd.f32 v18, v23;
	v21 =	vld [tilespmem:s29+$0x20];
	(v2sf) =	vpush v33, $0x1  }
0x6f: {  	v36 =	vunpack.i.u.bf16.f32 v24;
	v25 =	vadd.f32 v25, v27;
	v18 =	vld [tilespmem:s2+$0x0];
	(v2sf) =	vpush v31, $0x0  }
0x70: {  	v28 =	vadd.f32 v30, v28;
	v22 =	vmul.bf16 v3, v22;
	v3 =	vmovc v6;
	v27 =	vld [tilespmem:s29+$0x10];
	(v2sf) =	vpush v33, $0x0  }
0x71: {  	v30 =	vunpack.i.u.bf16.f32 v12;
	v12 =	vunpack.i.l.bf16.f32 v12;
	v24 =	vunpack.i.l.bf16.f32 v24;
	v6 =	vld [tilespmem:s29+$0x0]  }
0x72: {  	v26 =	vadd.f32 v29, v26;
	v16 =	vadd.f32 v28, v16;
	v28 =	vunpack.i.u.bf16.f32 v22;
	v33 =	vld [tilespmem:s29+$0xFFFFFFE0]  }
0x73: {  	v12 =	vadd.f32 v12, v30;
	v24 =	vadd.f32 v24, v36;
	v22 =	vunpack.i.l.bf16.f32 v22;
	v29 =	vld [tilespmem:s2+$0xFFFFFFC0]  }
0x74: {  	v16 =	vadd.f32 v16, v23;
	v23 =	vadd.f32 v34, v32;
	v30 =	vld [tilespmem:s2+$0xFFFFFF90]  }
0x75: {  	v24 =	vadd.f32 v26, v24;
	v22 =	vadd.f32 v22, v28;
	v32 =	vld [tilespmem:s29+$0xFFFFFFD0]  }
0x76: {  	v10 =	vadd.f32 v12, v10;
	v26 =	vld [tilespmem:s29+$0xFFFFFFC0];
	(v2sf) =	vpush v31, $0x1;
	(xrf2) =	vadd.scan.msk.f32 $0xffff, v16  }
0x77: {  	v7 =	vadd.f32 v7, v22;
	v15 =	vadd.f32 v15, v23;
	v12 =	vld [tilespmem:s29+$0xFFFFFFB0]  }
0x78: {  	v20 =	vadd.f32 v35, v20;
	v10 =	vadd.f32 v24, v10;
	v16 =	vld [tilespmem:s29+$0xFFFFFFA0]  }
0x79: {  	v7 =	vadd.f32 v7, v15;
	v22 =	vld [tilespmem:s2+$0xFFFFFF80]  }
0x7a: {  	v13 =	vadd.f32 v13, v20;
	v15 =	vld [tilespmem:s2+$0x70];
	(xrf2) =	vadd.scan.msk.f32 $0xffff, v10  }
0x7b: {  	v10 =	vld [tilespmem:s29+$0xFFFFFF90]  }
0x7c: {  	v13 =	vadd.f32 v13, v25;
	v20 =	vld [tilespmem:s29+$0xFFFFFF80]  }
0x7d: {  	v23 =	vld [tilespmem:s29+$0x70];
	s15 =	spop (v2sf);
	(xrf2) =	vadd.scan.msk.f32 $0xffff, v7  }
0x7e: {  	v7 =	vld [tilespmem:s15+$0x88F8];
	s18 =	spop (v2sf)  }
0x7f: {  	v24 =	vld [tilespmem:s18+$0x88C8];
	s16 =	spop (v2sf)  }
0x80: {  	v25 =	vld [tilespmem:s18+$0x88D8];
	v28, _, _ =	vpop (xrf2);
	(xrf2) =	vadd.scan.msk.f32 $0xffff, v13  }
0x81: {  	v13 =	vld [tilespmem:s18+$0x88E8]  }
0x82: {  	v31 =	vld [tilespmem:s18+$0x88F8];
	s18 =	sadd.s32 $0xFFFFFFFD, s5  }
0x83: {  	v34 =	vld [tilespmem:s16+$0x88C8];
	v7 =	vmul.bf16 v7, v23;
	v35 =	vmov s18  }
0x84: {  	v20 =	vmul.bf16 v24, v20;
	v24 =	vld [tilespmem:s16+$0x88D8];
	vm1 =	veq.s32 v35, v0;
	v23, _, _ =	vpop (xrf2)  }
0x85: {  	v37 =	vmov s5;
	v35 =	vld [tilespmem:s16+$0x88E8];
	v7 =	vmul.bf16 v15, v7;
	s18 =	spop (v2sf);
	v15 =	vbroadcast v23, $0xF  }
0x86: {  	v20 =	vmul.bf16 v22, v20;
	v36 =	vmul.bf16 v13, v16;
	v13 =	vld [tilespmem:s18+$0x88C8]  }
0x87: {  	vm0 =	veq.s32 v37, v0;
	v16 =	vld [tilespmem:s18+$0x88D8];
	v22 =	vunpack.i.u.bf16.f32 v7;
	v7 =	vunpack.i.l.bf16.f32 v7;
	v23, _, _ =	vpop (xrf2)  }
0x88: {  	v31 =	vmul.bf16 v31, v12;
	v12 =	vmul.bf16 v34, v26;
	v26 =	vld [tilespmem:s18+$0x88E8];
	v7 =	vadd.f32 v7, v22  }
0x89: {  	v25 =	vmul.bf16 v25, v10;
	v22 =	vunpack.i.u.bf16.f32 v20;
	v24 =	vmul.bf16 v24, v32;
	v32 =	vld [tilespmem:s18+$0x88F8]  }
0x8a: {  	v10 =	vunpack.i.l.bf16.f32 v20;
	v23 =	vbroadcast v23, $0xF;
	v20 =	vmul.bf16 v35, v33;
	v33 =	vld [tilespmem:s15+$0x88C8];
	v34, _, _ =	vpop (xrf2)  }
0x8b: {  	v10 =	vadd.f32 v10, v22;
	s18 =	sadd.s32 $0xFFFFFFFE, s5;
	v12 =	vmul.bf16 v29, v12;
	v13 =	vmul.bf16 v13, v6;
	v22 =	vld [tilespmem:s15+$0x88D8]  }
0x8c: {  	v28 =	vbroadcast v28, $0xF;
	v6 =	vmul.bf16 v16, v27;
	v27 =	vld [tilespmem:s15+$0x88E8];
	v16 =	vmov s18  }
0x8d: {  	v2 =	vsel vm1, v15, v2;
	v29 =	vld [tilespmem:s16+$0x88F8];
	v21 =	vmul.bf16 v26, v21;
	vm1 =	veq.s32 v16, v0  }
0x8e: {  	s2 =	sadd.s32 $0x100, s2;
	v15 =	vunpack.i.l.bf16.f32 v12;
	s15 =	sadd.s32 $0xFFFFFFFF, s5;
	s5 =	smov.u32 s9;
	v16 =	vmul.bf16 v19, v20;
	v17 =	vmul.bf16 v17, v6;
	v19 =	vld [tilespmem:s10+$0x40]  }
0x8f: {  	s9 =	smov.u32 s14;
	v20 =	vunpack.i.u.bf16.f32 v12;
	v26 =	vbroadcast v34, $0xF;
	v11 =	vmul.bf16 v32, v11;
	v6 =	vld [tilespmem:s2+$0x60]  }
0x90: {  	v13 =	vmul.bf16 v18, v13;
	v2 =	vsel vm1, v28, v2;
	v9 =	vmul.bf16 v22, v9  }
0x91: {  	v12 =	vmul.bf16 v30, v25;
	v8 =	vmul.bf16 v8, v11;
	v11 =	vmov s15  }
0x92: {  	v14 =	vmul.bf16 v14, v24;
	v24 =	vunpack.i.u.bf16.f32 v17;
	v4 =	vmul.bf16 v4, v9;
	v9 =	vld [tilespmem:s29+$0x60]  }
0x93: {  	v18 =	vunpack.i.l.bf16.f32 v16;
	v30 =	vmul.bf16 v33, v5;
	vm1 =	veq.s32 v11, v0;
	v22 =	vld [tilespmem:s29+$0xFFFFFFF0]  }
0x94: {  	v2 =	vsel vm1, v26, v2;
	v11 =	vld [tilespmem:s10+$0x20];
	v5 =	vunpack.i.u.bf16.f32 v4;
	v25 =	vunpack.i.l.bf16.f32 v4  }
0x95: {  	v28 =	vunpack.i.u.bf16.f32 v8;
	v2 =	vsel vm0, v23, v2;
	v4 =	vunpack.i.u.bf16.f32 v16;
	v26 =	vld [tilespmem:s10+$0xFFFFFFF0]  }
0x96: {  	v33 =	vunpack.i.u.bf16.f32 v13;
	v8 =	vunpack.i.l.bf16.f32 v8;
	v16 =	vadd.f32 v18, v4;
	v32 =	vld [tilespmem:s10+$0xFFFFFFB0]  }
0x97: {  	v35 =	vunpack.i.l.bf16.f32 v13;
	v18 =	vunpack.i.u.bf16.f32 v14;
	v14 =	vunpack.i.l.bf16.f32 v14;
	v34 =	vld [tilespmem:s10+$0xFFFFFFA0];
	s10 =	smov.u32 s2  }
0x98: {  	s19 =	sadd.s32 $0x2, s19;
	v17 =	vunpack.i.l.bf16.f32 v17;
	v18 =	vadd.f32 v14, v18;
	v4 =	vld [tilespmem:s2+$0x50];
	v13 =	vmul.bf16 v29, v22  }
.Ltmp0:
0x99: {  	v23 =	vadd.f32 v15, v20;
	s29 =	sadd.s32 $0x100, s29;
	v15 =	vadd.f32 v25, v5;
	v22 =	vmul.bf16 v27, v9;
	v14 =	vld [tilespmem:s19+$0x0];
	(pc) =	sbr.rel @p0 .LBB2_4-.Ltmp0, $4  }
0x9a: {  	v25 =	vadd.f32 v17, v24;
	v5 =	vld [tilespmem:s29+$0x40];
	v20 =	vmul.bf16 v26, v13;
	v13 =	vadd.f32 v8, v28  }
0x9b: {  	v27 =	vadd.f32 v35, v33;
	v21 =	vmul.bf16 v11, v21;
	v8 =	vld [tilespmem:s2+$0x30];
	v29 =	vmul.bf16 v32, v31  }
0x9c: {  	v19 =	vmul.bf16 v19, v30;
	v9 =	vld [tilespmem:s29+$0x50];
	v24 =	vmul.bf16 v34, v36;
	v28 =	vunpack.i.u.bf16.f32 v20  }
0x9d: {  	v30 =	vunpack.i.l.bf16.f32 v20;
	v20 =	vunpack.i.u.bf16.f32 v21;
	v11 =	vld [tilespmem:s29+$0x30];
	v26 =	vunpack.i.u.bf16.f32 v29  }
0x9e: {  	v17 =	vunpack.i.u.s16.s32 v14  }
0x9f: {  	v17 =	vshll.u32 v17, $0x8  }
0xa0: {  	v56 =	vunpack.i.l.s16.s32 v14;
	v17 =	vshra.s32 v17, $0x2  }
0xa1: {  	v14 =	vshll.u32 v56, $0x8;
	(v2sf) =	vpush v17, $0x1  }
0xa2: {  	v37 =	vld [tilespmem:s2+$0x10];
	v14 =	vshra.s32 v14, $0x2  }
0xa3: {  	v38 =	vld [tilespmem:s2+$0xFFFFFFE0];
	(v2sf) =	vpush v14, $0x0  }
0xa4: {  	v39 =	vld [tilespmem:s29+$0x20]  }
0xa5: {  	v40 =	vld [tilespmem:s29+$0x10]  }
0xa6: {  	v41 =	vld [tilespmem:s29+$0xFFFFFFE0]  }
0xa7: {  	v42 =	vld [tilespmem:s29+$0xFFFFFFD0];
	(v2sf) =	vpush v17, $0x0  }
0xa8: {  	v43 =	vld [tilespmem:s29+$0xFFFFFFC0]  }
0xa9: {  	v44 =	vld [tilespmem:s29+$0xFFFFFFB0];
	(v2sf) =	vpush v14, $0x1  }
0xaa: {  	v18 =	vadd.f32 v18, v23;
	v23 =	vadd.f32 v25, v27;
	v25 =	vld [tilespmem:s29+$0xFFFFFFA0]  }
0xab: {  	v59 =	vld [tilespmem:s2+$0xFFFFFF80]  }
0xac: {  	v62 =	vld [tilespmem:s29+$0xFFFFFF80]  }
0xad: {  	v45 =	vld [tilespmem:s29+$0x70];
	v21 =	vunpack.i.l.bf16.f32 v21  }
0xae: {  	v50 =	vld [tilespmem:s2+$0x70];
	v54 =	vadd.f32 v21, v20  }
0xaf: {  	v52 =	vld [tilespmem:s29+$0xFFFFFF90]  }
0xb0: {  	v13 =	vadd.f32 v13, v54;
	v54 =	vld [tilespmem:s29+$0x60];
	s14 =	spop (v2sf)  }
0xb1: {  	v46 =	vunpack.i.u.bf16.f32 v19;
	v47 =	vunpack.i.l.bf16.f32 v19;
	v48 =	vld [tilespmem:s14+$0x88F8]  }
0xb2: {  	v49 =	vadd.f32 v47, v46;
	s15 =	spop (v2sf);
	v47 =	vld [tilespmem:s14+$0x88E8]  }
0xb3: {  	v57 =	vld [tilespmem:s15+$0x88C8]  }
0xb4: {  	v29 =	vunpack.i.l.bf16.f32 v29;
	v58 =	vunpack.i.u.bf16.f32 v24;
	v17 =	vld [tilespmem:s15+$0x88D8]  }
0xb5: {  	v28 =	vadd.f32 v30, v28;
	v3 =	vmul.bf16 v3, v22;
	v60 =	vunpack.i.u.bf16.f32 v12;
	v31 =	vld [tilespmem:s15+$0x88E8]  }
0xb6: {  	v61 =	vunpack.i.l.bf16.f32 v12;
	v63 =	vunpack.i.l.bf16.f32 v24;
	v26 =	vadd.f32 v29, v26;
	s19 =	spop (v2sf);
	v32 =	vld [tilespmem:s15+$0x88F8]  }
0xb7: {  	v12 =	vadd.f32 v61, v60;
	v24 =	vadd.f32 v63, v58;
	v53 =	vld [tilespmem:s19+$0x88C8]  }
0xb8: {  	v16 =	vadd.f32 v28, v16;
	v51 =	vunpack.i.u.bf16.f32 v3;
	v3 =	vunpack.i.l.bf16.f32 v3;
	s20 =	spop (v2sf);
	v55 =	vld [tilespmem:s19+$0x88D8]  }
0xb9: {  	v24 =	vadd.f32 v26, v24;
	v3 =	vadd.f32 v3, v51;
	v34 =	vld [tilespmem:s20+$0x88D8]  }
0xba: {  	v10 =	vadd.f32 v12, v10;
	v35 =	vld [tilespmem:s20+$0x88E8];
	v56 =	vmul.bf16 v48, v45;
	v22 =	vmul.bf16 v47, v54  }
0xbb: {  	v15 =	vadd.f32 v15, v49;
	v36 =	vld [tilespmem:s20+$0x88F8];
	v14 =	vmul.bf16 v57, v62;
	v19 =	vmul.bf16 v31, v25  }
0xbc: {  	v63 =	vld [tilespmem:s2+$0xFFFFFF90];
	v13 =	vadd.f32 v13, v23;
	v23 =	vmul.bf16 v32, v44;
	v17 =	vmul.bf16 v17, v52  }
0xbd: {  	v58 =	vld [tilespmem:s2+$0xFFFFFFC0];
	v3 =	vadd.f32 v7, v3;
	v7 =	vmul.bf16 v50, v56;
	v12 =	vmul.bf16 v53, v43  }
0xbe: {  	v16 =	vadd.f32 v16, v18;
	v45 =	vld [tilespmem:s14+$0x88C8];
	v20 =	vmul.bf16 v55, v42;
	v6 =	vmul.bf16 v6, v22  }
0xbf: {  	v10 =	vadd.f32 v24, v10;
	v57 =	vld [tilespmem:s19+$0x88E8];
	v14 =	vmul.bf16 v59, v14;
	v43 =	vmul.bf16 v34, v40  }
0xc0: {  	v3 =	vadd.f32 v3, v15;
	v62 =	vld [tilespmem:s14+$0x88D8];
	v46 =	vmul.bf16 v35, v39;
	v11 =	vmul.bf16 v36, v11  }
0xc1: {  	v42 =	vld [tilespmem:s2+$0xFFFFFFD0];
	v17 =	vmul.bf16 v63, v17;
	v61 =	vunpack.i.u.bf16.f32 v7;
	v7 =	vunpack.i.l.bf16.f32 v7  }
0xc2: {  	v33 =	vld [tilespmem:s20+$0x88C8];
	v12 =	vmul.bf16 v58, v12;
	v7 =	vadd.f32 v7, v61;
	v44 =	vunpack.i.u.bf16.f32 v14  }
0xc3: {  	v50 =	vld [tilespmem:s10+$0x40];
	v14 =	vunpack.i.l.bf16.f32 v14;
	v18 =	vmul.bf16 v37, v43;
	v8 =	vmul.bf16 v8, v11  }
0xc4: {  	v59 =	vld [tilespmem:s29+$0x0];
	v5 =	vmul.bf16 v45, v5;
	v21 =	vmul.bf16 v57, v41;
	v14 =	vadd.f32 v14, v44  }
0xc5: {  	v51 =	vld [tilespmem:s29+$0xFFFFFFF0];
	v9 =	vmul.bf16 v62, v9;
	v49 =	vunpack.i.l.bf16.f32 v12;
	v12 =	vunpack.i.u.bf16.f32 v12  }
0xc6: {  	v48 =	vld [tilespmem:s19+$0x88F8];
	v41 =	vunpack.i.u.bf16.f32 v17;
	v17 =	vunpack.i.l.bf16.f32 v17;
	v52 =	vmul.bf16 v42, v20  }
0xc7: {  	v63 =	vld [tilespmem:s10+$0xFFFFFFA0];
	v53 =	vunpack.i.u.bf16.f32 v18;
	v58 =	vunpack.i.u.bf16.f32 v8;
	v8 =	vunpack.i.l.bf16.f32 v8  }
0xc8: {  	v18 =	vunpack.i.l.bf16.f32 v18;
	v12 =	vadd.f32 v49, v12;
	v5 =	vmul.bf16 v50, v5  }
0xc9: {  	v60 =	vld [tilespmem:s2+$0x0];
	v42 =	vunpack.i.u.bf16.f32 v6;
	v17 =	vadd.f32 v17, v41;
	v15 =	vmul.bf16 v33, v59  }
0xca: {  	v6 =	vunpack.i.l.bf16.f32 v6;
	v21 =	vmul.bf16 v38, v21;
	v4 =	vmul.bf16 v4, v9  }
0xcb: {  	v9 =	vmul.bf16 v48, v51;
	v18 =	vadd.f32 v18, v53;
	v8 =	vadd.f32 v8, v58  }
0xcc: {  	v19 =	vmul.bf16 v63, v19;
	v6 =	vadd.f32 v6, v42;
	v62 =	vunpack.i.u.bf16.f32 v52  }
0xcd: {  	v57 =	vld [tilespmem:s10+$0xFFFFFFF0];
	v11 =	vunpack.i.l.bf16.f32 v52;
	v39 =	vunpack.i.u.bf16.f32 v5;
	v5 =	vunpack.i.l.bf16.f32 v5  }
0xce: {  	v45 =	vadd.f32 v17, v14;
	v15 =	vmul.bf16 v60, v15;
	v55 =	vunpack.i.l.bf16.f32 v21  }
0xcf: {  	v59 =	vld [tilespmem:s10+$0xFFFFFFB0];
	v56 =	vunpack.i.u.bf16.f32 v4;
	v21 =	vunpack.i.u.bf16.f32 v21;
	v4 =	vunpack.i.l.bf16.f32 v4  }
0xd0: {  	v11 =	vadd.f32 v11, v62;
	v40 =	vunpack.i.u.bf16.f32 v19;
	v5 =	vadd.f32 v5, v39  }
0xd1: {  	v60 =	vld [tilespmem:s10+$0x20];
	v19 =	vunpack.i.l.bf16.f32 v19;
	v47 =	vadd.f32 v7, v6;
	v21 =	vadd.f32 v55, v21  }
0xd2: {  	v4 =	vadd.f32 v4, v56;
	v9 =	vmul.bf16 v57, v9;
	v61 =	vunpack.i.u.bf16.f32 v15  }
0xd3: {  	v15 =	vunpack.i.l.bf16.f32 v15;
	v11 =	vadd.f32 v11, v12;
	v12 =	vadd.f32 v19, v40  }
0xd4: {  	v33 =	vmul.bf16 v59, v23;
	v37 =	vunpack.i.u.bf16.f32 v9;
	v9 =	vunpack.i.l.bf16.f32 v9  }
0xd5: {  	(xrf2) =	vadd.scan.msk.f32 $0xffff, v16;
	v15 =	vadd.f32 v15, v61;
	v9 =	vadd.f32 v9, v37  }
0xd6: {  	(xrf2) =	vadd.scan.msk.f32 $0xffff, v10;
	v35 =	vmul.bf16 v60, v46;
	v38 =	vunpack.i.u.bf16.f32 v33;
	v20 =	vunpack.i.l.bf16.f32 v33  }
0xd7: {  	(xrf2) =	vadd.scan.msk.f32 $0xffff, v3;
	v3 =	vadd.f32 v4, v5;
	v20 =	vadd.f32 v20, v38  }
0xd8: {  	v9 =	vadd.f32 v9, v21;
	v26 =	vunpack.i.u.bf16.f32 v35;
	v44 =	vunpack.i.l.bf16.f32 v35  }
0xd9: {  	v43 =	vadd.f32 v20, v12;
	v46 =	vadd.f32 v44, v26  }
0xda: {  	v49 =	vadd.f32 v18, v15;
	v9 =	vadd.f32 v9, v11  }
0xdb: {  	(xrf2) =	vadd.scan.msk.f32 $0xffff, v13;
	v48 =	vadd.f32 v43, v45;
	v4 =	vadd.f32 v8, v46  }
0xdc: {  	v3 =	vadd.f32 v47, v3;
	(xrf2) =	vadd.scan.msk.f32 $0xffff, v9  }
0xdd: {  	(xrf2) =	vadd.scan.msk.f32 $0xffff, v48;
	v4 =	vadd.f32 v4, v49  }
0xde: {  	(xrf2) =	vadd.scan.msk.f32 $0xffff, v3  }
0xdf: {  	(xrf2) =	vadd.scan.msk.f32 $0xffff, v4;
	_ =	sdelay $0x1  }
0xe0: {  	s15 =	sadd.s32 $0xFFFFFFFD, s5;
	s19 =	sadd.s32 $0xFFFFFFFD, s9  }
0xe1: {  	s29 =	sadd.s32 $0xFFFFFFFF, s9;
	v51 =	vmov s15;
	v58 =	vmov s19;
	v3, _, _ =	vpop (xrf2)  }
0xe2: {  	v63 =	vmov s29;
	v52 =	vmov s5;
	v50, _, _ =	vpop (xrf2);
	v3 =	vbroadcast v3, $0xF  }
0xe3: {  	s16 =	sadd.s32 $0xFFFFFFFE, s5;
	s18 =	sadd.s32 $0xFFFFFFFF, s5;
	vm0 =	veq.s32 v51, v0;
	vm12 =	veq.s32 v58, v0;
	v4 =	vbroadcast v50, $0xF;
	v53, _, _ =	vpop (xrf2)  }
0xe4: {  	vm14 =	veq.s32 v63, v0;
	v55 =	vmov s16;
	v57 =	vmov s18;
	v54, _, _ =	vpop (xrf2)  }
0xe5: {  	vm10 =	veq.s32 v55, v0;
	v2 =	vsel vm0, v4, v2;
	v5 =	vbroadcast v54, $0xF;
	v56, _, _ =	vpop (xrf2)  }
0xe6: {  	vm11 =	veq.s32 v57, v0;
	v7 =	vbroadcast v53, $0xF;
	v2 =	vsel vm10, v3, v2;
	v3, _, _ =	vpop (xrf2)  }
0xe7: {  	s11 =	sadd.s32 $0x1, s11;
	s20 =	sadd.s32 $0xFFFFFFFE, s9;
	vm1 =	veq.s32 v52, v0;
	v2 =	vsel vm11, v5, v2;
	v3 =	vbroadcast v3, $0xF;
	v60, _, _ =	vpop (xrf2)  }
0xe8: {  	p0 =	sne.s32 s11, $0x5;
	v62 =	vmov s20;
	v2 =	vsel vm1, v7, v2;
	v4 =	vbroadcast v56, $0xF;
	v61, _, _ =	vpop (xrf2)  }
.Ltmp1:
0xe9: {  	vm13 =	veq.s32 v62, v0;
	v2 =	vsel vm12, v3, v2;
	v3 =	vbroadcast v61, $0xF;
	(pc) =	sbr.rel @p0 .LBB2_3-.Ltmp1, $4  }
0xea: {  	v59 =	vmov s9;
	v6 =	vbroadcast v60, $0xF;
	v2 =	vsel vm13, v4, v2  }
0xeb: {  	vm15 =	veq.s32 v59, v0;
	v2 =	vsel vm14, v3, v2  }
0xec: {  	v2 =	vsel vm15, v6, v2  }
0xed: {  	s30 =	sadd.s32 $0x8, s30;
	s4 =	sadd.s32 $0x400, s4;
	s6 =	sadd.s32 $0x400, s6;
	[tilespmem:v1+s8+$0x0 ss:$0x1] =	vst.idx.msk $0xffff, v2  }
0xee: {  	s2 =	sadd.s32 $0xF0, s17;
	s4 =	simm.s32 $0x105C8  }
0xef: {  	[tilespmem:s4], [sflag:$0x1] =	stream.indirect.gather [hbm4b:s3+s13], $0x40, s2, s13, $0xb8;
	[tilespmem:$0x17DC8] =	vst v63  }
0xf0: {  	s20 =	sadd.s32 $0x2800, s17;
	s29 =	simm.s32 $0x119C8  }
0xf1: {  	[tilespmem:s29], [sflag:$0x2] =	stream.indirect.gather [hbm4b:s3+s13], $0x40, s20, s13, $0xb8;
	[tilespmem:$0x17DC8] =	vst v63  }
0xf2: {  	_ =	swait.ge [sflag:s23], $0x1400  }
0xf3: {  	[sflag:s23] =	ssyncset.done $0x0  }
0xf4: {  	s30 =	sadd.s32 $0x140, s28;
	[sflag:s23] =	ssyncadd.s32 $0xFFFFEC00  }
0xf5: {  	s11 =	simm.s32 $0x0;
	s2 =	sshra.s32 s30, $0x2;
	_ =	swait.ge [sflag:s24], $0x1400  }
0xf6: {  	s6 =	simm.s32 $0x12E48;
	s2 =	sadd.s32 $0x61B8, s2;
	[sflag:s24] =	ssyncset.done $0x0  }
0xf7: {  	s28 =	smov.u32 s31;
	s4 =	simm.s32 $0x14248;
	v1 =	vmov s2;
	[sflag:s24] =	ssyncadd.s32 $0xFFFFEC00  }
.LBB2_7:
0xf8: {  	v3 =	vld [tilespmem:s4+$0x60]  }
0xf9: {  	v2 =	vld [tilespmem:s28+$0x0]  }
0xfa: {  	v4 =	vld [tilespmem:s4+$0x50]  }
0xfb: {  	v5 =	vld [tilespmem:s6+$0x40]  }
0xfc: {  	v8 =	vld [tilespmem:s4+$0x30]  }
0xfd: {  	v6 =	vld [tilespmem:s6+$0x50]  }
0xfe: {  	v9 =	vld [tilespmem:s6+$0x30];
	v7 =	vunpack.i.u.s16.s32 v2  }
0xff: {  	v11 =	vld [tilespmem:s4+$0xFFFFFFD0];
	v2 =	vunpack.i.l.s16.s32 v2;
	v7 =	vshll.u32 v7, $0x8  }
0x100: {  	v12 =	vld [tilespmem:s4+$0x10];
	v2 =	vshll.u32 v2, $0x8;
	v7 =	vshra.s32 v7, $0x2  }
0x101: {  	v10 =	vld [tilespmem:s4+$0xFFFFFFE0];
	v2 =	vshra.s32 v2, $0x2;
	(v2sf) =	vpush v7, $0x1  }
0x102: {  	v13 =	vld [tilespmem:s6+$0x20];
	(v2sf) =	vpush v2, $0x0  }
0x103: {  	v14 =	vld [tilespmem:s4+$0x0]  }
0x104: {  	v15 =	vld [tilespmem:s6+$0x10]  }
0x105: {  	v16 =	vld [tilespmem:s6+$0x0]  }
0x106: {  	v17 =	vld [tilespmem:s6+$0xFFFFFFE0];
	(v2sf) =	vpush v7, $0x0  }
0x107: {  	v18 =	vld [tilespmem:s4+$0xFFFFFFC0]  }
0x108: {  	v20 =	vld [tilespmem:s6+$0xFFFFFFC0];
	(v2sf) =	vpush v2, $0x1  }
0x109: {  	v21 =	vld [tilespmem:s6+$0xFFFFFFB0]  }
0x10a: {  	v22 =	vld [tilespmem:s6+$0xFFFFFFA0]  }
0x10b: {  	v23 =	vld [tilespmem:s4+$0xFFFFFF80]  }
0x10c: {  	v24 =	vld [tilespmem:s6+$0xFFFFFF90]  }
0x10d: {  	v25 =	vld [tilespmem:s6+$0xFFFFFF80]  }
0x10e: {  	v26 =	vld [tilespmem:s6+$0x70]  }
0x10f: {  	v7 =	vld [tilespmem:s6+$0xFFFFFFD0]  }
0x110: {  	v2 =	vld [tilespmem:s4+$0x70];
	s2 =	spop (v2sf)  }
0x111: {  	v27 =	vld [tilespmem:s2+$0x88F8];
	s5 =	spop (v2sf)  }
0x112: {  	v28 =	vld [tilespmem:s5+$0x88C8]  }
0x113: {  	v29 =	vld [tilespmem:s5+$0x88D8]  }
0x114: {  	v30 =	vld [tilespmem:s5+$0x88E8]  }
0x115: {  	s8 =	spop (v2sf);
	v31 =	vld [tilespmem:s5+$0x88F8]  }
0x116: {  	v32 =	vld [tilespmem:s8+$0x88C8]  }
0x117: {  	v33 =	vld [tilespmem:s8+$0x88D8];
	s30 =	spop (v2sf)  }
0x118: {  	v34 =	vld [tilespmem:s30+$0x88D8]  }
0x119: {  	v59 =	vld [tilespmem:s30+$0x88F8];
	v26 =	vmul.bf16 v27, v26  }
0x11a: {  	v19 =	vld [tilespmem:s4+$0xFFFFFF90];
	v25 =	vmul.bf16 v28, v25;
	v30 =	vmul.bf16 v30, v22  }
0x11b: {  	v27 =	vld [tilespmem:s8+$0x88E8];
	v21 =	vmul.bf16 v31, v21;
	v24 =	vmul.bf16 v29, v24  }
0x11c: {  	v28 =	vld [tilespmem:s30+$0x88C8];
	v26 =	vmul.bf16 v2, v26;
	v20 =	vmul.bf16 v32, v20  }
0x11d: {  	v22 =	vld [tilespmem:s30+$0x88E8];
	v29 =	vmul.bf16 v33, v7;
	v23 =	vmul.bf16 v23, v25  }
0x11e: {  	v31 =	vld [tilespmem:s2+$0x88D8];
	v2 =	vimm.f32 $0.0e+00;
	v15 =	vmul.bf16 v34, v15;
	v9 =	vmul.bf16 v59, v9  }
0x11f: {  	v61 =	vld [tilespmem:s4+$0xFFFFFFA0];
	v25 =	vunpack.i.u.bf16.f32 v26;
	v26 =	vunpack.i.l.bf16.f32 v26;
	v18 =	vmul.bf16 v18, v20  }
0x120: {  	v7 =	vadd.f32 v26, v25;
	v17 =	vmul.bf16 v27, v17;
	v25 =	vld [tilespmem:s2+$0x88C8];
	v15 =	vmul.bf16 v12, v15  }
0x121: {  	v20 =	vunpack.i.u.bf16.f32 v23;
	v26 =	vld [tilespmem:s2+$0x88E8];
	v12 =	vmul.bf16 v19, v24;
	v8 =	vmul.bf16 v8, v9  }
0x122: {  	v23 =	vunpack.i.l.bf16.f32 v23;
	v27 =	vld [tilespmem:s8+$0x88F8];
	v16 =	vmul.bf16 v28, v16;
	v28 =	vmul.bf16 v22, v13  }
0x123: {  	v19 =	vld [tilespmem:s6+$0x60];
	v13 =	vmul.bf16 v10, v17;
	v10 =	vadd.f32 v23, v20;
	v20 =	vmul.bf16 v31, v6  }
0x124: {  	v9 =	vmul.bf16 v11, v29;
	v24 =	vld [tilespmem:s4+$0x20];
	v22 =	vunpack.i.l.bf16.f32 v18;
	v23 =	vunpack.i.u.bf16.f32 v18  }
0x125: {  	v11 =	vunpack.i.u.bf16.f32 v15;
	v18 =	vld [tilespmem:s6+$0xFFFFFFF0];
	v29 =	vunpack.i.u.bf16.f32 v8;
	v4 =	vmul.bf16 v4, v20  }
0x126: {  	v17 =	vld [tilespmem:s4+$0x40];
	v14 =	vmul.bf16 v14, v16;
	v16 =	vunpack.i.l.bf16.f32 v13;
	v20 =	vmul.bf16 v25, v5  }
0x127: {  	v5 =	vunpack.i.u.bf16.f32 v4;
	v25 =	vunpack.i.l.bf16.f32 v4;
	v4 =	vunpack.i.u.bf16.f32 v13;
	v13 =	vld [tilespmem:s4+$0xFFFFFFF0]  }
0x128: {  	s2 =	sadd.s32 $0x100, s4;
	v31 =	vld [tilespmem:s4+$0xFFFFFFB0];
	v8 =	vunpack.i.l.bf16.f32 v8;
	v62 =	vunpack.i.u.bf16.f32 v9;
	v9 =	vunpack.i.l.bf16.f32 v9  }
0x129: {  	s19 =	sadd.s32 $0x2, s28;
	v6 =	vld [tilespmem:s2+$0x60];
	v23 =	vadd.f32 v22, v23;
	v60 =	vunpack.i.u.bf16.f32 v14;
	v35 =	vunpack.i.l.bf16.f32 v14  }
0x12a: {  	v14 =	vld [tilespmem:s19+$0x0];
	v22 =	vmul.bf16 v26, v19;
	v16 =	vadd.f32 v16, v4;
	v27 =	vmul.bf16 v27, v18  }
0x12b: {  	s29 =	sadd.s32 $0x100, s6;
	v4 =	vld [tilespmem:s2+$0x50];
	v18 =	vadd.f32 v9, v62;
	v9 =	vunpack.i.l.bf16.f32 v15;
	v15 =	vadd.f32 v25, v5  }
0x12c: {  	v5 =	vld [tilespmem:s29+$0x40];
	v19 =	vmul.bf16 v17, v20;
	v25 =	vadd.f32 v9, v11;
	v63 =	vmul.bf16 v13, v27  }
0x12d: {  	v9 =	vld [tilespmem:s29+$0x50];
	v13 =	vadd.f32 v8, v29;
	v29 =	vmul.bf16 v31, v21;
	v21 =	vmul.bf16 v24, v28  }
0x12e: {  	s9 =	simm.s32 $0x7;
	s20 =	simm.s32 $0xB;
	v11 =	vld [tilespmem:s29+$0x30];
	v27 =	vadd.f32 v35, v60;
	v24 =	vmul.bf16 v61, v30;
	v28 =	vunpack.i.u.bf16.f32 v63  }
0x12f: {  	s5 =	simm.s32 $0x3;
	s8 =	sshll.u32 s11, $0x4;
	s10 =	smov.u32 s2;
	v8 =	vld [tilespmem:s2+$0x30];
	v26 =	vunpack.i.u.bf16.f32 v29;
	v30 =	vunpack.i.l.bf16.f32 v63;
	v20 =	vunpack.i.u.bf16.f32 v21  }
.LBB2_8:
0x130: {  	p0 =	sne.s32 s20, $0xF;
	v17 =	vunpack.i.u.s16.s32 v14;
	v31 =	vunpack.i.l.s16.s32 v14;
	v14 =	vld [tilespmem:s2+$0xFFFFFFD0];
	v32 =	vunpack.i.u.bf16.f32 v19;
	s14 =	smov.u32 s20;
	s20 =	sadd.s32 $0x4, s20  }
0x131: {  	v34 =	vunpack.i.l.bf16.f32 v19;
	v31 =	vshll.u32 v31, $0x8;
	v33 =	vshll.u32 v17, $0x8;
	v17 =	vld [tilespmem:s2+$0x10]  }
0x132: {  	v35 =	vunpack.i.l.bf16.f32 v21;
	v31 =	vshra.s32 v31, $0x2;
	v33 =	vshra.s32 v33, $0x2;
	v19 =	vld [tilespmem:s2+$0xFFFFFFE0]  }
0x133: {  	v29 =	vunpack.i.l.bf16.f32 v29;
	v23 =	vadd.f32 v18, v23;
	v21 =	vld [tilespmem:s29+$0x20];
	(v2sf) =	vpush v33, $0x1  }
0x134: {  	v36 =	vunpack.i.u.bf16.f32 v24;
	v25 =	vadd.f32 v25, v27;
	v18 =	vld [tilespmem:s2+$0x0];
	(v2sf) =	vpush v31, $0x0  }
0x135: {  	v28 =	vadd.f32 v30, v28;
	v22 =	vmul.bf16 v3, v22;
	v3 =	vmovc v6;
	v27 =	vld [tilespmem:s29+$0x10];
	(v2sf) =	vpush v33, $0x0  }
0x136: {  	v30 =	vunpack.i.u.bf16.f32 v12;
	v12 =	vunpack.i.l.bf16.f32 v12;
	v24 =	vunpack.i.l.bf16.f32 v24;
	v6 =	vld [tilespmem:s29+$0x0]  }
0x137: {  	v26 =	vadd.f32 v29, v26;
	v16 =	vadd.f32 v28, v16;
	v28 =	vunpack.i.u.bf16.f32 v22;
	v33 =	vld [tilespmem:s29+$0xFFFFFFE0]  }
0x138: {  	v12 =	vadd.f32 v12, v30;
	v24 =	vadd.f32 v24, v36;
	v22 =	vunpack.i.l.bf16.f32 v22;
	v29 =	vld [tilespmem:s2+$0xFFFFFFC0]  }
0x139: {  	v16 =	vadd.f32 v16, v23;
	v23 =	vadd.f32 v34, v32;
	v30 =	vld [tilespmem:s2+$0xFFFFFF90]  }
0x13a: {  	v24 =	vadd.f32 v26, v24;
	v22 =	vadd.f32 v22, v28;
	v32 =	vld [tilespmem:s29+$0xFFFFFFD0]  }
0x13b: {  	v10 =	vadd.f32 v12, v10;
	v26 =	vld [tilespmem:s29+$0xFFFFFFC0];
	(v2sf) =	vpush v31, $0x1;
	(xrf2) =	vadd.scan.msk.f32 $0xffff, v16  }
0x13c: {  	v7 =	vadd.f32 v7, v22;
	v15 =	vadd.f32 v15, v23;
	v12 =	vld [tilespmem:s29+$0xFFFFFFB0]  }
0x13d: {  	v20 =	vadd.f32 v35, v20;
	v10 =	vadd.f32 v24, v10;
	v16 =	vld [tilespmem:s29+$0xFFFFFFA0]  }
0x13e: {  	v7 =	vadd.f32 v7, v15;
	v22 =	vld [tilespmem:s2+$0xFFFFFF80]  }
0x13f: {  	v13 =	vadd.f32 v13, v20;
	v15 =	vld [tilespmem:s2+$0x70];
	(xrf2) =	vadd.scan.msk.f32 $0xffff, v10  }
0x140: {  	v10 =	vld [tilespmem:s29+$0xFFFFFF90]  }
0x141: {  	v13 =	vadd.f32 v13, v25;
	v20 =	vld [tilespmem:s29+$0xFFFFFF80]  }
0x142: {  	v23 =	vld [tilespmem:s29+$0x70];
	s15 =	spop (v2sf);
	(xrf2) =	vadd.scan.msk.f32 $0xffff, v7  }
0x143: {  	v7 =	vld [tilespmem:s15+$0x88F8];
	s18 =	spop (v2sf)  }
0x144: {  	v24 =	vld [tilespmem:s18+$0x88C8];
	s16 =	spop (v2sf)  }
0x145: {  	v25 =	vld [tilespmem:s18+$0x88D8];
	v28, _, _ =	vpop (xrf2);
	(xrf2) =	vadd.scan.msk.f32 $0xffff, v13  }
0x146: {  	v13 =	vld [tilespmem:s18+$0x88E8]  }
0x147: {  	v31 =	vld [tilespmem:s18+$0x88F8];
	s18 =	sadd.s32 $0xFFFFFFFD, s5  }
0x148: {  	v34 =	vld [tilespmem:s16+$0x88C8];
	v7 =	vmul.bf16 v7, v23;
	v35 =	vmov s18  }
0x149: {  	v20 =	vmul.bf16 v24, v20;
	v24 =	vld [tilespmem:s16+$0x88D8];
	vm1 =	veq.s32 v35, v0;
	v23, _, _ =	vpop (xrf2)  }
0x14a: {  	v37 =	vmov s5;
	v35 =	vld [tilespmem:s16+$0x88E8];
	v7 =	vmul.bf16 v15, v7;
	s18 =	spop (v2sf);
	v15 =	vbroadcast v23, $0xF  }
0x14b: {  	v20 =	vmul.bf16 v22, v20;
	v36 =	vmul.bf16 v13, v16;
	v13 =	vld [tilespmem:s18+$0x88C8]  }
0x14c: {  	vm0 =	veq.s32 v37, v0;
	v16 =	vld [tilespmem:s18+$0x88D8];
	v22 =	vunpack.i.u.bf16.f32 v7;
	v7 =	vunpack.i.l.bf16.f32 v7;
	v23, _, _ =	vpop (xrf2)  }
0x14d: {  	v31 =	vmul.bf16 v31, v12;
	v12 =	vmul.bf16 v34, v26;
	v26 =	vld [tilespmem:s18+$0x88E8];
	v7 =	vadd.f32 v7, v22  }
0x14e: {  	v25 =	vmul.bf16 v25, v10;
	v22 =	vunpack.i.u.bf16.f32 v20;
	v24 =	vmul.bf16 v24, v32;
	v32 =	vld [tilespmem:s18+$0x88F8]  }
0x14f: {  	v10 =	vunpack.i.l.bf16.f32 v20;
	v23 =	vbroadcast v23, $0xF;
	v20 =	vmul.bf16 v35, v33;
	v33 =	vld [tilespmem:s15+$0x88C8];
	v34, _, _ =	vpop (xrf2)  }
0x150: {  	v10 =	vadd.f32 v10, v22;
	s18 =	sadd.s32 $0xFFFFFFFE, s5;
	v12 =	vmul.bf16 v29, v12;
	v13 =	vmul.bf16 v13, v6;
	v22 =	vld [tilespmem:s15+$0x88D8]  }
0x151: {  	v28 =	vbroadcast v28, $0xF;
	v6 =	vmul.bf16 v16, v27;
	v27 =	vld [tilespmem:s15+$0x88E8];
	v16 =	vmov s18  }
0x152: {  	v2 =	vsel vm1, v15, v2;
	v29 =	vld [tilespmem:s16+$0x88F8];
	v21 =	vmul.bf16 v26, v21;
	vm1 =	veq.s32 v16, v0  }
0x153: {  	s2 =	sadd.s32 $0x100, s2;
	v15 =	vunpack.i.l.bf16.f32 v12;
	s15 =	sadd.s32 $0xFFFFFFFF, s5;
	s5 =	smov.u32 s9;
	v16 =	vmul.bf16 v19, v20;
	v17 =	vmul.bf16 v17, v6;
	v19 =	vld [tilespmem:s10+$0x40]  }
0x154: {  	s9 =	smov.u32 s14;
	v20 =	vunpack.i.u.bf16.f32 v12;
	v26 =	vbroadcast v34, $0xF;
	v11 =	vmul.bf16 v32, v11;
	v6 =	vld [tilespmem:s2+$0x60]  }
0x155: {  	v13 =	vmul.bf16 v18, v13;
	v2 =	vsel vm1, v28, v2;
	v9 =	vmul.bf16 v22, v9  }
0x156: {  	v12 =	vmul.bf16 v30, v25;
	v8 =	vmul.bf16 v8, v11;
	v11 =	vmov s15  }
0x157: {  	v14 =	vmul.bf16 v14, v24;
	v24 =	vunpack.i.u.bf16.f32 v17;
	v4 =	vmul.bf16 v4, v9;
	v9 =	vld [tilespmem:s29+$0x60]  }
0x158: {  	v18 =	vunpack.i.l.bf16.f32 v16;
	v30 =	vmul.bf16 v33, v5;
	vm1 =	veq.s32 v11, v0;
	v22 =	vld [tilespmem:s29+$0xFFFFFFF0]  }
0x159: {  	v2 =	vsel vm1, v26, v2;
	v11 =	vld [tilespmem:s10+$0x20];
	v5 =	vunpack.i.u.bf16.f32 v4;
	v25 =	vunpack.i.l.bf16.f32 v4  }
0x15a: {  	v28 =	vunpack.i.u.bf16.f32 v8;
	v2 =	vsel vm0, v23, v2;
	v4 =	vunpack.i.u.bf16.f32 v16;
	v26 =	vld [tilespmem:s10+$0xFFFFFFF0]  }
0x15b: {  	v33 =	vunpack.i.u.bf16.f32 v13;
	v8 =	vunpack.i.l.bf16.f32 v8;
	v16 =	vadd.f32 v18, v4;
	v32 =	vld [tilespmem:s10+$0xFFFFFFB0]  }
0x15c: {  	v35 =	vunpack.i.l.bf16.f32 v13;
	v18 =	vunpack.i.u.bf16.f32 v14;
	v14 =	vunpack.i.l.bf16.f32 v14;
	v34 =	vld [tilespmem:s10+$0xFFFFFFA0];
	s10 =	smov.u32 s2  }
0x15d: {  	s19 =	sadd.s32 $0x2, s19;
	v17 =	vunpack.i.l.bf16.f32 v17;
	v18 =	vadd.f32 v14, v18;
	v4 =	vld [tilespmem:s2+$0x50];
	v13 =	vmul.bf16 v29, v22  }
.Ltmp2:
0x15e: {  	v23 =	vadd.f32 v15, v20;
	s29 =	sadd.s32 $0x100, s29;
	v15 =	vadd.f32 v25, v5;
	v22 =	vmul.bf16 v27, v9;
	v14 =	vld [tilespmem:s19+$0x0];
	(pc) =	sbr.rel @p0 .LBB2_8-.Ltmp2, $4  }
0x15f: {  	v25 =	vadd.f32 v17, v24;
	v5 =	vld [tilespmem:s29+$0x40];
	v20 =	vmul.bf16 v26, v13;
	v13 =	vadd.f32 v8, v28  }
0x160: {  	v27 =	vadd.f32 v35, v33;
	v21 =	vmul.bf16 v11, v21;
	v8 =	vld [tilespmem:s2+$0x30];
	v29 =	vmul.bf16 v32, v31  }
0x161: {  	v19 =	vmul.bf16 v19, v30;
	v9 =	vld [tilespmem:s29+$0x50];
	v24 =	vmul.bf16 v34, v36;
	v28 =	vunpack.i.u.bf16.f32 v20  }
0x162: {  	v30 =	vunpack.i.l.bf16.f32 v20;
	v20 =	vunpack.i.u.bf16.f32 v21;
	v11 =	vld [tilespmem:s29+$0x30];
	v26 =	vunpack.i.u.bf16.f32 v29  }
0x163: {  	v17 =	vunpack.i.u.s16.s32 v14  }
0x164: {  	v17 =	vshll.u32 v17, $0x8  }
0x165: {  	v56 =	vunpack.i.l.s16.s32 v14;
	v17 =	vshra.s32 v17, $0x2  }
0x166: {  	v14 =	vshll.u32 v56, $0x8;
	(v2sf) =	vpush v17, $0x1  }
0x167: {  	v37 =	vld [tilespmem:s2+$0x10];
	v14 =	vshra.s32 v14, $0x2  }
0x168: {  	v38 =	vld [tilespmem:s2+$0xFFFFFFE0];
	(v2sf) =	vpush v14, $0x0  }
0x169: {  	v39 =	vld [tilespmem:s29+$0x20]  }
0x16a: {  	v40 =	vld [tilespmem:s29+$0x10]  }
0x16b: {  	v41 =	vld [tilespmem:s29+$0xFFFFFFE0]  }
0x16c: {  	v42 =	vld [tilespmem:s29+$0xFFFFFFD0];
	(v2sf) =	vpush v17, $0x0  }
0x16d: {  	v43 =	vld [tilespmem:s29+$0xFFFFFFC0]  }
0x16e: {  	v44 =	vld [tilespmem:s29+$0xFFFFFFB0];
	(v2sf) =	vpush v14, $0x1  }
0x16f: {  	v18 =	vadd.f32 v18, v23;
	v23 =	vadd.f32 v25, v27;
	v25 =	vld [tilespmem:s29+$0xFFFFFFA0]  }
0x170: {  	v59 =	vld [tilespmem:s2+$0xFFFFFF80]  }
0x171: {  	v62 =	vld [tilespmem:s29+$0xFFFFFF80]  }
0x172: {  	v45 =	vld [tilespmem:s29+$0x70];
	v21 =	vunpack.i.l.bf16.f32 v21  }
0x173: {  	v50 =	vld [tilespmem:s2+$0x70];
	v54 =	vadd.f32 v21, v20  }
0x174: {  	v52 =	vld [tilespmem:s29+$0xFFFFFF90]  }
0x175: {  	v13 =	vadd.f32 v13, v54;
	v54 =	vld [tilespmem:s29+$0x60];
	s14 =	spop (v2sf)  }
0x176: {  	v46 =	vunpack.i.u.bf16.f32 v19;
	v47 =	vunpack.i.l.bf16.f32 v19;
	v48 =	vld [tilespmem:s14+$0x88F8]  }
0x177: {  	v49 =	vadd.f32 v47, v46;
	s15 =	spop (v2sf);
	v47 =	vld [tilespmem:s14+$0x88E8]  }
0x178: {  	v57 =	vld [tilespmem:s15+$0x88C8]  }
0x179: {  	v29 =	vunpack.i.l.bf16.f32 v29;
	v58 =	vunpack.i.u.bf16.f32 v24;
	v17 =	vld [tilespmem:s15+$0x88D8]  }
0x17a: {  	v28 =	vadd.f32 v30, v28;
	v3 =	vmul.bf16 v3, v22;
	v60 =	vunpack.i.u.bf16.f32 v12;
	v31 =	vld [tilespmem:s15+$0x88E8]  }
0x17b: {  	v61 =	vunpack.i.l.bf16.f32 v12;
	v63 =	vunpack.i.l.bf16.f32 v24;
	v26 =	vadd.f32 v29, v26;
	s19 =	spop (v2sf);
	v32 =	vld [tilespmem:s15+$0x88F8]  }
0x17c: {  	v12 =	vadd.f32 v61, v60;
	v24 =	vadd.f32 v63, v58;
	v53 =	vld [tilespmem:s19+$0x88C8]  }
0x17d: {  	v16 =	vadd.f32 v28, v16;
	v51 =	vunpack.i.u.bf16.f32 v3;
	v3 =	vunpack.i.l.bf16.f32 v3;
	s30 =	spop (v2sf);
	v55 =	vld [tilespmem:s19+$0x88D8]  }
0x17e: {  	v24 =	vadd.f32 v26, v24;
	v3 =	vadd.f32 v3, v51;
	v34 =	vld [tilespmem:s30+$0x88D8]  }
0x17f: {  	v10 =	vadd.f32 v12, v10;
	v35 =	vld [tilespmem:s30+$0x88E8];
	v56 =	vmul.bf16 v48, v45;
	v22 =	vmul.bf16 v47, v54  }
0x180: {  	v15 =	vadd.f32 v15, v49;
	v36 =	vld [tilespmem:s30+$0x88F8];
	v14 =	vmul.bf16 v57, v62;
	v19 =	vmul.bf16 v31, v25  }
0x181: {  	v63 =	vld [tilespmem:s2+$0xFFFFFF90];
	v13 =	vadd.f32 v13, v23;
	v23 =	vmul.bf16 v32, v44;
	v17 =	vmul.bf16 v17, v52  }
0x182: {  	v58 =	vld [tilespmem:s2+$0xFFFFFFC0];
	v3 =	vadd.f32 v7, v3;
	v7 =	vmul.bf16 v50, v56;
	v12 =	vmul.bf16 v53, v43  }
0x183: {  	v16 =	vadd.f32 v16, v18;
	v45 =	vld [tilespmem:s14+$0x88C8];
	v20 =	vmul.bf16 v55, v42;
	v6 =	vmul.bf16 v6, v22  }
0x184: {  	v10 =	vadd.f32 v24, v10;
	v57 =	vld [tilespmem:s19+$0x88E8];
	v14 =	vmul.bf16 v59, v14;
	v43 =	vmul.bf16 v34, v40  }
0x185: {  	v3 =	vadd.f32 v3, v15;
	v62 =	vld [tilespmem:s14+$0x88D8];
	v46 =	vmul.bf16 v35, v39;
	v11 =	vmul.bf16 v36, v11  }
0x186: {  	v42 =	vld [tilespmem:s2+$0xFFFFFFD0];
	v17 =	vmul.bf16 v63, v17;
	v61 =	vunpack.i.u.bf16.f32 v7;
	v7 =	vunpack.i.l.bf16.f32 v7  }
0x187: {  	v33 =	vld [tilespmem:s30+$0x88C8];
	v12 =	vmul.bf16 v58, v12;
	v7 =	vadd.f32 v7, v61;
	v44 =	vunpack.i.u.bf16.f32 v14  }
0x188: {  	v50 =	vld [tilespmem:s10+$0x40];
	v14 =	vunpack.i.l.bf16.f32 v14;
	v18 =	vmul.bf16 v37, v43;
	v8 =	vmul.bf16 v8, v11  }
0x189: {  	v59 =	vld [tilespmem:s29+$0x0];
	v5 =	vmul.bf16 v45, v5;
	v21 =	vmul.bf16 v57, v41;
	v14 =	vadd.f32 v14, v44  }
0x18a: {  	v51 =	vld [tilespmem:s29+$0xFFFFFFF0];
	v9 =	vmul.bf16 v62, v9;
	v49 =	vunpack.i.l.bf16.f32 v12;
	v12 =	vunpack.i.u.bf16.f32 v12  }
0x18b: {  	v48 =	vld [tilespmem:s19+$0x88F8];
	v41 =	vunpack.i.u.bf16.f32 v17;
	v17 =	vunpack.i.l.bf16.f32 v17;
	v52 =	vmul.bf16 v42, v20  }
0x18c: {  	v63 =	vld [tilespmem:s10+$0xFFFFFFA0];
	v53 =	vunpack.i.u.bf16.f32 v18;
	v58 =	vunpack.i.u.bf16.f32 v8;
	v8 =	vunpack.i.l.bf16.f32 v8  }
0x18d: {  	v18 =	vunpack.i.l.bf16.f32 v18;
	v12 =	vadd.f32 v49, v12;
	v5 =	vmul.bf16 v50, v5  }
0x18e: {  	v60 =	vld [tilespmem:s2+$0x0];
	v42 =	vunpack.i.u.bf16.f32 v6;
	v17 =	vadd.f32 v17, v41;
	v15 =	vmul.bf16 v33, v59  }
0x18f: {  	v6 =	vunpack.i.l.bf16.f32 v6;
	v21 =	vmul.bf16 v38, v21;
	v4 =	vmul.bf16 v4, v9  }
0x190: {  	v9 =	vmul.bf16 v48, v51;
	v18 =	vadd.f32 v18, v53;
	v8 =	vadd.f32 v8, v58  }
0x191: {  	v19 =	vmul.bf16 v63, v19;
	v6 =	vadd.f32 v6, v42;
	v62 =	vunpack.i.u.bf16.f32 v52  }
0x192: {  	v57 =	vld [tilespmem:s10+$0xFFFFFFF0];
	v11 =	vunpack.i.l.bf16.f32 v52;
	v39 =	vunpack.i.u.bf16.f32 v5;
	v5 =	vunpack.i.l.bf16.f32 v5  }
0x193: {  	v45 =	vadd.f32 v17, v14;
	v15 =	vmul.bf16 v60, v15;
	v55 =	vunpack.i.l.bf16.f32 v21  }
0x194: {  	v59 =	vld [tilespmem:s10+$0xFFFFFFB0];
	v56 =	vunpack.i.u.bf16.f32 v4;
	v21 =	vunpack.i.u.bf16.f32 v21;
	v4 =	vunpack.i.l.bf16.f32 v4  }
0x195: {  	v11 =	vadd.f32 v11, v62;
	v40 =	vunpack.i.u.bf16.f32 v19;
	v5 =	vadd.f32 v5, v39  }
0x196: {  	v60 =	vld [tilespmem:s10+$0x20];
	v19 =	vunpack.i.l.bf16.f32 v19;
	v47 =	vadd.f32 v7, v6;
	v21 =	vadd.f32 v55, v21  }
0x197: {  	v4 =	vadd.f32 v4, v56;
	v9 =	vmul.bf16 v57, v9;
	v61 =	vunpack.i.u.bf16.f32 v15  }
0x198: {  	v15 =	vunpack.i.l.bf16.f32 v15;
	v11 =	vadd.f32 v11, v12;
	v12 =	vadd.f32 v19, v40  }
0x199: {  	v33 =	vmul.bf16 v59, v23;
	v37 =	vunpack.i.u.bf16.f32 v9;
	v9 =	vunpack.i.l.bf16.f32 v9  }
0x19a: {  	(xrf2) =	vadd.scan.msk.f32 $0xffff, v16;
	v15 =	vadd.f32 v15, v61;
	v9 =	vadd.f32 v9, v37  }
0x19b: {  	(xrf2) =	vadd.scan.msk.f32 $0xffff, v10;
	v35 =	vmul.bf16 v60, v46;
	v38 =	vunpack.i.u.bf16.f32 v33;
	v20 =	vunpack.i.l.bf16.f32 v33  }
0x19c: {  	(xrf2) =	vadd.scan.msk.f32 $0xffff, v3;
	v3 =	vadd.f32 v4, v5;
	v20 =	vadd.f32 v20, v38  }
0x19d: {  	v9 =	vadd.f32 v9, v21;
	v26 =	vunpack.i.u.bf16.f32 v35;
	v44 =	vunpack.i.l.bf16.f32 v35  }
0x19e: {  	v43 =	vadd.f32 v20, v12;
	v46 =	vadd.f32 v44, v26  }
0x19f: {  	v49 =	vadd.f32 v18, v15;
	v9 =	vadd.f32 v9, v11  }
0x1a0: {  	(xrf2) =	vadd.scan.msk.f32 $0xffff, v13;
	v48 =	vadd.f32 v43, v45;
	v4 =	vadd.f32 v8, v46  }
0x1a1: {  	v3 =	vadd.f32 v47, v3;
	(xrf2) =	vadd.scan.msk.f32 $0xffff, v9  }
0x1a2: {  	(xrf2) =	vadd.scan.msk.f32 $0xffff, v48;
	v4 =	vadd.f32 v4, v49  }
0x1a3: {  	(xrf2) =	vadd.scan.msk.f32 $0xffff, v3  }
0x1a4: {  	(xrf2) =	vadd.scan.msk.f32 $0xffff, v4;
	_ =	sdelay $0x1  }
0x1a5: {  	s16 =	sadd.s32 $0xFFFFFFFD, s5;
	s20 =	sadd.s32 $0xFFFFFFFD, s9  }
0x1a6: {  	s30 =	sadd.s32 $0xFFFFFFFF, s9;
	v51 =	vmov s16;
	v58 =	vmov s20;
	v3, _, _ =	vpop (xrf2)  }
0x1a7: {  	v63 =	vmov s30;
	v52 =	vmov s5;
	v50, _, _ =	vpop (xrf2);
	v3 =	vbroadcast v3, $0xF  }
0x1a8: {  	s18 =	sadd.s32 $0xFFFFFFFE, s5;
	s19 =	sadd.s32 $0xFFFFFFFF, s5;
	vm0 =	veq.s32 v51, v0;
	vm12 =	veq.s32 v58, v0;
	v4 =	vbroadcast v50, $0xF;
	v53, _, _ =	vpop (xrf2)  }
0x1a9: {  	vm14 =	veq.s32 v63, v0;
	v55 =	vmov s18;
	v57 =	vmov s19;
	v54, _, _ =	vpop (xrf2)  }
0x1aa: {  	vm10 =	veq.s32 v55, v0;
	v2 =	vsel vm0, v4, v2;
	v5 =	vbroadcast v54, $0xF;
	v56, _, _ =	vpop (xrf2)  }
0x1ab: {  	vm11 =	veq.s32 v57, v0;
	v7 =	vbroadcast v53, $0xF;
	v2 =	vsel vm10, v3, v2;
	v3, _, _ =	vpop (xrf2)  }
0x1ac: {  	s11 =	sadd.s32 $0x1, s11;
	s29 =	sadd.s32 $0xFFFFFFFE, s9;
	vm1 =	veq.s32 v52, v0;
	v2 =	vsel vm11, v5, v2;
	v3 =	vbroadcast v3, $0xF;
	v60, _, _ =	vpop (xrf2)  }
0x1ad: {  	p0 =	sne.s32 s11, $0x5;
	v62 =	vmov s29;
	v2 =	vsel vm1, v7, v2;
	v4 =	vbroadcast v56, $0xF;
	v61, _, _ =	vpop (xrf2)  }
.Ltmp3:
0x1ae: {  	vm13 =	veq.s32 v62, v0;
	v2 =	vsel vm12, v3, v2;
	v3 =	vbroadcast v61, $0xF;
	(pc) =	sbr.rel @p0 .LBB2_7-.Ltmp3, $4  }
0x1af: {  	v59 =	vmov s9;
	v6 =	vbroadcast v60, $0xF;
	v2 =	vsel vm13, v4, v2  }
0x1b0: {  	vm15 =	veq.s32 v59, v0;
	v2 =	vsel vm14, v3, v2  }
0x1b1: {  	v2 =	vsel vm15, v6, v2  }
0x1b2: {  	s28 =	sadd.s32 $0x8, s28;
	s4 =	sadd.s32 $0x400, s4;
	s6 =	sadd.s32 $0x400, s6;
	[tilespmem:v1+s8+$0x0 ss:$0x1] =	vst.idx.msk $0xffff, v2  }
0x1b3: {  	s2 =	sadd.s32 $0x140, s17;
	s4 =	simm.s32 $0x12DC8  }
0x1b4: {  	[tilespmem:s4], [sflag:$0x3] =	stream.indirect.gather [hbm4b:s3+s13], $0x40, s2, s13, $0xb8;
	[tilespmem:$0x17DC8] =	vst v63  }
0x1b5: {  	s28 =	sadd.s32 $0x2850, s17;
	s29 =	simm.s32 $0x141C8  }
0x1b6: {  	[tilespmem:s29], [sflag:$0x4] =	stream.indirect.gather [hbm4b:s3+s13], $0x40, s28, s13, $0xb8;
	[tilespmem:$0x17DC8] =	vst v63  }
0x1b7: {  	_ =	swait.ge [sflag:s25], $0x1400  }
0x1b8: {  	[sflag:s25] =	ssyncset.done $0x0  }
0x1b9: {  	[sflag:s25] =	ssyncadd.s32 $0xFFFFEC00  }
0x1ba: {  	s30 =	sadd.s32 $0x61B8, s12;
	_ =	swait.ge [sflag:s26], $0x1400  }
0x1bb: {  	s11 =	simm.s32 $0x0;
	s6 =	simm.s32 $0x15648;
	[sflag:s26] =	ssyncset.done $0x0  }
0x1bc: {  	s12 =	smov.u32 s1;
	s4 =	simm.s32 $0x16A48;
	v1 =	vmov s30;
	[sflag:s26] =	ssyncadd.s32 $0xFFFFEC00  }
.LBB2_11:
0x1bd: {  	v3 =	vld [tilespmem:s4+$0x60]  }
0x1be: {  	v2 =	vld [tilespmem:s12+$0x0]  }
0x1bf: {  	v4 =	vld [tilespmem:s4+$0x50]  }
0x1c0: {  	v5 =	vld [tilespmem:s6+$0x40]  }
0x1c1: {  	v8 =	vld [tilespmem:s4+$0x30]  }
0x1c2: {  	v6 =	vld [tilespmem:s6+$0x50]  }
0x1c3: {  	v9 =	vld [tilespmem:s6+$0x30];
	v7 =	vunpack.i.u.s16.s32 v2  }
0x1c4: {  	v11 =	vld [tilespmem:s4+$0xFFFFFFD0];
	v2 =	vunpack.i.l.s16.s32 v2;
	v7 =	vshll.u32 v7, $0x8  }
0x1c5: {  	v12 =	vld [tilespmem:s4+$0x10];
	v2 =	vshll.u32 v2, $0x8;
	v7 =	vshra.s32 v7, $0x2  }
0x1c6: {  	v10 =	vld [tilespmem:s4+$0xFFFFFFE0];
	v2 =	vshra.s32 v2, $0x2;
	(v2sf) =	vpush v7, $0x1  }
0x1c7: {  	v13 =	vld [tilespmem:s6+$0x20];
	(v2sf) =	vpush v2, $0x0  }
0x1c8: {  	v14 =	vld [tilespmem:s4+$0x0]  }
0x1c9: {  	v15 =	vld [tilespmem:s6+$0x10]  }
0x1ca: {  	v16 =	vld [tilespmem:s6+$0x0]  }
0x1cb: {  	v17 =	vld [tilespmem:s6+$0xFFFFFFE0];
	(v2sf) =	vpush v7, $0x0  }
0x1cc: {  	v18 =	vld [tilespmem:s4+$0xFFFFFFC0]  }
0x1cd: {  	v20 =	vld [tilespmem:s6+$0xFFFFFFC0];
	(v2sf) =	vpush v2, $0x1  }
0x1ce: {  	v21 =	vld [tilespmem:s6+$0xFFFFFFB0]  }
0x1cf: {  	v22 =	vld [tilespmem:s6+$0xFFFFFFA0]  }
0x1d0: {  	v23 =	vld [tilespmem:s4+$0xFFFFFF80]  }
0x1d1: {  	v24 =	vld [tilespmem:s6+$0xFFFFFF90]  }
0x1d2: {  	v25 =	vld [tilespmem:s6+$0xFFFFFF80]  }
0x1d3: {  	v26 =	vld [tilespmem:s6+$0x70]  }
0x1d4: {  	v7 =	vld [tilespmem:s6+$0xFFFFFFD0]  }
0x1d5: {  	v2 =	vld [tilespmem:s4+$0x70];
	s2 =	spop (v2sf)  }
0x1d6: {  	v27 =	vld [tilespmem:s2+$0x88F8];
	s5 =	spop (v2sf)  }
0x1d7: {  	v28 =	vld [tilespmem:s5+$0x88C8]  }
0x1d8: {  	v29 =	vld [tilespmem:s5+$0x88D8]  }
0x1d9: {  	v30 =	vld [tilespmem:s5+$0x88E8]  }
0x1da: {  	s8 =	spop (v2sf);
	v31 =	vld [tilespmem:s5+$0x88F8]  }
0x1db: {  	v32 =	vld [tilespmem:s8+$0x88C8]  }
0x1dc: {  	v33 =	vld [tilespmem:s8+$0x88D8];
	s30 =	spop (v2sf)  }
0x1dd: {  	v34 =	vld [tilespmem:s30+$0x88D8]  }
0x1de: {  	v59 =	vld [tilespmem:s30+$0x88F8];
	v26 =	vmul.bf16 v27, v26  }
0x1df: {  	v19 =	vld [tilespmem:s4+$0xFFFFFF90];
	v25 =	vmul.bf16 v28, v25;
	v30 =	vmul.bf16 v30, v22  }
0x1e0: {  	v27 =	vld [tilespmem:s8+$0x88E8];
	v21 =	vmul.bf16 v31, v21;
	v24 =	vmul.bf16 v29, v24  }
0x1e1: {  	v28 =	vld [tilespmem:s30+$0x88C8];
	v26 =	vmul.bf16 v2, v26;
	v20 =	vmul.bf16 v32, v20  }
0x1e2: {  	v22 =	vld [tilespmem:s30+$0x88E8];
	v29 =	vmul.bf16 v33, v7;
	v23 =	vmul.bf16 v23, v25  }
0x1e3: {  	v31 =	vld [tilespmem:s2+$0x88D8];
	v2 =	vimm.f32 $0.0e+00;
	v15 =	vmul.bf16 v34, v15;
	v9 =	vmul.bf16 v59, v9  }
0x1e4: {  	v61 =	vld [tilespmem:s4+$0xFFFFFFA0];
	v25 =	vunpack.i.u.bf16.f32 v26;
	v26 =	vunpack.i.l.bf16.f32 v26;
	v18 =	vmul.bf16 v18, v20  }
0x1e5: {  	v7 =	vadd.f32 v26, v25;
	v17 =	vmul.bf16 v27, v17;
	v25 =	vld [tilespmem:s2+$0x88C8];
	v15 =	vmul.bf16 v12, v15  }
0x1e6: {  	v20 =	vunpack.i.u.bf16.f32 v23;
	v26 =	vld [tilespmem:s2+$0x88E8];
	v12 =	vmul.bf16 v19, v24;
	v8 =	vmul.bf16 v8, v9  }
0x1e7: {  	v23 =	vunpack.i.l.bf16.f32 v23;
	v27 =	vld [tilespmem:s8+$0x88F8];
	v16 =	vmul.bf16 v28, v16;
	v28 =	vmul.bf16 v22, v13  }
0x1e8: {  	v19 =	vld [tilespmem:s6+$0x60];
	v13 =	vmul.bf16 v10, v17;
	v10 =	vadd.f32 v23, v20;
	v20 =	vmul.bf16 v31, v6  }
0x1e9: {  	v9 =	vmul.bf16 v11, v29;
	v24 =	vld [tilespmem:s4+$0x20];
	v22 =	vunpack.i.l.bf16.f32 v18;
	v23 =	vunpack.i.u.bf16.f32 v18  }
0x1ea: {  	v11 =	vunpack.i.u.bf16.f32 v15;
	v18 =	vld [tilespmem:s6+$0xFFFFFFF0];
	v29 =	vunpack.i.u.bf16.f32 v8;
	v4 =	vmul.bf16 v4, v20  }
0x1eb: {  	v17 =	vld [tilespmem:s4+$0x40];
	v14 =	vmul.bf16 v14, v16;
	v16 =	vunpack.i.l.bf16.f32 v13;
	v20 =	vmul.bf16 v25, v5  }
0x1ec: {  	v5 =	vunpack.i.u.bf16.f32 v4;
	v25 =	vunpack.i.l.bf16.f32 v4;
	v4 =	vunpack.i.u.bf16.f32 v13;
	v13 =	vld [tilespmem:s4+$0xFFFFFFF0]  }
0x1ed: {  	s2 =	sadd.s32 $0x100, s4;
	v31 =	vld [tilespmem:s4+$0xFFFFFFB0];
	v8 =	vunpack.i.l.bf16.f32 v8;
	v62 =	vunpack.i.u.bf16.f32 v9;
	v9 =	vunpack.i.l.bf16.f32 v9  }
0x1ee: {  	s19 =	sadd.s32 $0x2, s12;
	v6 =	vld [tilespmem:s2+$0x60];
	v23 =	vadd.f32 v22, v23;
	v60 =	vunpack.i.u.bf16.f32 v14;
	v35 =	vunpack.i.l.bf16.f32 v14  }
0x1ef: {  	v14 =	vld [tilespmem:s19+$0x0];
	v22 =	vmul.bf16 v26, v19;
	v16 =	vadd.f32 v16, v4;
	v27 =	vmul.bf16 v27, v18  }
0x1f0: {  	s17 =	sadd.s32 $0x100, s6;
	v4 =	vld [tilespmem:s2+$0x50];
	v18 =	vadd.f32 v9, v62;
	v9 =	vunpack.i.l.bf16.f32 v15;
	v15 =	vadd.f32 v25, v5  }
0x1f1: {  	v5 =	vld [tilespmem:s17+$0x40];
	v19 =	vmul.bf16 v17, v20;
	v25 =	vadd.f32 v9, v11;
	v63 =	vmul.bf16 v13, v27  }
0x1f2: {  	v9 =	vld [tilespmem:s17+$0x50];
	v13 =	vadd.f32 v8, v29;
	v29 =	vmul.bf16 v31, v21;
	v21 =	vmul.bf16 v24, v28  }
0x1f3: {  	s9 =	simm.s32 $0x7;
	s20 =	simm.s32 $0xB;
	v11 =	vld [tilespmem:s17+$0x30];
	v27 =	vadd.f32 v35, v60;
	v24 =	vmul.bf16 v61, v30;
	v28 =	vunpack.i.u.bf16.f32 v63  }
0x1f4: {  	s5 =	simm.s32 $0x3;
	s8 =	sshll.u32 s11, $0x4;
	s10 =	smov.u32 s2;
	v8 =	vld [tilespmem:s2+$0x30];
	v26 =	vunpack.i.u.bf16.f32 v29;
	v30 =	vunpack.i.l.bf16.f32 v63;
	v20 =	vunpack.i.u.bf16.f32 v21  }
.LBB2_12:
0x1f5: {  	p0 =	sne.s32 s20, $0xF;
	v17 =	vunpack.i.u.s16.s32 v14;
	v31 =	vunpack.i.l.s16.s32 v14;
	v14 =	vld [tilespmem:s2+$0xFFFFFFD0];
	v32 =	vunpack.i.u.bf16.f32 v19;
	s14 =	smov.u32 s20;
	s20 =	sadd.s32 $0x4, s20  }
0x1f6: {  	v34 =	vunpack.i.l.bf16.f32 v19;
	v31 =	vshll.u32 v31, $0x8;
	v33 =	vshll.u32 v17, $0x8;
	v17 =	vld [tilespmem:s2+$0x10]  }
0x1f7: {  	v35 =	vunpack.i.l.bf16.f32 v21;
	v31 =	vshra.s32 v31, $0x2;
	v33 =	vshra.s32 v33, $0x2;
	v19 =	vld [tilespmem:s2+$0xFFFFFFE0]  }
0x1f8: {  	v29 =	vunpack.i.l.bf16.f32 v29;
	v23 =	vadd.f32 v18, v23;
	v21 =	vld [tilespmem:s17+$0x20];
	(v2sf) =	vpush v33, $0x1  }
0x1f9: {  	v36 =	vunpack.i.u.bf16.f32 v24;
	v25 =	vadd.f32 v25, v27;
	v18 =	vld [tilespmem:s2+$0x0];
	(v2sf) =	vpush v31, $0x0  }
0x1fa: {  	v28 =	vadd.f32 v30, v28;
	v22 =	vmul.bf16 v3, v22;
	v3 =	vmovc v6;
	v27 =	vld [tilespmem:s17+$0x10];
	(v2sf) =	vpush v33, $0x0  }
0x1fb: {  	v30 =	vunpack.i.u.bf16.f32 v12;
	v12 =	vunpack.i.l.bf16.f32 v12;
	v24 =	vunpack.i.l.bf16.f32 v24;
	v6 =	vld [tilespmem:s17+$0x0]  }
0x1fc: {  	v26 =	vadd.f32 v29, v26;
	v16 =	vadd.f32 v28, v16;
	v28 =	vunpack.i.u.bf16.f32 v22;
	v33 =	vld [tilespmem:s17+$0xFFFFFFE0]  }
0x1fd: {  	v12 =	vadd.f32 v12, v30;
	v24 =	vadd.f32 v24, v36;
	v22 =	vunpack.i.l.bf16.f32 v22;
	v29 =	vld [tilespmem:s2+$0xFFFFFFC0]  }
0x1fe: {  	v16 =	vadd.f32 v16, v23;
	v23 =	vadd.f32 v34, v32;
	v30 =	vld [tilespmem:s2+$0xFFFFFF90]  }
0x1ff: {  	v24 =	vadd.f32 v26, v24;
	v22 =	vadd.f32 v22, v28;
	v32 =	vld [tilespmem:s17+$0xFFFFFFD0]  }
0x200: {  	v10 =	vadd.f32 v12, v10;
	v26 =	vld [tilespmem:s17+$0xFFFFFFC0];
	(v2sf) =	vpush v31, $0x1;
	(xrf2) =	vadd.scan.msk.f32 $0xffff, v16  }
0x201: {  	v7 =	vadd.f32 v7, v22;
	v15 =	vadd.f32 v15, v23;
	v12 =	vld [tilespmem:s17+$0xFFFFFFB0]  }
0x202: {  	v20 =	vadd.f32 v35, v20;
	v10 =	vadd.f32 v24, v10;
	v16 =	vld [tilespmem:s17+$0xFFFFFFA0]  }
0x203: {  	v7 =	vadd.f32 v7, v15;
	v22 =	vld [tilespmem:s2+$0xFFFFFF80]  }
0x204: {  	v13 =	vadd.f32 v13, v20;
	v15 =	vld [tilespmem:s2+$0x70];
	(xrf2) =	vadd.scan.msk.f32 $0xffff, v10  }
0x205: {  	v10 =	vld [tilespmem:s17+$0xFFFFFF90]  }
0x206: {  	v13 =	vadd.f32 v13, v25;
	v20 =	vld [tilespmem:s17+$0xFFFFFF80]  }
0x207: {  	v23 =	vld [tilespmem:s17+$0x70];
	s15 =	spop (v2sf);
	(xrf2) =	vadd.scan.msk.f32 $0xffff, v7  }
0x208: {  	v7 =	vld [tilespmem:s15+$0x88F8];
	s18 =	spop (v2sf)  }
0x209: {  	v24 =	vld [tilespmem:s18+$0x88C8];
	s16 =	spop (v2sf)  }
0x20a: {  	v25 =	vld [tilespmem:s18+$0x88D8];
	v28, _, _ =	vpop (xrf2);
	(xrf2) =	vadd.scan.msk.f32 $0xffff, v13  }
0x20b: {  	v13 =	vld [tilespmem:s18+$0x88E8]  }
0x20c: {  	v31 =	vld [tilespmem:s18+$0x88F8];
	s18 =	sadd.s32 $0xFFFFFFFD, s5  }
0x20d: {  	v34 =	vld [tilespmem:s16+$0x88C8];
	v7 =	vmul.bf16 v7, v23;
	v35 =	vmov s18  }
0x20e: {  	v20 =	vmul.bf16 v24, v20;
	v24 =	vld [tilespmem:s16+$0x88D8];
	vm1 =	veq.s32 v35, v0;
	v23, _, _ =	vpop (xrf2)  }
0x20f: {  	v37 =	vmov s5;
	v35 =	vld [tilespmem:s16+$0x88E8];
	v7 =	vmul.bf16 v15, v7;
	s18 =	spop (v2sf);
	v15 =	vbroadcast v23, $0xF  }
0x210: {  	v20 =	vmul.bf16 v22, v20;
	v36 =	vmul.bf16 v13, v16;
	v13 =	vld [tilespmem:s18+$0x88C8]  }
0x211: {  	vm0 =	veq.s32 v37, v0;
	v16 =	vld [tilespmem:s18+$0x88D8];
	v22 =	vunpack.i.u.bf16.f32 v7;
	v7 =	vunpack.i.l.bf16.f32 v7;
	v23, _, _ =	vpop (xrf2)  }
0x212: {  	v31 =	vmul.bf16 v31, v12;
	v12 =	vmul.bf16 v34, v26;
	v26 =	vld [tilespmem:s18+$0x88E8];
	v7 =	vadd.f32 v7, v22  }
0x213: {  	v25 =	vmul.bf16 v25, v10;
	v22 =	vunpack.i.u.bf16.f32 v20;
	v24 =	vmul.bf16 v24, v32;
	v32 =	vld [tilespmem:s18+$0x88F8]  }
0x214: {  	v10 =	vunpack.i.l.bf16.f32 v20;
	v23 =	vbroadcast v23, $0xF;
	v20 =	vmul.bf16 v35, v33;
	v33 =	vld [tilespmem:s15+$0x88C8];
	v34, _, _ =	vpop (xrf2)  }
0x215: {  	v10 =	vadd.f32 v10, v22;
	s18 =	sadd.s32 $0xFFFFFFFE, s5;
	v12 =	vmul.bf16 v29, v12;
	v13 =	vmul.bf16 v13, v6;
	v22 =	vld [tilespmem:s15+$0x88D8]  }
0x216: {  	v28 =	vbroadcast v28, $0xF;
	v6 =	vmul.bf16 v16, v27;
	v27 =	vld [tilespmem:s15+$0x88E8];
	v16 =	vmov s18  }
0x217: {  	v2 =	vsel vm1, v15, v2;
	v29 =	vld [tilespmem:s16+$0x88F8];
	v21 =	vmul.bf16 v26, v21;
	vm1 =	veq.s32 v16, v0  }
0x218: {  	s2 =	sadd.s32 $0x100, s2;
	v15 =	vunpack.i.l.bf16.f32 v12;
	s15 =	sadd.s32 $0xFFFFFFFF, s5;
	s5 =	smov.u32 s9;
	v16 =	vmul.bf16 v19, v20;
	v17 =	vmul.bf16 v17, v6;
	v19 =	vld [tilespmem:s10+$0x40]  }
0x219: {  	s9 =	smov.u32 s14;
	v20 =	vunpack.i.u.bf16.f32 v12;
	v26 =	vbroadcast v34, $0xF;
	v11 =	vmul.bf16 v32, v11;
	v6 =	vld [tilespmem:s2+$0x60]  }
0x21a: {  	v13 =	vmul.bf16 v18, v13;
	v2 =	vsel vm1, v28, v2;
	v9 =	vmul.bf16 v22, v9  }
0x21b: {  	v12 =	vmul.bf16 v30, v25;
	v8 =	vmul.bf16 v8, v11;
	v11 =	vmov s15  }
0x21c: {  	v14 =	vmul.bf16 v14, v24;
	v24 =	vunpack.i.u.bf16.f32 v17;
	v4 =	vmul.bf16 v4, v9;
	v9 =	vld [tilespmem:s17+$0x60]  }
0x21d: {  	v18 =	vunpack.i.l.bf16.f32 v16;
	v30 =	vmul.bf16 v33, v5;
	vm1 =	veq.s32 v11, v0;
	v22 =	vld [tilespmem:s17+$0xFFFFFFF0]  }
0x21e: {  	v2 =	vsel vm1, v26, v2;
	v11 =	vld [tilespmem:s10+$0x20];
	v5 =	vunpack.i.u.bf16.f32 v4;
	v25 =	vunpack.i.l.bf16.f32 v4  }
0x21f: {  	v28 =	vunpack.i.u.bf16.f32 v8;
	v2 =	vsel vm0, v23, v2;
	v4 =	vunpack.i.u.bf16.f32 v16;
	v26 =	vld [tilespmem:s10+$0xFFFFFFF0]  }
0x220: {  	v33 =	vunpack.i.u.bf16.f32 v13;
	v8 =	vunpack.i.l.bf16.f32 v8;
	v16 =	vadd.f32 v18, v4;
	v32 =	vld [tilespmem:s10+$0xFFFFFFB0]  }
0x221: {  	v35 =	vunpack.i.l.bf16.f32 v13;
	v18 =	vunpack.i.u.bf16.f32 v14;
	v14 =	vunpack.i.l.bf16.f32 v14;
	v34 =	vld [tilespmem:s10+$0xFFFFFFA0];
	s10 =	smov.u32 s2  }
0x222: {  	s19 =	sadd.s32 $0x2, s19;
	v17 =	vunpack.i.l.bf16.f32 v17;
	v18 =	vadd.f32 v14, v18;
	v4 =	vld [tilespmem:s2+$0x50];
	v13 =	vmul.bf16 v29, v22  }
.Ltmp4:
0x223: {  	v23 =	vadd.f32 v15, v20;
	s17 =	sadd.s32 $0x100, s17;
	v15 =	vadd.f32 v25, v5;
	v22 =	vmul.bf16 v27, v9;
	v14 =	vld [tilespmem:s19+$0x0];
	(pc) =	sbr.rel @p0 .LBB2_12-.Ltmp4, $4  }
0x224: {  	v25 =	vadd.f32 v17, v24;
	v5 =	vld [tilespmem:s17+$0x40];
	v20 =	vmul.bf16 v26, v13;
	v13 =	vadd.f32 v8, v28  }
0x225: {  	v27 =	vadd.f32 v35, v33;
	v21 =	vmul.bf16 v11, v21;
	v8 =	vld [tilespmem:s2+$0x30];
	v29 =	vmul.bf16 v32, v31  }
0x226: {  	v19 =	vmul.bf16 v19, v30;
	v9 =	vld [tilespmem:s17+$0x50];
	v24 =	vmul.bf16 v34, v36;
	v28 =	vunpack.i.u.bf16.f32 v20  }
0x227: {  	v30 =	vunpack.i.l.bf16.f32 v20;
	v20 =	vunpack.i.u.bf16.f32 v21;
	v11 =	vld [tilespmem:s17+$0x30];
	v26 =	vunpack.i.u.bf16.f32 v29  }
0x228: {  	v17 =	vunpack.i.u.s16.s32 v14  }
0x229: {  	v17 =	vshll.u32 v17, $0x8  }
0x22a: {  	v56 =	vunpack.i.l.s16.s32 v14;
	v17 =	vshra.s32 v17, $0x2  }
0x22b: {  	v14 =	vshll.u32 v56, $0x8;
	(v2sf) =	vpush v17, $0x1  }
0x22c: {  	v37 =	vld [tilespmem:s2+$0x10];
	v14 =	vshra.s32 v14, $0x2  }
0x22d: {  	v38 =	vld [tilespmem:s2+$0xFFFFFFE0];
	(v2sf) =	vpush v14, $0x0  }
0x22e: {  	v39 =	vld [tilespmem:s17+$0x20]  }
0x22f: {  	v40 =	vld [tilespmem:s17+$0x10]  }
0x230: {  	v41 =	vld [tilespmem:s17+$0xFFFFFFE0]  }
0x231: {  	v42 =	vld [tilespmem:s17+$0xFFFFFFD0];
	(v2sf) =	vpush v17, $0x0  }
0x232: {  	v43 =	vld [tilespmem:s17+$0xFFFFFFC0]  }
0x233: {  	v44 =	vld [tilespmem:s17+$0xFFFFFFB0];
	(v2sf) =	vpush v14, $0x1  }
0x234: {  	v18 =	vadd.f32 v18, v23;
	v23 =	vadd.f32 v25, v27;
	v25 =	vld [tilespmem:s17+$0xFFFFFFA0]  }
0x235: {  	v59 =	vld [tilespmem:s2+$0xFFFFFF80]  }
0x236: {  	v62 =	vld [tilespmem:s17+$0xFFFFFF80]  }
0x237: {  	v45 =	vld [tilespmem:s17+$0x70];
	v21 =	vunpack.i.l.bf16.f32 v21  }
0x238: {  	v50 =	vld [tilespmem:s2+$0x70];
	v54 =	vadd.f32 v21, v20  }
0x239: {  	v52 =	vld [tilespmem:s17+$0xFFFFFF90]  }
0x23a: {  	v13 =	vadd.f32 v13, v54;
	v54 =	vld [tilespmem:s17+$0x60];
	s14 =	spop (v2sf)  }
0x23b: {  	v46 =	vunpack.i.u.bf16.f32 v19;
	v47 =	vunpack.i.l.bf16.f32 v19;
	v48 =	vld [tilespmem:s14+$0x88F8]  }
0x23c: {  	v49 =	vadd.f32 v47, v46;
	s15 =	spop (v2sf);
	v47 =	vld [tilespmem:s14+$0x88E8]  }
0x23d: {  	v57 =	vld [tilespmem:s15+$0x88C8]  }
0x23e: {  	v29 =	vunpack.i.l.bf16.f32 v29;
	v58 =	vunpack.i.u.bf16.f32 v24;
	v17 =	vld [tilespmem:s15+$0x88D8]  }
0x23f: {  	v28 =	vadd.f32 v30, v28;
	v3 =	vmul.bf16 v3, v22;
	v60 =	vunpack.i.u.bf16.f32 v12;
	v31 =	vld [tilespmem:s15+$0x88E8]  }
0x240: {  	v61 =	vunpack.i.l.bf16.f32 v12;
	v63 =	vunpack.i.l.bf16.f32 v24;
	v26 =	vadd.f32 v29, v26;
	s19 =	spop (v2sf);
	v32 =	vld [tilespmem:s15+$0x88F8]  }
0x241: {  	v12 =	vadd.f32 v61, v60;
	v24 =	vadd.f32 v63, v58;
	v53 =	vld [tilespmem:s19+$0x88C8]  }
0x242: {  	v16 =	vadd.f32 v28, v16;
	v51 =	vunpack.i.u.bf16.f32 v3;
	v3 =	vunpack.i.l.bf16.f32 v3;
	s16 =	spop (v2sf);
	v55 =	vld [tilespmem:s19+$0x88D8]  }
0x243: {  	v24 =	vadd.f32 v26, v24;
	v3 =	vadd.f32 v3, v51;
	v34 =	vld [tilespmem:s16+$0x88D8]  }
0x244: {  	v10 =	vadd.f32 v12, v10;
	v35 =	vld [tilespmem:s16+$0x88E8];
	v56 =	vmul.bf16 v48, v45;
	v22 =	vmul.bf16 v47, v54  }
0x245: {  	v15 =	vadd.f32 v15, v49;
	v36 =	vld [tilespmem:s16+$0x88F8];
	v14 =	vmul.bf16 v57, v62;
	v19 =	vmul.bf16 v31, v25  }
0x246: {  	v63 =	vld [tilespmem:s2+$0xFFFFFF90];
	v13 =	vadd.f32 v13, v23;
	v23 =	vmul.bf16 v32, v44;
	v17 =	vmul.bf16 v17, v52  }
0x247: {  	v58 =	vld [tilespmem:s2+$0xFFFFFFC0];
	v3 =	vadd.f32 v7, v3;
	v7 =	vmul.bf16 v50, v56;
	v12 =	vmul.bf16 v53, v43  }
0x248: {  	v16 =	vadd.f32 v16, v18;
	v45 =	vld [tilespmem:s14+$0x88C8];
	v20 =	vmul.bf16 v55, v42;
	v6 =	vmul.bf16 v6, v22  }
0x249: {  	v10 =	vadd.f32 v24, v10;
	v57 =	vld [tilespmem:s19+$0x88E8];
	v14 =	vmul.bf16 v59, v14;
	v43 =	vmul.bf16 v34, v40  }
0x24a: {  	v3 =	vadd.f32 v3, v15;
	v62 =	vld [tilespmem:s14+$0x88D8];
	v46 =	vmul.bf16 v35, v39;
	v11 =	vmul.bf16 v36, v11  }
0x24b: {  	v42 =	vld [tilespmem:s2+$0xFFFFFFD0];
	v17 =	vmul.bf16 v63, v17;
	v61 =	vunpack.i.u.bf16.f32 v7;
	v7 =	vunpack.i.l.bf16.f32 v7  }
0x24c: {  	v33 =	vld [tilespmem:s16+$0x88C8];
	v12 =	vmul.bf16 v58, v12;
	v7 =	vadd.f32 v7, v61;
	v44 =	vunpack.i.u.bf16.f32 v14  }
0x24d: {  	v50 =	vld [tilespmem:s10+$0x40];
	v14 =	vunpack.i.l.bf16.f32 v14;
	v18 =	vmul.bf16 v37, v43;
	v8 =	vmul.bf16 v8, v11  }
0x24e: {  	v59 =	vld [tilespmem:s17+$0x0];
	v5 =	vmul.bf16 v45, v5;
	v21 =	vmul.bf16 v57, v41;
	v14 =	vadd.f32 v14, v44  }
0x24f: {  	v51 =	vld [tilespmem:s17+$0xFFFFFFF0];
	v9 =	vmul.bf16 v62, v9;
	v49 =	vunpack.i.l.bf16.f32 v12;
	v12 =	vunpack.i.u.bf16.f32 v12  }
0x250: {  	v48 =	vld [tilespmem:s19+$0x88F8];
	v41 =	vunpack.i.u.bf16.f32 v17;
	v17 =	vunpack.i.l.bf16.f32 v17;
	v52 =	vmul.bf16 v42, v20  }
0x251: {  	v63 =	vld [tilespmem:s10+$0xFFFFFFA0];
	v53 =	vunpack.i.u.bf16.f32 v18;
	v58 =	vunpack.i.u.bf16.f32 v8;
	v8 =	vunpack.i.l.bf16.f32 v8  }
0x252: {  	v18 =	vunpack.i.l.bf16.f32 v18;
	v12 =	vadd.f32 v49, v12;
	v5 =	vmul.bf16 v50, v5  }
0x253: {  	v60 =	vld [tilespmem:s2+$0x0];
	v42 =	vunpack.i.u.bf16.f32 v6;
	v17 =	vadd.f32 v17, v41;
	v15 =	vmul.bf16 v33, v59  }
0x254: {  	v6 =	vunpack.i.l.bf16.f32 v6;
	v21 =	vmul.bf16 v38, v21;
	v4 =	vmul.bf16 v4, v9  }
0x255: {  	v9 =	vmul.bf16 v48, v51;
	v18 =	vadd.f32 v18, v53;
	v8 =	vadd.f32 v8, v58  }
0x256: {  	v19 =	vmul.bf16 v63, v19;
	v6 =	vadd.f32 v6, v42;
	v62 =	vunpack.i.u.bf16.f32 v52  }
0x257: {  	v57 =	vld [tilespmem:s10+$0xFFFFFFF0];
	v11 =	vunpack.i.l.bf16.f32 v52;
	v39 =	vunpack.i.u.bf16.f32 v5;
	v5 =	vunpack.i.l.bf16.f32 v5  }
0x258: {  	v45 =	vadd.f32 v17, v14;
	v15 =	vmul.bf16 v60, v15;
	v55 =	vunpack.i.l.bf16.f32 v21  }
0x259: {  	v59 =	vld [tilespmem:s10+$0xFFFFFFB0];
	v56 =	vunpack.i.u.bf16.f32 v4;
	v21 =	vunpack.i.u.bf16.f32 v21;
	v4 =	vunpack.i.l.bf16.f32 v4  }
0x25a: {  	v11 =	vadd.f32 v11, v62;
	v40 =	vunpack.i.u.bf16.f32 v19;
	v5 =	vadd.f32 v5, v39  }
0x25b: {  	v60 =	vld [tilespmem:s10+$0x20];
	v19 =	vunpack.i.l.bf16.f32 v19;
	v47 =	vadd.f32 v7, v6;
	v21 =	vadd.f32 v55, v21  }
0x25c: {  	v4 =	vadd.f32 v4, v56;
	v9 =	vmul.bf16 v57, v9;
	v61 =	vunpack.i.u.bf16.f32 v15  }
0x25d: {  	v15 =	vunpack.i.l.bf16.f32 v15;
	v11 =	vadd.f32 v11, v12;
	v12 =	vadd.f32 v19, v40  }
0x25e: {  	v33 =	vmul.bf16 v59, v23;
	v37 =	vunpack.i.u.bf16.f32 v9;
	v9 =	vunpack.i.l.bf16.f32 v9  }
0x25f: {  	(xrf2) =	vadd.scan.msk.f32 $0xffff, v16;
	v15 =	vadd.f32 v15, v61;
	v9 =	vadd.f32 v9, v37  }
0x260: {  	(xrf2) =	vadd.scan.msk.f32 $0xffff, v10;
	v35 =	vmul.bf16 v60, v46;
	v38 =	vunpack.i.u.bf16.f32 v33;
	v20 =	vunpack.i.l.bf16.f32 v33  }
0x261: {  	(xrf2) =	vadd.scan.msk.f32 $0xffff, v3;
	v3 =	vadd.f32 v4, v5;
	v20 =	vadd.f32 v20, v38  }
0x262: {  	v9 =	vadd.f32 v9, v21;
	v26 =	vunpack.i.u.bf16.f32 v35;
	v44 =	vunpack.i.l.bf16.f32 v35  }
0x263: {  	v43 =	vadd.f32 v20, v12;
	v46 =	vadd.f32 v44, v26  }
0x264: {  	v49 =	vadd.f32 v18, v15;
	v9 =	vadd.f32 v9, v11  }
0x265: {  	(xrf2) =	vadd.scan.msk.f32 $0xffff, v13;
	v48 =	vadd.f32 v43, v45;
	v4 =	vadd.f32 v8, v46  }
0x266: {  	v3 =	vadd.f32 v47, v3;
	(xrf2) =	vadd.scan.msk.f32 $0xffff, v9  }
0x267: {  	(xrf2) =	vadd.scan.msk.f32 $0xffff, v48;
	v4 =	vadd.f32 v4, v49  }
0x268: {  	(xrf2) =	vadd.scan.msk.f32 $0xffff, v3  }
0x269: {  	(xrf2) =	vadd.scan.msk.f32 $0xffff, v4;
	_ =	sdelay $0x1  }
0x26a: {  	s18 =	sadd.s32 $0xFFFFFFFD, s5;
	s28 =	sadd.s32 $0xFFFFFFFD, s9  }
0x26b: {  	s30 =	sadd.s32 $0xFFFFFFFF, s9;
	v51 =	vmov s18;
	v58 =	vmov s28;
	v3, _, _ =	vpop (xrf2)  }
0x26c: {  	v63 =	vmov s30;
	v52 =	vmov s5;
	v50, _, _ =	vpop (xrf2);
	v3 =	vbroadcast v3, $0xF  }
0x26d: {  	s20 =	sadd.s32 $0xFFFFFFFF, s5;
	s19 =	sadd.s32 $0xFFFFFFFE, s5;
	vm0 =	veq.s32 v51, v0;
	vm12 =	veq.s32 v58, v0;
	v4 =	vbroadcast v50, $0xF;
	v53, _, _ =	vpop (xrf2)  }
0x26e: {  	vm14 =	veq.s32 v63, v0;
	v55 =	vmov s19;
	v57 =	vmov s20;
	v54, _, _ =	vpop (xrf2)  }
0x26f: {  	vm10 =	veq.s32 v55, v0;
	v2 =	vsel vm0, v4, v2;
	v5 =	vbroadcast v54, $0xF;
	v56, _, _ =	vpop (xrf2)  }
0x270: {  	vm11 =	veq.s32 v57, v0;
	v7 =	vbroadcast v53, $0xF;
	v2 =	vsel vm10, v3, v2;
	v3, _, _ =	vpop (xrf2)  }
0x271: {  	s29 =	sadd.s32 $0xFFFFFFFE, s9;
	s11 =	sadd.s32 $0x1, s11;
	vm1 =	veq.s32 v52, v0;
	v2 =	vsel vm11, v5, v2;
	v3 =	vbroadcast v3, $0xF;
	v60, _, _ =	vpop (xrf2)  }
0x272: {  	p0 =	sne.s32 s11, $0x5;
	v62 =	vmov s29;
	v2 =	vsel vm1, v7, v2;
	v4 =	vbroadcast v56, $0xF;
	v61, _, _ =	vpop (xrf2)  }
.Ltmp5:
0x273: {  	vm13 =	veq.s32 v62, v0;
	v2 =	vsel vm12, v3, v2;
	v3 =	vbroadcast v61, $0xF;
	(pc) =	sbr.rel @p0 .LBB2_11-.Ltmp5, $4  }
0x274: {  	v59 =	vmov s9;
	v6 =	vbroadcast v60, $0xF;
	v2 =	vsel vm13, v4, v2  }
0x275: {  	vm15 =	veq.s32 v59, v0;
	v2 =	vsel vm14, v3, v2  }
0x276: {  	v2 =	vsel vm15, v6, v2  }
0x277: {  	s12 =	sadd.s32 $0x8, s12;
	s4 =	sadd.s32 $0x400, s4;
	s6 =	sadd.s32 $0x400, s6;
	[tilespmem:v1+s8+$0x0 ss:$0x1] =	vst.idx.msk $0xffff, v2  }
0x278: {  	s0 =	sadd.s32 $0x1, s0  }
0x279: {  	p0 =	sne.s32 s0, $0x29  }
.Ltmp6:
0x27a: {  	_ = 	snop;
	(pc) =	sbr.rel @p0 .LBB2_2-.Ltmp6, $2  }
0x27b: {  	_ =	sdelay $0x2  }
0x27c: {  	s7 =	sadd.s32 $0x78, s7;
	s31 =	sadd.s32 $0x78, s31;
	s1 =	sadd.s32 $0x78, s1  }
0x27d: {  	_ =	swait.ge [sflag:s21], $0x1400  }
0x27e: {  	[sflag:s21] =	ssyncset.done $0x0  }
0x27f: {  	[sflag:s21] =	ssyncadd.s32 $0xFFFFEC00  }
0x280: {  	_ =	swait.ge [sflag:s22], $0x1400  }
0x281: {  	s0 =	simm.s32 $0x0;
	s1 =	simm.s32 $0x6158;
	[sflag:s22] =	ssyncset.done $0x0  }
0x282: {  	s4 =	simm.s32 $0x11A48;
	s6 =	simm.s32 $0x10648;
	[sflag:s22] =	ssyncadd.s32 $0xFFFFEC00  }
.LBB2_16:
0x283: {  	v2 =	vld [tilespmem:s4+$0x60]  }
0x284: {  	v3 =	vld [tilespmem:s4+$0x50]  }
0x285: {  	v1 =	vld [tilespmem:s1+$0x0]  }
0x286: {  	v4 =	vld [tilespmem:s6+$0x40]  }
0x287: {  	v7 =	vld [tilespmem:s4+$0x30]  }
0x288: {  	v5 =	vld [tilespmem:s6+$0x50]  }
0x289: {  	v8 =	vld [tilespmem:s6+$0x30]  }
0x28a: {  	v10 =	vld [tilespmem:s4+$0xFFFFFFD0];
	v6 =	vunpack.i.u.s16.s32 v1  }
0x28b: {  	v11 =	vld [tilespmem:s4+$0x10];
	v1 =	vunpack.i.l.s16.s32 v1;
	v6 =	vshll.u32 v6, $0x8  }
0x28c: {  	v9 =	vld [tilespmem:s4+$0xFFFFFFE0];
	v1 =	vshll.u32 v1, $0x8;
	v6 =	vshra.s32 v6, $0x2  }
0x28d: {  	v12 =	vld [tilespmem:s6+$0x20];
	v1 =	vshra.s32 v1, $0x2;
	(v2sf) =	vpush v6, $0x1  }
0x28e: {  	v13 =	vld [tilespmem:s4+$0x0];
	(v2sf) =	vpush v1, $0x0  }
0x28f: {  	v14 =	vld [tilespmem:s6+$0x10]  }
0x290: {  	v15 =	vld [tilespmem:s6+$0x0]  }
0x291: {  	v16 =	vld [tilespmem:s6+$0xFFFFFFE0]  }
0x292: {  	v17 =	vld [tilespmem:s4+$0xFFFFFFC0];
	(v2sf) =	vpush v6, $0x0  }
0x293: {  	v18 =	vld [tilespmem:s4+$0xFFFFFF90]  }
0x294: {  	v19 =	vld [tilespmem:s6+$0xFFFFFFC0];
	(v2sf) =	vpush v1, $0x1  }
0x295: {  	v20 =	vld [tilespmem:s6+$0xFFFFFFB0]  }
0x296: {  	v21 =	vld [tilespmem:s6+$0xFFFFFFA0]  }
0x297: {  	v22 =	vld [tilespmem:s4+$0xFFFFFF80]  }
0x298: {  	v23 =	vld [tilespmem:s6+$0xFFFFFF90]  }
0x299: {  	v24 =	vld [tilespmem:s6+$0xFFFFFF80]  }
0x29a: {  	v25 =	vld [tilespmem:s6+$0x70]  }
0x29b: {  	v6 =	vld [tilespmem:s6+$0xFFFFFFD0]  }
0x29c: {  	v1 =	vld [tilespmem:s4+$0x70];
	s2 =	spop (v2sf)  }
0x29d: {  	v26 =	vld [tilespmem:s2+$0x88F8];
	s5 =	spop (v2sf)  }
0x29e: {  	v27 =	vld [tilespmem:s5+$0x88C8]  }
0x29f: {  	v28 =	vld [tilespmem:s5+$0x88D8]  }
0x2a0: {  	v29 =	vld [tilespmem:s5+$0x88E8]  }
0x2a1: {  	s7 =	spop (v2sf);
	v30 =	vld [tilespmem:s5+$0x88F8]  }
0x2a2: {  	v31 =	vld [tilespmem:s7+$0x88C8]  }
0x2a3: {  	v32 =	vld [tilespmem:s7+$0x88D8];
	s31 =	spop (v2sf)  }
0x2a4: {  	v33 =	vld [tilespmem:s31+$0x88D8]  }
0x2a5: {  	v25 =	vmul.bf16 v26, v25;
	v26 =	vld [tilespmem:s7+$0x88E8];
	v24 =	vmul.bf16 v27, v24  }
0x2a6: {  	v27 =	vld [tilespmem:s31+$0x88C8];
	v29 =	vmul.bf16 v29, v21;
	v20 =	vmul.bf16 v30, v20  }
0x2a7: {  	v21 =	vld [tilespmem:s31+$0x88E8];
	v23 =	vmul.bf16 v28, v23;
	v25 =	vmul.bf16 v1, v25  }
0x2a8: {  	v30 =	vld [tilespmem:s2+$0x88D8];
	v1 =	vimm.f32 $0.0e+00;
	v19 =	vmul.bf16 v31, v19;
	v22 =	vmul.bf16 v22, v24  }
0x2a9: {  	v31 =	vld [tilespmem:s31+$0x88F8];
	v14 =	vmul.bf16 v33, v14;
	v24 =	vunpack.i.u.bf16.f32 v25;
	v25 =	vunpack.i.l.bf16.f32 v25  }
0x2aa: {  	v61 =	vld [tilespmem:s4+$0xFFFFFFA0];
	v28 =	vmul.bf16 v32, v6;
	v17 =	vmul.bf16 v17, v19;
	v6 =	vadd.f32 v25, v24  }
0x2ab: {  	v16 =	vmul.bf16 v26, v16;
	v24 =	vld [tilespmem:s2+$0x88C8];
	v19 =	vunpack.i.u.bf16.f32 v22;
	v14 =	vmul.bf16 v11, v14  }
0x2ac: {  	v25 =	vld [tilespmem:s2+$0x88E8];
	v22 =	vunpack.i.l.bf16.f32 v22;
	v15 =	vmul.bf16 v27, v15;
	v27 =	vmul.bf16 v21, v12  }
0x2ad: {  	v26 =	vld [tilespmem:s7+$0x88F8];
	v12 =	vmul.bf16 v9, v16;
	v9 =	vadd.f32 v22, v19;
	v19 =	vmul.bf16 v30, v5  }
0x2ae: {  	v11 =	vmul.bf16 v18, v23;
	v18 =	vld [tilespmem:s6+$0x60];
	v21 =	vunpack.i.l.bf16.f32 v17;
	v8 =	vmul.bf16 v31, v8  }
0x2af: {  	v23 =	vld [tilespmem:s4+$0x20];
	v22 =	vunpack.i.u.bf16.f32 v17;
	v13 =	vmul.bf16 v13, v15;
	v3 =	vmul.bf16 v3, v19  }
0x2b0: {  	v17 =	vld [tilespmem:s6+$0xFFFFFFF0];
	v22 =	vadd.f32 v21, v22;
	v7 =	vmul.bf16 v7, v8;
	v8 =	vmul.bf16 v10, v28  }
0x2b1: {  	v16 =	vld [tilespmem:s4+$0x40];
	v10 =	vunpack.i.u.bf16.f32 v14;
	v15 =	vunpack.i.l.bf16.f32 v12;
	v19 =	vmul.bf16 v24, v4  }
0x2b2: {  	v4 =	vunpack.i.u.bf16.f32 v3;
	v24 =	vunpack.i.l.bf16.f32 v3;
	v3 =	vunpack.i.u.bf16.f32 v12;
	v12 =	vld [tilespmem:s4+$0xFFFFFFF0]  }
0x2b3: {  	s2 =	sadd.s32 $0x100, s4;
	v30 =	vld [tilespmem:s4+$0xFFFFFFB0];
	v31 =	vunpack.i.u.bf16.f32 v13;
	v34 =	vunpack.i.l.bf16.f32 v13;
	v21 =	vmul.bf16 v25, v18  }
0x2b4: {  	s11 =	sadd.s32 $0x2, s1;
	v5 =	vld [tilespmem:s2+$0x60];
	v28 =	vunpack.i.u.bf16.f32 v7;
	v7 =	vunpack.i.l.bf16.f32 v7;
	v62 =	vunpack.i.u.bf16.f32 v8  }
0x2b5: {  	v13 =	vld [tilespmem:s11+$0x0];
	v8 =	vunpack.i.l.bf16.f32 v8;
	v15 =	vadd.f32 v15, v3;
	v26 =	vmul.bf16 v26, v17  }
0x2b6: {  	s9 =	sadd.s32 $0x100, s6;
	v3 =	vld [tilespmem:s2+$0x50];
	v17 =	vadd.f32 v8, v62;
	v8 =	vunpack.i.l.bf16.f32 v14;
	v14 =	vadd.f32 v24, v4  }
0x2b7: {  	v4 =	vld [tilespmem:s9+$0x40];
	v18 =	vmul.bf16 v16, v19;
	v24 =	vadd.f32 v8, v10;
	v63 =	vmul.bf16 v12, v26  }
0x2b8: {  	v8 =	vld [tilespmem:s9+$0x50];
	v12 =	vadd.f32 v7, v28;
	v28 =	vmul.bf16 v30, v20;
	v20 =	vmul.bf16 v23, v27  }
0x2b9: {  	s8 =	simm.s32 $0x7;
	s12 =	simm.s32 $0xB;
	v10 =	vld [tilespmem:s9+$0x30];
	v26 =	vadd.f32 v34, v31;
	v23 =	vmul.bf16 v61, v29;
	v27 =	vunpack.i.u.bf16.f32 v63  }
0x2ba: {  	s5 =	simm.s32 $0x3;
	s7 =	sshll.u32 s0, $0x4;
	s10 =	smov.u32 s2;
	v7 =	vld [tilespmem:s2+$0x30];
	v25 =	vunpack.i.u.bf16.f32 v28;
	v29 =	vunpack.i.l.bf16.f32 v63;
	v19 =	vunpack.i.u.bf16.f32 v20  }
.LBB2_17:
0x2bb: {  	p0 =	sne.s32 s12, $0xF;
	v16 =	vunpack.i.u.s16.s32 v13;
	v30 =	vunpack.i.l.s16.s32 v13;
	v13 =	vld [tilespmem:s2+$0xFFFFFFD0];
	v31 =	vunpack.i.u.bf16.f32 v18;
	s14 =	smov.u32 s12;
	s12 =	sadd.s32 $0x4, s12  }
0x2bc: {  	v33 =	vunpack.i.l.bf16.f32 v18;
	v30 =	vshll.u32 v30, $0x8;
	v32 =	vshll.u32 v16, $0x8;
	v16 =	vld [tilespmem:s2+$0x10]  }
0x2bd: {  	v34 =	vunpack.i.l.bf16.f32 v20;
	v30 =	vshra.s32 v30, $0x2;
	v32 =	vshra.s32 v32, $0x2;
	v18 =	vld [tilespmem:s2+$0xFFFFFFE0]  }
0x2be: {  	v28 =	vunpack.i.l.bf16.f32 v28;
	v22 =	vadd.f32 v17, v22;
	v20 =	vld [tilespmem:s9+$0x20];
	(v2sf) =	vpush v32, $0x1  }
0x2bf: {  	v35 =	vunpack.i.u.bf16.f32 v23;
	v24 =	vadd.f32 v24, v26;
	v17 =	vld [tilespmem:s2+$0x0];
	(v2sf) =	vpush v30, $0x0  }
0x2c0: {  	v27 =	vadd.f32 v29, v27;
	v21 =	vmul.bf16 v2, v21;
	v2 =	vmovc v5;
	v26 =	vld [tilespmem:s9+$0x10];
	(v2sf) =	vpush v32, $0x0  }
0x2c1: {  	v29 =	vunpack.i.u.bf16.f32 v11;
	v11 =	vunpack.i.l.bf16.f32 v11;
	v23 =	vunpack.i.l.bf16.f32 v23;
	v5 =	vld [tilespmem:s9+$0x0]  }
0x2c2: {  	v25 =	vadd.f32 v28, v25;
	v15 =	vadd.f32 v27, v15;
	v27 =	vunpack.i.u.bf16.f32 v21;
	v32 =	vld [tilespmem:s9+$0xFFFFFFE0]  }
0x2c3: {  	v11 =	vadd.f32 v11, v29;
	v23 =	vadd.f32 v23, v35;
	v21 =	vunpack.i.l.bf16.f32 v21;
	v28 =	vld [tilespmem:s2+$0xFFFFFFC0]  }
0x2c4: {  	v15 =	vadd.f32 v15, v22;
	v22 =	vadd.f32 v33, v31;
	v29 =	vld [tilespmem:s2+$0xFFFFFF90]  }
0x2c5: {  	v23 =	vadd.f32 v25, v23;
	v21 =	vadd.f32 v21, v27;
	v31 =	vld [tilespmem:s9+$0xFFFFFFD0]  }
0x2c6: {  	v9 =	vadd.f32 v11, v9;
	v25 =	vld [tilespmem:s9+$0xFFFFFFC0];
	(v2sf) =	vpush v30, $0x1;
	(xrf2) =	vadd.scan.msk.f32 $0xffff, v15  }
0x2c7: {  	v6 =	vadd.f32 v6, v21;
	v14 =	vadd.f32 v14, v22;
	v11 =	vld [tilespmem:s9+$0xFFFFFFB0]  }
0x2c8: {  	v19 =	vadd.f32 v34, v19;
	v9 =	vadd.f32 v23, v9;
	v15 =	vld [tilespmem:s9+$0xFFFFFFA0]  }
0x2c9: {  	v6 =	vadd.f32 v6, v14;
	v21 =	vld [tilespmem:s2+$0xFFFFFF80]  }
0x2ca: {  	v12 =	vadd.f32 v12, v19;
	v14 =	vld [tilespmem:s2+$0x70];
	(xrf2) =	vadd.scan.msk.f32 $0xffff, v9  }
0x2cb: {  	v9 =	vld [tilespmem:s9+$0xFFFFFF90]  }
0x2cc: {  	v12 =	vadd.f32 v12, v24;
	v19 =	vld [tilespmem:s9+$0xFFFFFF80]  }
0x2cd: {  	v22 =	vld [tilespmem:s9+$0x70];
	s15 =	spop (v2sf);
	(xrf2) =	vadd.scan.msk.f32 $0xffff, v6  }
0x2ce: {  	v6 =	vld [tilespmem:s15+$0x88F8];
	s17 =	spop (v2sf)  }
0x2cf: {  	v23 =	vld [tilespmem:s17+$0x88C8];
	s16 =	spop (v2sf)  }
0x2d0: {  	v24 =	vld [tilespmem:s17+$0x88D8];
	v27, _, _ =	vpop (xrf2);
	(xrf2) =	vadd.scan.msk.f32 $0xffff, v12  }
0x2d1: {  	v12 =	vld [tilespmem:s17+$0x88E8]  }
0x2d2: {  	v30 =	vld [tilespmem:s17+$0x88F8];
	s17 =	sadd.s32 $0xFFFFFFFD, s5  }
0x2d3: {  	v33 =	vld [tilespmem:s16+$0x88C8];
	v6 =	vmul.bf16 v6, v22;
	v34 =	vmov s17  }
0x2d4: {  	v19 =	vmul.bf16 v23, v19;
	v23 =	vld [tilespmem:s16+$0x88D8];
	vm1 =	veq.s32 v34, v0;
	v22, _, _ =	vpop (xrf2)  }
0x2d5: {  	v36 =	vmov s5;
	v34 =	vld [tilespmem:s16+$0x88E8];
	v6 =	vmul.bf16 v14, v6;
	s17 =	spop (v2sf);
	v14 =	vbroadcast v22, $0xF  }
0x2d6: {  	v19 =	vmul.bf16 v21, v19;
	v35 =	vmul.bf16 v12, v15;
	v12 =	vld [tilespmem:s17+$0x88C8]  }
0x2d7: {  	vm0 =	veq.s32 v36, v0;
	v15 =	vld [tilespmem:s17+$0x88D8];
	v21 =	vunpack.i.u.bf16.f32 v6;
	v6 =	vunpack.i.l.bf16.f32 v6;
	v22, _, _ =	vpop (xrf2)  }
0x2d8: {  	v30 =	vmul.bf16 v30, v11;
	v11 =	vmul.bf16 v33, v25;
	v25 =	vld [tilespmem:s17+$0x88E8];
	v6 =	vadd.f32 v6, v21  }
0x2d9: {  	v24 =	vmul.bf16 v24, v9;
	v21 =	vunpack.i.u.bf16.f32 v19;
	v23 =	vmul.bf16 v23, v31;
	v31 =	vld [tilespmem:s17+$0x88F8]  }
0x2da: {  	v9 =	vunpack.i.l.bf16.f32 v19;
	v22 =	vbroadcast v22, $0xF;
	v19 =	vmul.bf16 v34, v32;
	v32 =	vld [tilespmem:s15+$0x88C8];
	v33, _, _ =	vpop (xrf2)  }
0x2db: {  	v9 =	vadd.f32 v9, v21;
	s17 =	sadd.s32 $0xFFFFFFFE, s5;
	v11 =	vmul.bf16 v28, v11;
	v12 =	vmul.bf16 v12, v5;
	v21 =	vld [tilespmem:s15+$0x88D8]  }
0x2dc: {  	v27 =	vbroadcast v27, $0xF;
	v5 =	vmul.bf16 v15, v26;
	v26 =	vld [tilespmem:s15+$0x88E8];
	v15 =	vmov s17  }
0x2dd: {  	v1 =	vsel vm1, v14, v1;
	v28 =	vld [tilespmem:s16+$0x88F8];
	v20 =	vmul.bf16 v25, v20;
	vm1 =	veq.s32 v15, v0  }
0x2de: {  	s2 =	sadd.s32 $0x100, s2;
	v14 =	vunpack.i.l.bf16.f32 v11;
	s15 =	sadd.s32 $0xFFFFFFFF, s5;
	s5 =	smov.u32 s8;
	v15 =	vmul.bf16 v18, v19;
	v16 =	vmul.bf16 v16, v5;
	v18 =	vld [tilespmem:s10+$0x40]  }
0x2df: {  	s8 =	smov.u32 s14;
	v19 =	vunpack.i.u.bf16.f32 v11;
	v25 =	vbroadcast v33, $0xF;
	v10 =	vmul.bf16 v31, v10;
	v5 =	vld [tilespmem:s2+$0x60]  }
0x2e0: {  	v12 =	vmul.bf16 v17, v12;
	v1 =	vsel vm1, v27, v1;
	v8 =	vmul.bf16 v21, v8  }
0x2e1: {  	v11 =	vmul.bf16 v29, v24;
	v7 =	vmul.bf16 v7, v10;
	v10 =	vmov s15  }
0x2e2: {  	v13 =	vmul.bf16 v13, v23;
	v23 =	vunpack.i.u.bf16.f32 v16;
	v3 =	vmul.bf16 v3, v8;
	v8 =	vld [tilespmem:s9+$0x60]  }
0x2e3: {  	v17 =	vunpack.i.l.bf16.f32 v15;
	v29 =	vmul.bf16 v32, v4;
	vm1 =	veq.s32 v10, v0;
	v21 =	vld [tilespmem:s9+$0xFFFFFFF0]  }
0x2e4: {  	v1 =	vsel vm1, v25, v1;
	v10 =	vld [tilespmem:s10+$0x20];
	v4 =	vunpack.i.u.bf16.f32 v3;
	v24 =	vunpack.i.l.bf16.f32 v3  }
0x2e5: {  	v27 =	vunpack.i.u.bf16.f32 v7;
	v1 =	vsel vm0, v22, v1;
	v3 =	vunpack.i.u.bf16.f32 v15;
	v25 =	vld [tilespmem:s10+$0xFFFFFFF0]  }
0x2e6: {  	v32 =	vunpack.i.u.bf16.f32 v12;
	v7 =	vunpack.i.l.bf16.f32 v7;
	v15 =	vadd.f32 v17, v3;
	v31 =	vld [tilespmem:s10+$0xFFFFFFB0]  }
0x2e7: {  	v34 =	vunpack.i.l.bf16.f32 v12;
	v17 =	vunpack.i.u.bf16.f32 v13;
	v13 =	vunpack.i.l.bf16.f32 v13;
	v33 =	vld [tilespmem:s10+$0xFFFFFFA0];
	s10 =	smov.u32 s2  }
0x2e8: {  	s11 =	sadd.s32 $0x2, s11;
	v16 =	vunpack.i.l.bf16.f32 v16;
	v17 =	vadd.f32 v13, v17;
	v3 =	vld [tilespmem:s2+$0x50];
	v12 =	vmul.bf16 v28, v21  }
.Ltmp7:
0x2e9: {  	v22 =	vadd.f32 v14, v19;
	s9 =	sadd.s32 $0x100, s9;
	v14 =	vadd.f32 v24, v4;
	v21 =	vmul.bf16 v26, v8;
	v13 =	vld [tilespmem:s11+$0x0];
	(pc) =	sbr.rel @p0 .LBB2_17-.Ltmp7, $4  }
0x2ea: {  	v24 =	vadd.f32 v16, v23;
	v4 =	vld [tilespmem:s9+$0x40];
	v19 =	vmul.bf16 v25, v12;
	v12 =	vadd.f32 v7, v27  }
0x2eb: {  	v26 =	vadd.f32 v34, v32;
	v20 =	vmul.bf16 v10, v20;
	v7 =	vld [tilespmem:s2+$0x30];
	v28 =	vmul.bf16 v31, v30  }
0x2ec: {  	v18 =	vmul.bf16 v18, v29;
	v8 =	vld [tilespmem:s9+$0x50];
	v23 =	vmul.bf16 v33, v35;
	v27 =	vunpack.i.u.bf16.f32 v19  }
0x2ed: {  	v29 =	vunpack.i.l.bf16.f32 v19;
	v19 =	vunpack.i.u.bf16.f32 v20;
	v10 =	vld [tilespmem:s9+$0x30];
	v25 =	vunpack.i.u.bf16.f32 v28  }
0x2ee: {  	v16 =	vunpack.i.u.s16.s32 v13  }
0x2ef: {  	v16 =	vshll.u32 v16, $0x8  }
0x2f0: {  	v60 =	vunpack.i.l.s16.s32 v13;
	v16 =	vshra.s32 v16, $0x2  }
0x2f1: {  	v13 =	vshll.u32 v60, $0x8;
	(v2sf) =	vpush v16, $0x1  }
0x2f2: {  	v37 =	vld [tilespmem:s2+$0xFFFFFFE0];
	v13 =	vshra.s32 v13, $0x2  }
0x2f3: {  	v38 =	vld [tilespmem:s9+$0x20];
	(v2sf) =	vpush v13, $0x0  }
0x2f4: {  	v39 =	vld [tilespmem:s9+$0x10]  }
0x2f5: {  	v40 =	vld [tilespmem:s9+$0xFFFFFFE0]  }
0x2f6: {  	v41 =	vld [tilespmem:s9+$0xFFFFFFD0]  }
0x2f7: {  	v42 =	vld [tilespmem:s9+$0xFFFFFFC0];
	(v2sf) =	vpush v16, $0x0  }
0x2f8: {  	v43 =	vld [tilespmem:s9+$0xFFFFFFB0]  }
0x2f9: {  	v17 =	vadd.f32 v17, v22;
	v22 =	vadd.f32 v24, v26;
	v24 =	vld [tilespmem:s9+$0xFFFFFFA0]  }
0x2fa: {  	v63 =	vld [tilespmem:s2+$0xFFFFFF80];
	(v2sf) =	vpush v13, $0x1  }
0x2fb: {  	v46 =	vld [tilespmem:s9+$0xFFFFFF80]  }
0x2fc: {  	v48 =	vld [tilespmem:s9+$0x70]  }
0x2fd: {  	v49 =	vunpack.i.u.bf16.f32 v18;
	v50 =	vunpack.i.l.bf16.f32 v18;
	v53 =	vld [tilespmem:s2+$0x70]  }
0x2fe: {  	v62 =	vunpack.i.u.bf16.f32 v23;
	v47 =	vunpack.i.l.bf16.f32 v23;
	v55 =	vld [tilespmem:s9+$0xFFFFFF90];
	v52 =	vadd.f32 v50, v49  }
0x2ff: {  	v23 =	vadd.f32 v47, v62;
	v62 =	vld [tilespmem:s9+$0x0]  }
0x300: {  	v14 =	vadd.f32 v14, v52;
	v52 =	vld [tilespmem:s10+$0x40];
	s11 =	spop (v2sf)  }
0x301: {  	v51 =	vld [tilespmem:s11+$0x88F8]  }
0x302: {  	s14 =	spop (v2sf);
	v47 =	vld [tilespmem:s11+$0x88C8]  }
0x303: {  	v61 =	vld [tilespmem:s14+$0x88C8]  }
0x304: {  	v16 =	vld [tilespmem:s14+$0x88D8]  }
0x305: {  	v28 =	vunpack.i.l.bf16.f32 v28;
	v30 =	vld [tilespmem:s14+$0x88E8]  }
0x306: {  	v27 =	vadd.f32 v29, v27;
	v2 =	vmul.bf16 v2, v21;
	v44 =	vunpack.i.u.bf16.f32 v11;
	s12 =	spop (v2sf);
	v31 =	vld [tilespmem:s14+$0x88F8]  }
0x307: {  	v45 =	vunpack.i.l.bf16.f32 v11;
	v20 =	vunpack.i.l.bf16.f32 v20;
	v25 =	vadd.f32 v28, v25;
	v56 =	vld [tilespmem:s12+$0x88C8]  }
0x308: {  	v11 =	vadd.f32 v45, v44;
	v57 =	vadd.f32 v20, v19;
	v58 =	vld [tilespmem:s12+$0x88D8]  }
0x309: {  	v15 =	vadd.f32 v27, v15;
	v54 =	vunpack.i.u.bf16.f32 v2;
	v2 =	vunpack.i.l.bf16.f32 v2;
	s18 =	spop (v2sf);
	v60 =	vld [tilespmem:s12+$0x88E8]  }
0x30a: {  	v23 =	vadd.f32 v25, v23;
	v12 =	vadd.f32 v12, v57;
	v32 =	vld [tilespmem:s18+$0x88C8];
	v59 =	vmul.bf16 v51, v48  }
0x30b: {  	v2 =	vadd.f32 v2, v54;
	v33 =	vld [tilespmem:s18+$0x88D8];
	v4 =	vmul.bf16 v47, v4;
	v13 =	vmul.bf16 v61, v46  }
0x30c: {  	v12 =	vadd.f32 v12, v22;
	v34 =	vld [tilespmem:s18+$0x88E8];
	v18 =	vmul.bf16 v30, v24;
	v22 =	vmul.bf16 v31, v43  }
0x30d: {  	v2 =	vadd.f32 v6, v2;
	v35 =	vld [tilespmem:s18+$0x88F8];
	v16 =	vmul.bf16 v16, v55;
	v6 =	vmul.bf16 v53, v59  }
0x30e: {  	v44 =	vld [tilespmem:s2+$0xFFFFFFD0];
	v9 =	vadd.f32 v11, v9;
	v11 =	vmul.bf16 v56, v42;
	v19 =	vmul.bf16 v58, v41  }
0x30f: {  	v36 =	vld [tilespmem:s2+$0x10];
	v15 =	vadd.f32 v15, v17;
	v20 =	vmul.bf16 v60, v40;
	v4 =	vmul.bf16 v52, v4  }
0x310: {  	v9 =	vadd.f32 v23, v9;
	v61 =	vld [tilespmem:s2+$0xFFFFFFC0];
	v13 =	vmul.bf16 v63, v13;
	v45 =	vmul.bf16 v33, v39  }
0x311: {  	v2 =	vadd.f32 v2, v14;
	v43 =	vld [tilespmem:s2+$0xFFFFFF90];
	v14 =	vmul.bf16 v32, v62;
	v48 =	vmul.bf16 v34, v38  }
0x312: {  	v42 =	vld [tilespmem:s11+$0x88D8];
	v10 =	vmul.bf16 v35, v10;
	v31 =	vunpack.i.u.bf16.f32 v6;
	v6 =	vunpack.i.l.bf16.f32 v6  }
0x313: {  	v20 =	vmul.bf16 v37, v20;
	v54 =	vmul.bf16 v44, v19;
	v6 =	vadd.f32 v6, v31  }
0x314: {  	v49 =	vld [tilespmem:s11+$0x88E8];
	v46 =	vunpack.i.u.bf16.f32 v13;
	v13 =	vunpack.i.l.bf16.f32 v13;
	v17 =	vmul.bf16 v36, v45  }
0x315: {  	v56 =	vld [tilespmem:s9+$0x60];
	v7 =	vmul.bf16 v7, v10;
	v11 =	vmul.bf16 v61, v11;
	v13 =	vadd.f32 v13, v46  }
0x316: {  	v63 =	vld [tilespmem:s2+$0x0];
	v16 =	vmul.bf16 v43, v16;
	v57 =	vunpack.i.l.bf16.f32 v20;
	v20 =	vunpack.i.u.bf16.f32 v20  }
0x317: {  	v62 =	vld [tilespmem:s10+$0x20];
	v36 =	vunpack.i.u.bf16.f32 v54;
	v10 =	vunpack.i.l.bf16.f32 v54;
	v8 =	vmul.bf16 v42, v8  }
0x318: {  	v50 =	vld [tilespmem:s12+$0x88F8];
	v55 =	vunpack.i.u.bf16.f32 v17;
	v60 =	vunpack.i.u.bf16.f32 v7;
	v20 =	vadd.f32 v57, v20  }
0x319: {  	v53 =	vld [tilespmem:s9+$0xFFFFFFF0];
	v7 =	vunpack.i.l.bf16.f32 v7;
	v10 =	vadd.f32 v10, v36;
	v17 =	vunpack.i.l.bf16.f32 v17  }
0x31a: {  	v37 =	vld [tilespmem:s10+$0xFFFFFFA0];
	v21 =	vmul.bf16 v49, v56;
	v42 =	vunpack.i.u.bf16.f32 v4;
	v4 =	vunpack.i.l.bf16.f32 v4  }
0x31b: {  	v59 =	vld [tilespmem:s10+$0xFFFFFFF0];
	v51 =	vunpack.i.l.bf16.f32 v11;
	v14 =	vmul.bf16 v63, v14;
	v11 =	vunpack.i.u.bf16.f32 v11  }
0x31c: {  	v61 =	vld [tilespmem:s10+$0xFFFFFFB0];
	v17 =	vadd.f32 v17, v55;
	v7 =	vadd.f32 v7, v60;
	v39 =	vmul.bf16 v62, v48  }
0x31d: {  	v44 =	vunpack.i.u.bf16.f32 v16;
	v16 =	vunpack.i.l.bf16.f32 v16;
	v4 =	vadd.f32 v4, v42  }
0x31e: {  	v3 =	vmul.bf16 v3, v8;
	v8 =	vmul.bf16 v50, v53;
	v11 =	vadd.f32 v51, v11  }
0x31f: {  	v18 =	vmul.bf16 v37, v18;
	v5 =	vmul.bf16 v5, v21;
	v16 =	vadd.f32 v16, v44  }
0x320: {  	v63 =	vunpack.i.u.bf16.f32 v14;
	v14 =	vunpack.i.l.bf16.f32 v14;
	v58 =	vunpack.i.u.bf16.f32 v3  }
0x321: {  	v3 =	vunpack.i.l.bf16.f32 v3;
	v8 =	vmul.bf16 v59, v8;
	v38 =	vmul.bf16 v61, v22  }
0x322: {  	v14 =	vadd.f32 v14, v63;
	v10 =	vadd.f32 v10, v11;
	v43 =	vunpack.i.u.bf16.f32 v18  }
0x323: {  	v18 =	vunpack.i.l.bf16.f32 v18;
	v45 =	vunpack.i.u.bf16.f32 v5;
	v48 =	vadd.f32 v16, v13  }
0x324: {  	v5 =	vunpack.i.l.bf16.f32 v5;
	v3 =	vadd.f32 v3, v58;
	v11 =	vadd.f32 v18, v43  }
0x325: {  	v5 =	vadd.f32 v5, v45;
	v40 =	vunpack.i.u.bf16.f32 v8;
	v8 =	vunpack.i.l.bf16.f32 v8  }
0x326: {  	(xrf2) =	vadd.scan.msk.f32 $0xffff, v15;
	v41 =	vunpack.i.u.bf16.f32 v38;
	v19 =	vunpack.i.l.bf16.f32 v38;
	v8 =	vadd.f32 v8, v40  }
0x327: {  	(xrf2) =	vadd.scan.msk.f32 $0xffff, v9;
	v25 =	vunpack.i.u.bf16.f32 v39;
	v51 =	vadd.f32 v17, v14;
	v19 =	vadd.f32 v19, v41  }
0x328: {  	(xrf2) =	vadd.scan.msk.f32 $0xffff, v2;
	v47 =	vunpack.i.l.bf16.f32 v39;
	v2 =	vadd.f32 v3, v4;
	v8 =	vadd.f32 v8, v20  }
0x329: {  	v3 =	vadd.f32 v47, v25;
	v46 =	vadd.f32 v19, v11  }
0x32a: {  	v49 =	vadd.f32 v6, v5;
	v8 =	vadd.f32 v8, v10  }
0x32b: {  	(xrf2) =	vadd.scan.msk.f32 $0xffff, v12;
	v3 =	vadd.f32 v7, v3;
	v50 =	vadd.f32 v46, v48  }
0x32c: {  	v2 =	vadd.f32 v49, v2;
	(xrf2) =	vadd.scan.msk.f32 $0xffff, v8  }
0x32d: {  	v3 =	vadd.f32 v3, v51;
	(xrf2) =	vadd.scan.msk.f32 $0xffff, v50  }
0x32e: {  	(xrf2) =	vadd.scan.msk.f32 $0xffff, v2  }
0x32f: {  	(xrf2) =	vadd.scan.msk.f32 $0xffff, v3  }
0x330: {  	v2, _, _ =	vpop (xrf2)  }
0x331: {  	s19 =	sadd.s32 $0xFFFFFFFD, s5;
	v3, _, _ =	vpop (xrf2)  }
0x332: {  	s20 =	sadd.s32 $0xFFFFFFFE, s5;
	v52 =	vmov s19;
	v3 =	vbroadcast v3, $0xF  }
0x333: {  	s28 =	sadd.s32 $0xFFFFFFFF, s5;
	s30 =	sadd.s32 $0xFFFFFFFE, s8;
	vm0 =	veq.s32 v52, v0;
	v56 =	vmov s20;
	v2 =	vbroadcast v2, $0xF  }
0x334: {  	v57 =	vmov s28;
	vm10 =	veq.s32 v56, v0;
	v62 =	vmov s30;
	v54, _, _ =	vpop (xrf2)  }
0x335: {  	vm11 =	veq.s32 v57, v0;
	v53 =	vmov s5;
	vm13 =	veq.s32 v62, v0;
	v55, _, _ =	vpop (xrf2)  }
0x336: {  	vm1 =	veq.s32 v53, v0;
	v1 =	vsel vm0, v3, v1;
	v4 =	vbroadcast v55, $0xF;
	v3, _, _ =	vpop (xrf2)  }
0x337: {  	s29 =	sadd.s32 $0xFFFFFFFD, s8;
	v59 =	vmov s8;
	v6 =	vbroadcast v54, $0xF;
	v1 =	vsel vm10, v2, v1;
	v2, _, _ =	vpop (xrf2)  }
0x338: {  	s0 =	sadd.s32 $0x1, s0;
	v58 =	vmov s29;
	v1 =	vsel vm11, v4, v1;
	v2 =	vbroadcast v2, $0xF;
	v60, _, _ =	vpop (xrf2)  }
0x339: {  	s31 =	sadd.s32 $0xFFFFFFFF, s8;
	p0 =	sne.s32 s0, $0x5;
	vm12 =	veq.s32 v58, v0;
	v1 =	vsel vm1, v6, v1;
	v3 =	vbroadcast v3, $0xF;
	v61, _, _ =	vpop (xrf2)  }
.Ltmp8:
0x33a: {  	v63 =	vmov s31;
	v1 =	vsel vm12, v2, v1;
	v2 =	vbroadcast v61, $0xF;
	(pc) =	sbr.rel @p0 .LBB2_16-.Ltmp8, $4  }
0x33b: {  	vm14 =	veq.s32 v63, v0;
	v5 =	vbroadcast v60, $0xF;
	v1 =	vsel vm13, v3, v1  }
0x33c: {  	vm15 =	veq.s32 v59, v0;
	v1 =	vsel vm14, v2, v1  }
0x33d: {  	v1 =	vsel vm15, v5, v1  }
0x33e: {  	s1 =	sadd.s32 $0x8, s1;
	s4 =	sadd.s32 $0x400, s4;
	s6 =	sadd.s32 $0x400, s6;
	[tilespmem:s7+$0x8828] =	vst v1  }
0x33f: {  	_ =	swait.ge [sflag:s23], $0x1400  }
0x340: {  	[sflag:s23] =	ssyncset.done $0x0  }
0x341: {  	[sflag:s23] =	ssyncadd.s32 $0xFFFFEC00  }
0x342: {  	_ =	swait.ge [sflag:s24], $0x1400  }
0x343: {  	s0 =	simm.s32 $0x0;
	s1 =	simm.s32 $0x6180;
	[sflag:s24] =	ssyncset.done $0x0  }
0x344: {  	s4 =	simm.s32 $0x14248;
	s6 =	simm.s32 $0x12E48;
	[sflag:s24] =	ssyncadd.s32 $0xFFFFEC00  }
.LBB2_20:
0x345: {  	v2 =	vld [tilespmem:s4+$0x60]  }
0x346: {  	v3 =	vld [tilespmem:s4+$0x50]  }
0x347: {  	v1 =	vld [tilespmem:s1+$0x0]  }
0x348: {  	v4 =	vld [tilespmem:s6+$0x40]  }
0x349: {  	v7 =	vld [tilespmem:s4+$0x30]  }
0x34a: {  	v5 =	vld [tilespmem:s6+$0x50]  }
0x34b: {  	v8 =	vld [tilespmem:s6+$0x30]  }
0x34c: {  	v10 =	vld [tilespmem:s4+$0xFFFFFFD0];
	v6 =	vunpack.i.u.s16.s32 v1  }
0x34d: {  	v11 =	vld [tilespmem:s4+$0x10];
	v1 =	vunpack.i.l.s16.s32 v1;
	v6 =	vshll.u32 v6, $0x8  }
0x34e: {  	v9 =	vld [tilespmem:s4+$0xFFFFFFE0];
	v1 =	vshll.u32 v1, $0x8;
	v6 =	vshra.s32 v6, $0x2  }
0x34f: {  	v12 =	vld [tilespmem:s6+$0x20];
	v1 =	vshra.s32 v1, $0x2;
	(v2sf) =	vpush v6, $0x1  }
0x350: {  	v13 =	vld [tilespmem:s4+$0x0];
	(v2sf) =	vpush v1, $0x0  }
0x351: {  	v14 =	vld [tilespmem:s6+$0x10]  }
0x352: {  	v15 =	vld [tilespmem:s6+$0x0]  }
0x353: {  	v16 =	vld [tilespmem:s6+$0xFFFFFFE0]  }
0x354: {  	v17 =	vld [tilespmem:s4+$0xFFFFFFC0];
	(v2sf) =	vpush v6, $0x0  }
0x355: {  	v18 =	vld [tilespmem:s4+$0xFFFFFF90]  }
0x356: {  	v19 =	vld [tilespmem:s6+$0xFFFFFFC0];
	(v2sf) =	vpush v1, $0x1  }
0x357: {  	v20 =	vld [tilespmem:s6+$0xFFFFFFB0]  }
0x358: {  	v21 =	vld [tilespmem:s6+$0xFFFFFFA0]  }
0x359: {  	v22 =	vld [tilespmem:s4+$0xFFFFFF80]  }
0x35a: {  	v23 =	vld [tilespmem:s6+$0xFFFFFF90]  }
0x35b: {  	v24 =	vld [tilespmem:s6+$0xFFFFFF80]  }
0x35c: {  	v25 =	vld [tilespmem:s6+$0x70]  }
0x35d: {  	v6 =	vld [tilespmem:s6+$0xFFFFFFD0]  }
0x35e: {  	v1 =	vld [tilespmem:s4+$0x70];
	s2 =	spop (v2sf)  }
0x35f: {  	v26 =	vld [tilespmem:s2+$0x88F8];
	s5 =	spop (v2sf)  }
0x360: {  	v27 =	vld [tilespmem:s5+$0x88C8]  }
0x361: {  	v28 =	vld [tilespmem:s5+$0x88D8]  }
0x362: {  	v29 =	vld [tilespmem:s5+$0x88E8]  }
0x363: {  	s7 =	spop (v2sf);
	v30 =	vld [tilespmem:s5+$0x88F8]  }
0x364: {  	v31 =	vld [tilespmem:s7+$0x88C8]  }
0x365: {  	v32 =	vld [tilespmem:s7+$0x88D8];
	s31 =	spop (v2sf)  }
0x366: {  	v33 =	vld [tilespmem:s31+$0x88D8]  }
0x367: {  	v25 =	vmul.bf16 v26, v25;
	v26 =	vld [tilespmem:s7+$0x88E8];
	v24 =	vmul.bf16 v27, v24  }
0x368: {  	v27 =	vld [tilespmem:s31+$0x88C8];
	v29 =	vmul.bf16 v29, v21;
	v20 =	vmul.bf16 v30, v20  }
0x369: {  	v21 =	vld [tilespmem:s31+$0x88E8];
	v23 =	vmul.bf16 v28, v23;
	v25 =	vmul.bf16 v1, v25  }
0x36a: {  	v30 =	vld [tilespmem:s2+$0x88D8];
	v1 =	vimm.f32 $0.0e+00;
	v19 =	vmul.bf16 v31, v19;
	v22 =	vmul.bf16 v22, v24  }
0x36b: {  	v31 =	vld [tilespmem:s31+$0x88F8];
	v14 =	vmul.bf16 v33, v14;
	v24 =	vunpack.i.u.bf16.f32 v25;
	v25 =	vunpack.i.l.bf16.f32 v25  }
0x36c: {  	v61 =	vld [tilespmem:s4+$0xFFFFFFA0];
	v28 =	vmul.bf16 v32, v6;
	v17 =	vmul.bf16 v17, v19;
	v6 =	vadd.f32 v25, v24  }
0x36d: {  	v16 =	vmul.bf16 v26, v16;
	v24 =	vld [tilespmem:s2+$0x88C8];
	v19 =	vunpack.i.u.bf16.f32 v22;
	v14 =	vmul.bf16 v11, v14  }
0x36e: {  	v25 =	vld [tilespmem:s2+$0x88E8];
	v22 =	vunpack.i.l.bf16.f32 v22;
	v15 =	vmul.bf16 v27, v15;
	v27 =	vmul.bf16 v21, v12  }
0x36f: {  	v26 =	vld [tilespmem:s7+$0x88F8];
	v12 =	vmul.bf16 v9, v16;
	v9 =	vadd.f32 v22, v19;
	v19 =	vmul.bf16 v30, v5  }
0x370: {  	v11 =	vmul.bf16 v18, v23;
	v18 =	vld [tilespmem:s6+$0x60];
	v21 =	vunpack.i.l.bf16.f32 v17;
	v8 =	vmul.bf16 v31, v8  }
0x371: {  	v23 =	vld [tilespmem:s4+$0x20];
	v22 =	vunpack.i.u.bf16.f32 v17;
	v13 =	vmul.bf16 v13, v15;
	v3 =	vmul.bf16 v3, v19  }
0x372: {  	v17 =	vld [tilespmem:s6+$0xFFFFFFF0];
	v22 =	vadd.f32 v21, v22;
	v7 =	vmul.bf16 v7, v8;
	v8 =	vmul.bf16 v10, v28  }
0x373: {  	v16 =	vld [tilespmem:s4+$0x40];
	v10 =	vunpack.i.u.bf16.f32 v14;
	v15 =	vunpack.i.l.bf16.f32 v12;
	v19 =	vmul.bf16 v24, v4  }
0x374: {  	v4 =	vunpack.i.u.bf16.f32 v3;
	v24 =	vunpack.i.l.bf16.f32 v3;
	v3 =	vunpack.i.u.bf16.f32 v12;
	v12 =	vld [tilespmem:s4+$0xFFFFFFF0]  }
0x375: {  	s2 =	sadd.s32 $0x100, s4;
	v30 =	vld [tilespmem:s4+$0xFFFFFFB0];
	v31 =	vunpack.i.u.bf16.f32 v13;
	v34 =	vunpack.i.l.bf16.f32 v13;
	v21 =	vmul.bf16 v25, v18  }
0x376: {  	s11 =	sadd.s32 $0x2, s1;
	v5 =	vld [tilespmem:s2+$0x60];
	v28 =	vunpack.i.u.bf16.f32 v7;
	v7 =	vunpack.i.l.bf16.f32 v7;
	v62 =	vunpack.i.u.bf16.f32 v8  }
0x377: {  	v13 =	vld [tilespmem:s11+$0x0];
	v8 =	vunpack.i.l.bf16.f32 v8;
	v15 =	vadd.f32 v15, v3;
	v26 =	vmul.bf16 v26, v17  }
0x378: {  	s9 =	sadd.s32 $0x100, s6;
	v3 =	vld [tilespmem:s2+$0x50];
	v17 =	vadd.f32 v8, v62;
	v8 =	vunpack.i.l.bf16.f32 v14;
	v14 =	vadd.f32 v24, v4  }
0x379: {  	v4 =	vld [tilespmem:s9+$0x40];
	v18 =	vmul.bf16 v16, v19;
	v24 =	vadd.f32 v8, v10;
	v63 =	vmul.bf16 v12, v26  }
0x37a: {  	v8 =	vld [tilespmem:s9+$0x50];
	v12 =	vadd.f32 v7, v28;
	v28 =	vmul.bf16 v30, v20;
	v20 =	vmul.bf16 v23, v27  }
0x37b: {  	s8 =	simm.s32 $0x7;
	s12 =	simm.s32 $0xB;
	v10 =	vld [tilespmem:s9+$0x30];
	v26 =	vadd.f32 v34, v31;
	v23 =	vmul.bf16 v61, v29;
	v27 =	vunpack.i.u.bf16.f32 v63  }
0x37c: {  	s5 =	simm.s32 $0x3;
	s7 =	sshll.u32 s0, $0x4;
	s10 =	smov.u32 s2;
	v7 =	vld [tilespmem:s2+$0x30];
	v25 =	vunpack.i.u.bf16.f32 v28;
	v29 =	vunpack.i.l.bf16.f32 v63;
	v19 =	vunpack.i.u.bf16.f32 v20  }
.LBB2_21:
0x37d: {  	p0 =	sne.s32 s12, $0xF;
	v16 =	vunpack.i.u.s16.s32 v13;
	v30 =	vunpack.i.l.s16.s32 v13;
	v13 =	vld [tilespmem:s2+$0xFFFFFFD0];
	v31 =	vunpack.i.u.bf16.f32 v18;
	s14 =	smov.u32 s12;
	s12 =	sadd.s32 $0x4, s12  }
0x37e: {  	v33 =	vunpack.i.l.bf16.f32 v18;
	v30 =	vshll.u32 v30, $0x8;
	v32 =	vshll.u32 v16, $0x8;
	v16 =	vld [tilespmem:s2+$0x10]  }
0x37f: {  	v34 =	vunpack.i.l.bf16.f32 v20;
	v30 =	vshra.s32 v30, $0x2;
	v32 =	vshra.s32 v32, $0x2;
	v18 =	vld [tilespmem:s2+$0xFFFFFFE0]  }
0x380: {  	v28 =	vunpack.i.l.bf16.f32 v28;
	v22 =	vadd.f32 v17, v22;
	v20 =	vld [tilespmem:s9+$0x20];
	(v2sf) =	vpush v32, $0x1  }
0x381: {  	v35 =	vunpack.i.u.bf16.f32 v23;
	v24 =	vadd.f32 v24, v26;
	v17 =	vld [tilespmem:s2+$0x0];
	(v2sf) =	vpush v30, $0x0  }
0x382: {  	v27 =	vadd.f32 v29, v27;
	v21 =	vmul.bf16 v2, v21;
	v2 =	vmovc v5;
	v26 =	vld [tilespmem:s9+$0x10];
	(v2sf) =	vpush v32, $0x0  }
0x383: {  	v29 =	vunpack.i.u.bf16.f32 v11;
	v11 =	vunpack.i.l.bf16.f32 v11;
	v23 =	vunpack.i.l.bf16.f32 v23;
	v5 =	vld [tilespmem:s9+$0x0]  }
0x384: {  	v25 =	vadd.f32 v28, v25;
	v15 =	vadd.f32 v27, v15;
	v27 =	vunpack.i.u.bf16.f32 v21;
	v32 =	vld [tilespmem:s9+$0xFFFFFFE0]  }
0x385: {  	v11 =	vadd.f32 v11, v29;
	v23 =	vadd.f32 v23, v35;
	v21 =	vunpack.i.l.bf16.f32 v21;
	v28 =	vld [tilespmem:s2+$0xFFFFFFC0]  }
0x386: {  	v15 =	vadd.f32 v15, v22;
	v22 =	vadd.f32 v33, v31;
	v29 =	vld [tilespmem:s2+$0xFFFFFF90]  }
0x387: {  	v23 =	vadd.f32 v25, v23;
	v21 =	vadd.f32 v21, v27;
	v31 =	vld [tilespmem:s9+$0xFFFFFFD0]  }
0x388: {  	v9 =	vadd.f32 v11, v9;
	v25 =	vld [tilespmem:s9+$0xFFFFFFC0];
	(v2sf) =	vpush v30, $0x1;
	(xrf2) =	vadd.scan.msk.f32 $0xffff, v15  }
0x389: {  	v6 =	vadd.f32 v6, v21;
	v14 =	vadd.f32 v14, v22;
	v11 =	vld [tilespmem:s9+$0xFFFFFFB0]  }
0x38a: {  	v19 =	vadd.f32 v34, v19;
	v9 =	vadd.f32 v23, v9;
	v15 =	vld [tilespmem:s9+$0xFFFFFFA0]  }
0x38b: {  	v6 =	vadd.f32 v6, v14;
	v21 =	vld [tilespmem:s2+$0xFFFFFF80]  }
0x38c: {  	v12 =	vadd.f32 v12, v19;
	v14 =	vld [tilespmem:s2+$0x70];
	(xrf2) =	vadd.scan.msk.f32 $0xffff, v9  }
0x38d: {  	v9 =	vld [tilespmem:s9+$0xFFFFFF90]  }
0x38e: {  	v12 =	vadd.f32 v12, v24;
	v19 =	vld [tilespmem:s9+$0xFFFFFF80]  }
0x38f: {  	v22 =	vld [tilespmem:s9+$0x70];
	s15 =	spop (v2sf);
	(xrf2) =	vadd.scan.msk.f32 $0xffff, v6  }
0x390: {  	v6 =	vld [tilespmem:s15+$0x88F8];
	s17 =	spop (v2sf)  }
0x391: {  	v23 =	vld [tilespmem:s17+$0x88C8];
	s16 =	spop (v2sf)  }
0x392: {  	v24 =	vld [tilespmem:s17+$0x88D8];
	v27, _, _ =	vpop (xrf2);
	(xrf2) =	vadd.scan.msk.f32 $0xffff, v12  }
0x393: {  	v12 =	vld [tilespmem:s17+$0x88E8]  }
0x394: {  	v30 =	vld [tilespmem:s17+$0x88F8];
	s17 =	sadd.s32 $0xFFFFFFFD, s5  }
0x395: {  	v33 =	vld [tilespmem:s16+$0x88C8];
	v6 =	vmul.bf16 v6, v22;
	v34 =	vmov s17  }
0x396: {  	v19 =	vmul.bf16 v23, v19;
	v23 =	vld [tilespmem:s16+$0x88D8];
	vm1 =	veq.s32 v34, v0;
	v22, _, _ =	vpop (xrf2)  }
0x397: {  	v36 =	vmov s5;
	v34 =	vld [tilespmem:s16+$0x88E8];
	v6 =	vmul.bf16 v14, v6;
	s17 =	spop (v2sf);
	v14 =	vbroadcast v22, $0xF  }
0x398: {  	v19 =	vmul.bf16 v21, v19;
	v35 =	vmul.bf16 v12, v15;
	v12 =	vld [tilespmem:s17+$0x88C8]  }
0x399: {  	vm0 =	veq.s32 v36, v0;
	v15 =	vld [tilespmem:s17+$0x88D8];
	v21 =	vunpack.i.u.bf16.f32 v6;
	v6 =	vunpack.i.l.bf16.f32 v6;
	v22, _, _ =	vpop (xrf2)  }
0x39a: {  	v30 =	vmul.bf16 v30, v11;
	v11 =	vmul.bf16 v33, v25;
	v25 =	vld [tilespmem:s17+$0x88E8];
	v6 =	vadd.f32 v6, v21  }
0x39b: {  	v24 =	vmul.bf16 v24, v9;
	v21 =	vunpack.i.u.bf16.f32 v19;
	v23 =	vmul.bf16 v23, v31;
	v31 =	vld [tilespmem:s17+$0x88F8]  }
0x39c: {  	v9 =	vunpack.i.l.bf16.f32 v19;
	v22 =	vbroadcast v22, $0xF;
	v19 =	vmul.bf16 v34, v32;
	v32 =	vld [tilespmem:s15+$0x88C8];
	v33, _, _ =	vpop (xrf2)  }
0x39d: {  	v9 =	vadd.f32 v9, v21;
	s17 =	sadd.s32 $0xFFFFFFFE, s5;
	v11 =	vmul.bf16 v28, v11;
	v12 =	vmul.bf16 v12, v5;
	v21 =	vld [tilespmem:s15+$0x88D8]  }
0x39e: {  	v27 =	vbroadcast v27, $0xF;
	v5 =	vmul.bf16 v15, v26;
	v26 =	vld [tilespmem:s15+$0x88E8];
	v15 =	vmov s17  }
0x39f: {  	v1 =	vsel vm1, v14, v1;
	v28 =	vld [tilespmem:s16+$0x88F8];
	v20 =	vmul.bf16 v25, v20;
	vm1 =	veq.s32 v15, v0  }
0x3a0: {  	s2 =	sadd.s32 $0x100, s2;
	v14 =	vunpack.i.l.bf16.f32 v11;
	s15 =	sadd.s32 $0xFFFFFFFF, s5;
	s5 =	smov.u32 s8;
	v15 =	vmul.bf16 v18, v19;
	v16 =	vmul.bf16 v16, v5;
	v18 =	vld [tilespmem:s10+$0x40]  }
0x3a1: {  	s8 =	smov.u32 s14;
	v19 =	vunpack.i.u.bf16.f32 v11;
	v25 =	vbroadcast v33, $0xF;
	v10 =	vmul.bf16 v31, v10;
	v5 =	vld [tilespmem:s2+$0x60]  }
0x3a2: {  	v12 =	vmul.bf16 v17, v12;
	v1 =	vsel vm1, v27, v1;
	v8 =	vmul.bf16 v21, v8  }
0x3a3: {  	v11 =	vmul.bf16 v29, v24;
	v7 =	vmul.bf16 v7, v10;
	v10 =	vmov s15  }
0x3a4: {  	v13 =	vmul.bf16 v13, v23;
	v23 =	vunpack.i.u.bf16.f32 v16;
	v3 =	vmul.bf16 v3, v8;
	v8 =	vld [tilespmem:s9+$0x60]  }
0x3a5: {  	v17 =	vunpack.i.l.bf16.f32 v15;
	v29 =	vmul.bf16 v32, v4;
	vm1 =	veq.s32 v10, v0;
	v21 =	vld [tilespmem:s9+$0xFFFFFFF0]  }
0x3a6: {  	v1 =	vsel vm1, v25, v1;
	v10 =	vld [tilespmem:s10+$0x20];
	v4 =	vunpack.i.u.bf16.f32 v3;
	v24 =	vunpack.i.l.bf16.f32 v3  }
0x3a7: {  	v27 =	vunpack.i.u.bf16.f32 v7;
	v1 =	vsel vm0, v22, v1;
	v3 =	vunpack.i.u.bf16.f32 v15;
	v25 =	vld [tilespmem:s10+$0xFFFFFFF0]  }
0x3a8: {  	v32 =	vunpack.i.u.bf16.f32 v12;
	v7 =	vunpack.i.l.bf16.f32 v7;
	v15 =	vadd.f32 v17, v3;
	v31 =	vld [tilespmem:s10+$0xFFFFFFB0]  }
0x3a9: {  	v34 =	vunpack.i.l.bf16.f32 v12;
	v17 =	vunpack.i.u.bf16.f32 v13;
	v13 =	vunpack.i.l.bf16.f32 v13;
	v33 =	vld [tilespmem:s10+$0xFFFFFFA0];
	s10 =	smov.u32 s2  }
0x3aa: {  	s11 =	sadd.s32 $0x2, s11;
	v16 =	vunpack.i.l.bf16.f32 v16;
	v17 =	vadd.f32 v13, v17;
	v3 =	vld [tilespmem:s2+$0x50];
	v12 =	vmul.bf16 v28, v21  }
.Ltmp9:
0x3ab: {  	v22 =	vadd.f32 v14, v19;
	s9 =	sadd.s32 $0x100, s9;
	v14 =	vadd.f32 v24, v4;
	v21 =	vmul.bf16 v26, v8;
	v13 =	vld [tilespmem:s11+$0x0];
	(pc) =	sbr.rel @p0 .LBB2_21-.Ltmp9, $4  }
0x3ac: {  	v24 =	vadd.f32 v16, v23;
	v4 =	vld [tilespmem:s9+$0x40];
	v19 =	vmul.bf16 v25, v12;
	v12 =	vadd.f32 v7, v27  }
0x3ad: {  	v26 =	vadd.f32 v34, v32;
	v20 =	vmul.bf16 v10, v20;
	v7 =	vld [tilespmem:s2+$0x30];
	v28 =	vmul.bf16 v31, v30  }
0x3ae: {  	v18 =	vmul.bf16 v18, v29;
	v8 =	vld [tilespmem:s9+$0x50];
	v23 =	vmul.bf16 v33, v35;
	v27 =	vunpack.i.u.bf16.f32 v19  }
0x3af: {  	v29 =	vunpack.i.l.bf16.f32 v19;
	v19 =	vunpack.i.u.bf16.f32 v20;
	v10 =	vld [tilespmem:s9+$0x30];
	v25 =	vunpack.i.u.bf16.f32 v28  }
0x3b0: {  	v16 =	vunpack.i.u.s16.s32 v13  }
0x3b1: {  	v16 =	vshll.u32 v16, $0x8  }
0x3b2: {  	v60 =	vunpack.i.l.s16.s32 v13;
	v16 =	vshra.s32 v16, $0x2  }
0x3b3: {  	v13 =	vshll.u32 v60, $0x8;
	(v2sf) =	vpush v16, $0x1  }
0x3b4: {  	v37 =	vld [tilespmem:s2+$0xFFFFFFE0];
	v13 =	vshra.s32 v13, $0x2  }
0x3b5: {  	v38 =	vld [tilespmem:s9+$0x20];
	(v2sf) =	vpush v13, $0x0  }
0x3b6: {  	v39 =	vld [tilespmem:s9+$0x10]  }
0x3b7: {  	v40 =	vld [tilespmem:s9+$0xFFFFFFE0]  }
0x3b8: {  	v41 =	vld [tilespmem:s9+$0xFFFFFFD0]  }
0x3b9: {  	v42 =	vld [tilespmem:s9+$0xFFFFFFC0];
	(v2sf) =	vpush v16, $0x0  }
0x3ba: {  	v43 =	vld [tilespmem:s9+$0xFFFFFFB0]  }
0x3bb: {  	v17 =	vadd.f32 v17, v22;
	v22 =	vadd.f32 v24, v26;
	v24 =	vld [tilespmem:s9+$0xFFFFFFA0]  }
0x3bc: {  	v63 =	vld [tilespmem:s2+$0xFFFFFF80];
	(v2sf) =	vpush v13, $0x1  }
0x3bd: {  	v46 =	vld [tilespmem:s9+$0xFFFFFF80]  }
0x3be: {  	v48 =	vld [tilespmem:s9+$0x70]  }
0x3bf: {  	v49 =	vunpack.i.u.bf16.f32 v18;
	v50 =	vunpack.i.l.bf16.f32 v18;
	v53 =	vld [tilespmem:s2+$0x70]  }
0x3c0: {  	v62 =	vunpack.i.u.bf16.f32 v23;
	v47 =	vunpack.i.l.bf16.f32 v23;
	v55 =	vld [tilespmem:s9+$0xFFFFFF90];
	v52 =	vadd.f32 v50, v49  }
0x3c1: {  	v23 =	vadd.f32 v47, v62;
	v62 =	vld [tilespmem:s9+$0x0]  }
0x3c2: {  	v14 =	vadd.f32 v14, v52;
	v52 =	vld [tilespmem:s10+$0x40];
	s11 =	spop (v2sf)  }
0x3c3: {  	v51 =	vld [tilespmem:s11+$0x88F8]  }
0x3c4: {  	s14 =	spop (v2sf);
	v47 =	vld [tilespmem:s11+$0x88C8]  }
0x3c5: {  	v61 =	vld [tilespmem:s14+$0x88C8]  }
0x3c6: {  	v16 =	vld [tilespmem:s14+$0x88D8]  }
0x3c7: {  	v28 =	vunpack.i.l.bf16.f32 v28;
	v30 =	vld [tilespmem:s14+$0x88E8]  }
0x3c8: {  	v27 =	vadd.f32 v29, v27;
	v2 =	vmul.bf16 v2, v21;
	v44 =	vunpack.i.u.bf16.f32 v11;
	s12 =	spop (v2sf);
	v31 =	vld [tilespmem:s14+$0x88F8]  }
0x3c9: {  	v45 =	vunpack.i.l.bf16.f32 v11;
	v20 =	vunpack.i.l.bf16.f32 v20;
	v25 =	vadd.f32 v28, v25;
	v56 =	vld [tilespmem:s12+$0x88C8]  }
0x3ca: {  	v11 =	vadd.f32 v45, v44;
	v57 =	vadd.f32 v20, v19;
	v58 =	vld [tilespmem:s12+$0x88D8]  }
0x3cb: {  	v15 =	vadd.f32 v27, v15;
	v54 =	vunpack.i.u.bf16.f32 v2;
	v2 =	vunpack.i.l.bf16.f32 v2;
	s18 =	spop (v2sf);
	v60 =	vld [tilespmem:s12+$0x88E8]  }
0x3cc: {  	v23 =	vadd.f32 v25, v23;
	v12 =	vadd.f32 v12, v57;
	v32 =	vld [tilespmem:s18+$0x88C8];
	v59 =	vmul.bf16 v51, v48  }
0x3cd: {  	v2 =	vadd.f32 v2, v54;
	v33 =	vld [tilespmem:s18+$0x88D8];
	v4 =	vmul.bf16 v47, v4;
	v13 =	vmul.bf16 v61, v46  }
0x3ce: {  	v12 =	vadd.f32 v12, v22;
	v34 =	vld [tilespmem:s18+$0x88E8];
	v18 =	vmul.bf16 v30, v24;
	v22 =	vmul.bf16 v31, v43  }
0x3cf: {  	v2 =	vadd.f32 v6, v2;
	v35 =	vld [tilespmem:s18+$0x88F8];
	v16 =	vmul.bf16 v16, v55;
	v6 =	vmul.bf16 v53, v59  }
0x3d0: {  	v44 =	vld [tilespmem:s2+$0xFFFFFFD0];
	v9 =	vadd.f32 v11, v9;
	v11 =	vmul.bf16 v56, v42;
	v19 =	vmul.bf16 v58, v41  }
0x3d1: {  	v36 =	vld [tilespmem:s2+$0x10];
	v15 =	vadd.f32 v15, v17;
	v20 =	vmul.bf16 v60, v40;
	v4 =	vmul.bf16 v52, v4  }
0x3d2: {  	v9 =	vadd.f32 v23, v9;
	v61 =	vld [tilespmem:s2+$0xFFFFFFC0];
	v13 =	vmul.bf16 v63, v13;
	v45 =	vmul.bf16 v33, v39  }
0x3d3: {  	v2 =	vadd.f32 v2, v14;
	v43 =	vld [tilespmem:s2+$0xFFFFFF90];
	v14 =	vmul.bf16 v32, v62;
	v48 =	vmul.bf16 v34, v38  }
0x3d4: {  	v42 =	vld [tilespmem:s11+$0x88D8];
	v10 =	vmul.bf16 v35, v10;
	v31 =	vunpack.i.u.bf16.f32 v6;
	v6 =	vunpack.i.l.bf16.f32 v6  }
0x3d5: {  	v20 =	vmul.bf16 v37, v20;
	v54 =	vmul.bf16 v44, v19;
	v6 =	vadd.f32 v6, v31  }
0x3d6: {  	v49 =	vld [tilespmem:s11+$0x88E8];
	v46 =	vunpack.i.u.bf16.f32 v13;
	v13 =	vunpack.i.l.bf16.f32 v13;
	v17 =	vmul.bf16 v36, v45  }
0x3d7: {  	v56 =	vld [tilespmem:s9+$0x60];
	v7 =	vmul.bf16 v7, v10;
	v11 =	vmul.bf16 v61, v11;
	v13 =	vadd.f32 v13, v46  }
0x3d8: {  	v63 =	vld [tilespmem:s2+$0x0];
	v16 =	vmul.bf16 v43, v16;
	v57 =	vunpack.i.l.bf16.f32 v20;
	v20 =	vunpack.i.u.bf16.f32 v20  }
0x3d9: {  	v62 =	vld [tilespmem:s10+$0x20];
	v36 =	vunpack.i.u.bf16.f32 v54;
	v10 =	vunpack.i.l.bf16.f32 v54;
	v8 =	vmul.bf16 v42, v8  }
0x3da: {  	v50 =	vld [tilespmem:s12+$0x88F8];
	v55 =	vunpack.i.u.bf16.f32 v17;
	v60 =	vunpack.i.u.bf16.f32 v7;
	v20 =	vadd.f32 v57, v20  }
0x3db: {  	v53 =	vld [tilespmem:s9+$0xFFFFFFF0];
	v7 =	vunpack.i.l.bf16.f32 v7;
	v10 =	vadd.f32 v10, v36;
	v17 =	vunpack.i.l.bf16.f32 v17  }
0x3dc: {  	v37 =	vld [tilespmem:s10+$0xFFFFFFA0];
	v21 =	vmul.bf16 v49, v56;
	v42 =	vunpack.i.u.bf16.f32 v4;
	v4 =	vunpack.i.l.bf16.f32 v4  }
0x3dd: {  	v59 =	vld [tilespmem:s10+$0xFFFFFFF0];
	v51 =	vunpack.i.l.bf16.f32 v11;
	v14 =	vmul.bf16 v63, v14;
	v11 =	vunpack.i.u.bf16.f32 v11  }
0x3de: {  	v61 =	vld [tilespmem:s10+$0xFFFFFFB0];
	v17 =	vadd.f32 v17, v55;
	v7 =	vadd.f32 v7, v60;
	v39 =	vmul.bf16 v62, v48  }
0x3df: {  	v44 =	vunpack.i.u.bf16.f32 v16;
	v16 =	vunpack.i.l.bf16.f32 v16;
	v4 =	vadd.f32 v4, v42  }
0x3e0: {  	v3 =	vmul.bf16 v3, v8;
	v8 =	vmul.bf16 v50, v53;
	v11 =	vadd.f32 v51, v11  }
0x3e1: {  	v18 =	vmul.bf16 v37, v18;
	v5 =	vmul.bf16 v5, v21;
	v16 =	vadd.f32 v16, v44  }
0x3e2: {  	v63 =	vunpack.i.u.bf16.f32 v14;
	v14 =	vunpack.i.l.bf16.f32 v14;
	v58 =	vunpack.i.u.bf16.f32 v3  }
0x3e3: {  	v3 =	vunpack.i.l.bf16.f32 v3;
	v8 =	vmul.bf16 v59, v8;
	v38 =	vmul.bf16 v61, v22  }
0x3e4: {  	v14 =	vadd.f32 v14, v63;
	v10 =	vadd.f32 v10, v11;
	v43 =	vunpack.i.u.bf16.f32 v18  }
0x3e5: {  	v18 =	vunpack.i.l.bf16.f32 v18;
	v45 =	vunpack.i.u.bf16.f32 v5;
	v48 =	vadd.f32 v16, v13  }
0x3e6: {  	v5 =	vunpack.i.l.bf16.f32 v5;
	v3 =	vadd.f32 v3, v58;
	v11 =	vadd.f32 v18, v43  }
0x3e7: {  	v5 =	vadd.f32 v5, v45;
	v40 =	vunpack.i.u.bf16.f32 v8;
	v8 =	vunpack.i.l.bf16.f32 v8  }
0x3e8: {  	(xrf2) =	vadd.scan.msk.f32 $0xffff, v15;
	v41 =	vunpack.i.u.bf16.f32 v38;
	v19 =	vunpack.i.l.bf16.f32 v38;
	v8 =	vadd.f32 v8, v40  }
0x3e9: {  	(xrf2) =	vadd.scan.msk.f32 $0xffff, v9;
	v25 =	vunpack.i.u.bf16.f32 v39;
	v51 =	vadd.f32 v17, v14;
	v19 =	vadd.f32 v19, v41  }
0x3ea: {  	(xrf2) =	vadd.scan.msk.f32 $0xffff, v2;
	v47 =	vunpack.i.l.bf16.f32 v39;
	v2 =	vadd.f32 v3, v4;
	v8 =	vadd.f32 v8, v20  }
0x3eb: {  	v3 =	vadd.f32 v47, v25;
	v46 =	vadd.f32 v19, v11  }
0x3ec: {  	v49 =	vadd.f32 v6, v5;
	v8 =	vadd.f32 v8, v10  }
0x3ed: {  	(xrf2) =	vadd.scan.msk.f32 $0xffff, v12;
	v3 =	vadd.f32 v7, v3;
	v50 =	vadd.f32 v46, v48  }
0x3ee: {  	v2 =	vadd.f32 v49, v2;
	(xrf2) =	vadd.scan.msk.f32 $0xffff, v8  }
0x3ef: {  	v3 =	vadd.f32 v3, v51;
	(xrf2) =	vadd.scan.msk.f32 $0xffff, v50  }
0x3f0: {  	(xrf2) =	vadd.scan.msk.f32 $0xffff, v2  }
0x3f1: {  	(xrf2) =	vadd.scan.msk.f32 $0xffff, v3  }
0x3f2: {  	v2, _, _ =	vpop (xrf2)  }
0x3f3: {  	s19 =	sadd.s32 $0xFFFFFFFD, s5;
	v3, _, _ =	vpop (xrf2)  }
0x3f4: {  	s20 =	sadd.s32 $0xFFFFFFFE, s5;
	v52 =	vmov s19;
	v3 =	vbroadcast v3, $0xF  }
0x3f5: {  	s28 =	sadd.s32 $0xFFFFFFFF, s5;
	s30 =	sadd.s32 $0xFFFFFFFE, s8;
	vm0 =	veq.s32 v52, v0;
	v56 =	vmov s20;
	v2 =	vbroadcast v2, $0xF  }
0x3f6: {  	v57 =	vmov s28;
	vm10 =	veq.s32 v56, v0;
	v62 =	vmov s30;
	v54, _, _ =	vpop (xrf2)  }
0x3f7: {  	vm11 =	veq.s32 v57, v0;
	v53 =	vmov s5;
	vm13 =	veq.s32 v62, v0;
	v55, _, _ =	vpop (xrf2)  }
0x3f8: {  	vm1 =	veq.s32 v53, v0;
	v1 =	vsel vm0, v3, v1;
	v4 =	vbroadcast v55, $0xF;
	v3, _, _ =	vpop (xrf2)  }
0x3f9: {  	s29 =	sadd.s32 $0xFFFFFFFD, s8;
	v59 =	vmov s8;
	v6 =	vbroadcast v54, $0xF;
	v1 =	vsel vm10, v2, v1;
	v2, _, _ =	vpop (xrf2)  }
0x3fa: {  	s0 =	sadd.s32 $0x1, s0;
	v58 =	vmov s29;
	v1 =	vsel vm11, v4, v1;
	v2 =	vbroadcast v2, $0xF;
	v60, _, _ =	vpop (xrf2)  }
0x3fb: {  	s31 =	sadd.s32 $0xFFFFFFFF, s8;
	p0 =	sne.s32 s0, $0x5;
	vm12 =	veq.s32 v58, v0;
	v1 =	vsel vm1, v6, v1;
	v3 =	vbroadcast v3, $0xF;
	v61, _, _ =	vpop (xrf2)  }
.Ltmp10:
0x3fc: {  	v63 =	vmov s31;
	v1 =	vsel vm12, v2, v1;
	v2 =	vbroadcast v61, $0xF;
	(pc) =	sbr.rel @p0 .LBB2_20-.Ltmp10, $4  }
0x3fd: {  	vm14 =	veq.s32 v63, v0;
	v5 =	vbroadcast v60, $0xF;
	v1 =	vsel vm13, v3, v1  }
0x3fe: {  	vm15 =	veq.s32 v59, v0;
	v1 =	vsel vm14, v2, v1  }
0x3ff: {  	v1 =	vsel vm15, v5, v1  }
0x400: {  	s1 =	sadd.s32 $0x8, s1;
	s4 =	sadd.s32 $0x400, s4;
	s6 =	sadd.s32 $0x400, s6;
	[tilespmem:s7+$0x8878] =	vst v1  }
0x401: {  	s8 =	simm.s32 $0x0;
	s0 =	rddreg [dreg:$0x7];
	s1 =	simm.s32 $0x61B8  }
0x402: {  	[hbm4b:s0+s8] =	stream.linear.scatter [tilespmem:s1], [sflag:$0x7], $0x2710, $0x38;
	[tilespmem:$0x17DC8] =	vst v63  }
0x403: {  	s1 =	simm.s32 $0x7  }
0x404: {  	_ =	swait.ge [sflag:s1], $0x2710  }
0x405: {  	s2 =	rddreg [dreg:$0x9]  }
0x406: {  	s31 =	rddreg [dreg:$0x8];
	s2 =	sadd.s32 $0x1, s2  }
0x407: {  	p0 =	sne.s32 s2, s31  }
.Ltmp11:
0x408: {  	_ = 	snop;
	(pc) =	sbr.rel @p0 .LBB2_1-.Ltmp11, $3  }
0x409: {  	_ =	sdelay $0x1  }
0x40a: {  	[sflag:s1] =	ssyncset.done $0x0  }
0x40b: {  	[sflag:s1] =	ssyncadd.s32 $0xFFFFD8F0  }
0x40c: {  	_ =	sfence.sel $0x180000  }
0x40d: {  	[bflag:$0x0] =	sbarrier.arrive $0xFFFF  }
0x40e: {  	_ =	strace $0x90000047  }
0x40f: {  	s0 =	stileid.u32;
	[bflag:$0x2] =	sbarrier.arrive $0xFFFF  }
0x410: {  	p0 =	sne.s32 s0, $0x0;
	s0 =	rddreg [dreg:$0x2]  }
0x411: {  	s0 =	sadd.s32 @!p0 $0x100000, s0  }
0x412: {  	[sflag:s0] =	ssyncadd.tile.s32 @!p0 $0x1;
	_ =	shalt  }
.Lfunc_end2:
_tile_overlayer_lowered:
.L_overlay_start_2:
0x413: {  	(tag) =	ssettag $0x2  }
0x414: {  	s0 =	rddreg [dreg:$0x0];
	s2 =	stileid.u32  }
0x415: {  	s1 =	rddreg [dreg:$0x1];
	p0 =	sne.s32 s2, $0x0  }
0x416: {  	s3 =	rddreg [dreg:$0x2];
	[bflag:$0x3] =	sbarrier.arrive $0xFFFF;
	s2 =	simm.s32 @!p0 $0x1C07  }
0x417: {  	[timem:s3], [sflag:s2] =	dma.local @!p0 [hbm:s0], s1  }
0x418: {  	s0 =	simm.s32 @!p0 $0x7  }
0x419: {  	_ =	swait.ge @!p0 [sflag:s0], s1  }
0x41a: {  	s1 =	ssub.s32 @!p0 $0x0, s1;
	[sflag:s0] =	ssyncset.done @!p0 $0x0  }
0x41b: {  	[sflag:s0] =	ssyncadd.s32 @!p0 s1  }
0x41c: {  	[bflag:$0x3] =	sbarrier.arrive $0xFFFF  }
0x41d: {  	_ =	shalt  }

</sc_bundles>
